<compile_context>
chip_gen: v7x
topology: tpu7x:2x2x1
jax: 0.10.2.dev20260603
libtpu: 0.0.44.dev20260713+nightly
codegen_flags: <defaults>
</compile_context>

<pallas_src>
import functools

import jax
import jax.numpy as jnp
from jax import lax
from jax.experimental import pallas as pl
from jax.experimental.pallas import tpu as pltpu
from jax.experimental.pallas import tpu_sc as plsc

N = 10000
E = 320000
D = 128
H = 64

NC = 2
NS = 16
NT = NC * NS
HALF_N = 5120
TRASH = HALF_N - N // 2
CHUNK = 512
STEPS = 40
E_PAD = NS * STEPS * CHUNK


REGION = E_PAD // NS
RROWS = REGION // CHUNK


def _sc_part_body(src_hbm, dst_hbm, tsrc_hbm, tdst_hbm, zd_hbm, ones_hbm,
                  psrc_hbm, pdst_hbm, pcnt_hbm, dout_hbm,
                  sv, dv, osrc, odst, pcv, onesv, dacc, dsem0, dsem1):
  cid = lax.axis_index("c")
  sid = lax.axis_index("s")
  lo = cid * (N // 2)
  rz = sid * (HALF_N // NS)
  pltpu.sync_copy(zd_hbm.at[pl.ds(rz, HALF_N // NS)],
                  dacc.at[pl.ds(rz, HALF_N // NS)])
  pltpu.sync_copy(ones_hbm, onesv)
  pltpu.sync_copy(src_hbm.at[pl.ds(sid * REGION, REGION)], sv)
  pltpu.sync_copy(dst_hbm.at[pl.ds(sid * REGION, REGION)], dv)
  pltpu.sync_copy(tsrc_hbm, osrc.at[pl.ds(0, REGION)])
  pltpu.sync_copy(tdst_hbm, odst.at[pl.ds(0, REGION)])

  iota16 = lax.iota(jnp.int32, 16)

  def grp(k, off):
    s16 = sv[pl.ds(k * 16, 16)]
    d16 = dv[pl.ds(k * 16, 16)]
    m = (d16 >= lo) & (d16 < lo + N // 2)
    key = 1 - m.astype(jnp.int32)
    packed = s16 * 8192 + (d16 - lo)
    _, vs = plsc.sort_key_val(key, packed)
    pos = off + iota16
    plsc.store_scatter(osrc, [pos], lax.shift_right_arithmetic(vs, 13))
    plsc.store_scatter(odst, [pos], vs & 8191)
    return off + plsc.all_reduce_population_count(m)

  cnt = lax.fori_loop(0, REGION // 16, grp, jnp.zeros((16,), jnp.int32))
  plsc.store_scatter(osrc, [cnt + iota16], jnp.zeros((16,), jnp.int32))
  plsc.store_scatter(odst, [cnt + iota16], N // 2 + iota16)
  pcv[...] = jnp.maximum((cnt + 2 * CHUNK - 1) // (2 * CHUNK), 1)
  pltpu.sync_copy(osrc.at[pl.ds(0, REGION)], psrc_hbm.at[cid, sid])
  pltpu.sync_copy(odst.at[pl.ds(0, REGION)], pdst_hbm.at[cid, sid])
  pltpu.sync_copy(pcv, pcnt_hbm.at[cid, sid])

  plsc.subcore_barrier()
  dsems = (dsem0, dsem1)

  def ddrain(b):
    pltpu.make_async_copy(
        onesv, dacc.at[odst.at[pl.ds(b * CHUNK, CHUNK)]], dsems[b]).wait()

  def dstep(g, carry):
    for b in (0, 1):
      s = g * 2 + b
      @pl.when(g >= 1)
      def _():
        ddrain(b)
      pltpu.async_copy(onesv, dacc.at[odst.at[pl.ds(s * CHUNK, CHUNK)]],
                       dsems[b], add=True)
    return carry

  lax.fori_loop(0, RROWS // 2, dstep, 0)
  ddrain(0)
  ddrain(1)
  plsc.subcore_barrier()
  pltpu.sync_copy(dacc.at[pl.ds(rz, HALF_N // NS)],
                  dout_hbm.at[cid, pl.ds(rz, HALF_N // NS)])


def _sc_agg_body(y_hbm, psrc_hbm, pdst_hbm, pcnt_hbm, zh_hbm, out_hbm,
                 srcv, dstv, rows, cntv, ysp, acc, gsem, ssem0, ssem1):
  ssems = (ssem0, ssem1)
  cid = lax.axis_index("c")
  sid = lax.axis_index("s")
  rz = sid * (HALF_N // NS)
  pltpu.sync_copy(zh_hbm.at[pl.ds(rz, HALF_N // NS)],
                  acc.at[pl.ds(rz, HALF_N // NS)])
  pltpu.sync_copy(y_hbm.at[pl.ds(sid * (N // NS), N // NS)],
                  ysp.at[pl.ds(sid * (N // NS), N // NS)])
  pltpu.sync_copy(pcnt_hbm.at[cid, sid], cntv)
  plsc.subcore_barrier()

  def drain(b):
    pltpu.make_async_copy(rows.at[b], acc.at[dstv.at[b]], ssems[b]).wait()

  def half_step(g, b):
    s = g * 2 + b
    @pl.when(g >= 1)
    def _():
      drain(b)
    pltpu.sync_copy(psrc_hbm.at[cid, sid, pl.ds(s * CHUNK, CHUNK)],
                    srcv.at[b])
    pltpu.sync_copy(pdst_hbm.at[cid, sid, pl.ds(s * CHUNK, CHUNK)],
                    dstv.at[b])
    pltpu.async_copy(ysp.at[srcv.at[b]], rows.at[b], gsem).wait()
    pltpu.async_copy(rows.at[b], acc.at[dstv.at[b]], ssems[b], add=True)

  nchp = cntv[...][0]

  def step(g, carry):
    @pl.when(g < nchp)
    def _():
      half_step(g, 0)
      half_step(g, 1)
    return carry

  lax.fori_loop(0, STEPS // 2, step, 0)
  drain(0)
  drain(1)
  plsc.subcore_barrier()
  pltpu.sync_copy(acc.at[pl.ds(rz, HALF_N // NS)],
                  out_hbm.at[cid, pl.ds(rz, HALF_N // NS)])


@functools.lru_cache(maxsize=None)
def _get_sc_part():
  mesh = plsc.VectorSubcoreMesh(core_axis_name="c", subcore_axis_name="s")
  return pl.kernel(
      _sc_part_body,
      out_type=(jax.ShapeDtypeStruct((NC, NS, REGION), jnp.int32),
                jax.ShapeDtypeStruct((NC, NS, REGION), jnp.int32),
                jax.ShapeDtypeStruct((NC, NS, 16), jnp.int32),
                jax.ShapeDtypeStruct((NC, HALF_N, 16), jnp.float32)),
      mesh=mesh,
      scratch_types=[
          pltpu.VMEM((REGION,), jnp.int32),
          pltpu.VMEM((REGION,), jnp.int32),
          pltpu.VMEM((REGION + 16,), jnp.int32),
          pltpu.VMEM((REGION + 16,), jnp.int32),
          pltpu.VMEM((16,), jnp.int32),
          pltpu.VMEM((CHUNK, 16), jnp.float32),
          pltpu.VMEM_SHARED((HALF_N, 16), jnp.float32),
          pltpu.SemaphoreType.DMA,
          pltpu.SemaphoreType.DMA,
      ],
      compiler_params=pltpu.CompilerParams(use_tc_tiling_on_sc=False,
                                           needs_layout_passes=False))


@functools.lru_cache(maxsize=None)
def _get_sc_agg():
  mesh = plsc.VectorSubcoreMesh(core_axis_name="c", subcore_axis_name="s")
  return pl.kernel(
      _sc_agg_body,
      out_type=(jax.ShapeDtypeStruct((NC, HALF_N, H), jnp.float32),),
      mesh=mesh,
      scratch_types=[
          pltpu.VMEM((2, CHUNK), jnp.int32),
          pltpu.VMEM((2, CHUNK), jnp.int32),
          pltpu.VMEM((2, CHUNK, H), jnp.float32),
          pltpu.VMEM((16,), jnp.int32),
          pltpu.VMEM_SHARED((N, H), jnp.float32),
          pltpu.VMEM_SHARED((HALF_N, H), jnp.float32),
          pltpu.SemaphoreType.DMA,
          pltpu.SemaphoreType.DMA,
          pltpu.SemaphoreType.DMA,
      ],
      compiler_params=pltpu.CompilerParams(use_tc_tiling_on_sc=False))


def _sc_agg(*args):
  return _get_sc_agg()(*args)


def _sc_part(*args):
  return _get_sc_part()(*args)


_BR = 2000


def _dot_t(a, w):
  return lax.dot_general(a, w, (((1,), (1,)), ((), ())),
                         preferred_element_type=jnp.float32)


def _pre_kernel(x_ref, wl_ref, wr_ref, y_ref, r_ref):
  xb = x_ref[...]
  y_ref[...] = _dot_t(xb, wl_ref[...])
  r_ref[...] = _dot_t(xb, wr_ref[...])


def _tc_pre(x, wl, wr):
  n, d = x.shape
  h = wl.shape[0]
  return pl.pallas_call(
      _pre_kernel,
      grid=(n // _BR,),
      in_specs=[pl.BlockSpec((_BR, d), lambda i: (i, 0)),
                pl.BlockSpec((h, d), lambda i: (0, 0)),
                pl.BlockSpec((h, d), lambda i: (0, 0))],
      out_specs=[pl.BlockSpec((_BR, h), lambda i: (i, 0)),
                 pl.BlockSpec((_BR, h), lambda i: (i, 0))],
      out_shape=[jax.ShapeDtypeStruct((n, h), jnp.float32),
                 jax.ShapeDtypeStruct((n, h), jnp.float32)],
  )(x, wl, wr)


_BR2 = 1000
_PB2 = (N // 2) // _BR2


def _p_map(i):
  return (i // _PB2, i % _PB2, 0)


def _mean_term(p_ref, d_ref):
  deg = d_ref[0][:, :1]
  return p_ref[0] / jnp.maximum(deg, 1.0)


def _make_mid_kernel(with_res):
  def kern(p, dp, b, rc, *rest):
    if with_res:
      res, wl, wr, ho, yo, ro = rest
    else:
      wl, wr, ho, yo, ro = rest
    m = _mean_term(p, dp) + b[...] + rc[...]
    hh = jnp.maximum(m, 0.0)
    if with_res:
      hh = hh + res[...]
    ho[...] = hh
    yo[...] = _dot_t(hh, wl[...])
    ro[...] = _dot_t(hh, wr[...])
  return kern


def _tc_mid(p, dp, b, rc, res, wl, wr):
  with_res = res is not None
  in_specs = [
      pl.BlockSpec((1, _BR2, H), _p_map),
      pl.BlockSpec((1, _BR2, 16), _p_map),
      pl.BlockSpec((1, H), lambda i: (0, 0)),
      pl.BlockSpec((_BR2, H), lambda i: (i, 0)),
  ]
  args = [p, dp, b, rc]
  if with_res:
    in_specs.append(pl.BlockSpec((_BR2, H), lambda i: (i, 0)))
    args.append(res)
  in_specs += [pl.BlockSpec((H, H), lambda i: (0, 0)),
               pl.BlockSpec((H, H), lambda i: (0, 0))]
  args += [wl, wr]
  return pl.pallas_call(
      _make_mid_kernel(with_res),
      grid=(N // _BR2,),
      in_specs=in_specs,
      out_specs=[pl.BlockSpec((_BR2, H), lambda i: (i, 0))] * 3,
      out_shape=[jax.ShapeDtypeStruct((N, H), jnp.float32)] * 3,
  )(*args)


def _final_kernel(p, dp, b, rc, out):
  o = _mean_term(p, dp) + b[...] + rc[...]
  nrm = jnp.sqrt(jnp.sum(o * o, axis=1, keepdims=True))
  out[...] = o / jnp.maximum(nrm, 1e-12)


def _tc_final(p, dp, b, rc):
  return pl.pallas_call(
      _final_kernel,
      grid=(N // _BR2,),
      in_specs=[
          pl.BlockSpec((1, _BR2, H), _p_map),
          pl.BlockSpec((1, _BR2, 16), _p_map),
          pl.BlockSpec((1, H), lambda i: (0, 0)),
          pl.BlockSpec((_BR2, H), lambda i: (i, 0)),
      ],
      out_specs=pl.BlockSpec((_BR2, H), lambda i: (i, 0)),
      out_shape=jax.ShapeDtypeStruct((N, H), jnp.float32),
  )(p, dp, b, rc)


def kernel(x, edge_index, W1l, b1l, W1r, W2l, b2l, W2r,
           W3l, b3l, W3r, W4l, b4l, W4r):
  src = edge_index[0]
  dst = edge_index[1]
  pad = E_PAD - E
  src2 = jnp.concatenate(
      [src, jnp.zeros((pad,), jnp.int32)]).reshape(E_PAD // CHUNK, CHUNK)
  dstraw = jnp.concatenate(
      [dst, jnp.full((pad,), -1, jnp.int32)]).reshape(E_PAD // CHUNK, CHUNK)
  half = N // 2
  tsrc = jnp.zeros((REGION,), jnp.int32)
  tdst = half + (jnp.arange(REGION, dtype=jnp.int32) % TRASH)
  zh = jnp.zeros((HALF_N, H), jnp.float32)
  zd = jnp.zeros((HALF_N, 16), jnp.float32)
  ones16 = jnp.ones((CHUNK, 16), jnp.float32)
  b1 = b1l.reshape(1, H)
  b2 = b2l.reshape(1, H)
  b3 = b3l.reshape(1, H)
  b4 = b4l.reshape(1, H)

  psrc, pdst, pcnt, dp = _sc_part(src2.reshape(-1), dstraw.reshape(-1),
                                  tsrc, tdst, zd, ones16)
  y1, r1 = _tc_pre(x, W1l, W1r)
  (p1,) = _sc_agg(y1, psrc, pdst, pcnt, zh)
  h1, y2, r2 = _tc_mid(p1, dp, b1, r1, None, W2l, W2r)
  (p2,) = _sc_agg(y2, psrc, pdst, pcnt, zh)
  h2, y3, r3 = _tc_mid(p2, dp, b2, r2, h1, W3l, W3r)
  (p3,) = _sc_agg(y3, psrc, pdst, pcnt, zh)
  h3, y4, r4 = _tc_mid(p3, dp, b3, r3, h2, W4l, W4r)
  (p4,) = _sc_agg(y4, psrc, pdst, pcnt, zh)
  return _tc_final(p4, dp, b4, r4)

# --- scband reference (transcript-rebuilt; emitter-appended) ---
"""Pipeline reference for scband-graph-sageencoder-712964571452 (READ-ONLY COPY).

The authoritative reference and input builder live on the scoring server;
editing this copy changes nothing except your own understanding.
"""

import jax, jax.numpy as jnp
import numpy as np

N = 10000
E = 320000
D = 128
H = 64


def _glorot(key, shape):
    fan_in = shape[1]
    bound = 1.0 / np.sqrt(fan_in)
    return jax.random.uniform(key, shape, dtype=jnp.float32, minval=-bound, maxval=bound)


def setup_inputs(seed: int = 0) -> dict:
    key = jax.random.key(seed)
    ks = jax.random.split(key, 16)
    inp = {}
    inp["x"] = jax.random.normal(ks[0], (N, D), dtype=jnp.float32)
    inp["edge_index"] = jax.random.randint(ks[1], (2, E), 0, N, dtype=jnp.int32)
    # SAGEConv params: lin_l (applied to aggregated neighbors, with bias), lin_r (applied to root, no bias)
    inp["W1l"] = _glorot(ks[2], (H, D)); inp["b1l"] = jnp.zeros((H,), jnp.float32); inp["W1r"] = _glorot(ks[3], (H, D))
    inp["W2l"] = _glorot(ks[4], (H, H)); inp["b2l"] = jnp.zeros((H,), jnp.float32); inp["W2r"] = _glorot(ks[5], (H, H))
    inp["W3l"] = _glorot(ks[6], (H, H)); inp["b3l"] = jnp.zeros((H,), jnp.float32); inp["W3r"] = _glorot(ks[7], (H, H))
    inp["W4l"] = _glorot(ks[8], (H, H)); inp["b4l"] = jnp.zeros((H,), jnp.float32); inp["W4r"] = _glorot(ks[9], (H, H))
    return inp


def _sage_conv(x, edge_index, Wl, bl, Wr):
    src = edge_index[0]
    dst = edge_index[1]
    msg = jnp.take(x, src, axis=0)
    agg = jax.ops.segment_sum(msg, dst, num_segments=N)
    deg = jax.ops.segment_sum(jnp.ones((edge_index.shape[1],), jnp.float32), dst, num_segments=N)
    mean = agg / jnp.clip(deg, 1.0, None)[:, None]
    return mean @ Wl.T + bl + x @ Wr.T


def reference(x, edge_index, W1l, b1l, W1r, W2l, b2l, W2r, W3l, b3l, W3r, W4l, b4l, W4r):
    # dropout is identity in eval mode
    h1 = jax.nn.relu(_sage_conv(x, edge_index, W1l, b1l, W1r))
    h2 = jax.nn.relu(_sage_conv(h1, edge_index, W2l, b2l, W2r)) + h1
    h3 = jax.nn.relu(_sage_conv(h2, edge_index, W3l, b3l, W3r)) + h2
    out = _sage_conv(h3, edge_index, W4l, b4l, W4r)
    norm = jnp.linalg.norm(out, ord=2, axis=1, keepdims=True)
    return out / jnp.maximum(norm, 1e-12)

if __name__ == "__main__":
    import jax
    _d = setup_inputs()
    print(jax.jit(kernel)(*tuple(_d.values())))

</pallas_src>

<mosaic_0001>
#map = affine_map<(d0, d1) -> (0, 0)>
#map1 = affine_map<(d0, d1) -> (0, 0, 0)>
module attributes {stable_mosaic.version = 14 : i64} {
  func.func @_sc_agg_body(%arg0: i32, %arg1: i32, %arg2: memref<10000x64xf32, #tpu.memory_space<hbm>>, %arg3: memref<2x16x20480xi32, #tpu.memory_space<hbm>>, %arg4: memref<2x16x20480xi32, #tpu.memory_space<hbm>>, %arg5: memref<2x16x16xi32, #tpu.memory_space<hbm>>, %arg6: memref<5120x64xf32, #tpu.memory_space<hbm>>, %arg7: memref<2x5120x64xf32, #tpu.memory_space<hbm>>, %arg8: memref<2x512xi32, #tpu.memory_space<vmem>>, %arg9: memref<2x512xi32, #tpu.memory_space<vmem>>, %arg10: memref<2x512x64xf32, #tpu.memory_space<vmem>>, %arg11: memref<16xi32, #tpu.memory_space<vmem>>, %arg12: memref<10000x64xf32, #tpu.memory_space<vmem_shared>>, %arg13: memref<5120x64xf32, #tpu.memory_space<vmem_shared>>, %arg14: memref<!tpu.dma_semaphore, #tpu.memory_space<semaphore_mem>>, %arg15: memref<!tpu.dma_semaphore, #tpu.memory_space<semaphore_mem>>, %arg16: memref<!tpu.dma_semaphore, #tpu.memory_space<semaphore_mem>>) attributes {dimension_semantics = [#tpu.dimension_semantics<core_parallel>, #tpu.dimension_semantics<subcore_parallel>], iteration_bounds = array<i64: 2, 16>, scalar_prefetch = 0 : i64, scratch_operands = 9 : i64, tpu.core_type = #tpu.core_type<sc_vector_subcore>, window_params = [{transform_indices = #map}, {transform_indices = #map1}, {transform_indices = #map1}, {transform_indices = #map1}, {transform_indices = #map}, {transform_indices = #map1}]} {
    %mul3A = arith.constant 320 : i32
    %mul3A_0 = arith.muli %arg1, %mul3A : i32
    "tpu.region"() ({
      %run_scoped3A = tpu.sem_alloc : memref<!tpu.dma_semaphore, #tpu.memory_space<semaphore_mem>>
      %dma_start3A = arith.constant 0 : i32
      %dma_start3A_36 = tpu.memref_slice %arg13[%mul3A_0, %dma_start3A] : memref<5120x64xf32, #tpu.memory_space<vmem_shared>> -> memref<320x64xf32, #tpu.memory_space<vmem_shared>>
      %dma_start3A_37 = arith.constant 0 : i32
      %dma_start3A_38 = tpu.memref_slice %arg6[%mul3A_0, %dma_start3A_37] : memref<5120x64xf32, #tpu.memory_space<hbm>> -> memref<320x64xf32, #tpu.memory_space<hbm>>
      tpu.enqueue_dma source(%dma_start3A_38 : memref<320x64xf32, #tpu.memory_space<hbm>>) target(%dma_start3A_36 : memref<320x64xf32, #tpu.memory_space<vmem_shared>>) target_semaphore(%run_scoped3A : memref<!tpu.dma_semaphore, #tpu.memory_space<semaphore_mem>>)
      %dma_wait3A_39 = arith.constant 0 : i32
      %dma_wait3A_40 = tpu.memref_slice %arg13[%mul3A_0, %dma_wait3A_39] : memref<5120x64xf32, #tpu.memory_space<vmem_shared>> -> memref<320x64xf32, #tpu.memory_space<vmem_shared>>
      %dma_wait3A_41 = arith.constant 0 : i32
      %dma_wait3A_42 = tpu.memref_slice %arg6[%mul3A_0, %dma_wait3A_41] : memref<5120x64xf32, #tpu.memory_space<hbm>> -> memref<320x64xf32, #tpu.memory_space<hbm>>
      tpu.wait_dma2 semaphore(%run_scoped3A : memref<!tpu.dma_semaphore, #tpu.memory_space<semaphore_mem>>) src(%dma_wait3A_42 : memref<320x64xf32, #tpu.memory_space<hbm>>) dst(%dma_wait3A_40 : memref<320x64xf32, #tpu.memory_space<vmem_shared>>)
      tpu.yield
    }) : () -> ()
    %mul3A_1 = arith.constant 625 : i32
    %mul3A_2 = arith.muli %arg1, %mul3A_1 : i32
    %mul3A_3 = arith.constant 625 : i32
    %mul3A_4 = arith.muli %arg1, %mul3A_3 : i32
    "tpu.region"() ({
      %run_scoped3A = tpu.sem_alloc : memref<!tpu.dma_semaphore, #tpu.memory_space<semaphore_mem>>
      %dma_start3A = arith.constant 0 : i32
      %dma_start3A_36 = tpu.memref_slice %arg12[%mul3A_4, %dma_start3A] : memref<10000x64xf32, #tpu.memory_space<vmem_shared>> -> memref<625x64xf32, #tpu.memory_space<vmem_shared>>
      %dma_start3A_37 = arith.constant 0 : i32
      %dma_start3A_38 = tpu.memref_slice %arg2[%mul3A_2, %dma_start3A_37] : memref<10000x64xf32, #tpu.memory_space<hbm>> -> memref<625x64xf32, #tpu.memory_space<hbm>>
      tpu.enqueue_dma source(%dma_start3A_38 : memref<625x64xf32, #tpu.memory_space<hbm>>) target(%dma_start3A_36 : memref<625x64xf32, #tpu.memory_space<vmem_shared>>) target_semaphore(%run_scoped3A : memref<!tpu.dma_semaphore, #tpu.memory_space<semaphore_mem>>)
      %dma_wait3A_39 = arith.constant 0 : i32
      %dma_wait3A_40 = tpu.memref_slice %arg12[%mul3A_4, %dma_wait3A_39] : memref<10000x64xf32, #tpu.memory_space<vmem_shared>> -> memref<625x64xf32, #tpu.memory_space<vmem_shared>>
      %dma_wait3A_41 = arith.constant 0 : i32
      %dma_wait3A_42 = tpu.memref_slice %arg2[%mul3A_2, %dma_wait3A_41] : memref<10000x64xf32, #tpu.memory_space<hbm>> -> memref<625x64xf32, #tpu.memory_space<hbm>>
      tpu.wait_dma2 semaphore(%run_scoped3A : memref<!tpu.dma_semaphore, #tpu.memory_space<semaphore_mem>>) src(%dma_wait3A_42 : memref<625x64xf32, #tpu.memory_space<hbm>>) dst(%dma_wait3A_40 : memref<625x64xf32, #tpu.memory_space<vmem_shared>>)
      tpu.yield
    }) : () -> ()
    "tpu.region"() ({
      %run_scoped3A = tpu.sem_alloc : memref<!tpu.dma_semaphore, #tpu.memory_space<semaphore_mem>>
      %dma_start3A = arith.constant 0 : i32
      %dma_start3A_36 = tpu.memref_slice %arg5[%arg0, %arg1, %dma_start3A] : memref<2x16x16xi32, #tpu.memory_space<hbm>> -> memref<1x1x16xi32, #tpu.memory_space<hbm>>
      %dma_start3A_37 = tpu.memref_squeeze %dma_start3A_36 : memref<1x1x16xi32, #tpu.memory_space<hbm>> -> memref<16xi32, #tpu.memory_space<hbm>>
      %dma_start3A_38 = arith.constant 0 : i32
      %dma_start3A_39 = tpu.memref_slice %arg5[%arg0, %arg1, %dma_start3A_38] : memref<2x16x16xi32, #tpu.memory_space<hbm>> -> memref<1x1x16xi32, #tpu.memory_space<hbm>>
      %dma_start3A_40 = tpu.memref_squeeze %dma_start3A_39 : memref<1x1x16xi32, #tpu.memory_space<hbm>> -> memref<16xi32, #tpu.memory_space<hbm>>
      tpu.enqueue_dma source(%dma_start3A_40 : memref<16xi32, #tpu.memory_space<hbm>>) target(%arg11 : memref<16xi32, #tpu.memory_space<vmem>>) target_semaphore(%run_scoped3A : memref<!tpu.dma_semaphore, #tpu.memory_space<semaphore_mem>>)
      %dma_wait3A_41 = arith.constant 0 : i32
      %dma_wait3A_42 = tpu.memref_slice %arg5[%arg0, %arg1, %dma_wait3A_41] : memref<2x16x16xi32, #tpu.memory_space<hbm>> -> memref<1x1x16xi32, #tpu.memory_space<hbm>>
      %dma_wait3A_43 = tpu.memref_squeeze %dma_wait3A_42 : memref<1x1x16xi32, #tpu.memory_space<hbm>> -> memref<16xi32, #tpu.memory_space<hbm>>
      %dma_wait3A_44 = arith.constant 0 : i32
      %dma_wait3A_45 = tpu.memref_slice %arg5[%arg0, %arg1, %dma_wait3A_44] : memref<2x16x16xi32, #tpu.memory_space<hbm>> -> memref<1x1x16xi32, #tpu.memory_space<hbm>>
      %dma_wait3A_46 = tpu.memref_squeeze %dma_wait3A_45 : memref<1x1x16xi32, #tpu.memory_space<hbm>> -> memref<16xi32, #tpu.memory_space<hbm>>
      tpu.wait_dma2 semaphore(%run_scoped3A : memref<!tpu.dma_semaphore, #tpu.memory_space<semaphore_mem>>) src(%dma_wait3A_46 : memref<16xi32, #tpu.memory_space<hbm>>) dst(%arg11 : memref<16xi32, #tpu.memory_space<vmem>>)
      tpu.yield
    }) : () -> ()
    %barrier3A = arith.constant 0 : index
    tpu.barrier barrier_id(%barrier3A)
    %get3A = arith.constant 0 : index
    %get3A_5 = tpu.vector_load %arg11[%get3A] {strides = array<i32>} : memref<16xi32, #tpu.memory_space<vmem>>, vector<16xi32>,
    %get3A_6 = vector.shape_cast %get3A_5 : vector<16xi32> to vector<16xi32>
    %slice3A = vector.extract_strided_slice %get3A_6 {offsets = [0], sizes = [1], strides = [1]} : vector<16xi32> to vector<1xi32>
    %squeeze3A = vector.extract %slice3A[0] : i32 from vector<1xi32>
    %scan3A = arith.constant 0 : i32
    %scan3A_7 = arith.constant 0 : i32
    %scan3A_8 = arith.constant 20 : i32
    %scan3A_9 = arith.addi %scan3A_7, %scan3A_8 : i32
    %scan3A_10 = arith.constant 1 : i32
    scf.for %scan3A_36 = %scan3A_7 to %scan3A_9 step %scan3A_10  : i32 {
      %lt3A = arith.cmpi slt, %scan3A_36, %squeeze3A : i32
      %convert_element_type3A = arith.extui %lt3A : i1 to i32
      %cond3A = arith.constant 0 : i32
      %cond3A_37 = arith.cmpi ne, %convert_element_type3A, %cond3A : i32
      scf.if %cond3A_37 {
        %mul3A_38 = arith.constant 2 : i32
        %mul3A_39 = arith.muli %scan3A_36, %mul3A_38 : i32
        %add3A = arith.constant 0 : i32
        %add3A_40 = arith.addi %mul3A_39, %add3A : i32
        %ge3A = arith.constant 1 : i32
        %ge3A_41 = arith.cmpi sge, %scan3A_36, %ge3A : i32
        %convert_element_type3A_42 = arith.extui %ge3A_41 : i1 to i32
        %cond3A_43 = arith.constant 0 : i32
        %cond3A_44 = arith.cmpi ne, %convert_element_type3A_42, %cond3A_43 : i32
        scf.if %cond3A_44 {
          %dma_wait3A_136 = arith.constant 0 : i32
          %dma_wait3A_137 = arith.constant 0 : i32
          %dma_wait3A_138 = arith.constant 0 : i32
          %dma_wait3A_139 = arith.constant 0 : i32
          %dma_wait3A_140 = tpu.memref_slice %arg10[%dma_wait3A_136, %dma_wait3A_138, %dma_wait3A_139] : memref<2x512x64xf32, #tpu.memory_space<vmem>> -> memref<1x512x64xf32, #tpu.memory_space<vmem>>
          %dma_wait3A_141 = tpu.memref_squeeze %dma_wait3A_140 : memref<1x512x64xf32, #tpu.memory_space<vmem>> -> memref<512x64xf32, #tpu.memory_space<vmem>>
          %dma_wait3A_142 = arith.constant 0 : i32
          %dma_wait3A_143 = tpu.memref_slice %arg9[%dma_wait3A_137, %dma_wait3A_142] : memref<2x512xi32, #tpu.memory_space<vmem>> -> memref<1x512xi32, #tpu.memory_space<vmem>>
          %dma_wait3A_144 = tpu.memref_squeeze %dma_wait3A_143 : memref<1x512xi32, #tpu.memory_space<vmem>> -> memref<512xi32, #tpu.memory_space<vmem>>
          %dma_wait3A_145 = arith.constant 0 : i32
          %dma_wait3A_146 = arith.constant 0 : i32
          %dma_wait3A_147 = tpu.memref_slice %arg13[%dma_wait3A_145, %dma_wait3A_146] : memref<5120x64xf32, #tpu.memory_space<vmem_shared>> -> memref<5120x64xf32, #tpu.memory_space<vmem_shared>>
          tpu.wait_indirect_dma semaphore(%arg15 : memref<!tpu.dma_semaphore, #tpu.memory_space<semaphore_mem>>) src(%dma_wait3A_141 : memref<512x64xf32, #tpu.memory_space<vmem>>) dst(%dma_wait3A_147 : memref<5120x64xf32, #tpu.memory_space<vmem_shared>>)
        } else {
        }
        %mul3A_45 = arith.constant 512 : i32
        %mul3A_46 = arith.muli %add3A_40, %mul3A_45 : i32
        %run_scoped3A = arith.constant 0 : i32
        "tpu.region"() ({
          %run_scoped3A_136 = tpu.sem_alloc : memref<!tpu.dma_semaphore, #tpu.memory_space<semaphore_mem>>
          %dma_start3A_137 = arith.constant 0 : i32
          %dma_start3A_138 = tpu.memref_slice %arg8[%run_scoped3A, %dma_start3A_137] : memref<2x512xi32, #tpu.memory_space<vmem>> -> memref<1x512xi32, #tpu.memory_space<vmem>>
          %dma_start3A_139 = tpu.memref_squeeze %dma_start3A_138 : memref<1x512xi32, #tpu.memory_space<vmem>> -> memref<512xi32, #tpu.memory_space<vmem>>
          %dma_start3A_140 = tpu.memref_slice %arg3[%arg0, %arg1, %mul3A_46] : memref<2x16x20480xi32, #tpu.memory_space<hbm>> -> memref<1x1x512xi32, #tpu.memory_space<hbm>>
          %dma_start3A_141 = tpu.memref_squeeze %dma_start3A_140 : memref<1x1x512xi32, #tpu.memory_space<hbm>> -> memref<512xi32, #tpu.memory_space<hbm>>
          %dma_start3A_142 = arith.constant 0 : i32
          %dma_start3A_143 = tpu.memref_slice %arg8[%run_scoped3A, %dma_start3A_142] : memref<2x512xi32, #tpu.memory_space<vmem>> -> memref<1x512xi32, #tpu.memory_space<vmem>>
          %dma_start3A_144 = tpu.memref_squeeze %dma_start3A_143 : memref<1x512xi32, #tpu.memory_space<vmem>> -> memref<512xi32, #tpu.memory_space<vmem>>
          %dma_start3A_145 = tpu.memref_slice %arg3[%arg0, %arg1, %mul3A_46] : memref<2x16x20480xi32, #tpu.memory_space<hbm>> -> memref<1x1x512xi32, #tpu.memory_space<hbm>>
          %dma_start3A_146 = tpu.memref_squeeze %dma_start3A_145 : memref<1x1x512xi32, #tpu.memory_space<hbm>> -> memref<512xi32, #tpu.memory_space<hbm>>
          tpu.enqueue_dma source(%dma_start3A_146 : memref<512xi32, #tpu.memory_space<hbm>>) target(%dma_start3A_144 : memref<512xi32, #tpu.memory_space<vmem>>) target_semaphore(%run_scoped3A_136 : memref<!tpu.dma_semaphore, #tpu.memory_space<semaphore_mem>>)
          %dma_wait3A_147 = arith.constant 0 : i32
          %dma_wait3A_148 = tpu.memref_slice %arg8[%run_scoped3A, %dma_wait3A_147] : memref<2x512xi32, #tpu.memory_space<vmem>> -> memref<1x512xi32, #tpu.memory_space<vmem>>
          %dma_wait3A_149 = tpu.memref_squeeze %dma_wait3A_148 : memref<1x512xi32, #tpu.memory_space<vmem>> -> memref<512xi32, #tpu.memory_space<vmem>>
          %dma_wait3A_150 = tpu.memref_slice %arg3[%arg0, %arg1, %mul3A_46] : memref<2x16x20480xi32, #tpu.memory_space<hbm>> -> memref<1x1x512xi32, #tpu.memory_space<hbm>>
          %dma_wait3A_151 = tpu.memref_squeeze %dma_wait3A_150 : memref<1x1x512xi32, #tpu.memory_space<hbm>> -> memref<512xi32, #tpu.memory_space<hbm>>
          %dma_wait3A_152 = arith.constant 0 : i32
          %dma_wait3A_153 = tpu.memref_slice %arg8[%run_scoped3A, %dma_wait3A_152] : memref<2x512xi32, #tpu.memory_space<vmem>> -> memref<1x512xi32, #tpu.memory_space<vmem>>
          %dma_wait3A_154 = tpu.memref_squeeze %dma_wait3A_153 : memref<1x512xi32, #tpu.memory_space<vmem>> -> memref<512xi32, #tpu.memory_space<vmem>>
          %dma_wait3A_155 = tpu.memref_slice %arg3[%arg0, %arg1, %mul3A_46] : memref<2x16x20480xi32, #tpu.memory_space<hbm>> -> memref<1x1x512xi32, #tpu.memory_space<hbm>>
          %dma_wait3A_156 = tpu.memref_squeeze %dma_wait3A_155 : memref<1x1x512xi32, #tpu.memory_space<hbm>> -> memref<512xi32, #tpu.memory_space<hbm>>
          tpu.wait_dma2 semaphore(%run_scoped3A_136 : memref<!tpu.dma_semaphore, #tpu.memory_space<semaphore_mem>>) src(%dma_wait3A_156 : memref<512xi32, #tpu.memory_space<hbm>>) dst(%dma_wait3A_154 : memref<512xi32, #tpu.memory_space<vmem>>)
          tpu.yield
        }) : () -> ()
        %mul3A_47 = arith.constant 512 : i32
        %mul3A_48 = arith.muli %add3A_40, %mul3A_47 : i32
        %run_scoped3A_49 = arith.constant 0 : i32
        "tpu.region"() ({
          %run_scoped3A_136 = tpu.sem_alloc : memref<!tpu.dma_semaphore, #tpu.memory_space<semaphore_mem>>
          %dma_start3A_137 = arith.constant 0 : i32
          %dma_start3A_138 = tpu.memref_slice %arg9[%run_scoped3A_49, %dma_start3A_137] : memref<2x512xi32, #tpu.memory_space<vmem>> -> memref<1x512xi32, #tpu.memory_space<vmem>>
          %dma_start3A_139 = tpu.memref_squeeze %dma_start3A_138 : memref<1x512xi32, #tpu.memory_space<vmem>> -> memref<512xi32, #tpu.memory_space<vmem>>
          %dma_start3A_140 = tpu.memref_slice %arg4[%arg0, %arg1, %mul3A_48] : memref<2x16x20480xi32, #tpu.memory_space<hbm>> -> memref<1x1x512xi32, #tpu.memory_space<hbm>>
          %dma_start3A_141 = tpu.memref_squeeze %dma_start3A_140 : memref<1x1x512xi32, #tpu.memory_space<hbm>> -> memref<512xi32, #tpu.memory_space<hbm>>
          %dma_start3A_142 = arith.constant 0 : i32
          %dma_start3A_143 = tpu.memref_slice %arg9[%run_scoped3A_49, %dma_start3A_142] : memref<2x512xi32, #tpu.memory_space<vmem>> -> memref<1x512xi32, #tpu.memory_space<vmem>>
          %dma_start3A_144 = tpu.memref_squeeze %dma_start3A_143 : memref<1x512xi32, #tpu.memory_space<vmem>> -> memref<512xi32, #tpu.memory_space<vmem>>
          %dma_start3A_145 = tpu.memref_slice %arg4[%arg0, %arg1, %mul3A_48] : memref<2x16x20480xi32, #tpu.memory_space<hbm>> -> memref<1x1x512xi32, #tpu.memory_space<hbm>>
          %dma_start3A_146 = tpu.memref_squeeze %dma_start3A_145 : memref<1x1x512xi32, #tpu.memory_space<hbm>> -> memref<512xi32, #tpu.memory_space<hbm>>
          tpu.enqueue_dma source(%dma_start3A_146 : memref<512xi32, #tpu.memory_space<hbm>>) target(%dma_start3A_144 : memref<512xi32, #tpu.memory_space<vmem>>) target_semaphore(%run_scoped3A_136 : memref<!tpu.dma_semaphore, #tpu.memory_space<semaphore_mem>>)
          %dma_wait3A_147 = arith.constant 0 : i32
          %dma_wait3A_148 = tpu.memref_slice %arg9[%run_scoped3A_49, %dma_wait3A_147] : memref<2x512xi32, #tpu.memory_space<vmem>> -> memref<1x512xi32, #tpu.memory_space<vmem>>
          %dma_wait3A_149 = tpu.memref_squeeze %dma_wait3A_148 : memref<1x512xi32, #tpu.memory_space<vmem>> -> memref<512xi32, #tpu.memory_space<vmem>>
          %dma_wait3A_150 = tpu.memref_slice %arg4[%arg0, %arg1, %mul3A_48] : memref<2x16x20480xi32, #tpu.memory_space<hbm>> -> memref<1x1x512xi32, #tpu.memory_space<hbm>>
          %dma_wait3A_151 = tpu.memref_squeeze %dma_wait3A_150 : memref<1x1x512xi32, #tpu.memory_space<hbm>> -> memref<512xi32, #tpu.memory_space<hbm>>
          %dma_wait3A_152 = arith.constant 0 : i32
          %dma_wait3A_153 = tpu.memref_slice %arg9[%run_scoped3A_49, %dma_wait3A_152] : memref<2x512xi32, #tpu.memory_space<vmem>> -> memref<1x512xi32, #tpu.memory_space<vmem>>
          %dma_wait3A_154 = tpu.memref_squeeze %dma_wait3A_153 : memref<1x512xi32, #tpu.memory_space<vmem>> -> memref<512xi32, #tpu.memory_space<vmem>>
          %dma_wait3A_155 = tpu.memref_slice %arg4[%arg0, %arg1, %mul3A_48] : memref<2x16x20480xi32, #tpu.memory_space<hbm>> -> memref<1x1x512xi32, #tpu.memory_space<hbm>>
          %dma_wait3A_156 = tpu.memref_squeeze %dma_wait3A_155 : memref<1x1x512xi32, #tpu.memory_space<hbm>> -> memref<512xi32, #tpu.memory_space<hbm>>
          tpu.wait_dma2 semaphore(%run_scoped3A_136 : memref<!tpu.dma_semaphore, #tpu.memory_space<semaphore_mem>>) src(%dma_wait3A_156 : memref<512xi32, #tpu.memory_space<hbm>>) dst(%dma_wait3A_154 : memref<512xi32, #tpu.memory_space<vmem>>)
          tpu.yield
        }) : () -> ()
        %dma_start3A = arith.constant 0 : i32
        %dma_start3A_50 = arith.constant 0 : i32
        %dma_start3A_51 = arith.constant 0 : i32
        %dma_start3A_52 = arith.constant 0 : i32
        %dma_start3A_53 = tpu.memref_slice %arg10[%dma_start3A_50, %dma_start3A_51, %dma_start3A_52] : memref<2x512x64xf32, #tpu.memory_space<vmem>> -> memref<1x512x64xf32, #tpu.memory_space<vmem>>
        %dma_start3A_54 = tpu.memref_squeeze %dma_start3A_53 : memref<1x512x64xf32, #tpu.memory_space<vmem>> -> memref<512x64xf32, #tpu.memory_space<vmem>>
        %dma_start3A_55 = arith.constant 0 : i32
        %dma_start3A_56 = tpu.memref_slice %arg8[%dma_start3A, %dma_start3A_55] : memref<2x512xi32, #tpu.memory_space<vmem>> -> memref<1x512xi32, #tpu.memory_space<vmem>>
        %dma_start3A_57 = tpu.memref_squeeze %dma_start3A_56 : memref<1x512xi32, #tpu.memory_space<vmem>> -> memref<512xi32, #tpu.memory_space<vmem>>
        %dma_start3A_58 = arith.constant 0 : i32
        %dma_start3A_59 = arith.constant 0 : i32
        %dma_start3A_60 = tpu.memref_slice %arg12[%dma_start3A_58, %dma_start3A_59] : memref<10000x64xf32, #tpu.memory_space<vmem_shared>> -> memref<10000x64xf32, #tpu.memory_space<vmem_shared>>
        tpu.enqueue_indirect_dma source(%dma_start3A_60 : memref<10000x64xf32, #tpu.memory_space<vmem_shared>>) target(%dma_start3A_54 : memref<512x64xf32, #tpu.memory_space<vmem>>) offsets(%dma_start3A_57 : memref<512xi32, #tpu.memory_space<vmem>>) semaphore(%arg14 : memref<!tpu.dma_semaphore, #tpu.memory_space<semaphore_mem>>)
        %dma_wait3A_61 = arith.constant 0 : i32
        %dma_wait3A_62 = arith.constant 0 : i32
        %dma_wait3A_63 = arith.constant 0 : i32
        %dma_wait3A_64 = arith.constant 0 : i32
        %dma_wait3A_65 = tpu.memref_slice %arg10[%dma_wait3A_62, %dma_wait3A_63, %dma_wait3A_64] : memref<2x512x64xf32, #tpu.memory_space<vmem>> -> memref<1x512x64xf32, #tpu.memory_space<vmem>>
        %dma_wait3A_66 = tpu.memref_squeeze %dma_wait3A_65 : memref<1x512x64xf32, #tpu.memory_space<vmem>> -> memref<512x64xf32, #tpu.memory_space<vmem>>
        %dma_wait3A_67 = arith.constant 0 : i32
        %dma_wait3A_68 = tpu.memref_slice %arg8[%dma_wait3A_61, %dma_wait3A_67] : memref<2x512xi32, #tpu.memory_space<vmem>> -> memref<1x512xi32, #tpu.memory_space<vmem>>
        %dma_wait3A_69 = tpu.memref_squeeze %dma_wait3A_68 : memref<1x512xi32, #tpu.memory_space<vmem>> -> memref<512xi32, #tpu.memory_space<vmem>>
        %dma_wait3A_70 = arith.constant 0 : i32
        %dma_wait3A_71 = arith.constant 0 : i32
        %dma_wait3A_72 = tpu.memref_slice %arg12[%dma_wait3A_70, %dma_wait3A_71] : memref<10000x64xf32, #tpu.memory_space<vmem_shared>> -> memref<10000x64xf32, #tpu.memory_space<vmem_shared>>
        tpu.wait_indirect_dma semaphore(%arg14 : memref<!tpu.dma_semaphore, #tpu.memory_space<semaphore_mem>>) src(%dma_wait3A_72 : memref<10000x64xf32, #tpu.memory_space<vmem_shared>>) dst(%dma_wait3A_66 : memref<512x64xf32, #tpu.memory_space<vmem>>)
        %dma_start3A_73 = arith.constant 0 : i32
        %dma_start3A_74 = arith.constant 0 : i32
        %dma_start3A_75 = arith.constant 0 : i32
        %dma_start3A_76 = arith.constant 0 : i32
        %dma_start3A_77 = tpu.memref_slice %arg10[%dma_start3A_73, %dma_start3A_75, %dma_start3A_76] : memref<2x512x64xf32, #tpu.memory_space<vmem>> -> memref<1x512x64xf32, #tpu.memory_space<vmem>>
        %dma_start3A_78 = tpu.memref_squeeze %dma_start3A_77 : memref<1x512x64xf32, #tpu.memory_space<vmem>> -> memref<512x64xf32, #tpu.memory_space<vmem>>
        %dma_start3A_79 = arith.constant 0 : i32
        %dma_start3A_80 = tpu.memref_slice %arg9[%dma_start3A_74, %dma_start3A_79] : memref<2x512xi32, #tpu.memory_space<vmem>> -> memref<1x512xi32, #tpu.memory_space<vmem>>
        %dma_start3A_81 = tpu.memref_squeeze %dma_start3A_80 : memref<1x512xi32, #tpu.memory_space<vmem>> -> memref<512xi32, #tpu.memory_space<vmem>>
        %dma_start3A_82 = arith.constant 0 : i32
        %dma_start3A_83 = arith.constant 0 : i32
        %dma_start3A_84 = tpu.memref_slice %arg13[%dma_start3A_82, %dma_start3A_83] : memref<5120x64xf32, #tpu.memory_space<vmem_shared>> -> memref<5120x64xf32, #tpu.memory_space<vmem_shared>>
        tpu.enqueue_indirect_dma source(%dma_start3A_78 : memref<512x64xf32, #tpu.memory_space<vmem>>) target(%dma_start3A_84 : memref<5120x64xf32, #tpu.memory_space<vmem_shared>>) offsets(%dma_start3A_81 : memref<512xi32, #tpu.memory_space<vmem>>) semaphore(%arg15 : memref<!tpu.dma_semaphore, #tpu.memory_space<semaphore_mem>>) {add = true}
        %mul3A_85 = arith.constant 2 : i32
        %mul3A_86 = arith.muli %scan3A_36, %mul3A_85 : i32
        %add3A_87 = arith.constant 1 : i32
        %add3A_88 = arith.addi %mul3A_86, %add3A_87 : i32
        %ge3A_89 = arith.constant 1 : i32
        %ge3A_90 = arith.cmpi sge, %scan3A_36, %ge3A_89 : i32
        %convert_element_type3A_91 = arith.extui %ge3A_90 : i1 to i32
        %cond3A_92 = arith.constant 0 : i32
        %cond3A_93 = arith.cmpi ne, %convert_element_type3A_91, %cond3A_92 : i32
        scf.if %cond3A_93 {
          %dma_wait3A_136 = arith.constant 1 : i32
          %dma_wait3A_137 = arith.constant 1 : i32
          %dma_wait3A_138 = arith.constant 0 : i32
          %dma_wait3A_139 = arith.constant 0 : i32
          %dma_wait3A_140 = tpu.memref_slice %arg10[%dma_wait3A_136, %dma_wait3A_138, %dma_wait3A_139] : memref<2x512x64xf32, #tpu.memory_space<vmem>> -> memref<1x512x64xf32, #tpu.memory_space<vmem>>
          %dma_wait3A_141 = tpu.memref_squeeze %dma_wait3A_140 : memref<1x512x64xf32, #tpu.memory_space<vmem>> -> memref<512x64xf32, #tpu.memory_space<vmem>>
          %dma_wait3A_142 = arith.constant 0 : i32
          %dma_wait3A_143 = tpu.memref_slice %arg9[%dma_wait3A_137, %dma_wait3A_142] : memref<2x512xi32, #tpu.memory_space<vmem>> -> memref<1x512xi32, #tpu.memory_space<vmem>>
          %dma_wait3A_144 = tpu.memref_squeeze %dma_wait3A_143 : memref<1x512xi32, #tpu.memory_space<vmem>> -> memref<512xi32, #tpu.memory_space<vmem>>
          %dma_wait3A_145 = arith.constant 0 : i32
          %dma_wait3A_146 = arith.constant 0 : i32
          %dma_wait3A_147 = tpu.memref_slice %arg13[%dma_wait3A_145, %dma_wait3A_146] : memref<5120x64xf32, #tpu.memory_space<vmem_shared>> -> memref<5120x64xf32, #tpu.memory_space<vmem_shared>>
          tpu.wait_indirect_dma semaphore(%arg16 : memref<!tpu.dma_semaphore, #tpu.memory_space<semaphore_mem>>) src(%dma_wait3A_141 : memref<512x64xf32, #tpu.memory_space<vmem>>) dst(%dma_wait3A_147 : memref<5120x64xf32, #tpu.memory_space<vmem_shared>>)
        } else {
        }
        %mul3A_94 = arith.constant 512 : i32
        %mul3A_95 = arith.muli %add3A_88, %mul3A_94 : i32
        %run_scoped3A_96 = arith.constant 1 : i32
        "tpu.region"() ({
          %run_scoped3A_136 = tpu.sem_alloc : memref<!tpu.dma_semaphore, #tpu.memory_space<semaphore_mem>>
          %dma_start3A_137 = arith.constant 0 : i32
          %dma_start3A_138 = tpu.memref_slice %arg8[%run_scoped3A_96, %dma_start3A_137] : memref<2x512xi32, #tpu.memory_space<vmem>> -> memref<1x512xi32, #tpu.memory_space<vmem>>
          %dma_start3A_139 = tpu.memref_squeeze %dma_start3A_138 : memref<1x512xi32, #tpu.memory_space<vmem>> -> memref<512xi32, #tpu.memory_space<vmem>>
          %dma_start3A_140 = tpu.memref_slice %arg3[%arg0, %arg1, %mul3A_95] : memref<2x16x20480xi32, #tpu.memory_space<hbm>> -> memref<1x1x512xi32, #tpu.memory_space<hbm>>
          %dma_start3A_141 = tpu.memref_squeeze %dma_start3A_140 : memref<1x1x512xi32, #tpu.memory_space<hbm>> -> memref<512xi32, #tpu.memory_space<hbm>>
          %dma_start3A_142 = arith.constant 0 : i32
          %dma_start3A_143 = tpu.memref_slice %arg8[%run_scoped3A_96, %dma_start3A_142] : memref<2x512xi32, #tpu.memory_space<vmem>> -> memref<1x512xi32, #tpu.memory_space<vmem>>
          %dma_start3A_144 = tpu.memref_squeeze %dma_start3A_143 : memref<1x512xi32, #tpu.memory_space<vmem>> -> memref<512xi32, #tpu.memory_space<vmem>>
          %dma_start3A_145 = tpu.memref_slice %arg3[%arg0, %arg1, %mul3A_95] : memref<2x16x20480xi32, #tpu.memory_space<hbm>> -> memref<1x1x512xi32, #tpu.memory_space<hbm>>
          %dma_start3A_146 = tpu.memref_squeeze %dma_start3A_145 : memref<1x1x512xi32, #tpu.memory_space<hbm>> -> memref<512xi32, #tpu.memory_space<hbm>>
          tpu.enqueue_dma source(%dma_start3A_146 : memref<512xi32, #tpu.memory_space<hbm>>) target(%dma_start3A_144 : memref<512xi32, #tpu.memory_space<vmem>>) target_semaphore(%run_scoped3A_136 : memref<!tpu.dma_semaphore, #tpu.memory_space<semaphore_mem>>)
          %dma_wait3A_147 = arith.constant 0 : i32
          %dma_wait3A_148 = tpu.memref_slice %arg8[%run_scoped3A_96, %dma_wait3A_147] : memref<2x512xi32, #tpu.memory_space<vmem>> -> memref<1x512xi32, #tpu.memory_space<vmem>>
          %dma_wait3A_149 = tpu.memref_squeeze %dma_wait3A_148 : memref<1x512xi32, #tpu.memory_space<vmem>> -> memref<512xi32, #tpu.memory_space<vmem>>
          %dma_wait3A_150 = tpu.memref_slice %arg3[%arg0, %arg1, %mul3A_95] : memref<2x16x20480xi32, #tpu.memory_space<hbm>> -> memref<1x1x512xi32, #tpu.memory_space<hbm>>
          %dma_wait3A_151 = tpu.memref_squeeze %dma_wait3A_150 : memref<1x1x512xi32, #tpu.memory_space<hbm>> -> memref<512xi32, #tpu.memory_space<hbm>>
          %dma_wait3A_152 = arith.constant 0 : i32
          %dma_wait3A_153 = tpu.memref_slice %arg8[%run_scoped3A_96, %dma_wait3A_152] : memref<2x512xi32, #tpu.memory_space<vmem>> -> memref<1x512xi32, #tpu.memory_space<vmem>>
          %dma_wait3A_154 = tpu.memref_squeeze %dma_wait3A_153 : memref<1x512xi32, #tpu.memory_space<vmem>> -> memref<512xi32, #tpu.memory_space<vmem>>
          %dma_wait3A_155 = tpu.memref_slice %arg3[%arg0, %arg1, %mul3A_95] : memref<2x16x20480xi32, #tpu.memory_space<hbm>> -> memref<1x1x512xi32, #tpu.memory_space<hbm>>
          %dma_wait3A_156 = tpu.memref_squeeze %dma_wait3A_155 : memref<1x1x512xi32, #tpu.memory_space<hbm>> -> memref<512xi32, #tpu.memory_space<hbm>>
          tpu.wait_dma2 semaphore(%run_scoped3A_136 : memref<!tpu.dma_semaphore, #tpu.memory_space<semaphore_mem>>) src(%dma_wait3A_156 : memref<512xi32, #tpu.memory_space<hbm>>) dst(%dma_wait3A_154 : memref<512xi32, #tpu.memory_space<vmem>>)
          tpu.yield
        }) : () -> ()
        %mul3A_97 = arith.constant 512 : i32
        %mul3A_98 = arith.muli %add3A_88, %mul3A_97 : i32
        %run_scoped3A_99 = arith.constant 1 : i32
        "tpu.region"() ({
          %run_scoped3A_136 = tpu.sem_alloc : memref<!tpu.dma_semaphore, #tpu.memory_space<semaphore_mem>>
          %dma_start3A_137 = arith.constant 0 : i32
          %dma_start3A_138 = tpu.memref_slice %arg9[%run_scoped3A_99, %dma_start3A_137] : memref<2x512xi32, #tpu.memory_space<vmem>> -> memref<1x512xi32, #tpu.memory_space<vmem>>
          %dma_start3A_139 = tpu.memref_squeeze %dma_start3A_138 : memref<1x512xi32, #tpu.memory_space<vmem>> -> memref<512xi32, #tpu.memory_space<vmem>>
          %dma_start3A_140 = tpu.memref_slice %arg4[%arg0, %arg1, %mul3A_98] : memref<2x16x20480xi32, #tpu.memory_space<hbm>> -> memref<1x1x512xi32, #tpu.memory_space<hbm>>
          %dma_start3A_141 = tpu.memref_squeeze %dma_start3A_140 : memref<1x1x512xi32, #tpu.memory_space<hbm>> -> memref<512xi32, #tpu.memory_space<hbm>>
          %dma_start3A_142 = arith.constant 0 : i32
          %dma_start3A_143 = tpu.memref_slice %arg9[%run_scoped3A_99, %dma_start3A_142] : memref<2x512xi32, #tpu.memory_space<vmem>> -> memref<1x512xi32, #tpu.memory_space<vmem>>
          %dma_start3A_144 = tpu.memref_squeeze %dma_start3A_143 : memref<1x512xi32, #tpu.memory_space<vmem>> -> memref<512xi32, #tpu.memory_space<vmem>>
          %dma_start3A_145 = tpu.memref_slice %arg4[%arg0, %arg1, %mul3A_98] : memref<2x16x20480xi32, #tpu.memory_space<hbm>> -> memref<1x1x512xi32, #tpu.memory_space<hbm>>
          %dma_start3A_146 = tpu.memref_squeeze %dma_start3A_145 : memref<1x1x512xi32, #tpu.memory_space<hbm>> -> memref<512xi32, #tpu.memory_space<hbm>>
          tpu.enqueue_dma source(%dma_start3A_146 : memref<512xi32, #tpu.memory_space<hbm>>) target(%dma_start3A_144 : memref<512xi32, #tpu.memory_space<vmem>>) target_semaphore(%run_scoped3A_136 : memref<!tpu.dma_semaphore, #tpu.memory_space<semaphore_mem>>)
          %dma_wait3A_147 = arith.constant 0 : i32
          %dma_wait3A_148 = tpu.memref_slice %arg9[%run_scoped3A_99, %dma_wait3A_147] : memref<2x512xi32, #tpu.memory_space<vmem>> -> memref<1x512xi32, #tpu.memory_space<vmem>>
          %dma_wait3A_149 = tpu.memref_squeeze %dma_wait3A_148 : memref<1x512xi32, #tpu.memory_space<vmem>> -> memref<512xi32, #tpu.memory_space<vmem>>
          %dma_wait3A_150 = tpu.memref_slice %arg4[%arg0, %arg1, %mul3A_98] : memref<2x16x20480xi32, #tpu.memory_space<hbm>> -> memref<1x1x512xi32, #tpu.memory_space<hbm>>
          %dma_wait3A_151 = tpu.memref_squeeze %dma_wait3A_150 : memref<1x1x512xi32, #tpu.memory_space<hbm>> -> memref<512xi32, #tpu.memory_space<hbm>>
          %dma_wait3A_152 = arith.constant 0 : i32
          %dma_wait3A_153 = tpu.memref_slice %arg9[%run_scoped3A_99, %dma_wait3A_152] : memref<2x512xi32, #tpu.memory_space<vmem>> -> memref<1x512xi32, #tpu.memory_space<vmem>>
          %dma_wait3A_154 = tpu.memref_squeeze %dma_wait3A_153 : memref<1x512xi32, #tpu.memory_space<vmem>> -> memref<512xi32, #tpu.memory_space<vmem>>
          %dma_wait3A_155 = tpu.memref_slice %arg4[%arg0, %arg1, %mul3A_98] : memref<2x16x20480xi32, #tpu.memory_space<hbm>> -> memref<1x1x512xi32, #tpu.memory_space<hbm>>
          %dma_wait3A_156 = tpu.memref_squeeze %dma_wait3A_155 : memref<1x1x512xi32, #tpu.memory_space<hbm>> -> memref<512xi32, #tpu.memory_space<hbm>>
          tpu.wait_dma2 semaphore(%run_scoped3A_136 : memref<!tpu.dma_semaphore, #tpu.memory_space<semaphore_mem>>) src(%dma_wait3A_156 : memref<512xi32, #tpu.memory_space<hbm>>) dst(%dma_wait3A_154 : memref<512xi32, #tpu.memory_space<vmem>>)
          tpu.yield
        }) : () -> ()
        %dma_start3A_100 = arith.constant 1 : i32
        %dma_start3A_101 = arith.constant 1 : i32
        %dma_start3A_102 = arith.constant 0 : i32
        %dma_start3A_103 = arith.constant 0 : i32
        %dma_start3A_104 = tpu.memref_slice %arg10[%dma_start3A_101, %dma_start3A_102, %dma_start3A_103] : memref<2x512x64xf32, #tpu.memory_space<vmem>> -> memref<1x512x64xf32, #tpu.memory_space<vmem>>
        %dma_start3A_105 = tpu.memref_squeeze %dma_start3A_104 : memref<1x512x64xf32, #tpu.memory_space<vmem>> -> memref<512x64xf32, #tpu.memory_space<vmem>>
        %dma_start3A_106 = arith.constant 0 : i32
        %dma_start3A_107 = tpu.memref_slice %arg8[%dma_start3A_100, %dma_start3A_106] : memref<2x512xi32, #tpu.memory_space<vmem>> -> memref<1x512xi32, #tpu.memory_space<vmem>>
        %dma_start3A_108 = tpu.memref_squeeze %dma_start3A_107 : memref<1x512xi32, #tpu.memory_space<vmem>> -> memref<512xi32, #tpu.memory_space<vmem>>
        %dma_start3A_109 = arith.constant 0 : i32
        %dma_start3A_110 = arith.constant 0 : i32
        %dma_start3A_111 = tpu.memref_slice %arg12[%dma_start3A_109, %dma_start3A_110] : memref<10000x64xf32, #tpu.memory_space<vmem_shared>> -> memref<10000x64xf32, #tpu.memory_space<vmem_shared>>
        tpu.enqueue_indirect_dma source(%dma_start3A_111 : memref<10000x64xf32, #tpu.memory_space<vmem_shared>>) target(%dma_start3A_105 : memref<512x64xf32, #tpu.memory_space<vmem>>) offsets(%dma_start3A_108 : memref<512xi32, #tpu.memory_space<vmem>>) semaphore(%arg14 : memref<!tpu.dma_semaphore, #tpu.memory_space<semaphore_mem>>)
        %dma_wait3A_112 = arith.constant 1 : i32
        %dma_wait3A_113 = arith.constant 1 : i32
        %dma_wait3A_114 = arith.constant 0 : i32
        %dma_wait3A_115 = arith.constant 0 : i32
        %dma_wait3A_116 = tpu.memref_slice %arg10[%dma_wait3A_113, %dma_wait3A_114, %dma_wait3A_115] : memref<2x512x64xf32, #tpu.memory_space<vmem>> -> memref<1x512x64xf32, #tpu.memory_space<vmem>>
        %dma_wait3A_117 = tpu.memref_squeeze %dma_wait3A_116 : memref<1x512x64xf32, #tpu.memory_space<vmem>> -> memref<512x64xf32, #tpu.memory_space<vmem>>
        %dma_wait3A_118 = arith.constant 0 : i32
        %dma_wait3A_119 = tpu.memref_slice %arg8[%dma_wait3A_112, %dma_wait3A_118] : memref<2x512xi32, #tpu.memory_space<vmem>> -> memref<1x512xi32, #tpu.memory_space<vmem>>
        %dma_wait3A_120 = tpu.memref_squeeze %dma_wait3A_119 : memref<1x512xi32, #tpu.memory_space<vmem>> -> memref<512xi32, #tpu.memory_space<vmem>>
        %dma_wait3A_121 = arith.constant 0 : i32
        %dma_wait3A_122 = arith.constant 0 : i32
        %dma_wait3A_123 = tpu.memref_slice %arg12[%dma_wait3A_121, %dma_wait3A_122] : memref<10000x64xf32, #tpu.memory_space<vmem_shared>> -> memref<10000x64xf32, #tpu.memory_space<vmem_shared>>
        tpu.wait_indirect_dma semaphore(%arg14 : memref<!tpu.dma_semaphore, #tpu.memory_space<semaphore_mem>>) src(%dma_wait3A_123 : memref<10000x64xf32, #tpu.memory_space<vmem_shared>>) dst(%dma_wait3A_117 : memref<512x64xf32, #tpu.memory_space<vmem>>)
        %dma_start3A_124 = arith.constant 1 : i32
        %dma_start3A_125 = arith.constant 1 : i32
        %dma_start3A_126 = arith.constant 0 : i32
        %dma_start3A_127 = arith.constant 0 : i32
        %dma_start3A_128 = tpu.memref_slice %arg10[%dma_start3A_124, %dma_start3A_126, %dma_start3A_127] : memref<2x512x64xf32, #tpu.memory_space<vmem>> -> memref<1x512x64xf32, #tpu.memory_space<vmem>>
        %dma_start3A_129 = tpu.memref_squeeze %dma_start3A_128 : memref<1x512x64xf32, #tpu.memory_space<vmem>> -> memref<512x64xf32, #tpu.memory_space<vmem>>
        %dma_start3A_130 = arith.constant 0 : i32
        %dma_start3A_131 = tpu.memref_slice %arg9[%dma_start3A_125, %dma_start3A_130] : memref<2x512xi32, #tpu.memory_space<vmem>> -> memref<1x512xi32, #tpu.memory_space<vmem>>
        %dma_start3A_132 = tpu.memref_squeeze %dma_start3A_131 : memref<1x512xi32, #tpu.memory_space<vmem>> -> memref<512xi32, #tpu.memory_space<vmem>>
        %dma_start3A_133 = arith.constant 0 : i32
        %dma_start3A_134 = arith.constant 0 : i32
        %dma_start3A_135 = tpu.memref_slice %arg13[%dma_start3A_133, %dma_start3A_134] : memref<5120x64xf32, #tpu.memory_space<vmem_shared>> -> memref<5120x64xf32, #tpu.memory_space<vmem_shared>>
        tpu.enqueue_indirect_dma source(%dma_start3A_129 : memref<512x64xf32, #tpu.memory_space<vmem>>) target(%dma_start3A_135 : memref<5120x64xf32, #tpu.memory_space<vmem_shared>>) offsets(%dma_start3A_132 : memref<512xi32, #tpu.memory_space<vmem>>) semaphore(%arg16 : memref<!tpu.dma_semaphore, #tpu.memory_space<semaphore_mem>>) {add = true}
      } else {
      }
    }
    %scan3A_11 = arith.constant 20 : i32
    %dma_wait3A = arith.constant 0 : i32
    %dma_wait3A_12 = arith.constant 0 : i32
    %dma_wait3A_13 = arith.constant 0 : i32
    %dma_wait3A_14 = arith.constant 0 : i32
    %dma_wait3A_15 = tpu.memref_slice %arg10[%dma_wait3A, %dma_wait3A_13, %dma_wait3A_14] : memref<2x512x64xf32, #tpu.memory_space<vmem>> -> memref<1x512x64xf32, #tpu.memory_space<vmem>>
    %dma_wait3A_16 = tpu.memref_squeeze %dma_wait3A_15 : memref<1x512x64xf32, #tpu.memory_space<vmem>> -> memref<512x64xf32, #tpu.memory_space<vmem>>
    %dma_wait3A_17 = arith.constant 0 : i32
    %dma_wait3A_18 = tpu.memref_slice %arg9[%dma_wait3A_12, %dma_wait3A_17] : memref<2x512xi32, #tpu.memory_space<vmem>> -> memref<1x512xi32, #tpu.memory_space<vmem>>
    %dma_wait3A_19 = tpu.memref_squeeze %dma_wait3A_18 : memref<1x512xi32, #tpu.memory_space<vmem>> -> memref<512xi32, #tpu.memory_space<vmem>>
    %dma_wait3A_20 = arith.constant 0 : i32
    %dma_wait3A_21 = arith.constant 0 : i32
    %dma_wait3A_22 = tpu.memref_slice %arg13[%dma_wait3A_20, %dma_wait3A_21] : memref<5120x64xf32, #tpu.memory_space<vmem_shared>> -> memref<5120x64xf32, #tpu.memory_space<vmem_shared>>
    tpu.wait_indirect_dma semaphore(%arg15 : memref<!tpu.dma_semaphore, #tpu.memory_space<semaphore_mem>>) src(%dma_wait3A_16 : memref<512x64xf32, #tpu.memory_space<vmem>>) dst(%dma_wait3A_22 : memref<5120x64xf32, #tpu.memory_space<vmem_shared>>)
    %dma_wait3A_23 = arith.constant 1 : i32
    %dma_wait3A_24 = arith.constant 1 : i32
    %dma_wait3A_25 = arith.constant 0 : i32
    %dma_wait3A_26 = arith.constant 0 : i32
    %dma_wait3A_27 = tpu.memref_slice %arg10[%dma_wait3A_23, %dma_wait3A_25, %dma_wait3A_26] : memref<2x512x64xf32, #tpu.memory_space<vmem>> -> memref<1x512x64xf32, #tpu.memory_space<vmem>>
    %dma_wait3A_28 = tpu.memref_squeeze %dma_wait3A_27 : memref<1x512x64xf32, #tpu.memory_space<vmem>> -> memref<512x64xf32, #tpu.memory_space<vmem>>
    %dma_wait3A_29 = arith.constant 0 : i32
    %dma_wait3A_30 = tpu.memref_slice %arg9[%dma_wait3A_24, %dma_wait3A_29] : memref<2x512xi32, #tpu.memory_space<vmem>> -> memref<1x512xi32, #tpu.memory_space<vmem>>
    %dma_wait3A_31 = tpu.memref_squeeze %dma_wait3A_30 : memref<1x512xi32, #tpu.memory_space<vmem>> -> memref<512xi32, #tpu.memory_space<vmem>>
    %dma_wait3A_32 = arith.constant 0 : i32
    %dma_wait3A_33 = arith.constant 0 : i32
    %dma_wait3A_34 = tpu.memref_slice %arg13[%dma_wait3A_32, %dma_wait3A_33] : memref<5120x64xf32, #tpu.memory_space<vmem_shared>> -> memref<5120x64xf32, #tpu.memory_space<vmem_shared>>
    tpu.wait_indirect_dma semaphore(%arg16 : memref<!tpu.dma_semaphore, #tpu.memory_space<semaphore_mem>>) src(%dma_wait3A_28 : memref<512x64xf32, #tpu.memory_space<vmem>>) dst(%dma_wait3A_34 : memref<5120x64xf32, #tpu.memory_space<vmem_shared>>)
    %barrier3A_35 = arith.constant 0 : index
    tpu.barrier barrier_id(%barrier3A_35)
    "tpu.region"() ({
      %run_scoped3A = tpu.sem_alloc : memref<!tpu.dma_semaphore, #tpu.memory_space<semaphore_mem>>
      %dma_start3A = arith.constant 0 : i32
      %dma_start3A_36 = tpu.memref_slice %arg7[%arg0, %mul3A_0, %dma_start3A] : memref<2x5120x64xf32, #tpu.memory_space<hbm>> -> memref<1x320x64xf32, #tpu.memory_space<hbm>>
      %dma_start3A_37 = tpu.memref_squeeze %dma_start3A_36 : memref<1x320x64xf32, #tpu.memory_space<hbm>> -> memref<320x64xf32, #tpu.memory_space<hbm>>
      %dma_start3A_38 = arith.constant 0 : i32
      %dma_start3A_39 = tpu.memref_slice %arg13[%mul3A_0, %dma_start3A_38] : memref<5120x64xf32, #tpu.memory_space<vmem_shared>> -> memref<320x64xf32, #tpu.memory_space<vmem_shared>>
      tpu.enqueue_dma source(%dma_start3A_39 : memref<320x64xf32, #tpu.memory_space<vmem_shared>>) target(%dma_start3A_37 : memref<320x64xf32, #tpu.memory_space<hbm>>) target_semaphore(%run_scoped3A : memref<!tpu.dma_semaphore, #tpu.memory_space<semaphore_mem>>)
      %dma_wait3A_40 = arith.constant 0 : i32
      %dma_wait3A_41 = tpu.memref_slice %arg7[%arg0, %mul3A_0, %dma_wait3A_40] : memref<2x5120x64xf32, #tpu.memory_space<hbm>> -> memref<1x320x64xf32, #tpu.memory_space<hbm>>
      %dma_wait3A_42 = tpu.memref_squeeze %dma_wait3A_41 : memref<1x320x64xf32, #tpu.memory_space<hbm>> -> memref<320x64xf32, #tpu.memory_space<hbm>>
      %dma_wait3A_43 = arith.constant 0 : i32
      %dma_wait3A_44 = tpu.memref_slice %arg13[%mul3A_0, %dma_wait3A_43] : memref<5120x64xf32, #tpu.memory_space<vmem_shared>> -> memref<320x64xf32, #tpu.memory_space<vmem_shared>>
      tpu.wait_dma2 semaphore(%run_scoped3A : memref<!tpu.dma_semaphore, #tpu.memory_space<semaphore_mem>>) src(%dma_wait3A_44 : memref<320x64xf32, #tpu.memory_space<vmem_shared>>) dst(%dma_wait3A_42 : memref<320x64xf32, #tpu.memory_space<hbm>>)
      tpu.yield
    }) : () -> ()
    return
  }
}

#map = affine_map<(d0, d1) -> (0)>
#map1 = affine_map<(d0, d1) -> (0, 0)>
#map2 = affine_map<(d0, d1) -> (0, 0, 0)>
module attributes {stable_mosaic.version = 14 : i64} {
  func.func @_sc_part_body(%arg0: i32, %arg1: i32, %arg2: memref<327680xi32, #tpu.memory_space<hbm>>, %arg3: memref<327680xi32, #tpu.memory_space<hbm>>, %arg4: memref<20480xi32, #tpu.memory_space<hbm>>, %arg5: memref<20480xi32, #tpu.memory_space<hbm>>, %arg6: memref<5120x16xf32, #tpu.memory_space<hbm>>, %arg7: memref<512x16xf32, #tpu.memory_space<hbm>>, %arg8: memref<2x16x20480xi32, #tpu.memory_space<hbm>>, %arg9: memref<2x16x20480xi32, #tpu.memory_space<hbm>>, %arg10: memref<2x16x16xi32, #tpu.memory_space<hbm>>, %arg11: memref<2x5120x16xf32, #tpu.memory_space<hbm>>, %arg12: memref<20480xi32, #tpu.memory_space<vmem>>, %arg13: memref<20480xi32, #tpu.memory_space<vmem>>, %arg14: memref<20496xi32, #tpu.memory_space<vmem>>, %arg15: memref<20496xi32, #tpu.memory_space<vmem>>, %arg16: memref<16xi32, #tpu.memory_space<vmem>>, %arg17: memref<512x16xf32, #tpu.memory_space<vmem>>, %arg18: memref<5120x16xf32, #tpu.memory_space<vmem_shared>>, %arg19: memref<!tpu.dma_semaphore, #tpu.memory_space<semaphore_mem>>, %arg20: memref<!tpu.dma_semaphore, #tpu.memory_space<semaphore_mem>>) attributes {dimension_semantics = [#tpu.dimension_semantics<core_parallel>, #tpu.dimension_semantics<subcore_parallel>], iteration_bounds = array<i64: 2, 16>, scalar_prefetch = 0 : i64, scratch_operands = 9 : i64, tpu.core_type = #tpu.core_type<sc_vector_subcore>, window_params = [{transform_indices = #map}, {transform_indices = #map}, {transform_indices = #map}, {transform_indices = #map}, {transform_indices = #map1}, {transform_indices = #map1}, {transform_indices = #map2}, {transform_indices = #map2}, {transform_indices = #map2}, {transform_indices = #map2}]} {
    %mul3A = arith.constant 5000 : i32
    %mul3A_0 = arith.muli %arg0, %mul3A : i32
    %mul3A_1 = arith.constant 320 : i32
    %mul3A_2 = arith.muli %arg1, %mul3A_1 : i32
    "tpu.region"() ({
      %run_scoped3A = tpu.sem_alloc : memref<!tpu.dma_semaphore, #tpu.memory_space<semaphore_mem>>
      %dma_start3A = arith.constant 0 : i32
      %dma_start3A_67 = tpu.memref_slice %arg18[%mul3A_2, %dma_start3A] : memref<5120x16xf32, #tpu.memory_space<vmem_shared>> -> memref<320x16xf32, #tpu.memory_space<vmem_shared>>
      %dma_start3A_68 = arith.constant 0 : i32
      %dma_start3A_69 = tpu.memref_slice %arg6[%mul3A_2, %dma_start3A_68] : memref<5120x16xf32, #tpu.memory_space<hbm>> -> memref<320x16xf32, #tpu.memory_space<hbm>>
      tpu.enqueue_dma source(%dma_start3A_69 : memref<320x16xf32, #tpu.memory_space<hbm>>) target(%dma_start3A_67 : memref<320x16xf32, #tpu.memory_space<vmem_shared>>) target_semaphore(%run_scoped3A : memref<!tpu.dma_semaphore, #tpu.memory_space<semaphore_mem>>)
      %dma_wait3A_70 = arith.constant 0 : i32
      %dma_wait3A_71 = tpu.memref_slice %arg18[%mul3A_2, %dma_wait3A_70] : memref<5120x16xf32, #tpu.memory_space<vmem_shared>> -> memref<320x16xf32, #tpu.memory_space<vmem_shared>>
      %dma_wait3A_72 = arith.constant 0 : i32
      %dma_wait3A_73 = tpu.memref_slice %arg6[%mul3A_2, %dma_wait3A_72] : memref<5120x16xf32, #tpu.memory_space<hbm>> -> memref<320x16xf32, #tpu.memory_space<hbm>>
      tpu.wait_dma2 semaphore(%run_scoped3A : memref<!tpu.dma_semaphore, #tpu.memory_space<semaphore_mem>>) src(%dma_wait3A_73 : memref<320x16xf32, #tpu.memory_space<hbm>>) dst(%dma_wait3A_71 : memref<320x16xf32, #tpu.memory_space<vmem_shared>>)
      tpu.yield
    }) : () -> ()
    "tpu.region"() ({
      %run_scoped3A = tpu.sem_alloc : memref<!tpu.dma_semaphore, #tpu.memory_space<semaphore_mem>>
      tpu.enqueue_dma source(%arg7 : memref<512x16xf32, #tpu.memory_space<hbm>>) target(%arg17 : memref<512x16xf32, #tpu.memory_space<vmem>>) target_semaphore(%run_scoped3A : memref<!tpu.dma_semaphore, #tpu.memory_space<semaphore_mem>>)
      tpu.wait_dma2 semaphore(%run_scoped3A : memref<!tpu.dma_semaphore, #tpu.memory_space<semaphore_mem>>) src(%arg7 : memref<512x16xf32, #tpu.memory_space<hbm>>) dst(%arg17 : memref<512x16xf32, #tpu.memory_space<vmem>>)
      tpu.yield
    }) : () -> ()
    %mul3A_3 = arith.constant 20480 : i32
    %mul3A_4 = arith.muli %arg1, %mul3A_3 : i32
    "tpu.region"() ({
      %run_scoped3A = tpu.sem_alloc : memref<!tpu.dma_semaphore, #tpu.memory_space<semaphore_mem>>
      %dma_start3A = tpu.memref_slice %arg2[%mul3A_4] : memref<327680xi32, #tpu.memory_space<hbm>> -> memref<20480xi32, #tpu.memory_space<hbm>>
      %dma_start3A_67 = tpu.memref_slice %arg2[%mul3A_4] : memref<327680xi32, #tpu.memory_space<hbm>> -> memref<20480xi32, #tpu.memory_space<hbm>>
      tpu.enqueue_dma source(%dma_start3A_67 : memref<20480xi32, #tpu.memory_space<hbm>>) target(%arg12 : memref<20480xi32, #tpu.memory_space<vmem>>) target_semaphore(%run_scoped3A : memref<!tpu.dma_semaphore, #tpu.memory_space<semaphore_mem>>)
      %dma_wait3A_68 = tpu.memref_slice %arg2[%mul3A_4] : memref<327680xi32, #tpu.memory_space<hbm>> -> memref<20480xi32, #tpu.memory_space<hbm>>
      %dma_wait3A_69 = tpu.memref_slice %arg2[%mul3A_4] : memref<327680xi32, #tpu.memory_space<hbm>> -> memref<20480xi32, #tpu.memory_space<hbm>>
      tpu.wait_dma2 semaphore(%run_scoped3A : memref<!tpu.dma_semaphore, #tpu.memory_space<semaphore_mem>>) src(%dma_wait3A_69 : memref<20480xi32, #tpu.memory_space<hbm>>) dst(%arg12 : memref<20480xi32, #tpu.memory_space<vmem>>)
      tpu.yield
    }) : () -> ()
    %mul3A_5 = arith.constant 20480 : i32
    %mul3A_6 = arith.muli %arg1, %mul3A_5 : i32
    "tpu.region"() ({
      %run_scoped3A = tpu.sem_alloc : memref<!tpu.dma_semaphore, #tpu.memory_space<semaphore_mem>>
      %dma_start3A = tpu.memref_slice %arg3[%mul3A_6] : memref<327680xi32, #tpu.memory_space<hbm>> -> memref<20480xi32, #tpu.memory_space<hbm>>
      %dma_start3A_67 = tpu.memref_slice %arg3[%mul3A_6] : memref<327680xi32, #tpu.memory_space<hbm>> -> memref<20480xi32, #tpu.memory_space<hbm>>
      tpu.enqueue_dma source(%dma_start3A_67 : memref<20480xi32, #tpu.memory_space<hbm>>) target(%arg13 : memref<20480xi32, #tpu.memory_space<vmem>>) target_semaphore(%run_scoped3A : memref<!tpu.dma_semaphore, #tpu.memory_space<semaphore_mem>>)
      %dma_wait3A_68 = tpu.memref_slice %arg3[%mul3A_6] : memref<327680xi32, #tpu.memory_space<hbm>> -> memref<20480xi32, #tpu.memory_space<hbm>>
      %dma_wait3A_69 = tpu.memref_slice %arg3[%mul3A_6] : memref<327680xi32, #tpu.memory_space<hbm>> -> memref<20480xi32, #tpu.memory_space<hbm>>
      tpu.wait_dma2 semaphore(%run_scoped3A : memref<!tpu.dma_semaphore, #tpu.memory_space<semaphore_mem>>) src(%dma_wait3A_69 : memref<20480xi32, #tpu.memory_space<hbm>>) dst(%arg13 : memref<20480xi32, #tpu.memory_space<vmem>>)
      tpu.yield
    }) : () -> ()
    "tpu.region"() ({
      %run_scoped3A = tpu.sem_alloc : memref<!tpu.dma_semaphore, #tpu.memory_space<semaphore_mem>>
      %dma_start3A = arith.constant 0 : i32
      %dma_start3A_67 = tpu.memref_slice %arg14[%dma_start3A] : memref<20496xi32, #tpu.memory_space<vmem>> -> memref<20480xi32, #tpu.memory_space<vmem>>
      %dma_start3A_68 = arith.constant 0 : i32
      %dma_start3A_69 = tpu.memref_slice %arg14[%dma_start3A_68] : memref<20496xi32, #tpu.memory_space<vmem>> -> memref<20480xi32, #tpu.memory_space<vmem>>
      tpu.enqueue_dma source(%arg4 : memref<20480xi32, #tpu.memory_space<hbm>>) target(%dma_start3A_69 : memref<20480xi32, #tpu.memory_space<vmem>>) target_semaphore(%run_scoped3A : memref<!tpu.dma_semaphore, #tpu.memory_space<semaphore_mem>>)
      %dma_wait3A_70 = arith.constant 0 : i32
      %dma_wait3A_71 = tpu.memref_slice %arg14[%dma_wait3A_70] : memref<20496xi32, #tpu.memory_space<vmem>> -> memref<20480xi32, #tpu.memory_space<vmem>>
      %dma_wait3A_72 = arith.constant 0 : i32
      %dma_wait3A_73 = tpu.memref_slice %arg14[%dma_wait3A_72] : memref<20496xi32, #tpu.memory_space<vmem>> -> memref<20480xi32, #tpu.memory_space<vmem>>
      tpu.wait_dma2 semaphore(%run_scoped3A : memref<!tpu.dma_semaphore, #tpu.memory_space<semaphore_mem>>) src(%arg4 : memref<20480xi32, #tpu.memory_space<hbm>>) dst(%dma_wait3A_73 : memref<20480xi32, #tpu.memory_space<vmem>>)
      tpu.yield
    }) : () -> ()
    "tpu.region"() ({
      %run_scoped3A = tpu.sem_alloc : memref<!tpu.dma_semaphore, #tpu.memory_space<semaphore_mem>>
      %dma_start3A = arith.constant 0 : i32
      %dma_start3A_67 = tpu.memref_slice %arg15[%dma_start3A] : memref<20496xi32, #tpu.memory_space<vmem>> -> memref<20480xi32, #tpu.memory_space<vmem>>
      %dma_start3A_68 = arith.constant 0 : i32
      %dma_start3A_69 = tpu.memref_slice %arg15[%dma_start3A_68] : memref<20496xi32, #tpu.memory_space<vmem>> -> memref<20480xi32, #tpu.memory_space<vmem>>
      tpu.enqueue_dma source(%arg5 : memref<20480xi32, #tpu.memory_space<hbm>>) target(%dma_start3A_69 : memref<20480xi32, #tpu.memory_space<vmem>>) target_semaphore(%run_scoped3A : memref<!tpu.dma_semaphore, #tpu.memory_space<semaphore_mem>>)
      %dma_wait3A_70 = arith.constant 0 : i32
      %dma_wait3A_71 = tpu.memref_slice %arg15[%dma_wait3A_70] : memref<20496xi32, #tpu.memory_space<vmem>> -> memref<20480xi32, #tpu.memory_space<vmem>>
      %dma_wait3A_72 = arith.constant 0 : i32
      %dma_wait3A_73 = tpu.memref_slice %arg15[%dma_wait3A_72] : memref<20496xi32, #tpu.memory_space<vmem>> -> memref<20480xi32, #tpu.memory_space<vmem>>
      tpu.wait_dma2 semaphore(%run_scoped3A : memref<!tpu.dma_semaphore, #tpu.memory_space<semaphore_mem>>) src(%arg5 : memref<20480xi32, #tpu.memory_space<hbm>>) dst(%dma_wait3A_73 : memref<20480xi32, #tpu.memory_space<vmem>>)
      tpu.yield
    }) : () -> ()
    %iota3A = tpu.iota {dimensions = array<i32: 0>} : vector<16xi32>
    %broadcast_in_dim3A = arith.constant 0 : i32
    %broadcast_in_dim3A_7 = vector.broadcast %broadcast_in_dim3A : i32 to vector<16xi32>
    %scan3A = arith.constant 0 : i32
    %scan3A_8 = arith.constant 1280 : i32
    %scan3A_9 = arith.addi %scan3A, %scan3A_8 : i32
    %scan3A_10 = arith.constant 1 : i32
    %scan3A_11 = scf.for %scan3A_67 = %scan3A to %scan3A_9 step %scan3A_10 iter_args(%scan3A_68 = %broadcast_in_dim3A_7) -> (vector<16xi32>)  : i32 {
      %mul3A_69 = arith.constant 16 : i32
      %mul3A_70 = arith.muli %scan3A_67, %mul3A_69 : i32
      %get3A = arith.index_cast %mul3A_70 : i32 to index
      %get3A_71 = tpu.vector_load %arg12[%get3A] {strides = array<i32>} : memref<20480xi32, #tpu.memory_space<vmem>>, vector<16xi32>,
      %mul3A_72 = arith.constant 16 : i32
      %mul3A_73 = arith.muli %scan3A_67, %mul3A_72 : i32
      %get3A_74 = arith.index_cast %mul3A_73 : i32 to index
      %get3A_75 = tpu.vector_load %arg13[%get3A_74] {strides = array<i32>} : memref<20480xi32, #tpu.memory_space<vmem>>, vector<16xi32>,
      %ge3A = vector.broadcast %mul3A_0 : i32 to vector<16xi32>
      %ge3A_76 = arith.cmpi sge, %get3A_75, %ge3A : vector<16xi32>
      %add3A_77 = arith.constant 5000 : i32
      %add3A_78 = arith.addi %mul3A_0, %add3A_77 : i32
      %lt3A = vector.broadcast %add3A_78 : i32 to vector<16xi32>
      %lt3A_79 = arith.cmpi slt, %get3A_75, %lt3A : vector<16xi32>
      %and3A_80 = arith.andi %ge3A_76, %lt3A_79 : vector<16xi1>
      %convert_element_type3A = arith.extui %and3A_80 : vector<16xi1> to vector<16xi32>
      %sub3A_81 = arith.constant 1 : i32
      %sub3A_82 = vector.broadcast %sub3A_81 : i32 to vector<16xi32>
      %sub3A_83 = arith.subi %sub3A_82, %convert_element_type3A : vector<16xi32>
      %mul3A_84 = arith.constant 8192 : i32
      %mul3A_85 = vector.broadcast %mul3A_84 : i32 to vector<16xi32>
      %mul3A_86 = arith.muli %get3A_71, %mul3A_85 : vector<16xi32>
      %sub3A_87 = vector.broadcast %mul3A_0 : i32 to vector<16xi32>
      %sub3A_88 = arith.subi %get3A_75, %sub3A_87 : vector<16xi32>
      %add3A_89 = arith.addi %mul3A_86, %sub3A_88 : vector<16xi32>
      %masked_sort3A = arith.constant dense<true> : vector<16xi1>
      %masked_sort3A_90 = arith.constant -2147483648 : i32
      %masked_sort3A_91 = vector.broadcast %masked_sort3A_90 : i32 to vector<16xi32>
      %masked_sort3A_92 = arith.xori %sub3A_83, %masked_sort3A_91 : vector<16xi32>
      %masked_sort3A_93, %masked_sort3A_94, %masked_sort3A_95 = tpu.sort %masked_sort3A_92, %add3A_89 masked %masked_sort3A : (vector<16xi32>, vector<16xi32>, vector<16xi1>) -> (vector<16xi1>, vector<16xi32>, vector<16xi32>)
      %masked_sort3A_96 = arith.xori %masked_sort3A_94, %masked_sort3A_91 : vector<16xi32>
      %add3A_97 = arith.addi %scan3A_68, %iota3A : vector<16xi32>
      %shift_right_arithmetic3A = arith.constant 13 : i32
      %shift_right_arithmetic3A_98 = vector.broadcast %shift_right_arithmetic3A : i32 to vector<16xi32>
      %shift_right_arithmetic3A_99 = arith.shrsi %masked_sort3A_95, %shift_right_arithmetic3A_98 : vector<16xi32>
      tpu.vector_store_idx %arg14[%add3A_97], %shift_right_arithmetic3A_99 : memref<20496xi32, #tpu.memory_space<vmem>>[vector<16xi32>], vector<16xi32>,
      %and3A_100 = arith.constant 8191 : i32
      %and3A_101 = vector.broadcast %and3A_100 : i32 to vector<16xi32>
      %and3A_102 = arith.andi %masked_sort3A_95, %and3A_101 : vector<16xi32>
      tpu.vector_store_idx %arg15[%add3A_97], %and3A_102 : memref<20496xi32, #tpu.memory_space<vmem>>[vector<16xi32>], vector<16xi32>,
      %all_reduce_population_count3A = tpu.all_reduce %and3A_80 {dim = 0 : i64, kind = #tpu.reduction_kind<sum>} : vector<16xi1> -> vector<16xi32>
      %add3A_103 = arith.addi %scan3A_68, %all_reduce_population_count3A : vector<16xi32>
      scf.yield %add3A_103 : vector<16xi32>
    }
    %scan3A_12 = arith.constant 1280 : i32
    %add3A = arith.addi %scan3A_11, %iota3A : vector<16xi32>
    %broadcast_in_dim3A_13 = arith.constant 0 : i32
    %broadcast_in_dim3A_14 = vector.broadcast %broadcast_in_dim3A_13 : i32 to vector<16xi32>
    tpu.vector_store_idx %arg14[%add3A], %broadcast_in_dim3A_14 : memref<20496xi32, #tpu.memory_space<vmem>>[vector<16xi32>], vector<16xi32>,
    %add3A_15 = arith.addi %scan3A_11, %iota3A : vector<16xi32>
    %add3A_16 = arith.constant 5000 : i32
    %add3A_17 = vector.broadcast %add3A_16 : i32 to vector<16xi32>
    %add3A_18 = arith.addi %add3A_17, %iota3A : vector<16xi32>
    tpu.vector_store_idx %arg15[%add3A_15], %add3A_18 : memref<20496xi32, #tpu.memory_space<vmem>>[vector<16xi32>], vector<16xi32>,
    %add3A_19 = arith.constant 1024 : i32
    %add3A_20 = vector.broadcast %add3A_19 : i32 to vector<16xi32>
    %add3A_21 = arith.addi %scan3A_11, %add3A_20 : vector<16xi32>
    %sub3A = arith.constant 1 : i32
    %sub3A_22 = vector.broadcast %sub3A : i32 to vector<16xi32>
    %sub3A_23 = arith.subi %add3A_21, %sub3A_22 : vector<16xi32>
    %jit3A = arith.constant 1024 : i32
    %div3A = vector.broadcast %jit3A : i32 to vector<16xi32>
    %div3A_24 = arith.divsi %sub3A_23, %div3A : vector<16xi32>
    %sign3A = arith.constant 0 : i32
    %sign3A_25 = vector.broadcast %sign3A : i32 to vector<16xi32>
    %sign3A_26 = arith.cmpi sgt, %sub3A_23, %sign3A_25 : vector<16xi32>
    %sign3A_27 = arith.extui %sign3A_26 : vector<16xi1> to vector<16xi32>
    %sign3A_28 = arith.constant 0 : i32
    %sign3A_29 = vector.broadcast %sign3A_28 : i32 to vector<16xi32>
    %sign3A_30 = arith.cmpi slt, %sub3A_23, %sign3A_29 : vector<16xi32>
    %sign3A_31 = arith.extui %sign3A_30 : vector<16xi1> to vector<16xi32>
    %sign3A_32 = arith.subi %sign3A_27, %sign3A_31 : vector<16xi32>
    %sign3A_33 = arith.constant 0 : i32
    %sign3A_34 = arith.cmpi sgt, %jit3A, %sign3A_33 : i32
    %sign3A_35 = arith.extui %sign3A_34 : i1 to i32
    %sign3A_36 = arith.constant 0 : i32
    %sign3A_37 = arith.cmpi slt, %jit3A, %sign3A_36 : i32
    %sign3A_38 = arith.extui %sign3A_37 : i1 to i32
    %sign3A_39 = arith.subi %sign3A_35, %sign3A_38 : i32
    %ne3A = vector.broadcast %sign3A_39 : i32 to vector<16xi32>
    %ne3A_40 = arith.cmpi ne, %sign3A_32, %ne3A : vector<16xi32>
    %rem3A = vector.broadcast %jit3A : i32 to vector<16xi32>
    %rem3A_41 = arith.remsi %sub3A_23, %rem3A : vector<16xi32>
    %ne3A_42 = arith.constant 0 : i32
    %ne3A_43 = vector.broadcast %ne3A_42 : i32 to vector<16xi32>
    %ne3A_44 = arith.cmpi ne, %rem3A_41, %ne3A_43 : vector<16xi32>
    %and3A = arith.andi %ne3A_40, %ne3A_44 : vector<16xi1>
    %sub3A_45 = arith.constant 1 : i32
    %sub3A_46 = vector.broadcast %sub3A_45 : i32 to vector<16xi32>
    %sub3A_47 = arith.subi %div3A_24, %sub3A_46 : vector<16xi32>
    %select_n3A = arith.select %and3A, %sub3A_47, %div3A_24 : vector<16xi1>, vector<16xi32>
    %max3A = arith.constant 1 : i32
    %max3A_48 = vector.broadcast %max3A : i32 to vector<16xi32>
    %max3A_49 = arith.maxsi %select_n3A, %max3A_48 : vector<16xi32>
    %swap3A = arith.constant 0 : index
    %swap3A_50 = tpu.vector_load %arg16[%swap3A] {strides = array<i32>} : memref<16xi32, #tpu.memory_space<vmem>>, vector<16xi32>,
    tpu.vector_store %arg16[%swap3A], %max3A_49 {strides = array<i32>} : memref<16xi32, #tpu.memory_space<vmem>>, vector<16xi32>,
    "tpu.region"() ({
      %run_scoped3A = tpu.sem_alloc : memref<!tpu.dma_semaphore, #tpu.memory_space<semaphore_mem>>
      %dma_start3A = arith.constant 0 : i32
      %dma_start3A_67 = tpu.memref_slice %arg14[%dma_start3A] : memref<20496xi32, #tpu.memory_space<vmem>> -> memref<20480xi32, #tpu.memory_space<vmem>>
      %dma_start3A_68 = arith.constant 0 : i32
      %dma_start3A_69 = tpu.memref_slice %arg8[%arg0, %arg1, %dma_start3A_68] : memref<2x16x20480xi32, #tpu.memory_space<hbm>> -> memref<1x1x20480xi32, #tpu.memory_space<hbm>>
      %dma_start3A_70 = tpu.memref_squeeze %dma_start3A_69 : memref<1x1x20480xi32, #tpu.memory_space<hbm>> -> memref<20480xi32, #tpu.memory_space<hbm>>
      %dma_start3A_71 = arith.constant 0 : i32
      %dma_start3A_72 = tpu.memref_slice %arg8[%arg0, %arg1, %dma_start3A_71] : memref<2x16x20480xi32, #tpu.memory_space<hbm>> -> memref<1x1x20480xi32, #tpu.memory_space<hbm>>
      %dma_start3A_73 = tpu.memref_squeeze %dma_start3A_72 : memref<1x1x20480xi32, #tpu.memory_space<hbm>> -> memref<20480xi32, #tpu.memory_space<hbm>>
      %dma_start3A_74 = arith.constant 0 : i32
      %dma_start3A_75 = tpu.memref_slice %arg14[%dma_start3A_74] : memref<20496xi32, #tpu.memory_space<vmem>> -> memref<20480xi32, #tpu.memory_space<vmem>>
      tpu.enqueue_dma source(%dma_start3A_75 : memref<20480xi32, #tpu.memory_space<vmem>>) target(%dma_start3A_73 : memref<20480xi32, #tpu.memory_space<hbm>>) target_semaphore(%run_scoped3A : memref<!tpu.dma_semaphore, #tpu.memory_space<semaphore_mem>>)
      %dma_wait3A_76 = arith.constant 0 : i32
      %dma_wait3A_77 = tpu.memref_slice %arg14[%dma_wait3A_76] : memref<20496xi32, #tpu.memory_space<vmem>> -> memref<20480xi32, #tpu.memory_space<vmem>>
      %dma_wait3A_78 = arith.constant 0 : i32
      %dma_wait3A_79 = tpu.memref_slice %arg8[%arg0, %arg1, %dma_wait3A_78] : memref<2x16x20480xi32, #tpu.memory_space<hbm>> -> memref<1x1x20480xi32, #tpu.memory_space<hbm>>
      %dma_wait3A_80 = tpu.memref_squeeze %dma_wait3A_79 : memref<1x1x20480xi32, #tpu.memory_space<hbm>> -> memref<20480xi32, #tpu.memory_space<hbm>>
      %dma_wait3A_81 = arith.constant 0 : i32
      %dma_wait3A_82 = tpu.memref_slice %arg8[%arg0, %arg1, %dma_wait3A_81] : memref<2x16x20480xi32, #tpu.memory_space<hbm>> -> memref<1x1x20480xi32, #tpu.memory_space<hbm>>
      %dma_wait3A_83 = tpu.memref_squeeze %dma_wait3A_82 : memref<1x1x20480xi32, #tpu.memory_space<hbm>> -> memref<20480xi32, #tpu.memory_space<hbm>>
      %dma_wait3A_84 = arith.constant 0 : i32
      %dma_wait3A_85 = tpu.memref_slice %arg14[%dma_wait3A_84] : memref<20496xi32, #tpu.memory_space<vmem>> -> memref<20480xi32, #tpu.memory_space<vmem>>
      tpu.wait_dma2 semaphore(%run_scoped3A : memref<!tpu.dma_semaphore, #tpu.memory_space<semaphore_mem>>) src(%dma_wait3A_85 : memref<20480xi32, #tpu.memory_space<vmem>>) dst(%dma_wait3A_83 : memref<20480xi32, #tpu.memory_space<hbm>>)
      tpu.yield
    }) : () -> ()
    "tpu.region"() ({
      %run_scoped3A = tpu.sem_alloc : memref<!tpu.dma_semaphore, #tpu.memory_space<semaphore_mem>>
      %dma_start3A = arith.constant 0 : i32
      %dma_start3A_67 = tpu.memref_slice %arg15[%dma_start3A] : memref<20496xi32, #tpu.memory_space<vmem>> -> memref<20480xi32, #tpu.memory_space<vmem>>
      %dma_start3A_68 = arith.constant 0 : i32
      %dma_start3A_69 = tpu.memref_slice %arg9[%arg0, %arg1, %dma_start3A_68] : memref<2x16x20480xi32, #tpu.memory_space<hbm>> -> memref<1x1x20480xi32, #tpu.memory_space<hbm>>
      %dma_start3A_70 = tpu.memref_squeeze %dma_start3A_69 : memref<1x1x20480xi32, #tpu.memory_space<hbm>> -> memref<20480xi32, #tpu.memory_space<hbm>>
      %dma_start3A_71 = arith.constant 0 : i32
      %dma_start3A_72 = tpu.memref_slice %arg9[%arg0, %arg1, %dma_start3A_71] : memref<2x16x20480xi32, #tpu.memory_space<hbm>> -> memref<1x1x20480xi32, #tpu.memory_space<hbm>>
      %dma_start3A_73 = tpu.memref_squeeze %dma_start3A_72 : memref<1x1x20480xi32, #tpu.memory_space<hbm>> -> memref<20480xi32, #tpu.memory_space<hbm>>
      %dma_start3A_74 = arith.constant 0 : i32
      %dma_start3A_75 = tpu.memref_slice %arg15[%dma_start3A_74] : memref<20496xi32, #tpu.memory_space<vmem>> -> memref<20480xi32, #tpu.memory_space<vmem>>
      tpu.enqueue_dma source(%dma_start3A_75 : memref<20480xi32, #tpu.memory_space<vmem>>) target(%dma_start3A_73 : memref<20480xi32, #tpu.memory_space<hbm>>) target_semaphore(%run_scoped3A : memref<!tpu.dma_semaphore, #tpu.memory_space<semaphore_mem>>)
      %dma_wait3A_76 = arith.constant 0 : i32
      %dma_wait3A_77 = tpu.memref_slice %arg15[%dma_wait3A_76] : memref<20496xi32, #tpu.memory_space<vmem>> -> memref<20480xi32, #tpu.memory_space<vmem>>
      %dma_wait3A_78 = arith.constant 0 : i32
      %dma_wait3A_79 = tpu.memref_slice %arg9[%arg0, %arg1, %dma_wait3A_78] : memref<2x16x20480xi32, #tpu.memory_space<hbm>> -> memref<1x1x20480xi32, #tpu.memory_space<hbm>>
      %dma_wait3A_80 = tpu.memref_squeeze %dma_wait3A_79 : memref<1x1x20480xi32, #tpu.memory_space<hbm>> -> memref<20480xi32, #tpu.memory_space<hbm>>
      %dma_wait3A_81 = arith.constant 0 : i32
      %dma_wait3A_82 = tpu.memref_slice %arg9[%arg0, %arg1, %dma_wait3A_81] : memref<2x16x20480xi32, #tpu.memory_space<hbm>> -> memref<1x1x20480xi32, #tpu.memory_space<hbm>>
      %dma_wait3A_83 = tpu.memref_squeeze %dma_wait3A_82 : memref<1x1x20480xi32, #tpu.memory_space<hbm>> -> memref<20480xi32, #tpu.memory_space<hbm>>
      %dma_wait3A_84 = arith.constant 0 : i32
      %dma_wait3A_85 = tpu.memref_slice %arg15[%dma_wait3A_84] : memref<20496xi32, #tpu.memory_space<vmem>> -> memref<20480xi32, #tpu.memory_space<vmem>>
      tpu.wait_dma2 semaphore(%run_scoped3A : memref<!tpu.dma_semaphore, #tpu.memory_space<semaphore_mem>>) src(%dma_wait3A_85 : memref<20480xi32, #tpu.memory_space<vmem>>) dst(%dma_wait3A_83 : memref<20480xi32, #tpu.memory_space<hbm>>)
      tpu.yield
    }) : () -> ()
    "tpu.region"() ({
      %run_scoped3A = tpu.sem_alloc : memref<!tpu.dma_semaphore, #tpu.memory_space<semaphore_mem>>
      %dma_start3A = arith.constant 0 : i32
      %dma_start3A_67 = tpu.memref_slice %arg10[%arg0, %arg1, %dma_start3A] : memref<2x16x16xi32, #tpu.memory_space<hbm>> -> memref<1x1x16xi32, #tpu.memory_space<hbm>>
      %dma_start3A_68 = tpu.memref_squeeze %dma_start3A_67 : memref<1x1x16xi32, #tpu.memory_space<hbm>> -> memref<16xi32, #tpu.memory_space<hbm>>
      %dma_start3A_69 = arith.constant 0 : i32
      %dma_start3A_70 = tpu.memref_slice %arg10[%arg0, %arg1, %dma_start3A_69] : memref<2x16x16xi32, #tpu.memory_space<hbm>> -> memref<1x1x16xi32, #tpu.memory_space<hbm>>
      %dma_start3A_71 = tpu.memref_squeeze %dma_start3A_70 : memref<1x1x16xi32, #tpu.memory_space<hbm>> -> memref<16xi32, #tpu.memory_space<hbm>>
      tpu.enqueue_dma source(%arg16 : memref<16xi32, #tpu.memory_space<vmem>>) target(%dma_start3A_71 : memref<16xi32, #tpu.memory_space<hbm>>) target_semaphore(%run_scoped3A : memref<!tpu.dma_semaphore, #tpu.memory_space<semaphore_mem>>)
      %dma_wait3A_72 = arith.constant 0 : i32
      %dma_wait3A_73 = tpu.memref_slice %arg10[%arg0, %arg1, %dma_wait3A_72] : memref<2x16x16xi32, #tpu.memory_space<hbm>> -> memref<1x1x16xi32, #tpu.memory_space<hbm>>
      %dma_wait3A_74 = tpu.memref_squeeze %dma_wait3A_73 : memref<1x1x16xi32, #tpu.memory_space<hbm>> -> memref<16xi32, #tpu.memory_space<hbm>>
      %dma_wait3A_75 = arith.constant 0 : i32
      %dma_wait3A_76 = tpu.memref_slice %arg10[%arg0, %arg1, %dma_wait3A_75] : memref<2x16x16xi32, #tpu.memory_space<hbm>> -> memref<1x1x16xi32, #tpu.memory_space<hbm>>
      %dma_wait3A_77 = tpu.memref_squeeze %dma_wait3A_76 : memref<1x1x16xi32, #tpu.memory_space<hbm>> -> memref<16xi32, #tpu.memory_space<hbm>>
      tpu.wait_dma2 semaphore(%run_scoped3A : memref<!tpu.dma_semaphore, #tpu.memory_space<semaphore_mem>>) src(%arg16 : memref<16xi32, #tpu.memory_space<vmem>>) dst(%dma_wait3A_77 : memref<16xi32, #tpu.memory_space<hbm>>)
      tpu.yield
    }) : () -> ()
    %barrier3A = arith.constant 0 : index
    tpu.barrier barrier_id(%barrier3A)
    %scan3A_51 = arith.constant 0 : i32
    %scan3A_52 = arith.constant 0 : i32
    %scan3A_53 = arith.constant 20 : i32
    %scan3A_54 = arith.addi %scan3A_52, %scan3A_53 : i32
    %scan3A_55 = arith.constant 1 : i32
    scf.for %scan3A_67 = %scan3A_52 to %scan3A_54 step %scan3A_55  : i32 {
      %mul3A_68 = arith.constant 2 : i32
      %mul3A_69 = arith.muli %scan3A_67, %mul3A_68 : i32
      %add3A_70 = arith.constant 0 : i32
      %add3A_71 = arith.addi %mul3A_69, %add3A_70 : i32
      %ge3A = arith.constant 1 : i32
      %ge3A_72 = arith.cmpi sge, %scan3A_67, %ge3A : i32
      %convert_element_type3A = arith.extui %ge3A_72 : i1 to i32
      %cond3A = arith.constant 0 : i32
      %cond3A_73 = arith.cmpi ne, %convert_element_type3A, %cond3A : i32
      scf.if %cond3A_73 {
        %dma_wait3A_94 = arith.constant 0 : i32
        %dma_wait3A_95 = tpu.memref_slice %arg15[%dma_wait3A_94] : memref<20496xi32, #tpu.memory_space<vmem>> -> memref<512xi32, #tpu.memory_space<vmem>>
        %dma_wait3A_96 = arith.constant 0 : i32
        %dma_wait3A_97 = arith.constant 0 : i32
        %dma_wait3A_98 = tpu.memref_slice %arg18[%dma_wait3A_96, %dma_wait3A_97] : memref<5120x16xf32, #tpu.memory_space<vmem_shared>> -> memref<5120x16xf32, #tpu.memory_space<vmem_shared>>
        tpu.wait_indirect_dma semaphore(%arg19 : memref<!tpu.dma_semaphore, #tpu.memory_space<semaphore_mem>>) src(%arg17 : memref<512x16xf32, #tpu.memory_space<vmem>>) dst(%dma_wait3A_98 : memref<5120x16xf32, #tpu.memory_space<vmem_shared>>)
      } else {
      }
      %mul3A_74 = arith.constant 512 : i32
      %mul3A_75 = arith.muli %add3A_71, %mul3A_74 : i32
      %dma_start3A = tpu.memref_slice %arg15[%mul3A_75] : memref<20496xi32, #tpu.memory_space<vmem>> -> memref<512xi32, #tpu.memory_space<vmem>>
      %dma_start3A_76 = arith.constant 0 : i32
      %dma_start3A_77 = arith.constant 0 : i32
      %dma_start3A_78 = tpu.memref_slice %arg18[%dma_start3A_76, %dma_start3A_77] : memref<5120x16xf32, #tpu.memory_space<vmem_shared>> -> memref<5120x16xf32, #tpu.memory_space<vmem_shared>>
      tpu.enqueue_indirect_dma source(%arg17 : memref<512x16xf32, #tpu.memory_space<vmem>>) target(%dma_start3A_78 : memref<5120x16xf32, #tpu.memory_space<vmem_shared>>) offsets(%dma_start3A : memref<512xi32, #tpu.memory_space<vmem>>) semaphore(%arg19 : memref<!tpu.dma_semaphore, #tpu.memory_space<semaphore_mem>>) {add = true}
      %mul3A_79 = arith.constant 2 : i32
      %mul3A_80 = arith.muli %scan3A_67, %mul3A_79 : i32
      %add3A_81 = arith.constant 1 : i32
      %add3A_82 = arith.addi %mul3A_80, %add3A_81 : i32
      %ge3A_83 = arith.constant 1 : i32
      %ge3A_84 = arith.cmpi sge, %scan3A_67, %ge3A_83 : i32
      %convert_element_type3A_85 = arith.extui %ge3A_84 : i1 to i32
      %cond3A_86 = arith.constant 0 : i32
      %cond3A_87 = arith.cmpi ne, %convert_element_type3A_85, %cond3A_86 : i32
      scf.if %cond3A_87 {
        %dma_wait3A_94 = arith.constant 512 : i32
        %dma_wait3A_95 = tpu.memref_slice %arg15[%dma_wait3A_94] : memref<20496xi32, #tpu.memory_space<vmem>> -> memref<512xi32, #tpu.memory_space<vmem>>
        %dma_wait3A_96 = arith.constant 0 : i32
        %dma_wait3A_97 = arith.constant 0 : i32
        %dma_wait3A_98 = tpu.memref_slice %arg18[%dma_wait3A_96, %dma_wait3A_97] : memref<5120x16xf32, #tpu.memory_space<vmem_shared>> -> memref<5120x16xf32, #tpu.memory_space<vmem_shared>>
        tpu.wait_indirect_dma semaphore(%arg20 : memref<!tpu.dma_semaphore, #tpu.memory_space<semaphore_mem>>) src(%arg17 : memref<512x16xf32, #tpu.memory_space<vmem>>) dst(%dma_wait3A_98 : memref<5120x16xf32, #tpu.memory_space<vmem_shared>>)
      } else {
      }
      %mul3A_88 = arith.constant 512 : i32
      %mul3A_89 = arith.muli %add3A_82, %mul3A_88 : i32
      %dma_start3A_90 = tpu.memref_slice %arg15[%mul3A_89] : memref<20496xi32, #tpu.memory_space<vmem>> -> memref<512xi32, #tpu.memory_space<vmem>>
      %dma_start3A_91 = arith.constant 0 : i32
      %dma_start3A_92 = arith.constant 0 : i32
      %dma_start3A_93 = tpu.memref_slice %arg18[%dma_start3A_91, %dma_start3A_92] : memref<5120x16xf32, #tpu.memory_space<vmem_shared>> -> memref<5120x16xf32, #tpu.memory_space<vmem_shared>>
      tpu.enqueue_indirect_dma source(%arg17 : memref<512x16xf32, #tpu.memory_space<vmem>>) target(%dma_start3A_93 : memref<5120x16xf32, #tpu.memory_space<vmem_shared>>) offsets(%dma_start3A_90 : memref<512xi32, #tpu.memory_space<vmem>>) semaphore(%arg20 : memref<!tpu.dma_semaphore, #tpu.memory_space<semaphore_mem>>) {add = true}
    }
    %scan3A_56 = arith.constant 20 : i32
    %dma_wait3A = arith.constant 0 : i32
    %dma_wait3A_57 = tpu.memref_slice %arg15[%dma_wait3A] : memref<20496xi32, #tpu.memory_space<vmem>> -> memref<512xi32, #tpu.memory_space<vmem>>
    %dma_wait3A_58 = arith.constant 0 : i32
    %dma_wait3A_59 = arith.constant 0 : i32
    %dma_wait3A_60 = tpu.memref_slice %arg18[%dma_wait3A_58, %dma_wait3A_59] : memref<5120x16xf32, #tpu.memory_space<vmem_shared>> -> memref<5120x16xf32, #tpu.memory_space<vmem_shared>>
    tpu.wait_indirect_dma semaphore(%arg19 : memref<!tpu.dma_semaphore, #tpu.memory_space<semaphore_mem>>) src(%arg17 : memref<512x16xf32, #tpu.memory_space<vmem>>) dst(%dma_wait3A_60 : memref<5120x16xf32, #tpu.memory_space<vmem_shared>>)
    %dma_wait3A_61 = arith.constant 512 : i32
    %dma_wait3A_62 = tpu.memref_slice %arg15[%dma_wait3A_61] : memref<20496xi32, #tpu.memory_space<vmem>> -> memref<512xi32, #tpu.memory_space<vmem>>
    %dma_wait3A_63 = arith.constant 0 : i32
    %dma_wait3A_64 = arith.constant 0 : i32
    %dma_wait3A_65 = tpu.memref_slice %arg18[%dma_wait3A_63, %dma_wait3A_64] : memref<5120x16xf32, #tpu.memory_space<vmem_shared>> -> memref<5120x16xf32, #tpu.memory_space<vmem_shared>>
    tpu.wait_indirect_dma semaphore(%arg20 : memref<!tpu.dma_semaphore, #tpu.memory_space<semaphore_mem>>) src(%arg17 : memref<512x16xf32, #tpu.memory_space<vmem>>) dst(%dma_wait3A_65 : memref<5120x16xf32, #tpu.memory_space<vmem_shared>>)
    %barrier3A_66 = arith.constant 0 : index
    tpu.barrier barrier_id(%barrier3A_66)
    "tpu.region"() ({
      %run_scoped3A = tpu.sem_alloc : memref<!tpu.dma_semaphore, #tpu.memory_space<semaphore_mem>>
      %dma_start3A = arith.constant 0 : i32
      %dma_start3A_67 = tpu.memref_slice %arg11[%arg0, %mul3A_2, %dma_start3A] : memref<2x5120x16xf32, #tpu.memory_space<hbm>> -> memref<1x320x16xf32, #tpu.memory_space<hbm>>
      %dma_start3A_68 = tpu.memref_squeeze %dma_start3A_67 : memref<1x320x16xf32, #tpu.memory_space<hbm>> -> memref<320x16xf32, #tpu.memory_space<hbm>>
      %dma_start3A_69 = arith.constant 0 : i32
      %dma_start3A_70 = tpu.memref_slice %arg18[%mul3A_2, %dma_start3A_69] : memref<5120x16xf32, #tpu.memory_space<vmem_shared>> -> memref<320x16xf32, #tpu.memory_space<vmem_shared>>
      tpu.enqueue_dma source(%dma_start3A_70 : memref<320x16xf32, #tpu.memory_space<vmem_shared>>) target(%dma_start3A_68 : memref<320x16xf32, #tpu.memory_space<hbm>>) target_semaphore(%run_scoped3A : memref<!tpu.dma_semaphore, #tpu.memory_space<semaphore_mem>>)
      %dma_wait3A_71 = arith.constant 0 : i32
      %dma_wait3A_72 = tpu.memref_slice %arg11[%arg0, %mul3A_2, %dma_wait3A_71] : memref<2x5120x16xf32, #tpu.memory_space<hbm>> -> memref<1x320x16xf32, #tpu.memory_space<hbm>>
      %dma_wait3A_73 = tpu.memref_squeeze %dma_wait3A_72 : memref<1x320x16xf32, #tpu.memory_space<hbm>> -> memref<320x16xf32, #tpu.memory_space<hbm>>
      %dma_wait3A_74 = arith.constant 0 : i32
      %dma_wait3A_75 = tpu.memref_slice %arg18[%mul3A_2, %dma_wait3A_74] : memref<5120x16xf32, #tpu.memory_space<vmem_shared>> -> memref<320x16xf32, #tpu.memory_space<vmem_shared>>
      tpu.wait_dma2 semaphore(%run_scoped3A : memref<!tpu.dma_semaphore, #tpu.memory_space<semaphore_mem>>) src(%dma_wait3A_75 : memref<320x16xf32, #tpu.memory_space<vmem_shared>>) dst(%dma_wait3A_73 : memref<320x16xf32, #tpu.memory_space<hbm>>)
      tpu.yield
    }) : () -> ()
    return
  }
}

#map = affine_map<(d0, d1) -> (0, 0)>
#map1 = affine_map<(d0, d1) -> (0, 0, 0)>
module attributes {stable_mosaic.version = 14 : i64} {
  func.func @_sc_agg_body(%arg0: i32, %arg1: i32, %arg2: memref<10000x64xf32, #tpu.memory_space<hbm>>, %arg3: memref<2x16x20480xi32, #tpu.memory_space<hbm>>, %arg4: memref<2x16x20480xi32, #tpu.memory_space<hbm>>, %arg5: memref<2x16x16xi32, #tpu.memory_space<hbm>>, %arg6: memref<5120x64xf32, #tpu.memory_space<hbm>>, %arg7: memref<2x5120x64xf32, #tpu.memory_space<hbm>>, %arg8: memref<2x512xi32, #tpu.memory_space<vmem>>, %arg9: memref<2x512xi32, #tpu.memory_space<vmem>>, %arg10: memref<2x512x64xf32, #tpu.memory_space<vmem>>, %arg11: memref<16xi32, #tpu.memory_space<vmem>>, %arg12: memref<10000x64xf32, #tpu.memory_space<vmem_shared>>, %arg13: memref<5120x64xf32, #tpu.memory_space<vmem_shared>>, %arg14: memref<!tpu.dma_semaphore, #tpu.memory_space<semaphore_mem>>, %arg15: memref<!tpu.dma_semaphore, #tpu.memory_space<semaphore_mem>>, %arg16: memref<!tpu.dma_semaphore, #tpu.memory_space<semaphore_mem>>) attributes {dimension_semantics = [#tpu.dimension_semantics<core_parallel>, #tpu.dimension_semantics<subcore_parallel>], iteration_bounds = array<i64: 2, 16>, scalar_prefetch = 0 : i64, scratch_operands = 9 : i64, tpu.core_type = #tpu.core_type<sc_vector_subcore>, window_params = [{transform_indices = #map}, {transform_indices = #map1}, {transform_indices = #map1}, {transform_indices = #map1}, {transform_indices = #map}, {transform_indices = #map1}]} {
    %mul3A = arith.constant 320 : i32
    %mul3A_0 = arith.muli %arg1, %mul3A : i32
    "tpu.region"() ({
      %run_scoped3A = tpu.sem_alloc : memref<!tpu.dma_semaphore, #tpu.memory_space<semaphore_mem>>
      %dma_start3A = arith.constant 0 : i32
      %dma_start3A_36 = tpu.memref_slice %arg13[%mul3A_0, %dma_start3A] : memref<5120x64xf32, #tpu.memory_space<vmem_shared>> -> memref<320x64xf32, #tpu.memory_space<vmem_shared>>
      %dma_start3A_37 = arith.constant 0 : i32
      %dma_start3A_38 = tpu.memref_slice %arg6[%mul3A_0, %dma_start3A_37] : memref<5120x64xf32, #tpu.memory_space<hbm>> -> memref<320x64xf32, #tpu.memory_space<hbm>>
      tpu.enqueue_dma source(%dma_start3A_38 : memref<320x64xf32, #tpu.memory_space<hbm>>) target(%dma_start3A_36 : memref<320x64xf32, #tpu.memory_space<vmem_shared>>) target_semaphore(%run_scoped3A : memref<!tpu.dma_semaphore, #tpu.memory_space<semaphore_mem>>)
      %dma_wait3A_39 = arith.constant 0 : i32
      %dma_wait3A_40 = tpu.memref_slice %arg13[%mul3A_0, %dma_wait3A_39] : memref<5120x64xf32, #tpu.memory_space<vmem_shared>> -> memref<320x64xf32, #tpu.memory_space<vmem_shared>>
      %dma_wait3A_41 = arith.constant 0 : i32
      %dma_wait3A_42 = tpu.memref_slice %arg6[%mul3A_0, %dma_wait3A_41] : memref<5120x64xf32, #tpu.memory_space<hbm>> -> memref<320x64xf32, #tpu.memory_space<hbm>>
      tpu.wait_dma2 semaphore(%run_scoped3A : memref<!tpu.dma_semaphore, #tpu.memory_space<semaphore_mem>>) src(%dma_wait3A_42 : memref<320x64xf32, #tpu.memory_space<hbm>>) dst(%dma_wait3A_40 : memref<320x64xf32, #tpu.memory_space<vmem_shared>>)
      tpu.yield
    }) : () -> ()
    %mul3A_1 = arith.constant 625 : i32
    %mul3A_2 = arith.muli %arg1, %mul3A_1 : i32
    %mul3A_3 = arith.constant 625 : i32
    %mul3A_4 = arith.muli %arg1, %mul3A_3 : i32
    "tpu.region"() ({
      %run_scoped3A = tpu.sem_alloc : memref<!tpu.dma_semaphore, #tpu.memory_space<semaphore_mem>>
      %dma_start3A = arith.constant 0 : i32
      %dma_start3A_36 = tpu.memref_slice %arg12[%mul3A_4, %dma_start3A] : memref<10000x64xf32, #tpu.memory_space<vmem_shared>> -> memref<625x64xf32, #tpu.memory_space<vmem_shared>>
      %dma_start3A_37 = arith.constant 0 : i32
      %dma_start3A_38 = tpu.memref_slice %arg2[%mul3A_2, %dma_start3A_37] : memref<10000x64xf32, #tpu.memory_space<hbm>> -> memref<625x64xf32, #tpu.memory_space<hbm>>
      tpu.enqueue_dma source(%dma_start3A_38 : memref<625x64xf32, #tpu.memory_space<hbm>>) target(%dma_start3A_36 : memref<625x64xf32, #tpu.memory_space<vmem_shared>>) target_semaphore(%run_scoped3A : memref<!tpu.dma_semaphore, #tpu.memory_space<semaphore_mem>>)
      %dma_wait3A_39 = arith.constant 0 : i32
      %dma_wait3A_40 = tpu.memref_slice %arg12[%mul3A_4, %dma_wait3A_39] : memref<10000x64xf32, #tpu.memory_space<vmem_shared>> -> memref<625x64xf32, #tpu.memory_space<vmem_shared>>
      %dma_wait3A_41 = arith.constant 0 : i32
      %dma_wait3A_42 = tpu.memref_slice %arg2[%mul3A_2, %dma_wait3A_41] : memref<10000x64xf32, #tpu.memory_space<hbm>> -> memref<625x64xf32, #tpu.memory_space<hbm>>
      tpu.wait_dma2 semaphore(%run_scoped3A : memref<!tpu.dma_semaphore, #tpu.memory_space<semaphore_mem>>) src(%dma_wait3A_42 : memref<625x64xf32, #tpu.memory_space<hbm>>) dst(%dma_wait3A_40 : memref<625x64xf32, #tpu.memory_space<vmem_shared>>)
      tpu.yield
    }) : () -> ()
    "tpu.region"() ({
      %run_scoped3A = tpu.sem_alloc : memref<!tpu.dma_semaphore, #tpu.memory_space<semaphore_mem>>
      %dma_start3A = arith.constant 0 : i32
      %dma_start3A_36 = tpu.memref_slice %arg5[%arg0, %arg1, %dma_start3A] : memref<2x16x16xi32, #tpu.memory_space<hbm>> -> memref<1x1x16xi32, #tpu.memory_space<hbm>>
      %dma_start3A_37 = tpu.memref_squeeze %dma_start3A_36 : memref<1x1x16xi32, #tpu.memory_space<hbm>> -> memref<16xi32, #tpu.memory_space<hbm>>
      %dma_start3A_38 = arith.constant 0 : i32
      %dma_start3A_39 = tpu.memref_slice %arg5[%arg0, %arg1, %dma_start3A_38] : memref<2x16x16xi32, #tpu.memory_space<hbm>> -> memref<1x1x16xi32, #tpu.memory_space<hbm>>
      %dma_start3A_40 = tpu.memref_squeeze %dma_start3A_39 : memref<1x1x16xi32, #tpu.memory_space<hbm>> -> memref<16xi32, #tpu.memory_space<hbm>>
      tpu.enqueue_dma source(%dma_start3A_40 : memref<16xi32, #tpu.memory_space<hbm>>) target(%arg11 : memref<16xi32, #tpu.memory_space<vmem>>) target_semaphore(%run_scoped3A : memref<!tpu.dma_semaphore, #tpu.memory_space<semaphore_mem>>)
      %dma_wait3A_41 = arith.constant 0 : i32
      %dma_wait3A_42 = tpu.memref_slice %arg5[%arg0, %arg1, %dma_wait3A_41] : memref<2x16x16xi32, #tpu.memory_space<hbm>> -> memref<1x1x16xi32, #tpu.memory_space<hbm>>
      %dma_wait3A_43 = tpu.memref_squeeze %dma_wait3A_42 : memref<1x1x16xi32, #tpu.memory_space<hbm>> -> memref<16xi32, #tpu.memory_space<hbm>>
      %dma_wait3A_44 = arith.constant 0 : i32
      %dma_wait3A_45 = tpu.memref_slice %arg5[%arg0, %arg1, %dma_wait3A_44] : memref<2x16x16xi32, #tpu.memory_space<hbm>> -> memref<1x1x16xi32, #tpu.memory_space<hbm>>
      %dma_wait3A_46 = tpu.memref_squeeze %dma_wait3A_45 : memref<1x1x16xi32, #tpu.memory_space<hbm>> -> memref<16xi32, #tpu.memory_space<hbm>>
      tpu.wait_dma2 semaphore(%run_scoped3A : memref<!tpu.dma_semaphore, #tpu.memory_space<semaphore_mem>>) src(%dma_wait3A_46 : memref<16xi32, #tpu.memory_space<hbm>>) dst(%arg11 : memref<16xi32, #tpu.memory_space<vmem>>)
      tpu.yield
    }) : () -> ()
    %barrier3A = arith.constant 0 : index
    tpu.barrier barrier_id(%barrier3A)
    %get3A = arith.constant 0 : index
    %get3A_5 = tpu.vector_load %arg11[%get3A] {strides = array<i32>} : memref<16xi32, #tpu.memory_space<vmem>>, vector<16xi32>,
    %get3A_6 = vector.shape_cast %get3A_5 : vector<16xi32> to vector<16xi32>
    %slice3A = vector.extract_strided_slice %get3A_6 {offsets = [0], sizes = [1], strides = [1]} : vector<16xi32> to vector<1xi32>
    %squeeze3A = vector.extract %slice3A[0] : i32 from vector<1xi32>
    %scan3A = arith.constant 0 : i32
    %scan3A_7 = arith.constant 0 : i32
    %scan3A_8 = arith.constant 20 : i32
    %scan3A_9 = arith.addi %scan3A_7, %scan3A_8 : i32
    %scan3A_10 = arith.constant 1 : i32
    scf.for %scan3A_36 = %scan3A_7 to %scan3A_9 step %scan3A_10  : i32 {
      %lt3A = arith.cmpi slt, %scan3A_36, %squeeze3A : i32
      %convert_element_type3A = arith.extui %lt3A : i1 to i32
      %cond3A = arith.constant 0 : i32
      %cond3A_37 = arith.cmpi ne, %convert_element_type3A, %cond3A : i32
      scf.if %cond3A_37 {
        %mul3A_38 = arith.constant 2 : i32
        %mul3A_39 = arith.muli %scan3A_36, %mul3A_38 : i32
        %add3A = arith.constant 0 : i32
        %add3A_40 = arith.addi %mul3A_39, %add3A : i32
        %ge3A = arith.constant 1 : i32
        %ge3A_41 = arith.cmpi sge, %scan3A_36, %ge3A : i32
        %convert_element_type3A_42 = arith.extui %ge3A_41 : i1 to i32
        %cond3A_43 = arith.constant 0 : i32
        %cond3A_44 = arith.cmpi ne, %convert_element_type3A_42, %cond3A_43 : i32
        scf.if %cond3A_44 {
          %dma_wait3A_136 = arith.constant 0 : i32
          %dma_wait3A_137 = arith.constant 0 : i32
          %dma_wait3A_138 = arith.constant 0 : i32
          %dma_wait3A_139 = arith.constant 0 : i32
          %dma_wait3A_140 = tpu.memref_slice %arg10[%dma_wait3A_136, %dma_wait3A_138, %dma_wait3A_139] : memref<2x512x64xf32, #tpu.memory_space<vmem>> -> memref<1x512x64xf32, #tpu.memory_space<vmem>>
          %dma_wait3A_141 = tpu.memref_squeeze %dma_wait3A_140 : memref<1x512x64xf32, #tpu.memory_space<vmem>> -> memref<512x64xf32, #tpu.memory_space<vmem>>
          %dma_wait3A_142 = arith.constant 0 : i32
          %dma_wait3A_143 = tpu.memref_slice %arg9[%dma_wait3A_137, %dma_wait3A_142] : memref<2x512xi32, #tpu.memory_space<vmem>> -> memref<1x512xi32, #tpu.memory_space<vmem>>
          %dma_wait3A_144 = tpu.memref_squeeze %dma_wait3A_143 : memref<1x512xi32, #tpu.memory_space<vmem>> -> memref<512xi32, #tpu.memory_space<vmem>>
          %dma_wait3A_145 = arith.constant 0 : i32
          %dma_wait3A_146 = arith.constant 0 : i32
          %dma_wait3A_147 = tpu.memref_slice %arg13[%dma_wait3A_145, %dma_wait3A_146] : memref<5120x64xf32, #tpu.memory_space<vmem_shared>> -> memref<5120x64xf32, #tpu.memory_space<vmem_shared>>
          tpu.wait_indirect_dma semaphore(%arg15 : memref<!tpu.dma_semaphore, #tpu.memory_space<semaphore_mem>>) src(%dma_wait3A_141 : memref<512x64xf32, #tpu.memory_space<vmem>>) dst(%dma_wait3A_147 : memref<5120x64xf32, #tpu.memory_space<vmem_shared>>)
        } else {
        }
        %mul3A_45 = arith.constant 512 : i32
        %mul3A_46 = arith.muli %add3A_40, %mul3A_45 : i32
        %run_scoped3A = arith.constant 0 : i32
        "tpu.region"() ({
          %run_scoped3A_136 = tpu.sem_alloc : memref<!tpu.dma_semaphore, #tpu.memory_space<semaphore_mem>>
          %dma_start3A_137 = arith.constant 0 : i32
          %dma_start3A_138 = tpu.memref_slice %arg8[%run_scoped3A, %dma_start3A_137] : memref<2x512xi32, #tpu.memory_space<vmem>> -> memref<1x512xi32, #tpu.memory_space<vmem>>
          %dma_start3A_139 = tpu.memref_squeeze %dma_start3A_138 : memref<1x512xi32, #tpu.memory_space<vmem>> -> memref<512xi32, #tpu.memory_space<vmem>>
          %dma_start3A_140 = tpu.memref_slice %arg3[%arg0, %arg1, %mul3A_46] : memref<2x16x20480xi32, #tpu.memory_space<hbm>> -> memref<1x1x512xi32, #tpu.memory_space<hbm>>
          %dma_start3A_141 = tpu.memref_squeeze %dma_start3A_140 : memref<1x1x512xi32, #tpu.memory_space<hbm>> -> memref<512xi32, #tpu.memory_space<hbm>>
          %dma_start3A_142 = arith.constant 0 : i32
          %dma_start3A_143 = tpu.memref_slice %arg8[%run_scoped3A, %dma_start3A_142] : memref<2x512xi32, #tpu.memory_space<vmem>> -> memref<1x512xi32, #tpu.memory_space<vmem>>
          %dma_start3A_144 = tpu.memref_squeeze %dma_start3A_143 : memref<1x512xi32, #tpu.memory_space<vmem>> -> memref<512xi32, #tpu.memory_space<vmem>>
          %dma_start3A_145 = tpu.memref_slice %arg3[%arg0, %arg1, %mul3A_46] : memref<2x16x20480xi32, #tpu.memory_space<hbm>> -> memref<1x1x512xi32, #tpu.memory_space<hbm>>
          %dma_start3A_146 = tpu.memref_squeeze %dma_start3A_145 : memref<1x1x512xi32, #tpu.memory_space<hbm>> -> memref<512xi32, #tpu.memory_space<hbm>>
          tpu.enqueue_dma source(%dma_start3A_146 : memref<512xi32, #tpu.memory_space<hbm>>) target(%dma_start3A_144 : memref<512xi32, #tpu.memory_space<vmem>>) target_semaphore(%run_scoped3A_136 : memref<!tpu.dma_semaphore, #tpu.memory_space<semaphore_mem>>)
          %dma_wait3A_147 = arith.constant 0 : i32
          %dma_wait3A_148 = tpu.memref_slice %arg8[%run_scoped3A, %dma_wait3A_147] : memref<2x512xi32, #tpu.memory_space<vmem>> -> memref<1x512xi32, #tpu.memory_space<vmem>>
          %dma_wait3A_149 = tpu.memref_squeeze %dma_wait3A_148 : memref<1x512xi32, #tpu.memory_space<vmem>> -> memref<512xi32, #tpu.memory_space<vmem>>
          %dma_wait3A_150 = tpu.memref_slice %arg3[%arg0, %arg1, %mul3A_46] : memref<2x16x20480xi32, #tpu.memory_space<hbm>> -> memref<1x1x512xi32, #tpu.memory_space<hbm>>
          %dma_wait3A_151 = tpu.memref_squeeze %dma_wait3A_150 : memref<1x1x512xi32, #tpu.memory_space<hbm>> -> memref<512xi32, #tpu.memory_space<hbm>>
          %dma_wait3A_152 = arith.constant 0 : i32
          %dma_wait3A_153 = tpu.memref_slice %arg8[%run_scoped3A, %dma_wait3A_152] : memref<2x512xi32, #tpu.memory_space<vmem>> -> memref<1x512xi32, #tpu.memory_space<vmem>>
          %dma_wait3A_154 = tpu.memref_squeeze %dma_wait3A_153 : memref<1x512xi32, #tpu.memory_space<vmem>> -> memref<512xi32, #tpu.memory_space<vmem>>
          %dma_wait3A_155 = tpu.memref_slice %arg3[%arg0, %arg1, %mul3A_46] : memref<2x16x20480xi32, #tpu.memory_space<hbm>> -> memref<1x1x512xi32, #tpu.memory_space<hbm>>
          %dma_wait3A_156 = tpu.memref_squeeze %dma_wait3A_155 : memref<1x1x512xi32, #tpu.memory_space<hbm>> -> memref<512xi32, #tpu.memory_space<hbm>>
          tpu.wait_dma2 semaphore(%run_scoped3A_136 : memref<!tpu.dma_semaphore, #tpu.memory_space<semaphore_mem>>) src(%dma_wait3A_156 : memref<512xi32, #tpu.memory_space<hbm>>) dst(%dma_wait3A_154 : memref<512xi32, #tpu.memory_space<vmem>>)
          tpu.yield
        }) : () -> ()
        %mul3A_47 = arith.constant 512 : i32
        %mul3A_48 = arith.muli %add3A_40, %mul3A_47 : i32
        %run_scoped3A_49 = arith.constant 0 : i32
        "tpu.region"() ({
          %run_scoped3A_136 = tpu.sem_alloc : memref<!tpu.dma_semaphore, #tpu.memory_space<semaphore_mem>>
          %dma_start3A_137 = arith.constant 0 : i32
          %dma_start3A_138 = tpu.memref_slice %arg9[%run_scoped3A_49, %dma_start3A_137] : memref<2x512xi32, #tpu.memory_space<vmem>> -> memref<1x512xi32, #tpu.memory_space<vmem>>
          %dma_start3A_139 = tpu.memref_squeeze %dma_start3A_138 : memref<1x512xi32, #tpu.memory_space<vmem>> -> memref<512xi32, #tpu.memory_space<vmem>>
          %dma_start3A_140 = tpu.memref_slice %arg4[%arg0, %arg1, %mul3A_48] : memref<2x16x20480xi32, #tpu.memory_space<hbm>> -> memref<1x1x512xi32, #tpu.memory_space<hbm>>
          %dma_start3A_141 = tpu.memref_squeeze %dma_start3A_140 : memref<1x1x512xi32, #tpu.memory_space<hbm>> -> memref<512xi32, #tpu.memory_space<hbm>>
          %dma_start3A_142 = arith.constant 0 : i32
          %dma_start3A_143 = tpu.memref_slice %arg9[%run_scoped3A_49, %dma_start3A_142] : memref<2x512xi32, #tpu.memory_space<vmem>> -> memref<1x512xi32, #tpu.memory_space<vmem>>
          %dma_start3A_144 = tpu.memref_squeeze %dma_start3A_143 : memref<1x512xi32, #tpu.memory_space<vmem>> -> memref<512xi32, #tpu.memory_space<vmem>>
          %dma_start3A_145 = tpu.memref_slice %arg4[%arg0, %arg1, %mul3A_48] : memref<2x16x20480xi32, #tpu.memory_space<hbm>> -> memref<1x1x512xi32, #tpu.memory_space<hbm>>
          %dma_start3A_146 = tpu.memref_squeeze %dma_start3A_145 : memref<1x1x512xi32, #tpu.memory_space<hbm>> -> memref<512xi32, #tpu.memory_space<hbm>>
          tpu.enqueue_dma source(%dma_start3A_146 : memref<512xi32, #tpu.memory_space<hbm>>) target(%dma_start3A_144 : memref<512xi32, #tpu.memory_space<vmem>>) target_semaphore(%run_scoped3A_136 : memref<!tpu.dma_semaphore, #tpu.memory_space<semaphore_mem>>)
          %dma_wait3A_147 = arith.constant 0 : i32
          %dma_wait3A_148 = tpu.memref_slice %arg9[%run_scoped3A_49, %dma_wait3A_147] : memref<2x512xi32, #tpu.memory_space<vmem>> -> memref<1x512xi32, #tpu.memory_space<vmem>>
          %dma_wait3A_149 = tpu.memref_squeeze %dma_wait3A_148 : memref<1x512xi32, #tpu.memory_space<vmem>> -> memref<512xi32, #tpu.memory_space<vmem>>
          %dma_wait3A_150 = tpu.memref_slice %arg4[%arg0, %arg1, %mul3A_48] : memref<2x16x20480xi32, #tpu.memory_space<hbm>> -> memref<1x1x512xi32, #tpu.memory_space<hbm>>
          %dma_wait3A_151 = tpu.memref_squeeze %dma_wait3A_150 : memref<1x1x512xi32, #tpu.memory_space<hbm>> -> memref<512xi32, #tpu.memory_space<hbm>>
          %dma_wait3A_152 = arith.constant 0 : i32
          %dma_wait3A_153 = tpu.memref_slice %arg9[%run_scoped3A_49, %dma_wait3A_152] : memref<2x512xi32, #tpu.memory_space<vmem>> -> memref<1x512xi32, #tpu.memory_space<vmem>>
          %dma_wait3A_154 = tpu.memref_squeeze %dma_wait3A_153 : memref<1x512xi32, #tpu.memory_space<vmem>> -> memref<512xi32, #tpu.memory_space<vmem>>
          %dma_wait3A_155 = tpu.memref_slice %arg4[%arg0, %arg1, %mul3A_48] : memref<2x16x20480xi32, #tpu.memory_space<hbm>> -> memref<1x1x512xi32, #tpu.memory_space<hbm>>
          %dma_wait3A_156 = tpu.memref_squeeze %dma_wait3A_155 : memref<1x1x512xi32, #tpu.memory_space<hbm>> -> memref<512xi32, #tpu.memory_space<hbm>>
          tpu.wait_dma2 semaphore(%run_scoped3A_136 : memref<!tpu.dma_semaphore, #tpu.memory_space<semaphore_mem>>) src(%dma_wait3A_156 : memref<512xi32, #tpu.memory_space<hbm>>) dst(%dma_wait3A_154 : memref<512xi32, #tpu.memory_space<vmem>>)
          tpu.yield
        }) : () -> ()
        %dma_start3A = arith.constant 0 : i32
        %dma_start3A_50 = arith.constant 0 : i32
        %dma_start3A_51 = arith.constant 0 : i32
        %dma_start3A_52 = arith.constant 0 : i32
        %dma_start3A_53 = tpu.memref_slice %arg10[%dma_start3A_50, %dma_start3A_51, %dma_start3A_52] : memref<2x512x64xf32, #tpu.memory_space<vmem>> -> memref<1x512x64xf32, #tpu.memory_space<vmem>>
        %dma_start3A_54 = tpu.memref_squeeze %dma_start3A_53 : memref<1x512x64xf32, #tpu.memory_space<vmem>> -> memref<512x64xf32, #tpu.memory_space<vmem>>
        %dma_start3A_55 = arith.constant 0 : i32
        %dma_start3A_56 = tpu.memref_slice %arg8[%dma_start3A, %dma_start3A_55] : memref<2x512xi32, #tpu.memory_space<vmem>> -> memref<1x512xi32, #tpu.memory_space<vmem>>
        %dma_start3A_57 = tpu.memref_squeeze %dma_start3A_56 : memref<1x512xi32, #tpu.memory_space<vmem>> -> memref<512xi32, #tpu.memory_space<vmem>>
        %dma_start3A_58 = arith.constant 0 : i32
        %dma_start3A_59 = arith.constant 0 : i32
        %dma_start3A_60 = tpu.memref_slice %arg12[%dma_start3A_58, %dma_start3A_59] : memref<10000x64xf32, #tpu.memory_space<vmem_shared>> -> memref<10000x64xf32, #tpu.memory_space<vmem_shared>>
        tpu.enqueue_indirect_dma source(%dma_start3A_60 : memref<10000x64xf32, #tpu.memory_space<vmem_shared>>) target(%dma_start3A_54 : memref<512x64xf32, #tpu.memory_space<vmem>>) offsets(%dma_start3A_57 : memref<512xi32, #tpu.memory_space<vmem>>) semaphore(%arg14 : memref<!tpu.dma_semaphore, #tpu.memory_space<semaphore_mem>>)
        %dma_wait3A_61 = arith.constant 0 : i32
        %dma_wait3A_62 = arith.constant 0 : i32
        %dma_wait3A_63 = arith.constant 0 : i32
        %dma_wait3A_64 = arith.constant 0 : i32
        %dma_wait3A_65 = tpu.memref_slice %arg10[%dma_wait3A_62, %dma_wait3A_63, %dma_wait3A_64] : memref<2x512x64xf32, #tpu.memory_space<vmem>> -> memref<1x512x64xf32, #tpu.memory_space<vmem>>
        %dma_wait3A_66 = tpu.memref_squeeze %dma_wait3A_65 : memref<1x512x64xf32, #tpu.memory_space<vmem>> -> memref<512x64xf32, #tpu.memory_space<vmem>>
        %dma_wait3A_67 = arith.constant 0 : i32
        %dma_wait3A_68 = tpu.memref_slice %arg8[%dma_wait3A_61, %dma_wait3A_67] : memref<2x512xi32, #tpu.memory_space<vmem>> -> memref<1x512xi32, #tpu.memory_space<vmem>>
        %dma_wait3A_69 = tpu.memref_squeeze %dma_wait3A_68 : memref<1x512xi32, #tpu.memory_space<vmem>> -> memref<512xi32, #tpu.memory_space<vmem>>
        %dma_wait3A_70 = arith.constant 0 : i32
        %dma_wait3A_71 = arith.constant 0 : i32
        %dma_wait3A_72 = tpu.memref_slice %arg12[%dma_wait3A_70, %dma_wait3A_71] : memref<10000x64xf32, #tpu.memory_space<vmem_shared>> -> memref<10000x64xf32, #tpu.memory_space<vmem_shared>>
        tpu.wait_indirect_dma semaphore(%arg14 : memref<!tpu.dma_semaphore, #tpu.memory_space<semaphore_mem>>) src(%dma_wait3A_72 : memref<10000x64xf32, #tpu.memory_space<vmem_shared>>) dst(%dma_wait3A_66 : memref<512x64xf32, #tpu.memory_space<vmem>>)
        %dma_start3A_73 = arith.constant 0 : i32
        %dma_start3A_74 = arith.constant 0 : i32
        %dma_start3A_75 = arith.constant 0 : i32
        %dma_start3A_76 = arith.constant 0 : i32
        %dma_start3A_77 = tpu.memref_slice %arg10[%dma_start3A_73, %dma_start3A_75, %dma_start3A_76] : memref<2x512x64xf32, #tpu.memory_space<vmem>> -> memref<1x512x64xf32, #tpu.memory_space<vmem>>
        %dma_start3A_78 = tpu.memref_squeeze %dma_start3A_77 : memref<1x512x64xf32, #tpu.memory_space<vmem>> -> memref<512x64xf32, #tpu.memory_space<vmem>>
        %dma_start3A_79 = arith.constant 0 : i32
        %dma_start3A_80 = tpu.memref_slice %arg9[%dma_start3A_74, %dma_start3A_79] : memref<2x512xi32, #tpu.memory_space<vmem>> -> memref<1x512xi32, #tpu.memory_space<vmem>>
        %dma_start3A_81 = tpu.memref_squeeze %dma_start3A_80 : memref<1x512xi32, #tpu.memory_space<vmem>> -> memref<512xi32, #tpu.memory_space<vmem>>
        %dma_start3A_82 = arith.constant 0 : i32
        %dma_start3A_83 = arith.constant 0 : i32
        %dma_start3A_84 = tpu.memref_slice %arg13[%dma_start3A_82, %dma_start3A_83] : memref<5120x64xf32, #tpu.memory_space<vmem_shared>> -> memref<5120x64xf32, #tpu.memory_space<vmem_shared>>
        tpu.enqueue_indirect_dma source(%dma_start3A_78 : memref<512x64xf32, #tpu.memory_space<vmem>>) target(%dma_start3A_84 : memref<5120x64xf32, #tpu.memory_space<vmem_shared>>) offsets(%dma_start3A_81 : memref<512xi32, #tpu.memory_space<vmem>>) semaphore(%arg15 : memref<!tpu.dma_semaphore, #tpu.memory_space<semaphore_mem>>) {add = true}
        %mul3A_85 = arith.constant 2 : i32
        %mul3A_86 = arith.muli %scan3A_36, %mul3A_85 : i32
        %add3A_87 = arith.constant 1 : i32
        %add3A_88 = arith.addi %mul3A_86, %add3A_87 : i32
        %ge3A_89 = arith.constant 1 : i32
        %ge3A_90 = arith.cmpi sge, %scan3A_36, %ge3A_89 : i32
        %convert_element_type3A_91 = arith.extui %ge3A_90 : i1 to i32
        %cond3A_92 = arith.constant 0 : i32
        %cond3A_93 = arith.cmpi ne, %convert_element_type3A_91, %cond3A_92 : i32
        scf.if %cond3A_93 {
          %dma_wait3A_136 = arith.constant 1 : i32
          %dma_wait3A_137 = arith.constant 1 : i32
          %dma_wait3A_138 = arith.constant 0 : i32
          %dma_wait3A_139 = arith.constant 0 : i32
          %dma_wait3A_140 = tpu.memref_slice %arg10[%dma_wait3A_136, %dma_wait3A_138, %dma_wait3A_139] : memref<2x512x64xf32, #tpu.memory_space<vmem>> -> memref<1x512x64xf32, #tpu.memory_space<vmem>>
          %dma_wait3A_141 = tpu.memref_squeeze %dma_wait3A_140 : memref<1x512x64xf32, #tpu.memory_space<vmem>> -> memref<512x64xf32, #tpu.memory_space<vmem>>
          %dma_wait3A_142 = arith.constant 0 : i32
          %dma_wait3A_143 = tpu.memref_slice %arg9[%dma_wait3A_137, %dma_wait3A_142] : memref<2x512xi32, #tpu.memory_space<vmem>> -> memref<1x512xi32, #tpu.memory_space<vmem>>
          %dma_wait3A_144 = tpu.memref_squeeze %dma_wait3A_143 : memref<1x512xi32, #tpu.memory_space<vmem>> -> memref<512xi32, #tpu.memory_space<vmem>>
          %dma_wait3A_145 = arith.constant 0 : i32
          %dma_wait3A_146 = arith.constant 0 : i32
          %dma_wait3A_147 = tpu.memref_slice %arg13[%dma_wait3A_145, %dma_wait3A_146] : memref<5120x64xf32, #tpu.memory_space<vmem_shared>> -> memref<5120x64xf32, #tpu.memory_space<vmem_shared>>
          tpu.wait_indirect_dma semaphore(%arg16 : memref<!tpu.dma_semaphore, #tpu.memory_space<semaphore_mem>>) src(%dma_wait3A_141 : memref<512x64xf32, #tpu.memory_space<vmem>>) dst(%dma_wait3A_147 : memref<5120x64xf32, #tpu.memory_space<vmem_shared>>)
        } else {
        }
        %mul3A_94 = arith.constant 512 : i32
        %mul3A_95 = arith.muli %add3A_88, %mul3A_94 : i32
        %run_scoped3A_96 = arith.constant 1 : i32
        "tpu.region"() ({
          %run_scoped3A_136 = tpu.sem_alloc : memref<!tpu.dma_semaphore, #tpu.memory_space<semaphore_mem>>
          %dma_start3A_137 = arith.constant 0 : i32
          %dma_start3A_138 = tpu.memref_slice %arg8[%run_scoped3A_96, %dma_start3A_137] : memref<2x512xi32, #tpu.memory_space<vmem>> -> memref<1x512xi32, #tpu.memory_space<vmem>>
          %dma_start3A_139 = tpu.memref_squeeze %dma_start3A_138 : memref<1x512xi32, #tpu.memory_space<vmem>> -> memref<512xi32, #tpu.memory_space<vmem>>
          %dma_start3A_140 = tpu.memref_slice %arg3[%arg0, %arg1, %mul3A_95] : memref<2x16x20480xi32, #tpu.memory_space<hbm>> -> memref<1x1x512xi32, #tpu.memory_space<hbm>>
          %dma_start3A_141 = tpu.memref_squeeze %dma_start3A_140 : memref<1x1x512xi32, #tpu.memory_space<hbm>> -> memref<512xi32, #tpu.memory_space<hbm>>
          %dma_start3A_142 = arith.constant 0 : i32
          %dma_start3A_143 = tpu.memref_slice %arg8[%run_scoped3A_96, %dma_start3A_142] : memref<2x512xi32, #tpu.memory_space<vmem>> -> memref<1x512xi32, #tpu.memory_space<vmem>>
          %dma_start3A_144 = tpu.memref_squeeze %dma_start3A_143 : memref<1x512xi32, #tpu.memory_space<vmem>> -> memref<512xi32, #tpu.memory_space<vmem>>
          %dma_start3A_145 = tpu.memref_slice %arg3[%arg0, %arg1, %mul3A_95] : memref<2x16x20480xi32, #tpu.memory_space<hbm>> -> memref<1x1x512xi32, #tpu.memory_space<hbm>>
          %dma_start3A_146 = tpu.memref_squeeze %dma_start3A_145 : memref<1x1x512xi32, #tpu.memory_space<hbm>> -> memref<512xi32, #tpu.memory_space<hbm>>
          tpu.enqueue_dma source(%dma_start3A_146 : memref<512xi32, #tpu.memory_space<hbm>>) target(%dma_start3A_144 : memref<512xi32, #tpu.memory_space<vmem>>) target_semaphore(%run_scoped3A_136 : memref<!tpu.dma_semaphore, #tpu.memory_space<semaphore_mem>>)
          %dma_wait3A_147 = arith.constant 0 : i32
          %dma_wait3A_148 = tpu.memref_slice %arg8[%run_scoped3A_96, %dma_wait3A_147] : memref<2x512xi32, #tpu.memory_space<vmem>> -> memref<1x512xi32, #tpu.memory_space<vmem>>
          %dma_wait3A_149 = tpu.memref_squeeze %dma_wait3A_148 : memref<1x512xi32, #tpu.memory_space<vmem>> -> memref<512xi32, #tpu.memory_space<vmem>>
          %dma_wait3A_150 = tpu.memref_slice %arg3[%arg0, %arg1, %mul3A_95] : memref<2x16x20480xi32, #tpu.memory_space<hbm>> -> memref<1x1x512xi32, #tpu.memory_space<hbm>>
          %dma_wait3A_151 = tpu.memref_squeeze %dma_wait3A_150 : memref<1x1x512xi32, #tpu.memory_space<hbm>> -> memref<512xi32, #tpu.memory_space<hbm>>
          %dma_wait3A_152 = arith.constant 0 : i32
          %dma_wait3A_153 = tpu.memref_slice %arg8[%run_scoped3A_96, %dma_wait3A_152] : memref<2x512xi32, #tpu.memory_space<vmem>> -> memref<1x512xi32, #tpu.memory_space<vmem>>
          %dma_wait3A_154 = tpu.memref_squeeze %dma_wait3A_153 : memref<1x512xi32, #tpu.memory_space<vmem>> -> memref<512xi32, #tpu.memory_space<vmem>>
          %dma_wait3A_155 = tpu.memref_slice %arg3[%arg0, %arg1, %mul3A_95] : memref<2x16x20480xi32, #tpu.memory_space<hbm>> -> memref<1x1x512xi32, #tpu.memory_space<hbm>>
          %dma_wait3A_156 = tpu.memref_squeeze %dma_wait3A_155 : memref<1x1x512xi32, #tpu.memory_space<hbm>> -> memref<512xi32, #tpu.memory_space<hbm>>
          tpu.wait_dma2 semaphore(%run_scoped3A_136 : memref<!tpu.dma_semaphore, #tpu.memory_space<semaphore_mem>>) src(%dma_wait3A_156 : memref<512xi32, #tpu.memory_space<hbm>>) dst(%dma_wait3A_154 : memref<512xi32, #tpu.memory_space<vmem>>)
          tpu.yield
        }) : () -> ()
        %mul3A_97 = arith.constant 512 : i32
        %mul3A_98 = arith.muli %add3A_88, %mul3A_97 : i32
        %run_scoped3A_99 = arith.constant 1 : i32
        "tpu.region"() ({
          %run_scoped3A_136 = tpu.sem_alloc : memref<!tpu.dma_semaphore, #tpu.memory_space<semaphore_mem>>
          %dma_start3A_137 = arith.constant 0 : i32
          %dma_start3A_138 = tpu.memref_slice %arg9[%run_scoped3A_99, %dma_start3A_137] : memref<2x512xi32, #tpu.memory_space<vmem>> -> memref<1x512xi32, #tpu.memory_space<vmem>>
          %dma_start3A_139 = tpu.memref_squeeze %dma_start3A_138 : memref<1x512xi32, #tpu.memory_space<vmem>> -> memref<512xi32, #tpu.memory_space<vmem>>
          %dma_start3A_140 = tpu.memref_slice %arg4[%arg0, %arg1, %mul3A_98] : memref<2x16x20480xi32, #tpu.memory_space<hbm>> -> memref<1x1x512xi32, #tpu.memory_space<hbm>>
          %dma_start3A_141 = tpu.memref_squeeze %dma_start3A_140 : memref<1x1x512xi32, #tpu.memory_space<hbm>> -> memref<512xi32, #tpu.memory_space<hbm>>
          %dma_start3A_142 = arith.constant 0 : i32
          %dma_start3A_143 = tpu.memref_slice %arg9[%run_scoped3A_99, %dma_start3A_142] : memref<2x512xi32, #tpu.memory_space<vmem>> -> memref<1x512xi32, #tpu.memory_space<vmem>>
          %dma_start3A_144 = tpu.memref_squeeze %dma_start3A_143 : memref<1x512xi32, #tpu.memory_space<vmem>> -> memref<512xi32, #tpu.memory_space<vmem>>
          %dma_start3A_145 = tpu.memref_slice %arg4[%arg0, %arg1, %mul3A_98] : memref<2x16x20480xi32, #tpu.memory_space<hbm>> -> memref<1x1x512xi32, #tpu.memory_space<hbm>>
          %dma_start3A_146 = tpu.memref_squeeze %dma_start3A_145 : memref<1x1x512xi32, #tpu.memory_space<hbm>> -> memref<512xi32, #tpu.memory_space<hbm>>
          tpu.enqueue_dma source(%dma_start3A_146 : memref<512xi32, #tpu.memory_space<hbm>>) target(%dma_start3A_144 : memref<512xi32, #tpu.memory_space<vmem>>) target_semaphore(%run_scoped3A_136 : memref<!tpu.dma_semaphore, #tpu.memory_space<semaphore_mem>>)
          %dma_wait3A_147 = arith.constant 0 : i32
          %dma_wait3A_148 = tpu.memref_slice %arg9[%run_scoped3A_99, %dma_wait3A_147] : memref<2x512xi32, #tpu.memory_space<vmem>> -> memref<1x512xi32, #tpu.memory_space<vmem>>
          %dma_wait3A_149 = tpu.memref_squeeze %dma_wait3A_148 : memref<1x512xi32, #tpu.memory_space<vmem>> -> memref<512xi32, #tpu.memory_space<vmem>>
          %dma_wait3A_150 = tpu.memref_slice %arg4[%arg0, %arg1, %mul3A_98] : memref<2x16x20480xi32, #tpu.memory_space<hbm>> -> memref<1x1x512xi32, #tpu.memory_space<hbm>>
          %dma_wait3A_151 = tpu.memref_squeeze %dma_wait3A_150 : memref<1x1x512xi32, #tpu.memory_space<hbm>> -> memref<512xi32, #tpu.memory_space<hbm>>
          %dma_wait3A_152 = arith.constant 0 : i32
          %dma_wait3A_153 = tpu.memref_slice %arg9[%run_scoped3A_99, %dma_wait3A_152] : memref<2x512xi32, #tpu.memory_space<vmem>> -> memref<1x512xi32, #tpu.memory_space<vmem>>
          %dma_wait3A_154 = tpu.memref_squeeze %dma_wait3A_153 : memref<1x512xi32, #tpu.memory_space<vmem>> -> memref<512xi32, #tpu.memory_space<vmem>>
          %dma_wait3A_155 = tpu.memref_slice %arg4[%arg0, %arg1, %mul3A_98] : memref<2x16x20480xi32, #tpu.memory_space<hbm>> -> memref<1x1x512xi32, #tpu.memory_space<hbm>>
          %dma_wait3A_156 = tpu.memref_squeeze %dma_wait3A_155 : memref<1x1x512xi32, #tpu.memory_space<hbm>> -> memref<512xi32, #tpu.memory_space<hbm>>
          tpu.wait_dma2 semaphore(%run_scoped3A_136 : memref<!tpu.dma_semaphore, #tpu.memory_space<semaphore_mem>>) src(%dma_wait3A_156 : memref<512xi32, #tpu.memory_space<hbm>>) dst(%dma_wait3A_154 : memref<512xi32, #tpu.memory_space<vmem>>)
          tpu.yield
        }) : () -> ()
        %dma_start3A_100 = arith.constant 1 : i32
        %dma_start3A_101 = arith.constant 1 : i32
        %dma_start3A_102 = arith.constant 0 : i32
        %dma_start3A_103 = arith.constant 0 : i32
        %dma_start3A_104 = tpu.memref_slice %arg10[%dma_start3A_101, %dma_start3A_102, %dma_start3A_103] : memref<2x512x64xf32, #tpu.memory_space<vmem>> -> memref<1x512x64xf32, #tpu.memory_space<vmem>>
        %dma_start3A_105 = tpu.memref_squeeze %dma_start3A_104 : memref<1x512x64xf32, #tpu.memory_space<vmem>> -> memref<512x64xf32, #tpu.memory_space<vmem>>
        %dma_start3A_106 = arith.constant 0 : i32
        %dma_start3A_107 = tpu.memref_slice %arg8[%dma_start3A_100, %dma_start3A_106] : memref<2x512xi32, #tpu.memory_space<vmem>> -> memref<1x512xi32, #tpu.memory_space<vmem>>
        %dma_start3A_108 = tpu.memref_squeeze %dma_start3A_107 : memref<1x512xi32, #tpu.memory_space<vmem>> -> memref<512xi32, #tpu.memory_space<vmem>>
        %dma_start3A_109 = arith.constant 0 : i32
        %dma_start3A_110 = arith.constant 0 : i32
        %dma_start3A_111 = tpu.memref_slice %arg12[%dma_start3A_109, %dma_start3A_110] : memref<10000x64xf32, #tpu.memory_space<vmem_shared>> -> memref<10000x64xf32, #tpu.memory_space<vmem_shared>>
        tpu.enqueue_indirect_dma source(%dma_start3A_111 : memref<10000x64xf32, #tpu.memory_space<vmem_shared>>) target(%dma_start3A_105 : memref<512x64xf32, #tpu.memory_space<vmem>>) offsets(%dma_start3A_108 : memref<512xi32, #tpu.memory_space<vmem>>) semaphore(%arg14 : memref<!tpu.dma_semaphore, #tpu.memory_space<semaphore_mem>>)
        %dma_wait3A_112 = arith.constant 1 : i32
        %dma_wait3A_113 = arith.constant 1 : i32
        %dma_wait3A_114 = arith.constant 0 : i32
        %dma_wait3A_115 = arith.constant 0 : i32
        %dma_wait3A_116 = tpu.memref_slice %arg10[%dma_wait3A_113, %dma_wait3A_114, %dma_wait3A_115] : memref<2x512x64xf32, #tpu.memory_space<vmem>> -> memref<1x512x64xf32, #tpu.memory_space<vmem>>
        %dma_wait3A_117 = tpu.memref_squeeze %dma_wait3A_116 : memref<1x512x64xf32, #tpu.memory_space<vmem>> -> memref<512x64xf32, #tpu.memory_space<vmem>>
        %dma_wait3A_118 = arith.constant 0 : i32
        %dma_wait3A_119 = tpu.memref_slice %arg8[%dma_wait3A_112, %dma_wait3A_118] : memref<2x512xi32, #tpu.memory_space<vmem>> -> memref<1x512xi32, #tpu.memory_space<vmem>>
        %dma_wait3A_120 = tpu.memref_squeeze %dma_wait3A_119 : memref<1x512xi32, #tpu.memory_space<vmem>> -> memref<512xi32, #tpu.memory_space<vmem>>
        %dma_wait3A_121 = arith.constant 0 : i32
        %dma_wait3A_122 = arith.constant 0 : i32
        %dma_wait3A_123 = tpu.memref_slice %arg12[%dma_wait3A_121, %dma_wait3A_122] : memref<10000x64xf32, #tpu.memory_space<vmem_shared>> -> memref<10000x64xf32, #tpu.memory_space<vmem_shared>>
        tpu.wait_indirect_dma semaphore(%arg14 : memref<!tpu.dma_semaphore, #tpu.memory_space<semaphore_mem>>) src(%dma_wait3A_123 : memref<10000x64xf32, #tpu.memory_space<vmem_shared>>) dst(%dma_wait3A_117 : memref<512x64xf32, #tpu.memory_space<vmem>>)
        %dma_start3A_124 = arith.constant 1 : i32
        %dma_start3A_125 = arith.constant 1 : i32
        %dma_start3A_126 = arith.constant 0 : i32
        %dma_start3A_127 = arith.constant 0 : i32
        %dma_start3A_128 = tpu.memref_slice %arg10[%dma_start3A_124, %dma_start3A_126, %dma_start3A_127] : memref<2x512x64xf32, #tpu.memory_space<vmem>> -> memref<1x512x64xf32, #tpu.memory_space<vmem>>
        %dma_start3A_129 = tpu.memref_squeeze %dma_start3A_128 : memref<1x512x64xf32, #tpu.memory_space<vmem>> -> memref<512x64xf32, #tpu.memory_space<vmem>>
        %dma_start3A_130 = arith.constant 0 : i32
        %dma_start3A_131 = tpu.memref_slice %arg9[%dma_start3A_125, %dma_start3A_130] : memref<2x512xi32, #tpu.memory_space<vmem>> -> memref<1x512xi32, #tpu.memory_space<vmem>>
        %dma_start3A_132 = tpu.memref_squeeze %dma_start3A_131 : memref<1x512xi32, #tpu.memory_space<vmem>> -> memref<512xi32, #tpu.memory_space<vmem>>
        %dma_start3A_133 = arith.constant 0 : i32
        %dma_start3A_134 = arith.constant 0 : i32
        %dma_start3A_135 = tpu.memref_slice %arg13[%dma_start3A_133, %dma_start3A_134] : memref<5120x64xf32, #tpu.memory_space<vmem_shared>> -> memref<5120x64xf32, #tpu.memory_space<vmem_shared>>
        tpu.enqueue_indirect_dma source(%dma_start3A_129 : memref<512x64xf32, #tpu.memory_space<vmem>>) target(%dma_start3A_135 : memref<5120x64xf32, #tpu.memory_space<vmem_shared>>) offsets(%dma_start3A_132 : memref<512xi32, #tpu.memory_space<vmem>>) semaphore(%arg16 : memref<!tpu.dma_semaphore, #tpu.memory_space<semaphore_mem>>) {add = true}
      } else {
      }
    }
    %scan3A_11 = arith.constant 20 : i32
    %dma_wait3A = arith.constant 0 : i32
    %dma_wait3A_12 = arith.constant 0 : i32
    %dma_wait3A_13 = arith.constant 0 : i32
    %dma_wait3A_14 = arith.constant 0 : i32
    %dma_wait3A_15 = tpu.memref_slice %arg10[%dma_wait3A, %dma_wait3A_13, %dma_wait3A_14] : memref<2x512x64xf32, #tpu.memory_space<vmem>> -> memref<1x512x64xf32, #tpu.memory_space<vmem>>
    %dma_wait3A_16 = tpu.memref_squeeze %dma_wait3A_15 : memref<1x512x64xf32, #tpu.memory_space<vmem>> -> memref<512x64xf32, #tpu.memory_space<vmem>>
    %dma_wait3A_17 = arith.constant 0 : i32
    %dma_wait3A_18 = tpu.memref_slice %arg9[%dma_wait3A_12, %dma_wait3A_17] : memref<2x512xi32, #tpu.memory_space<vmem>> -> memref<1x512xi32, #tpu.memory_space<vmem>>
    %dma_wait3A_19 = tpu.memref_squeeze %dma_wait3A_18 : memref<1x512xi32, #tpu.memory_space<vmem>> -> memref<512xi32, #tpu.memory_space<vmem>>
    %dma_wait3A_20 = arith.constant 0 : i32
    %dma_wait3A_21 = arith.constant 0 : i32
    %dma_wait3A_22 = tpu.memref_slice %arg13[%dma_wait3A_20, %dma_wait3A_21] : memref<5120x64xf32, #tpu.memory_space<vmem_shared>> -> memref<5120x64xf32, #tpu.memory_space<vmem_shared>>
    tpu.wait_indirect_dma semaphore(%arg15 : memref<!tpu.dma_semaphore, #tpu.memory_space<semaphore_mem>>) src(%dma_wait3A_16 : memref<512x64xf32, #tpu.memory_space<vmem>>) dst(%dma_wait3A_22 : memref<5120x64xf32, #tpu.memory_space<vmem_shared>>)
    %dma_wait3A_23 = arith.constant 1 : i32
    %dma_wait3A_24 = arith.constant 1 : i32
    %dma_wait3A_25 = arith.constant 0 : i32
    %dma_wait3A_26 = arith.constant 0 : i32
    %dma_wait3A_27 = tpu.memref_slice %arg10[%dma_wait3A_23, %dma_wait3A_25, %dma_wait3A_26] : memref<2x512x64xf32, #tpu.memory_space<vmem>> -> memref<1x512x64xf32, #tpu.memory_space<vmem>>
    %dma_wait3A_28 = tpu.memref_squeeze %dma_wait3A_27 : memref<1x512x64xf32, #tpu.memory_space<vmem>> -> memref<512x64xf32, #tpu.memory_space<vmem>>
    %dma_wait3A_29 = arith.constant 0 : i32
    %dma_wait3A_30 = tpu.memref_slice %arg9[%dma_wait3A_24, %dma_wait3A_29] : memref<2x512xi32, #tpu.memory_space<vmem>> -> memref<1x512xi32, #tpu.memory_space<vmem>>
    %dma_wait3A_31 = tpu.memref_squeeze %dma_wait3A_30 : memref<1x512xi32, #tpu.memory_space<vmem>> -> memref<512xi32, #tpu.memory_space<vmem>>
    %dma_wait3A_32 = arith.constant 0 : i32
    %dma_wait3A_33 = arith.constant 0 : i32
    %dma_wait3A_34 = tpu.memref_slice %arg13[%dma_wait3A_32, %dma_wait3A_33] : memref<5120x64xf32, #tpu.memory_space<vmem_shared>> -> memref<5120x64xf32, #tpu.memory_space<vmem_shared>>
    tpu.wait_indirect_dma semaphore(%arg16 : memref<!tpu.dma_semaphore, #tpu.memory_space<semaphore_mem>>) src(%dma_wait3A_28 : memref<512x64xf32, #tpu.memory_space<vmem>>) dst(%dma_wait3A_34 : memref<5120x64xf32, #tpu.memory_space<vmem_shared>>)
    %barrier3A_35 = arith.constant 0 : index
    tpu.barrier barrier_id(%barrier3A_35)
    "tpu.region"() ({
      %run_scoped3A = tpu.sem_alloc : memref<!tpu.dma_semaphore, #tpu.memory_space<semaphore_mem>>
      %dma_start3A = arith.constant 0 : i32
      %dma_start3A_36 = tpu.memref_slice %arg7[%arg0, %mul3A_0, %dma_start3A] : memref<2x5120x64xf32, #tpu.memory_space<hbm>> -> memref<1x320x64xf32, #tpu.memory_space<hbm>>
      %dma_start3A_37 = tpu.memref_squeeze %dma_start3A_36 : memref<1x320x64xf32, #tpu.memory_space<hbm>> -> memref<320x64xf32, #tpu.memory_space<hbm>>
      %dma_start3A_38 = arith.constant 0 : i32
      %dma_start3A_39 = tpu.memref_slice %arg13[%mul3A_0, %dma_start3A_38] : memref<5120x64xf32, #tpu.memory_space<vmem_shared>> -> memref<320x64xf32, #tpu.memory_space<vmem_shared>>
      tpu.enqueue_dma source(%dma_start3A_39 : memref<320x64xf32, #tpu.memory_space<vmem_shared>>) target(%dma_start3A_37 : memref<320x64xf32, #tpu.memory_space<hbm>>) target_semaphore(%run_scoped3A : memref<!tpu.dma_semaphore, #tpu.memory_space<semaphore_mem>>)
      %dma_wait3A_40 = arith.constant 0 : i32
      %dma_wait3A_41 = tpu.memref_slice %arg7[%arg0, %mul3A_0, %dma_wait3A_40] : memref<2x5120x64xf32, #tpu.memory_space<hbm>> -> memref<1x320x64xf32, #tpu.memory_space<hbm>>
      %dma_wait3A_42 = tpu.memref_squeeze %dma_wait3A_41 : memref<1x320x64xf32, #tpu.memory_space<hbm>> -> memref<320x64xf32, #tpu.memory_space<hbm>>
      %dma_wait3A_43 = arith.constant 0 : i32
      %dma_wait3A_44 = tpu.memref_slice %arg13[%mul3A_0, %dma_wait3A_43] : memref<5120x64xf32, #tpu.memory_space<vmem_shared>> -> memref<320x64xf32, #tpu.memory_space<vmem_shared>>
      tpu.wait_dma2 semaphore(%run_scoped3A : memref<!tpu.dma_semaphore, #tpu.memory_space<semaphore_mem>>) src(%dma_wait3A_44 : memref<320x64xf32, #tpu.memory_space<vmem_shared>>) dst(%dma_wait3A_42 : memref<320x64xf32, #tpu.memory_space<hbm>>)
      tpu.yield
    }) : () -> ()
    return
  }
}

#map = affine_map<(d0, d1) -> (0, 0)>
#map1 = affine_map<(d0, d1) -> (0, 0, 0)>
module attributes {stable_mosaic.version = 14 : i64} {
  func.func @_sc_agg_body(%arg0: i32, %arg1: i32, %arg2: memref<10000x64xf32, #tpu.memory_space<hbm>>, %arg3: memref<2x16x20480xi32, #tpu.memory_space<hbm>>, %arg4: memref<2x16x20480xi32, #tpu.memory_space<hbm>>, %arg5: memref<2x16x16xi32, #tpu.memory_space<hbm>>, %arg6: memref<5120x64xf32, #tpu.memory_space<hbm>>, %arg7: memref<2x5120x64xf32, #tpu.memory_space<hbm>>, %arg8: memref<2x512xi32, #tpu.memory_space<vmem>>, %arg9: memref<2x512xi32, #tpu.memory_space<vmem>>, %arg10: memref<2x512x64xf32, #tpu.memory_space<vmem>>, %arg11: memref<16xi32, #tpu.memory_space<vmem>>, %arg12: memref<10000x64xf32, #tpu.memory_space<vmem_shared>>, %arg13: memref<5120x64xf32, #tpu.memory_space<vmem_shared>>, %arg14: memref<!tpu.dma_semaphore, #tpu.memory_space<semaphore_mem>>, %arg15: memref<!tpu.dma_semaphore, #tpu.memory_space<semaphore_mem>>, %arg16: memref<!tpu.dma_semaphore, #tpu.memory_space<semaphore_mem>>) attributes {dimension_semantics = [#tpu.dimension_semantics<core_parallel>, #tpu.dimension_semantics<subcore_parallel>], iteration_bounds = array<i64: 2, 16>, scalar_prefetch = 0 : i64, scratch_operands = 9 : i64, tpu.core_type = #tpu.core_type<sc_vector_subcore>, window_params = [{transform_indices = #map}, {transform_indices = #map1}, {transform_indices = #map1}, {transform_indices = #map1}, {transform_indices = #map}, {transform_indices = #map1}]} {
    %mul3A = arith.constant 320 : i32
    %mul3A_0 = arith.muli %arg1, %mul3A : i32
    "tpu.region"() ({
      %run_scoped3A = tpu.sem_alloc : memref<!tpu.dma_semaphore, #tpu.memory_space<semaphore_mem>>
      %dma_start3A = arith.constant 0 : i32
      %dma_start3A_36 = tpu.memref_slice %arg13[%mul3A_0, %dma_start3A] : memref<5120x64xf32, #tpu.memory_space<vmem_shared>> -> memref<320x64xf32, #tpu.memory_space<vmem_shared>>
      %dma_start3A_37 = arith.constant 0 : i32
      %dma_start3A_38 = tpu.memref_slice %arg6[%mul3A_0, %dma_start3A_37] : memref<5120x64xf32, #tpu.memory_space<hbm>> -> memref<320x64xf32, #tpu.memory_space<hbm>>
      tpu.enqueue_dma source(%dma_start3A_38 : memref<320x64xf32, #tpu.memory_space<hbm>>) target(%dma_start3A_36 : memref<320x64xf32, #tpu.memory_space<vmem_shared>>) target_semaphore(%run_scoped3A : memref<!tpu.dma_semaphore, #tpu.memory_space<semaphore_mem>>)
      %dma_wait3A_39 = arith.constant 0 : i32
      %dma_wait3A_40 = tpu.memref_slice %arg13[%mul3A_0, %dma_wait3A_39] : memref<5120x64xf32, #tpu.memory_space<vmem_shared>> -> memref<320x64xf32, #tpu.memory_space<vmem_shared>>
      %dma_wait3A_41 = arith.constant 0 : i32
      %dma_wait3A_42 = tpu.memref_slice %arg6[%mul3A_0, %dma_wait3A_41] : memref<5120x64xf32, #tpu.memory_space<hbm>> -> memref<320x64xf32, #tpu.memory_space<hbm>>
      tpu.wait_dma2 semaphore(%run_scoped3A : memref<!tpu.dma_semaphore, #tpu.memory_space<semaphore_mem>>) src(%dma_wait3A_42 : memref<320x64xf32, #tpu.memory_space<hbm>>) dst(%dma_wait3A_40 : memref<320x64xf32, #tpu.memory_space<vmem_shared>>)
      tpu.yield
    }) : () -> ()
    %mul3A_1 = arith.constant 625 : i32
    %mul3A_2 = arith.muli %arg1, %mul3A_1 : i32
    %mul3A_3 = arith.constant 625 : i32
    %mul3A_4 = arith.muli %arg1, %mul3A_3 : i32
    "tpu.region"() ({
      %run_scoped3A = tpu.sem_alloc : memref<!tpu.dma_semaphore, #tpu.memory_space<semaphore_mem>>
      %dma_start3A = arith.constant 0 : i32
      %dma_start3A_36 = tpu.memref_slice %arg12[%mul3A_4, %dma_start3A] : memref<10000x64xf32, #tpu.memory_space<vmem_shared>> -> memref<625x64xf32, #tpu.memory_space<vmem_shared>>
      %dma_start3A_37 = arith.constant 0 : i32
      %dma_start3A_38 = tpu.memref_slice %arg2[%mul3A_2, %dma_start3A_37] : memref<10000x64xf32, #tpu.memory_space<hbm>> -> memref<625x64xf32, #tpu.memory_space<hbm>>
      tpu.enqueue_dma source(%dma_start3A_38 : memref<625x64xf32, #tpu.memory_space<hbm>>) target(%dma_start3A_36 : memref<625x64xf32, #tpu.memory_space<vmem_shared>>) target_semaphore(%run_scoped3A : memref<!tpu.dma_semaphore, #tpu.memory_space<semaphore_mem>>)
      %dma_wait3A_39 = arith.constant 0 : i32
      %dma_wait3A_40 = tpu.memref_slice %arg12[%mul3A_4, %dma_wait3A_39] : memref<10000x64xf32, #tpu.memory_space<vmem_shared>> -> memref<625x64xf32, #tpu.memory_space<vmem_shared>>
      %dma_wait3A_41 = arith.constant 0 : i32
      %dma_wait3A_42 = tpu.memref_slice %arg2[%mul3A_2, %dma_wait3A_41] : memref<10000x64xf32, #tpu.memory_space<hbm>> -> memref<625x64xf32, #tpu.memory_space<hbm>>
      tpu.wait_dma2 semaphore(%run_scoped3A : memref<!tpu.dma_semaphore, #tpu.memory_space<semaphore_mem>>) src(%dma_wait3A_42 : memref<625x64xf32, #tpu.memory_space<hbm>>) dst(%dma_wait3A_40 : memref<625x64xf32, #tpu.memory_space<vmem_shared>>)
      tpu.yield
    }) : () -> ()
    "tpu.region"() ({
      %run_scoped3A = tpu.sem_alloc : memref<!tpu.dma_semaphore, #tpu.memory_space<semaphore_mem>>
      %dma_start3A = arith.constant 0 : i32
      %dma_start3A_36 = tpu.memref_slice %arg5[%arg0, %arg1, %dma_start3A] : memref<2x16x16xi32, #tpu.memory_space<hbm>> -> memref<1x1x16xi32, #tpu.memory_space<hbm>>
      %dma_start3A_37 = tpu.memref_squeeze %dma_start3A_36 : memref<1x1x16xi32, #tpu.memory_space<hbm>> -> memref<16xi32, #tpu.memory_space<hbm>>
      %dma_start3A_38 = arith.constant 0 : i32
      %dma_start3A_39 = tpu.memref_slice %arg5[%arg0, %arg1, %dma_start3A_38] : memref<2x16x16xi32, #tpu.memory_space<hbm>> -> memref<1x1x16xi32, #tpu.memory_space<hbm>>
      %dma_start3A_40 = tpu.memref_squeeze %dma_start3A_39 : memref<1x1x16xi32, #tpu.memory_space<hbm>> -> memref<16xi32, #tpu.memory_space<hbm>>
      tpu.enqueue_dma source(%dma_start3A_40 : memref<16xi32, #tpu.memory_space<hbm>>) target(%arg11 : memref<16xi32, #tpu.memory_space<vmem>>) target_semaphore(%run_scoped3A : memref<!tpu.dma_semaphore, #tpu.memory_space<semaphore_mem>>)
      %dma_wait3A_41 = arith.constant 0 : i32
      %dma_wait3A_42 = tpu.memref_slice %arg5[%arg0, %arg1, %dma_wait3A_41] : memref<2x16x16xi32, #tpu.memory_space<hbm>> -> memref<1x1x16xi32, #tpu.memory_space<hbm>>
      %dma_wait3A_43 = tpu.memref_squeeze %dma_wait3A_42 : memref<1x1x16xi32, #tpu.memory_space<hbm>> -> memref<16xi32, #tpu.memory_space<hbm>>
      %dma_wait3A_44 = arith.constant 0 : i32
      %dma_wait3A_45 = tpu.memref_slice %arg5[%arg0, %arg1, %dma_wait3A_44] : memref<2x16x16xi32, #tpu.memory_space<hbm>> -> memref<1x1x16xi32, #tpu.memory_space<hbm>>
      %dma_wait3A_46 = tpu.memref_squeeze %dma_wait3A_45 : memref<1x1x16xi32, #tpu.memory_space<hbm>> -> memref<16xi32, #tpu.memory_space<hbm>>
      tpu.wait_dma2 semaphore(%run_scoped3A : memref<!tpu.dma_semaphore, #tpu.memory_space<semaphore_mem>>) src(%dma_wait3A_46 : memref<16xi32, #tpu.memory_space<hbm>>) dst(%arg11 : memref<16xi32, #tpu.memory_space<vmem>>)
      tpu.yield
    }) : () -> ()
    %barrier3A = arith.constant 0 : index
    tpu.barrier barrier_id(%barrier3A)
    %get3A = arith.constant 0 : index
    %get3A_5 = tpu.vector_load %arg11[%get3A] {strides = array<i32>} : memref<16xi32, #tpu.memory_space<vmem>>, vector<16xi32>,
    %get3A_6 = vector.shape_cast %get3A_5 : vector<16xi32> to vector<16xi32>
    %slice3A = vector.extract_strided_slice %get3A_6 {offsets = [0], sizes = [1], strides = [1]} : vector<16xi32> to vector<1xi32>
    %squeeze3A = vector.extract %slice3A[0] : i32 from vector<1xi32>
    %scan3A = arith.constant 0 : i32
    %scan3A_7 = arith.constant 0 : i32
    %scan3A_8 = arith.constant 20 : i32
    %scan3A_9 = arith.addi %scan3A_7, %scan3A_8 : i32
    %scan3A_10 = arith.constant 1 : i32
    scf.for %scan3A_36 = %scan3A_7 to %scan3A_9 step %scan3A_10  : i32 {
      %lt3A = arith.cmpi slt, %scan3A_36, %squeeze3A : i32
      %convert_element_type3A = arith.extui %lt3A : i1 to i32
      %cond3A = arith.constant 0 : i32
      %cond3A_37 = arith.cmpi ne, %convert_element_type3A, %cond3A : i32
      scf.if %cond3A_37 {
        %mul3A_38 = arith.constant 2 : i32
        %mul3A_39 = arith.muli %scan3A_36, %mul3A_38 : i32
        %add3A = arith.constant 0 : i32
        %add3A_40 = arith.addi %mul3A_39, %add3A : i32
        %ge3A = arith.constant 1 : i32
        %ge3A_41 = arith.cmpi sge, %scan3A_36, %ge3A : i32
        %convert_element_type3A_42 = arith.extui %ge3A_41 : i1 to i32
        %cond3A_43 = arith.constant 0 : i32
        %cond3A_44 = arith.cmpi ne, %convert_element_type3A_42, %cond3A_43 : i32
        scf.if %cond3A_44 {
          %dma_wait3A_136 = arith.constant 0 : i32
          %dma_wait3A_137 = arith.constant 0 : i32
          %dma_wait3A_138 = arith.constant 0 : i32
          %dma_wait3A_139 = arith.constant 0 : i32
          %dma_wait3A_140 = tpu.memref_slice %arg10[%dma_wait3A_136, %dma_wait3A_138, %dma_wait3A_139] : memref<2x512x64xf32, #tpu.memory_space<vmem>> -> memref<1x512x64xf32, #tpu.memory_space<vmem>>
          %dma_wait3A_141 = tpu.memref_squeeze %dma_wait3A_140 : memref<1x512x64xf32, #tpu.memory_space<vmem>> -> memref<512x64xf32, #tpu.memory_space<vmem>>
          %dma_wait3A_142 = arith.constant 0 : i32
          %dma_wait3A_143 = tpu.memref_slice %arg9[%dma_wait3A_137, %dma_wait3A_142] : memref<2x512xi32, #tpu.memory_space<vmem>> -> memref<1x512xi32, #tpu.memory_space<vmem>>
          %dma_wait3A_144 = tpu.memref_squeeze %dma_wait3A_143 : memref<1x512xi32, #tpu.memory_space<vmem>> -> memref<512xi32, #tpu.memory_space<vmem>>
          %dma_wait3A_145 = arith.constant 0 : i32
          %dma_wait3A_146 = arith.constant 0 : i32
          %dma_wait3A_147 = tpu.memref_slice %arg13[%dma_wait3A_145, %dma_wait3A_146] : memref<5120x64xf32, #tpu.memory_space<vmem_shared>> -> memref<5120x64xf32, #tpu.memory_space<vmem_shared>>
          tpu.wait_indirect_dma semaphore(%arg15 : memref<!tpu.dma_semaphore, #tpu.memory_space<semaphore_mem>>) src(%dma_wait3A_141 : memref<512x64xf32, #tpu.memory_space<vmem>>) dst(%dma_wait3A_147 : memref<5120x64xf32, #tpu.memory_space<vmem_shared>>)
        } else {
        }
        %mul3A_45 = arith.constant 512 : i32
        %mul3A_46 = arith.muli %add3A_40, %mul3A_45 : i32
        %run_scoped3A = arith.constant 0 : i32
        "tpu.region"() ({
          %run_scoped3A_136 = tpu.sem_alloc : memref<!tpu.dma_semaphore, #tpu.memory_space<semaphore_mem>>
          %dma_start3A_137 = arith.constant 0 : i32
          %dma_start3A_138 = tpu.memref_slice %arg8[%run_scoped3A, %dma_start3A_137] : memref<2x512xi32, #tpu.memory_space<vmem>> -> memref<1x512xi32, #tpu.memory_space<vmem>>
          %dma_start3A_139 = tpu.memref_squeeze %dma_start3A_138 : memref<1x512xi32, #tpu.memory_space<vmem>> -> memref<512xi32, #tpu.memory_space<vmem>>
          %dma_start3A_140 = tpu.memref_slice %arg3[%arg0, %arg1, %mul3A_46] : memref<2x16x20480xi32, #tpu.memory_space<hbm>> -> memref<1x1x512xi32, #tpu.memory_space<hbm>>
          %dma_start3A_141 = tpu.memref_squeeze %dma_start3A_140 : memref<1x1x512xi32, #tpu.memory_space<hbm>> -> memref<512xi32, #tpu.memory_space<hbm>>
          %dma_start3A_142 = arith.constant 0 : i32
          %dma_start3A_143 = tpu.memref_slice %arg8[%run_scoped3A, %dma_start3A_142] : memref<2x512xi32, #tpu.memory_space<vmem>> -> memref<1x512xi32, #tpu.memory_space<vmem>>
          %dma_start3A_144 = tpu.memref_squeeze %dma_start3A_143 : memref<1x512xi32, #tpu.memory_space<vmem>> -> memref<512xi32, #tpu.memory_space<vmem>>
          %dma_start3A_145 = tpu.memref_slice %arg3[%arg0, %arg1, %mul3A_46] : memref<2x16x20480xi32, #tpu.memory_space<hbm>> -> memref<1x1x512xi32, #tpu.memory_space<hbm>>
          %dma_start3A_146 = tpu.memref_squeeze %dma_start3A_145 : memref<1x1x512xi32, #tpu.memory_space<hbm>> -> memref<512xi32, #tpu.memory_space<hbm>>
          tpu.enqueue_dma source(%dma_start3A_146 : memref<512xi32, #tpu.memory_space<hbm>>) target(%dma_start3A_144 : memref<512xi32, #tpu.memory_space<vmem>>) target_semaphore(%run_scoped3A_136 : memref<!tpu.dma_semaphore, #tpu.memory_space<semaphore_mem>>)
          %dma_wait3A_147 = arith.constant 0 : i32
          %dma_wait3A_148 = tpu.memref_slice %arg8[%run_scoped3A, %dma_wait3A_147] : memref<2x512xi32, #tpu.memory_space<vmem>> -> memref<1x512xi32, #tpu.memory_space<vmem>>
          %dma_wait3A_149 = tpu.memref_squeeze %dma_wait3A_148 : memref<1x512xi32, #tpu.memory_space<vmem>> -> memref<512xi32, #tpu.memory_space<vmem>>
          %dma_wait3A_150 = tpu.memref_slice %arg3[%arg0, %arg1, %mul3A_46] : memref<2x16x20480xi32, #tpu.memory_space<hbm>> -> memref<1x1x512xi32, #tpu.memory_space<hbm>>
          %dma_wait3A_151 = tpu.memref_squeeze %dma_wait3A_150 : memref<1x1x512xi32, #tpu.memory_space<hbm>> -> memref<512xi32, #tpu.memory_space<hbm>>
          %dma_wait3A_152 = arith.constant 0 : i32
          %dma_wait3A_153 = tpu.memref_slice %arg8[%run_scoped3A, %dma_wait3A_152] : memref<2x512xi32, #tpu.memory_space<vmem>> -> memref<1x512xi32, #tpu.memory_space<vmem>>
          %dma_wait3A_154 = tpu.memref_squeeze %dma_wait3A_153 : memref<1x512xi32, #tpu.memory_space<vmem>> -> memref<512xi32, #tpu.memory_space<vmem>>
          %dma_wait3A_155 = tpu.memref_slice %arg3[%arg0, %arg1, %mul3A_46] : memref<2x16x20480xi32, #tpu.memory_space<hbm>> -> memref<1x1x512xi32, #tpu.memory_space<hbm>>
          %dma_wait3A_156 = tpu.memref_squeeze %dma_wait3A_155 : memref<1x1x512xi32, #tpu.memory_space<hbm>> -> memref<512xi32, #tpu.memory_space<hbm>>
          tpu.wait_dma2 semaphore(%run_scoped3A_136 : memref<!tpu.dma_semaphore, #tpu.memory_space<semaphore_mem>>) src(%dma_wait3A_156 : memref<512xi32, #tpu.memory_space<hbm>>) dst(%dma_wait3A_154 : memref<512xi32, #tpu.memory_space<vmem>>)
          tpu.yield
        }) : () -> ()
        %mul3A_47 = arith.constant 512 : i32
        %mul3A_48 = arith.muli %add3A_40, %mul3A_47 : i32
        %run_scoped3A_49 = arith.constant 0 : i32
        "tpu.region"() ({
          %run_scoped3A_136 = tpu.sem_alloc : memref<!tpu.dma_semaphore, #tpu.memory_space<semaphore_mem>>
          %dma_start3A_137 = arith.constant 0 : i32
          %dma_start3A_138 = tpu.memref_slice %arg9[%run_scoped3A_49, %dma_start3A_137] : memref<2x512xi32, #tpu.memory_space<vmem>> -> memref<1x512xi32, #tpu.memory_space<vmem>>
          %dma_start3A_139 = tpu.memref_squeeze %dma_start3A_138 : memref<1x512xi32, #tpu.memory_space<vmem>> -> memref<512xi32, #tpu.memory_space<vmem>>
          %dma_start3A_140 = tpu.memref_slice %arg4[%arg0, %arg1, %mul3A_48] : memref<2x16x20480xi32, #tpu.memory_space<hbm>> -> memref<1x1x512xi32, #tpu.memory_space<hbm>>
          %dma_start3A_141 = tpu.memref_squeeze %dma_start3A_140 : memref<1x1x512xi32, #tpu.memory_space<hbm>> -> memref<512xi32, #tpu.memory_space<hbm>>
          %dma_start3A_142 = arith.constant 0 : i32
          %dma_start3A_143 = tpu.memref_slice %arg9[%run_scoped3A_49, %dma_start3A_142] : memref<2x512xi32, #tpu.memory_space<vmem>> -> memref<1x512xi32, #tpu.memory_space<vmem>>
          %dma_start3A_144 = tpu.memref_squeeze %dma_start3A_143 : memref<1x512xi32, #tpu.memory_space<vmem>> -> memref<512xi32, #tpu.memory_space<vmem>>
          %dma_start3A_145 = tpu.memref_slice %arg4[%arg0, %arg1, %mul3A_48] : memref<2x16x20480xi32, #tpu.memory_space<hbm>> -> memref<1x1x512xi32, #tpu.memory_space<hbm>>
          %dma_start3A_146 = tpu.memref_squeeze %dma_start3A_145 : memref<1x1x512xi32, #tpu.memory_space<hbm>> -> memref<512xi32, #tpu.memory_space<hbm>>
          tpu.enqueue_dma source(%dma_start3A_146 : memref<512xi32, #tpu.memory_space<hbm>>) target(%dma_start3A_144 : memref<512xi32, #tpu.memory_space<vmem>>) target_semaphore(%run_scoped3A_136 : memref<!tpu.dma_semaphore, #tpu.memory_space<semaphore_mem>>)
          %dma_wait3A_147 = arith.constant 0 : i32
          %dma_wait3A_148 = tpu.memref_slice %arg9[%run_scoped3A_49, %dma_wait3A_147] : memref<2x512xi32, #tpu.memory_space<vmem>> -> memref<1x512xi32, #tpu.memory_space<vmem>>
          %dma_wait3A_149 = tpu.memref_squeeze %dma_wait3A_148 : memref<1x512xi32, #tpu.memory_space<vmem>> -> memref<512xi32, #tpu.memory_space<vmem>>
          %dma_wait3A_150 = tpu.memref_slice %arg4[%arg0, %arg1, %mul3A_48] : memref<2x16x20480xi32, #tpu.memory_space<hbm>> -> memref<1x1x512xi32, #tpu.memory_space<hbm>>
          %dma_wait3A_151 = tpu.memref_squeeze %dma_wait3A_150 : memref<1x1x512xi32, #tpu.memory_space<hbm>> -> memref<512xi32, #tpu.memory_space<hbm>>
          %dma_wait3A_152 = arith.constant 0 : i32
          %dma_wait3A_153 = tpu.memref_slice %arg9[%run_scoped3A_49, %dma_wait3A_152] : memref<2x512xi32, #tpu.memory_space<vmem>> -> memref<1x512xi32, #tpu.memory_space<vmem>>
          %dma_wait3A_154 = tpu.memref_squeeze %dma_wait3A_153 : memref<1x512xi32, #tpu.memory_space<vmem>> -> memref<512xi32, #tpu.memory_space<vmem>>
          %dma_wait3A_155 = tpu.memref_slice %arg4[%arg0, %arg1, %mul3A_48] : memref<2x16x20480xi32, #tpu.memory_space<hbm>> -> memref<1x1x512xi32, #tpu.memory_space<hbm>>
          %dma_wait3A_156 = tpu.memref_squeeze %dma_wait3A_155 : memref<1x1x512xi32, #tpu.memory_space<hbm>> -> memref<512xi32, #tpu.memory_space<hbm>>
          tpu.wait_dma2 semaphore(%run_scoped3A_136 : memref<!tpu.dma_semaphore, #tpu.memory_space<semaphore_mem>>) src(%dma_wait3A_156 : memref<512xi32, #tpu.memory_space<hbm>>) dst(%dma_wait3A_154 : memref<512xi32, #tpu.memory_space<vmem>>)
          tpu.yield
        }) : () -> ()
        %dma_start3A = arith.constant 0 : i32
        %dma_start3A_50 = arith.constant 0 : i32
        %dma_start3A_51 = arith.constant 0 : i32
        %dma_start3A_52 = arith.constant 0 : i32
        %dma_start3A_53 = tpu.memref_slice %arg10[%dma_start3A_50, %dma_start3A_51, %dma_start3A_52] : memref<2x512x64xf32, #tpu.memory_space<vmem>> -> memref<1x512x64xf32, #tpu.memory_space<vmem>>
        %dma_start3A_54 = tpu.memref_squeeze %dma_start3A_53 : memref<1x512x64xf32, #tpu.memory_space<vmem>> -> memref<512x64xf32, #tpu.memory_space<vmem>>
        %dma_start3A_55 = arith.constant 0 : i32
        %dma_start3A_56 = tpu.memref_slice %arg8[%dma_start3A, %dma_start3A_55] : memref<2x512xi32, #tpu.memory_space<vmem>> -> memref<1x512xi32, #tpu.memory_space<vmem>>
        %dma_start3A_57 = tpu.memref_squeeze %dma_start3A_56 : memref<1x512xi32, #tpu.memory_space<vmem>> -> memref<512xi32, #tpu.memory_space<vmem>>
        %dma_start3A_58 = arith.constant 0 : i32
        %dma_start3A_59 = arith.constant 0 : i32
        %dma_start3A_60 = tpu.memref_slice %arg12[%dma_start3A_58, %dma_start3A_59] : memref<10000x64xf32, #tpu.memory_space<vmem_shared>> -> memref<10000x64xf32, #tpu.memory_space<vmem_shared>>
        tpu.enqueue_indirect_dma source(%dma_start3A_60 : memref<10000x64xf32, #tpu.memory_space<vmem_shared>>) target(%dma_start3A_54 : memref<512x64xf32, #tpu.memory_space<vmem>>) offsets(%dma_start3A_57 : memref<512xi32, #tpu.memory_space<vmem>>) semaphore(%arg14 : memref<!tpu.dma_semaphore, #tpu.memory_space<semaphore_mem>>)
        %dma_wait3A_61 = arith.constant 0 : i32
        %dma_wait3A_62 = arith.constant 0 : i32
        %dma_wait3A_63 = arith.constant 0 : i32
        %dma_wait3A_64 = arith.constant 0 : i32
        %dma_wait3A_65 = tpu.memref_slice %arg10[%dma_wait3A_62, %dma_wait3A_63, %dma_wait3A_64] : memref<2x512x64xf32, #tpu.memory_space<vmem>> -> memref<1x512x64xf32, #tpu.memory_space<vmem>>
        %dma_wait3A_66 = tpu.memref_squeeze %dma_wait3A_65 : memref<1x512x64xf32, #tpu.memory_space<vmem>> -> memref<512x64xf32, #tpu.memory_space<vmem>>
        %dma_wait3A_67 = arith.constant 0 : i32
        %dma_wait3A_68 = tpu.memref_slice %arg8[%dma_wait3A_61, %dma_wait3A_67] : memref<2x512xi32, #tpu.memory_space<vmem>> -> memref<1x512xi32, #tpu.memory_space<vmem>>
        %dma_wait3A_69 = tpu.memref_squeeze %dma_wait3A_68 : memref<1x512xi32, #tpu.memory_space<vmem>> -> memref<512xi32, #tpu.memory_space<vmem>>
        %dma_wait3A_70 = arith.constant 0 : i32
        %dma_wait3A_71 = arith.constant 0 : i32
        %dma_wait3A_72 = tpu.memref_slice %arg12[%dma_wait3A_70, %dma_wait3A_71] : memref<10000x64xf32, #tpu.memory_space<vmem_shared>> -> memref<10000x64xf32, #tpu.memory_space<vmem_shared>>
        tpu.wait_indirect_dma semaphore(%arg14 : memref<!tpu.dma_semaphore, #tpu.memory_space<semaphore_mem>>) src(%dma_wait3A_72 : memref<10000x64xf32, #tpu.memory_space<vmem_shared>>) dst(%dma_wait3A_66 : memref<512x64xf32, #tpu.memory_space<vmem>>)
        %dma_start3A_73 = arith.constant 0 : i32
        %dma_start3A_74 = arith.constant 0 : i32
        %dma_start3A_75 = arith.constant 0 : i32
        %dma_start3A_76 = arith.constant 0 : i32
        %dma_start3A_77 = tpu.memref_slice %arg10[%dma_start3A_73, %dma_start3A_75, %dma_start3A_76] : memref<2x512x64xf32, #tpu.memory_space<vmem>> -> memref<1x512x64xf32, #tpu.memory_space<vmem>>
        %dma_start3A_78 = tpu.memref_squeeze %dma_start3A_77 : memref<1x512x64xf32, #tpu.memory_space<vmem>> -> memref<512x64xf32, #tpu.memory_space<vmem>>
        %dma_start3A_79 = arith.constant 0 : i32
        %dma_start3A_80 = tpu.memref_slice %arg9[%dma_start3A_74, %dma_start3A_79] : memref<2x512xi32, #tpu.memory_space<vmem>> -> memref<1x512xi32, #tpu.memory_space<vmem>>
        %dma_start3A_81 = tpu.memref_squeeze %dma_start3A_80 : memref<1x512xi32, #tpu.memory_space<vmem>> -> memref<512xi32, #tpu.memory_space<vmem>>
        %dma_start3A_82 = arith.constant 0 : i32
        %dma_start3A_83 = arith.constant 0 : i32
        %dma_start3A_84 = tpu.memref_slice %arg13[%dma_start3A_82, %dma_start3A_83] : memref<5120x64xf32, #tpu.memory_space<vmem_shared>> -> memref<5120x64xf32, #tpu.memory_space<vmem_shared>>
        tpu.enqueue_indirect_dma source(%dma_start3A_78 : memref<512x64xf32, #tpu.memory_space<vmem>>) target(%dma_start3A_84 : memref<5120x64xf32, #tpu.memory_space<vmem_shared>>) offsets(%dma_start3A_81 : memref<512xi32, #tpu.memory_space<vmem>>) semaphore(%arg15 : memref<!tpu.dma_semaphore, #tpu.memory_space<semaphore_mem>>) {add = true}
        %mul3A_85 = arith.constant 2 : i32
        %mul3A_86 = arith.muli %scan3A_36, %mul3A_85 : i32
        %add3A_87 = arith.constant 1 : i32
        %add3A_88 = arith.addi %mul3A_86, %add3A_87 : i32
        %ge3A_89 = arith.constant 1 : i32
        %ge3A_90 = arith.cmpi sge, %scan3A_36, %ge3A_89 : i32
        %convert_element_type3A_91 = arith.extui %ge3A_90 : i1 to i32
        %cond3A_92 = arith.constant 0 : i32
        %cond3A_93 = arith.cmpi ne, %convert_element_type3A_91, %cond3A_92 : i32
        scf.if %cond3A_93 {
          %dma_wait3A_136 = arith.constant 1 : i32
          %dma_wait3A_137 = arith.constant 1 : i32
          %dma_wait3A_138 = arith.constant 0 : i32
          %dma_wait3A_139 = arith.constant 0 : i32
          %dma_wait3A_140 = tpu.memref_slice %arg10[%dma_wait3A_136, %dma_wait3A_138, %dma_wait3A_139] : memref<2x512x64xf32, #tpu.memory_space<vmem>> -> memref<1x512x64xf32, #tpu.memory_space<vmem>>
          %dma_wait3A_141 = tpu.memref_squeeze %dma_wait3A_140 : memref<1x512x64xf32, #tpu.memory_space<vmem>> -> memref<512x64xf32, #tpu.memory_space<vmem>>
          %dma_wait3A_142 = arith.constant 0 : i32
          %dma_wait3A_143 = tpu.memref_slice %arg9[%dma_wait3A_137, %dma_wait3A_142] : memref<2x512xi32, #tpu.memory_space<vmem>> -> memref<1x512xi32, #tpu.memory_space<vmem>>
          %dma_wait3A_144 = tpu.memref_squeeze %dma_wait3A_143 : memref<1x512xi32, #tpu.memory_space<vmem>> -> memref<512xi32, #tpu.memory_space<vmem>>
          %dma_wait3A_145 = arith.constant 0 : i32
          %dma_wait3A_146 = arith.constant 0 : i32
          %dma_wait3A_147 = tpu.memref_slice %arg13[%dma_wait3A_145, %dma_wait3A_146] : memref<5120x64xf32, #tpu.memory_space<vmem_shared>> -> memref<5120x64xf32, #tpu.memory_space<vmem_shared>>
          tpu.wait_indirect_dma semaphore(%arg16 : memref<!tpu.dma_semaphore, #tpu.memory_space<semaphore_mem>>) src(%dma_wait3A_141 : memref<512x64xf32, #tpu.memory_space<vmem>>) dst(%dma_wait3A_147 : memref<5120x64xf32, #tpu.memory_space<vmem_shared>>)
        } else {
        }
        %mul3A_94 = arith.constant 512 : i32
        %mul3A_95 = arith.muli %add3A_88, %mul3A_94 : i32
        %run_scoped3A_96 = arith.constant 1 : i32
        "tpu.region"() ({
          %run_scoped3A_136 = tpu.sem_alloc : memref<!tpu.dma_semaphore, #tpu.memory_space<semaphore_mem>>
          %dma_start3A_137 = arith.constant 0 : i32
          %dma_start3A_138 = tpu.memref_slice %arg8[%run_scoped3A_96, %dma_start3A_137] : memref<2x512xi32, #tpu.memory_space<vmem>> -> memref<1x512xi32, #tpu.memory_space<vmem>>
          %dma_start3A_139 = tpu.memref_squeeze %dma_start3A_138 : memref<1x512xi32, #tpu.memory_space<vmem>> -> memref<512xi32, #tpu.memory_space<vmem>>
          %dma_start3A_140 = tpu.memref_slice %arg3[%arg0, %arg1, %mul3A_95] : memref<2x16x20480xi32, #tpu.memory_space<hbm>> -> memref<1x1x512xi32, #tpu.memory_space<hbm>>
          %dma_start3A_141 = tpu.memref_squeeze %dma_start3A_140 : memref<1x1x512xi32, #tpu.memory_space<hbm>> -> memref<512xi32, #tpu.memory_space<hbm>>
          %dma_start3A_142 = arith.constant 0 : i32
          %dma_start3A_143 = tpu.memref_slice %arg8[%run_scoped3A_96, %dma_start3A_142] : memref<2x512xi32, #tpu.memory_space<vmem>> -> memref<1x512xi32, #tpu.memory_space<vmem>>
          %dma_start3A_144 = tpu.memref_squeeze %dma_start3A_143 : memref<1x512xi32, #tpu.memory_space<vmem>> -> memref<512xi32, #tpu.memory_space<vmem>>
          %dma_start3A_145 = tpu.memref_slice %arg3[%arg0, %arg1, %mul3A_95] : memref<2x16x20480xi32, #tpu.memory_space<hbm>> -> memref<1x1x512xi32, #tpu.memory_space<hbm>>
          %dma_start3A_146 = tpu.memref_squeeze %dma_start3A_145 : memref<1x1x512xi32, #tpu.memory_space<hbm>> -> memref<512xi32, #tpu.memory_space<hbm>>
          tpu.enqueue_dma source(%dma_start3A_146 : memref<512xi32, #tpu.memory_space<hbm>>) target(%dma_start3A_144 : memref<512xi32, #tpu.memory_space<vmem>>) target_semaphore(%run_scoped3A_136 : memref<!tpu.dma_semaphore, #tpu.memory_space<semaphore_mem>>)
          %dma_wait3A_147 = arith.constant 0 : i32
          %dma_wait3A_148 = tpu.memref_slice %arg8[%run_scoped3A_96, %dma_wait3A_147] : memref<2x512xi32, #tpu.memory_space<vmem>> -> memref<1x512xi32, #tpu.memory_space<vmem>>
          %dma_wait3A_149 = tpu.memref_squeeze %dma_wait3A_148 : memref<1x512xi32, #tpu.memory_space<vmem>> -> memref<512xi32, #tpu.memory_space<vmem>>
          %dma_wait3A_150 = tpu.memref_slice %arg3[%arg0, %arg1, %mul3A_95] : memref<2x16x20480xi32, #tpu.memory_space<hbm>> -> memref<1x1x512xi32, #tpu.memory_space<hbm>>
          %dma_wait3A_151 = tpu.memref_squeeze %dma_wait3A_150 : memref<1x1x512xi32, #tpu.memory_space<hbm>> -> memref<512xi32, #tpu.memory_space<hbm>>
          %dma_wait3A_152 = arith.constant 0 : i32
          %dma_wait3A_153 = tpu.memref_slice %arg8[%run_scoped3A_96, %dma_wait3A_152] : memref<2x512xi32, #tpu.memory_space<vmem>> -> memref<1x512xi32, #tpu.memory_space<vmem>>
          %dma_wait3A_154 = tpu.memref_squeeze %dma_wait3A_153 : memref<1x512xi32, #tpu.memory_space<vmem>> -> memref<512xi32, #tpu.memory_space<vmem>>
          %dma_wait3A_155 = tpu.memref_slice %arg3[%arg0, %arg1, %mul3A_95] : memref<2x16x20480xi32, #tpu.memory_space<hbm>> -> memref<1x1x512xi32, #tpu.memory_space<hbm>>
          %dma_wait3A_156 = tpu.memref_squeeze %dma_wait3A_155 : memref<1x1x512xi32, #tpu.memory_space<hbm>> -> memref<512xi32, #tpu.memory_space<hbm>>
          tpu.wait_dma2 semaphore(%run_scoped3A_136 : memref<!tpu.dma_semaphore, #tpu.memory_space<semaphore_mem>>) src(%dma_wait3A_156 : memref<512xi32, #tpu.memory_space<hbm>>) dst(%dma_wait3A_154 : memref<512xi32, #tpu.memory_space<vmem>>)
          tpu.yield
        }) : () -> ()
        %mul3A_97 = arith.constant 512 : i32
        %mul3A_98 = arith.muli %add3A_88, %mul3A_97 : i32
        %run_scoped3A_99 = arith.constant 1 : i32
        "tpu.region"() ({
          %run_scoped3A_136 = tpu.sem_alloc : memref<!tpu.dma_semaphore, #tpu.memory_space<semaphore_mem>>
          %dma_start3A_137 = arith.constant 0 : i32
          %dma_start3A_138 = tpu.memref_slice %arg9[%run_scoped3A_99, %dma_start3A_137] : memref<2x512xi32, #tpu.memory_space<vmem>> -> memref<1x512xi32, #tpu.memory_space<vmem>>
          %dma_start3A_139 = tpu.memref_squeeze %dma_start3A_138 : memref<1x512xi32, #tpu.memory_space<vmem>> -> memref<512xi32, #tpu.memory_space<vmem>>
          %dma_start3A_140 = tpu.memref_slice %arg4[%arg0, %arg1, %mul3A_98] : memref<2x16x20480xi32, #tpu.memory_space<hbm>> -> memref<1x1x512xi32, #tpu.memory_space<hbm>>
          %dma_start3A_141 = tpu.memref_squeeze %dma_start3A_140 : memref<1x1x512xi32, #tpu.memory_space<hbm>> -> memref<512xi32, #tpu.memory_space<hbm>>
          %dma_start3A_142 = arith.constant 0 : i32
          %dma_start3A_143 = tpu.memref_slice %arg9[%run_scoped3A_99, %dma_start3A_142] : memref<2x512xi32, #tpu.memory_space<vmem>> -> memref<1x512xi32, #tpu.memory_space<vmem>>
          %dma_start3A_144 = tpu.memref_squeeze %dma_start3A_143 : memref<1x512xi32, #tpu.memory_space<vmem>> -> memref<512xi32, #tpu.memory_space<vmem>>
          %dma_start3A_145 = tpu.memref_slice %arg4[%arg0, %arg1, %mul3A_98] : memref<2x16x20480xi32, #tpu.memory_space<hbm>> -> memref<1x1x512xi32, #tpu.memory_space<hbm>>
          %dma_start3A_146 = tpu.memref_squeeze %dma_start3A_145 : memref<1x1x512xi32, #tpu.memory_space<hbm>> -> memref<512xi32, #tpu.memory_space<hbm>>
          tpu.enqueue_dma source(%dma_start3A_146 : memref<512xi32, #tpu.memory_space<hbm>>) target(%dma_start3A_144 : memref<512xi32, #tpu.memory_space<vmem>>) target_semaphore(%run_scoped3A_136 : memref<!tpu.dma_semaphore, #tpu.memory_space<semaphore_mem>>)
          %dma_wait3A_147 = arith.constant 0 : i32
          %dma_wait3A_148 = tpu.memref_slice %arg9[%run_scoped3A_99, %dma_wait3A_147] : memref<2x512xi32, #tpu.memory_space<vmem>> -> memref<1x512xi32, #tpu.memory_space<vmem>>
          %dma_wait3A_149 = tpu.memref_squeeze %dma_wait3A_148 : memref<1x512xi32, #tpu.memory_space<vmem>> -> memref<512xi32, #tpu.memory_space<vmem>>
          %dma_wait3A_150 = tpu.memref_slice %arg4[%arg0, %arg1, %mul3A_98] : memref<2x16x20480xi32, #tpu.memory_space<hbm>> -> memref<1x1x512xi32, #tpu.memory_space<hbm>>
          %dma_wait3A_151 = tpu.memref_squeeze %dma_wait3A_150 : memref<1x1x512xi32, #tpu.memory_space<hbm>> -> memref<512xi32, #tpu.memory_space<hbm>>
          %dma_wait3A_152 = arith.constant 0 : i32
          %dma_wait3A_153 = tpu.memref_slice %arg9[%run_scoped3A_99, %dma_wait3A_152] : memref<2x512xi32, #tpu.memory_space<vmem>> -> memref<1x512xi32, #tpu.memory_space<vmem>>
          %dma_wait3A_154 = tpu.memref_squeeze %dma_wait3A_153 : memref<1x512xi32, #tpu.memory_space<vmem>> -> memref<512xi32, #tpu.memory_space<vmem>>
          %dma_wait3A_155 = tpu.memref_slice %arg4[%arg0, %arg1, %mul3A_98] : memref<2x16x20480xi32, #tpu.memory_space<hbm>> -> memref<1x1x512xi32, #tpu.memory_space<hbm>>
          %dma_wait3A_156 = tpu.memref_squeeze %dma_wait3A_155 : memref<1x1x512xi32, #tpu.memory_space<hbm>> -> memref<512xi32, #tpu.memory_space<hbm>>
          tpu.wait_dma2 semaphore(%run_scoped3A_136 : memref<!tpu.dma_semaphore, #tpu.memory_space<semaphore_mem>>) src(%dma_wait3A_156 : memref<512xi32, #tpu.memory_space<hbm>>) dst(%dma_wait3A_154 : memref<512xi32, #tpu.memory_space<vmem>>)
          tpu.yield
        }) : () -> ()
        %dma_start3A_100 = arith.constant 1 : i32
        %dma_start3A_101 = arith.constant 1 : i32
        %dma_start3A_102 = arith.constant 0 : i32
        %dma_start3A_103 = arith.constant 0 : i32
        %dma_start3A_104 = tpu.memref_slice %arg10[%dma_start3A_101, %dma_start3A_102, %dma_start3A_103] : memref<2x512x64xf32, #tpu.memory_space<vmem>> -> memref<1x512x64xf32, #tpu.memory_space<vmem>>
        %dma_start3A_105 = tpu.memref_squeeze %dma_start3A_104 : memref<1x512x64xf32, #tpu.memory_space<vmem>> -> memref<512x64xf32, #tpu.memory_space<vmem>>
        %dma_start3A_106 = arith.constant 0 : i32
        %dma_start3A_107 = tpu.memref_slice %arg8[%dma_start3A_100, %dma_start3A_106] : memref<2x512xi32, #tpu.memory_space<vmem>> -> memref<1x512xi32, #tpu.memory_space<vmem>>
        %dma_start3A_108 = tpu.memref_squeeze %dma_start3A_107 : memref<1x512xi32, #tpu.memory_space<vmem>> -> memref<512xi32, #tpu.memory_space<vmem>>
        %dma_start3A_109 = arith.constant 0 : i32
        %dma_start3A_110 = arith.constant 0 : i32
        %dma_start3A_111 = tpu.memref_slice %arg12[%dma_start3A_109, %dma_start3A_110] : memref<10000x64xf32, #tpu.memory_space<vmem_shared>> -> memref<10000x64xf32, #tpu.memory_space<vmem_shared>>
        tpu.enqueue_indirect_dma source(%dma_start3A_111 : memref<10000x64xf32, #tpu.memory_space<vmem_shared>>) target(%dma_start3A_105 : memref<512x64xf32, #tpu.memory_space<vmem>>) offsets(%dma_start3A_108 : memref<512xi32, #tpu.memory_space<vmem>>) semaphore(%arg14 : memref<!tpu.dma_semaphore, #tpu.memory_space<semaphore_mem>>)
        %dma_wait3A_112 = arith.constant 1 : i32
        %dma_wait3A_113 = arith.constant 1 : i32
        %dma_wait3A_114 = arith.constant 0 : i32
        %dma_wait3A_115 = arith.constant 0 : i32
        %dma_wait3A_116 = tpu.memref_slice %arg10[%dma_wait3A_113, %dma_wait3A_114, %dma_wait3A_115] : memref<2x512x64xf32, #tpu.memory_space<vmem>> -> memref<1x512x64xf32, #tpu.memory_space<vmem>>
        %dma_wait3A_117 = tpu.memref_squeeze %dma_wait3A_116 : memref<1x512x64xf32, #tpu.memory_space<vmem>> -> memref<512x64xf32, #tpu.memory_space<vmem>>
        %dma_wait3A_118 = arith.constant 0 : i32
        %dma_wait3A_119 = tpu.memref_slice %arg8[%dma_wait3A_112, %dma_wait3A_118] : memref<2x512xi32, #tpu.memory_space<vmem>> -> memref<1x512xi32, #tpu.memory_space<vmem>>
        %dma_wait3A_120 = tpu.memref_squeeze %dma_wait3A_119 : memref<1x512xi32, #tpu.memory_space<vmem>> -> memref<512xi32, #tpu.memory_space<vmem>>
        %dma_wait3A_121 = arith.constant 0 : i32
        %dma_wait3A_122 = arith.constant 0 : i32
        %dma_wait3A_123 = tpu.memref_slice %arg12[%dma_wait3A_121, %dma_wait3A_122] : memref<10000x64xf32, #tpu.memory_space<vmem_shared>> -> memref<10000x64xf32, #tpu.memory_space<vmem_shared>>
        tpu.wait_indirect_dma semaphore(%arg14 : memref<!tpu.dma_semaphore, #tpu.memory_space<semaphore_mem>>) src(%dma_wait3A_123 : memref<10000x64xf32, #tpu.memory_space<vmem_shared>>) dst(%dma_wait3A_117 : memref<512x64xf32, #tpu.memory_space<vmem>>)
        %dma_start3A_124 = arith.constant 1 : i32
        %dma_start3A_125 = arith.constant 1 : i32
        %dma_start3A_126 = arith.constant 0 : i32
        %dma_start3A_127 = arith.constant 0 : i32
        %dma_start3A_128 = tpu.memref_slice %arg10[%dma_start3A_124, %dma_start3A_126, %dma_start3A_127] : memref<2x512x64xf32, #tpu.memory_space<vmem>> -> memref<1x512x64xf32, #tpu.memory_space<vmem>>
        %dma_start3A_129 = tpu.memref_squeeze %dma_start3A_128 : memref<1x512x64xf32, #tpu.memory_space<vmem>> -> memref<512x64xf32, #tpu.memory_space<vmem>>
        %dma_start3A_130 = arith.constant 0 : i32
        %dma_start3A_131 = tpu.memref_slice %arg9[%dma_start3A_125, %dma_start3A_130] : memref<2x512xi32, #tpu.memory_space<vmem>> -> memref<1x512xi32, #tpu.memory_space<vmem>>
        %dma_start3A_132 = tpu.memref_squeeze %dma_start3A_131 : memref<1x512xi32, #tpu.memory_space<vmem>> -> memref<512xi32, #tpu.memory_space<vmem>>
        %dma_start3A_133 = arith.constant 0 : i32
        %dma_start3A_134 = arith.constant 0 : i32
        %dma_start3A_135 = tpu.memref_slice %arg13[%dma_start3A_133, %dma_start3A_134] : memref<5120x64xf32, #tpu.memory_space<vmem_shared>> -> memref<5120x64xf32, #tpu.memory_space<vmem_shared>>
        tpu.enqueue_indirect_dma source(%dma_start3A_129 : memref<512x64xf32, #tpu.memory_space<vmem>>) target(%dma_start3A_135 : memref<5120x64xf32, #tpu.memory_space<vmem_shared>>) offsets(%dma_start3A_132 : memref<512xi32, #tpu.memory_space<vmem>>) semaphore(%arg16 : memref<!tpu.dma_semaphore, #tpu.memory_space<semaphore_mem>>) {add = true}
      } else {
      }
    }
    %scan3A_11 = arith.constant 20 : i32
    %dma_wait3A = arith.constant 0 : i32
    %dma_wait3A_12 = arith.constant 0 : i32
    %dma_wait3A_13 = arith.constant 0 : i32
    %dma_wait3A_14 = arith.constant 0 : i32
    %dma_wait3A_15 = tpu.memref_slice %arg10[%dma_wait3A, %dma_wait3A_13, %dma_wait3A_14] : memref<2x512x64xf32, #tpu.memory_space<vmem>> -> memref<1x512x64xf32, #tpu.memory_space<vmem>>
    %dma_wait3A_16 = tpu.memref_squeeze %dma_wait3A_15 : memref<1x512x64xf32, #tpu.memory_space<vmem>> -> memref<512x64xf32, #tpu.memory_space<vmem>>
    %dma_wait3A_17 = arith.constant 0 : i32
    %dma_wait3A_18 = tpu.memref_slice %arg9[%dma_wait3A_12, %dma_wait3A_17] : memref<2x512xi32, #tpu.memory_space<vmem>> -> memref<1x512xi32, #tpu.memory_space<vmem>>
    %dma_wait3A_19 = tpu.memref_squeeze %dma_wait3A_18 : memref<1x512xi32, #tpu.memory_space<vmem>> -> memref<512xi32, #tpu.memory_space<vmem>>
    %dma_wait3A_20 = arith.constant 0 : i32
    %dma_wait3A_21 = arith.constant 0 : i32
    %dma_wait3A_22 = tpu.memref_slice %arg13[%dma_wait3A_20, %dma_wait3A_21] : memref<5120x64xf32, #tpu.memory_space<vmem_shared>> -> memref<5120x64xf32, #tpu.memory_space<vmem_shared>>
    tpu.wait_indirect_dma semaphore(%arg15 : memref<!tpu.dma_semaphore, #tpu.memory_space<semaphore_mem>>) src(%dma_wait3A_16 : memref<512x64xf32, #tpu.memory_space<vmem>>) dst(%dma_wait3A_22 : memref<5120x64xf32, #tpu.memory_space<vmem_shared>>)
    %dma_wait3A_23 = arith.constant 1 : i32
    %dma_wait3A_24 = arith.constant 1 : i32
    %dma_wait3A_25 = arith.constant 0 : i32
    %dma_wait3A_26 = arith.constant 0 : i32
    %dma_wait3A_27 = tpu.memref_slice %arg10[%dma_wait3A_23, %dma_wait3A_25, %dma_wait3A_26] : memref<2x512x64xf32, #tpu.memory_space<vmem>> -> memref<1x512x64xf32, #tpu.memory_space<vmem>>
    %dma_wait3A_28 = tpu.memref_squeeze %dma_wait3A_27 : memref<1x512x64xf32, #tpu.memory_space<vmem>> -> memref<512x64xf32, #tpu.memory_space<vmem>>
    %dma_wait3A_29 = arith.constant 0 : i32
    %dma_wait3A_30 = tpu.memref_slice %arg9[%dma_wait3A_24, %dma_wait3A_29] : memref<2x512xi32, #tpu.memory_space<vmem>> -> memref<1x512xi32, #tpu.memory_space<vmem>>
    %dma_wait3A_31 = tpu.memref_squeeze %dma_wait3A_30 : memref<1x512xi32, #tpu.memory_space<vmem>> -> memref<512xi32, #tpu.memory_space<vmem>>
    %dma_wait3A_32 = arith.constant 0 : i32
    %dma_wait3A_33 = arith.constant 0 : i32
    %dma_wait3A_34 = tpu.memref_slice %arg13[%dma_wait3A_32, %dma_wait3A_33] : memref<5120x64xf32, #tpu.memory_space<vmem_shared>> -> memref<5120x64xf32, #tpu.memory_space<vmem_shared>>
    tpu.wait_indirect_dma semaphore(%arg16 : memref<!tpu.dma_semaphore, #tpu.memory_space<semaphore_mem>>) src(%dma_wait3A_28 : memref<512x64xf32, #tpu.memory_space<vmem>>) dst(%dma_wait3A_34 : memref<5120x64xf32, #tpu.memory_space<vmem_shared>>)
    %barrier3A_35 = arith.constant 0 : index
    tpu.barrier barrier_id(%barrier3A_35)
    "tpu.region"() ({
      %run_scoped3A = tpu.sem_alloc : memref<!tpu.dma_semaphore, #tpu.memory_space<semaphore_mem>>
      %dma_start3A = arith.constant 0 : i32
      %dma_start3A_36 = tpu.memref_slice %arg7[%arg0, %mul3A_0, %dma_start3A] : memref<2x5120x64xf32, #tpu.memory_space<hbm>> -> memref<1x320x64xf32, #tpu.memory_space<hbm>>
      %dma_start3A_37 = tpu.memref_squeeze %dma_start3A_36 : memref<1x320x64xf32, #tpu.memory_space<hbm>> -> memref<320x64xf32, #tpu.memory_space<hbm>>
      %dma_start3A_38 = arith.constant 0 : i32
      %dma_start3A_39 = tpu.memref_slice %arg13[%mul3A_0, %dma_start3A_38] : memref<5120x64xf32, #tpu.memory_space<vmem_shared>> -> memref<320x64xf32, #tpu.memory_space<vmem_shared>>
      tpu.enqueue_dma source(%dma_start3A_39 : memref<320x64xf32, #tpu.memory_space<vmem_shared>>) target(%dma_start3A_37 : memref<320x64xf32, #tpu.memory_space<hbm>>) target_semaphore(%run_scoped3A : memref<!tpu.dma_semaphore, #tpu.memory_space<semaphore_mem>>)
      %dma_wait3A_40 = arith.constant 0 : i32
      %dma_wait3A_41 = tpu.memref_slice %arg7[%arg0, %mul3A_0, %dma_wait3A_40] : memref<2x5120x64xf32, #tpu.memory_space<hbm>> -> memref<1x320x64xf32, #tpu.memory_space<hbm>>
      %dma_wait3A_42 = tpu.memref_squeeze %dma_wait3A_41 : memref<1x320x64xf32, #tpu.memory_space<hbm>> -> memref<320x64xf32, #tpu.memory_space<hbm>>
      %dma_wait3A_43 = arith.constant 0 : i32
      %dma_wait3A_44 = tpu.memref_slice %arg13[%mul3A_0, %dma_wait3A_43] : memref<5120x64xf32, #tpu.memory_space<vmem_shared>> -> memref<320x64xf32, #tpu.memory_space<vmem_shared>>
      tpu.wait_dma2 semaphore(%run_scoped3A : memref<!tpu.dma_semaphore, #tpu.memory_space<semaphore_mem>>) src(%dma_wait3A_44 : memref<320x64xf32, #tpu.memory_space<vmem_shared>>) dst(%dma_wait3A_42 : memref<320x64xf32, #tpu.memory_space<hbm>>)
      tpu.yield
    }) : () -> ()
    return
  }
}

#map = affine_map<(d0, d1) -> (0, 0)>
#map1 = affine_map<(d0, d1) -> (0, 0, 0)>
module attributes {stable_mosaic.version = 14 : i64} {
  func.func @_sc_agg_body(%arg0: i32, %arg1: i32, %arg2: memref<10000x64xf32, #tpu.memory_space<hbm>>, %arg3: memref<2x16x20480xi32, #tpu.memory_space<hbm>>, %arg4: memref<2x16x20480xi32, #tpu.memory_space<hbm>>, %arg5: memref<2x16x16xi32, #tpu.memory_space<hbm>>, %arg6: memref<5120x64xf32, #tpu.memory_space<hbm>>, %arg7: memref<2x5120x64xf32, #tpu.memory_space<hbm>>, %arg8: memref<2x512xi32, #tpu.memory_space<vmem>>, %arg9: memref<2x512xi32, #tpu.memory_space<vmem>>, %arg10: memref<2x512x64xf32, #tpu.memory_space<vmem>>, %arg11: memref<16xi32, #tpu.memory_space<vmem>>, %arg12: memref<10000x64xf32, #tpu.memory_space<vmem_shared>>, %arg13: memref<5120x64xf32, #tpu.memory_space<vmem_shared>>, %arg14: memref<!tpu.dma_semaphore, #tpu.memory_space<semaphore_mem>>, %arg15: memref<!tpu.dma_semaphore, #tpu.memory_space<semaphore_mem>>, %arg16: memref<!tpu.dma_semaphore, #tpu.memory_space<semaphore_mem>>) attributes {dimension_semantics = [#tpu.dimension_semantics<core_parallel>, #tpu.dimension_semantics<subcore_parallel>], iteration_bounds = array<i64: 2, 16>, scalar_prefetch = 0 : i64, scratch_operands = 9 : i64, tpu.core_type = #tpu.core_type<sc_vector_subcore>, window_params = [{transform_indices = #map}, {transform_indices = #map1}, {transform_indices = #map1}, {transform_indices = #map1}, {transform_indices = #map}, {transform_indices = #map1}]} {
    %mul3A = arith.constant 320 : i32
    %mul3A_0 = arith.muli %arg1, %mul3A : i32
    "tpu.region"() ({
      %run_scoped3A = tpu.sem_alloc : memref<!tpu.dma_semaphore, #tpu.memory_space<semaphore_mem>>
      %dma_start3A = arith.constant 0 : i32
      %dma_start3A_36 = tpu.memref_slice %arg13[%mul3A_0, %dma_start3A] : memref<5120x64xf32, #tpu.memory_space<vmem_shared>> -> memref<320x64xf32, #tpu.memory_space<vmem_shared>>
      %dma_start3A_37 = arith.constant 0 : i32
      %dma_start3A_38 = tpu.memref_slice %arg6[%mul3A_0, %dma_start3A_37] : memref<5120x64xf32, #tpu.memory_space<hbm>> -> memref<320x64xf32, #tpu.memory_space<hbm>>
      tpu.enqueue_dma source(%dma_start3A_38 : memref<320x64xf32, #tpu.memory_space<hbm>>) target(%dma_start3A_36 : memref<320x64xf32, #tpu.memory_space<vmem_shared>>) target_semaphore(%run_scoped3A : memref<!tpu.dma_semaphore, #tpu.memory_space<semaphore_mem>>)
      %dma_wait3A_39 = arith.constant 0 : i32
      %dma_wait3A_40 = tpu.memref_slice %arg13[%mul3A_0, %dma_wait3A_39] : memref<5120x64xf32, #tpu.memory_space<vmem_shared>> -> memref<320x64xf32, #tpu.memory_space<vmem_shared>>
      %dma_wait3A_41 = arith.constant 0 : i32
      %dma_wait3A_42 = tpu.memref_slice %arg6[%mul3A_0, %dma_wait3A_41] : memref<5120x64xf32, #tpu.memory_space<hbm>> -> memref<320x64xf32, #tpu.memory_space<hbm>>
      tpu.wait_dma2 semaphore(%run_scoped3A : memref<!tpu.dma_semaphore, #tpu.memory_space<semaphore_mem>>) src(%dma_wait3A_42 : memref<320x64xf32, #tpu.memory_space<hbm>>) dst(%dma_wait3A_40 : memref<320x64xf32, #tpu.memory_space<vmem_shared>>)
      tpu.yield
    }) : () -> ()
    %mul3A_1 = arith.constant 625 : i32
    %mul3A_2 = arith.muli %arg1, %mul3A_1 : i32
    %mul3A_3 = arith.constant 625 : i32
    %mul3A_4 = arith.muli %arg1, %mul3A_3 : i32
    "tpu.region"() ({
      %run_scoped3A = tpu.sem_alloc : memref<!tpu.dma_semaphore, #tpu.memory_space<semaphore_mem>>
      %dma_start3A = arith.constant 0 : i32
      %dma_start3A_36 = tpu.memref_slice %arg12[%mul3A_4, %dma_start3A] : memref<10000x64xf32, #tpu.memory_space<vmem_shared>> -> memref<625x64xf32, #tpu.memory_space<vmem_shared>>
      %dma_start3A_37 = arith.constant 0 : i32
      %dma_start3A_38 = tpu.memref_slice %arg2[%mul3A_2, %dma_start3A_37] : memref<10000x64xf32, #tpu.memory_space<hbm>> -> memref<625x64xf32, #tpu.memory_space<hbm>>
      tpu.enqueue_dma source(%dma_start3A_38 : memref<625x64xf32, #tpu.memory_space<hbm>>) target(%dma_start3A_36 : memref<625x64xf32, #tpu.memory_space<vmem_shared>>) target_semaphore(%run_scoped3A : memref<!tpu.dma_semaphore, #tpu.memory_space<semaphore_mem>>)
      %dma_wait3A_39 = arith.constant 0 : i32
      %dma_wait3A_40 = tpu.memref_slice %arg12[%mul3A_4, %dma_wait3A_39] : memref<10000x64xf32, #tpu.memory_space<vmem_shared>> -> memref<625x64xf32, #tpu.memory_space<vmem_shared>>
      %dma_wait3A_41 = arith.constant 0 : i32
      %dma_wait3A_42 = tpu.memref_slice %arg2[%mul3A_2, %dma_wait3A_41] : memref<10000x64xf32, #tpu.memory_space<hbm>> -> memref<625x64xf32, #tpu.memory_space<hbm>>
      tpu.wait_dma2 semaphore(%run_scoped3A : memref<!tpu.dma_semaphore, #tpu.memory_space<semaphore_mem>>) src(%dma_wait3A_42 : memref<625x64xf32, #tpu.memory_space<hbm>>) dst(%dma_wait3A_40 : memref<625x64xf32, #tpu.memory_space<vmem_shared>>)
      tpu.yield
    }) : () -> ()
    "tpu.region"() ({
      %run_scoped3A = tpu.sem_alloc : memref<!tpu.dma_semaphore, #tpu.memory_space<semaphore_mem>>
      %dma_start3A = arith.constant 0 : i32
      %dma_start3A_36 = tpu.memref_slice %arg5[%arg0, %arg1, %dma_start3A] : memref<2x16x16xi32, #tpu.memory_space<hbm>> -> memref<1x1x16xi32, #tpu.memory_space<hbm>>
      %dma_start3A_37 = tpu.memref_squeeze %dma_start3A_36 : memref<1x1x16xi32, #tpu.memory_space<hbm>> -> memref<16xi32, #tpu.memory_space<hbm>>
      %dma_start3A_38 = arith.constant 0 : i32
      %dma_start3A_39 = tpu.memref_slice %arg5[%arg0, %arg1, %dma_start3A_38] : memref<2x16x16xi32, #tpu.memory_space<hbm>> -> memref<1x1x16xi32, #tpu.memory_space<hbm>>
      %dma_start3A_40 = tpu.memref_squeeze %dma_start3A_39 : memref<1x1x16xi32, #tpu.memory_space<hbm>> -> memref<16xi32, #tpu.memory_space<hbm>>
      tpu.enqueue_dma source(%dma_start3A_40 : memref<16xi32, #tpu.memory_space<hbm>>) target(%arg11 : memref<16xi32, #tpu.memory_space<vmem>>) target_semaphore(%run_scoped3A : memref<!tpu.dma_semaphore, #tpu.memory_space<semaphore_mem>>)
      %dma_wait3A_41 = arith.constant 0 : i32
      %dma_wait3A_42 = tpu.memref_slice %arg5[%arg0, %arg1, %dma_wait3A_41] : memref<2x16x16xi32, #tpu.memory_space<hbm>> -> memref<1x1x16xi32, #tpu.memory_space<hbm>>
      %dma_wait3A_43 = tpu.memref_squeeze %dma_wait3A_42 : memref<1x1x16xi32, #tpu.memory_space<hbm>> -> memref<16xi32, #tpu.memory_space<hbm>>
      %dma_wait3A_44 = arith.constant 0 : i32
      %dma_wait3A_45 = tpu.memref_slice %arg5[%arg0, %arg1, %dma_wait3A_44] : memref<2x16x16xi32, #tpu.memory_space<hbm>> -> memref<1x1x16xi32, #tpu.memory_space<hbm>>
      %dma_wait3A_46 = tpu.memref_squeeze %dma_wait3A_45 : memref<1x1x16xi32, #tpu.memory_space<hbm>> -> memref<16xi32, #tpu.memory_space<hbm>>
      tpu.wait_dma2 semaphore(%run_scoped3A : memref<!tpu.dma_semaphore, #tpu.memory_space<semaphore_mem>>) src(%dma_wait3A_46 : memref<16xi32, #tpu.memory_space<hbm>>) dst(%arg11 : memref<16xi32, #tpu.memory_space<vmem>>)
      tpu.yield
    }) : () -> ()
    %barrier3A = arith.constant 0 : index
    tpu.barrier barrier_id(%barrier3A)
    %get3A = arith.constant 0 : index
    %get3A_5 = tpu.vector_load %arg11[%get3A] {strides = array<i32>} : memref<16xi32, #tpu.memory_space<vmem>>, vector<16xi32>,
    %get3A_6 = vector.shape_cast %get3A_5 : vector<16xi32> to vector<16xi32>
    %slice3A = vector.extract_strided_slice %get3A_6 {offsets = [0], sizes = [1], strides = [1]} : vector<16xi32> to vector<1xi32>
    %squeeze3A = vector.extract %slice3A[0] : i32 from vector<1xi32>
    %scan3A = arith.constant 0 : i32
    %scan3A_7 = arith.constant 0 : i32
    %scan3A_8 = arith.constant 20 : i32
    %scan3A_9 = arith.addi %scan3A_7, %scan3A_8 : i32
    %scan3A_10 = arith.constant 1 : i32
    scf.for %scan3A_36 = %scan3A_7 to %scan3A_9 step %scan3A_10  : i32 {
      %lt3A = arith.cmpi slt, %scan3A_36, %squeeze3A : i32
      %convert_element_type3A = arith.extui %lt3A : i1 to i32
      %cond3A = arith.constant 0 : i32
      %cond3A_37 = arith.cmpi ne, %convert_element_type3A, %cond3A : i32
      scf.if %cond3A_37 {
        %mul3A_38 = arith.constant 2 : i32
        %mul3A_39 = arith.muli %scan3A_36, %mul3A_38 : i32
        %add3A = arith.constant 0 : i32
        %add3A_40 = arith.addi %mul3A_39, %add3A : i32
        %ge3A = arith.constant 1 : i32
        %ge3A_41 = arith.cmpi sge, %scan3A_36, %ge3A : i32
        %convert_element_type3A_42 = arith.extui %ge3A_41 : i1 to i32
        %cond3A_43 = arith.constant 0 : i32
        %cond3A_44 = arith.cmpi ne, %convert_element_type3A_42, %cond3A_43 : i32
        scf.if %cond3A_44 {
          %dma_wait3A_136 = arith.constant 0 : i32
          %dma_wait3A_137 = arith.constant 0 : i32
          %dma_wait3A_138 = arith.constant 0 : i32
          %dma_wait3A_139 = arith.constant 0 : i32
          %dma_wait3A_140 = tpu.memref_slice %arg10[%dma_wait3A_136, %dma_wait3A_138, %dma_wait3A_139] : memref<2x512x64xf32, #tpu.memory_space<vmem>> -> memref<1x512x64xf32, #tpu.memory_space<vmem>>
          %dma_wait3A_141 = tpu.memref_squeeze %dma_wait3A_140 : memref<1x512x64xf32, #tpu.memory_space<vmem>> -> memref<512x64xf32, #tpu.memory_space<vmem>>
          %dma_wait3A_142 = arith.constant 0 : i32
          %dma_wait3A_143 = tpu.memref_slice %arg9[%dma_wait3A_137, %dma_wait3A_142] : memref<2x512xi32, #tpu.memory_space<vmem>> -> memref<1x512xi32, #tpu.memory_space<vmem>>
          %dma_wait3A_144 = tpu.memref_squeeze %dma_wait3A_143 : memref<1x512xi32, #tpu.memory_space<vmem>> -> memref<512xi32, #tpu.memory_space<vmem>>
          %dma_wait3A_145 = arith.constant 0 : i32
          %dma_wait3A_146 = arith.constant 0 : i32
          %dma_wait3A_147 = tpu.memref_slice %arg13[%dma_wait3A_145, %dma_wait3A_146] : memref<5120x64xf32, #tpu.memory_space<vmem_shared>> -> memref<5120x64xf32, #tpu.memory_space<vmem_shared>>
          tpu.wait_indirect_dma semaphore(%arg15 : memref<!tpu.dma_semaphore, #tpu.memory_space<semaphore_mem>>) src(%dma_wait3A_141 : memref<512x64xf32, #tpu.memory_space<vmem>>) dst(%dma_wait3A_147 : memref<5120x64xf32, #tpu.memory_space<vmem_shared>>)
        } else {
        }
        %mul3A_45 = arith.constant 512 : i32
        %mul3A_46 = arith.muli %add3A_40, %mul3A_45 : i32
        %run_scoped3A = arith.constant 0 : i32
        "tpu.region"() ({
          %run_scoped3A_136 = tpu.sem_alloc : memref<!tpu.dma_semaphore, #tpu.memory_space<semaphore_mem>>
          %dma_start3A_137 = arith.constant 0 : i32
          %dma_start3A_138 = tpu.memref_slice %arg8[%run_scoped3A, %dma_start3A_137] : memref<2x512xi32, #tpu.memory_space<vmem>> -> memref<1x512xi32, #tpu.memory_space<vmem>>
          %dma_start3A_139 = tpu.memref_squeeze %dma_start3A_138 : memref<1x512xi32, #tpu.memory_space<vmem>> -> memref<512xi32, #tpu.memory_space<vmem>>
          %dma_start3A_140 = tpu.memref_slice %arg3[%arg0, %arg1, %mul3A_46] : memref<2x16x20480xi32, #tpu.memory_space<hbm>> -> memref<1x1x512xi32, #tpu.memory_space<hbm>>
          %dma_start3A_141 = tpu.memref_squeeze %dma_start3A_140 : memref<1x1x512xi32, #tpu.memory_space<hbm>> -> memref<512xi32, #tpu.memory_space<hbm>>
          %dma_start3A_142 = arith.constant 0 : i32
          %dma_start3A_143 = tpu.memref_slice %arg8[%run_scoped3A, %dma_start3A_142] : memref<2x512xi32, #tpu.memory_space<vmem>> -> memref<1x512xi32, #tpu.memory_space<vmem>>
          %dma_start3A_144 = tpu.memref_squeeze %dma_start3A_143 : memref<1x512xi32, #tpu.memory_space<vmem>> -> memref<512xi32, #tpu.memory_space<vmem>>
          %dma_start3A_145 = tpu.memref_slice %arg3[%arg0, %arg1, %mul3A_46] : memref<2x16x20480xi32, #tpu.memory_space<hbm>> -> memref<1x1x512xi32, #tpu.memory_space<hbm>>
          %dma_start3A_146 = tpu.memref_squeeze %dma_start3A_145 : memref<1x1x512xi32, #tpu.memory_space<hbm>> -> memref<512xi32, #tpu.memory_space<hbm>>
          tpu.enqueue_dma source(%dma_start3A_146 : memref<512xi32, #tpu.memory_space<hbm>>) target(%dma_start3A_144 : memref<512xi32, #tpu.memory_space<vmem>>) target_semaphore(%run_scoped3A_136 : memref<!tpu.dma_semaphore, #tpu.memory_space<semaphore_mem>>)
          %dma_wait3A_147 = arith.constant 0 : i32
          %dma_wait3A_148 = tpu.memref_slice %arg8[%run_scoped3A, %dma_wait3A_147] : memref<2x512xi32, #tpu.memory_space<vmem>> -> memref<1x512xi32, #tpu.memory_space<vmem>>
          %dma_wait3A_149 = tpu.memref_squeeze %dma_wait3A_148 : memref<1x512xi32, #tpu.memory_space<vmem>> -> memref<512xi32, #tpu.memory_space<vmem>>
          %dma_wait3A_150 = tpu.memref_slice %arg3[%arg0, %arg1, %mul3A_46] : memref<2x16x20480xi32, #tpu.memory_space<hbm>> -> memref<1x1x512xi32, #tpu.memory_space<hbm>>
          %dma_wait3A_151 = tpu.memref_squeeze %dma_wait3A_150 : memref<1x1x512xi32, #tpu.memory_space<hbm>> -> memref<512xi32, #tpu.memory_space<hbm>>
          %dma_wait3A_152 = arith.constant 0 : i32
          %dma_wait3A_153 = tpu.memref_slice %arg8[%run_scoped3A, %dma_wait3A_152] : memref<2x512xi32, #tpu.memory_space<vmem>> -> memref<1x512xi32, #tpu.memory_space<vmem>>
          %dma_wait3A_154 = tpu.memref_squeeze %dma_wait3A_153 : memref<1x512xi32, #tpu.memory_space<vmem>> -> memref<512xi32, #tpu.memory_space<vmem>>
          %dma_wait3A_155 = tpu.memref_slice %arg3[%arg0, %arg1, %mul3A_46] : memref<2x16x20480xi32, #tpu.memory_space<hbm>> -> memref<1x1x512xi32, #tpu.memory_space<hbm>>
          %dma_wait3A_156 = tpu.memref_squeeze %dma_wait3A_155 : memref<1x1x512xi32, #tpu.memory_space<hbm>> -> memref<512xi32, #tpu.memory_space<hbm>>
          tpu.wait_dma2 semaphore(%run_scoped3A_136 : memref<!tpu.dma_semaphore, #tpu.memory_space<semaphore_mem>>) src(%dma_wait3A_156 : memref<512xi32, #tpu.memory_space<hbm>>) dst(%dma_wait3A_154 : memref<512xi32, #tpu.memory_space<vmem>>)
          tpu.yield
        }) : () -> ()
        %mul3A_47 = arith.constant 512 : i32
        %mul3A_48 = arith.muli %add3A_40, %mul3A_47 : i32
        %run_scoped3A_49 = arith.constant 0 : i32
        "tpu.region"() ({
          %run_scoped3A_136 = tpu.sem_alloc : memref<!tpu.dma_semaphore, #tpu.memory_space<semaphore_mem>>
          %dma_start3A_137 = arith.constant 0 : i32
          %dma_start3A_138 = tpu.memref_slice %arg9[%run_scoped3A_49, %dma_start3A_137] : memref<2x512xi32, #tpu.memory_space<vmem>> -> memref<1x512xi32, #tpu.memory_space<vmem>>
          %dma_start3A_139 = tpu.memref_squeeze %dma_start3A_138 : memref<1x512xi32, #tpu.memory_space<vmem>> -> memref<512xi32, #tpu.memory_space<vmem>>
          %dma_start3A_140 = tpu.memref_slice %arg4[%arg0, %arg1, %mul3A_48] : memref<2x16x20480xi32, #tpu.memory_space<hbm>> -> memref<1x1x512xi32, #tpu.memory_space<hbm>>
          %dma_start3A_141 = tpu.memref_squeeze %dma_start3A_140 : memref<1x1x512xi32, #tpu.memory_space<hbm>> -> memref<512xi32, #tpu.memory_space<hbm>>
          %dma_start3A_142 = arith.constant 0 : i32
          %dma_start3A_143 = tpu.memref_slice %arg9[%run_scoped3A_49, %dma_start3A_142] : memref<2x512xi32, #tpu.memory_space<vmem>> -> memref<1x512xi32, #tpu.memory_space<vmem>>
          %dma_start3A_144 = tpu.memref_squeeze %dma_start3A_143 : memref<1x512xi32, #tpu.memory_space<vmem>> -> memref<512xi32, #tpu.memory_space<vmem>>
          %dma_start3A_145 = tpu.memref_slice %arg4[%arg0, %arg1, %mul3A_48] : memref<2x16x20480xi32, #tpu.memory_space<hbm>> -> memref<1x1x512xi32, #tpu.memory_space<hbm>>
          %dma_start3A_146 = tpu.memref_squeeze %dma_start3A_145 : memref<1x1x512xi32, #tpu.memory_space<hbm>> -> memref<512xi32, #tpu.memory_space<hbm>>
          tpu.enqueue_dma source(%dma_start3A_146 : memref<512xi32, #tpu.memory_space<hbm>>) target(%dma_start3A_144 : memref<512xi32, #tpu.memory_space<vmem>>) target_semaphore(%run_scoped3A_136 : memref<!tpu.dma_semaphore, #tpu.memory_space<semaphore_mem>>)
          %dma_wait3A_147 = arith.constant 0 : i32
          %dma_wait3A_148 = tpu.memref_slice %arg9[%run_scoped3A_49, %dma_wait3A_147] : memref<2x512xi32, #tpu.memory_space<vmem>> -> memref<1x512xi32, #tpu.memory_space<vmem>>
          %dma_wait3A_149 = tpu.memref_squeeze %dma_wait3A_148 : memref<1x512xi32, #tpu.memory_space<vmem>> -> memref<512xi32, #tpu.memory_space<vmem>>
          %dma_wait3A_150 = tpu.memref_slice %arg4[%arg0, %arg1, %mul3A_48] : memref<2x16x20480xi32, #tpu.memory_space<hbm>> -> memref<1x1x512xi32, #tpu.memory_space<hbm>>
          %dma_wait3A_151 = tpu.memref_squeeze %dma_wait3A_150 : memref<1x1x512xi32, #tpu.memory_space<hbm>> -> memref<512xi32, #tpu.memory_space<hbm>>
          %dma_wait3A_152 = arith.constant 0 : i32
          %dma_wait3A_153 = tpu.memref_slice %arg9[%run_scoped3A_49, %dma_wait3A_152] : memref<2x512xi32, #tpu.memory_space<vmem>> -> memref<1x512xi32, #tpu.memory_space<vmem>>
          %dma_wait3A_154 = tpu.memref_squeeze %dma_wait3A_153 : memref<1x512xi32, #tpu.memory_space<vmem>> -> memref<512xi32, #tpu.memory_space<vmem>>
          %dma_wait3A_155 = tpu.memref_slice %arg4[%arg0, %arg1, %mul3A_48] : memref<2x16x20480xi32, #tpu.memory_space<hbm>> -> memref<1x1x512xi32, #tpu.memory_space<hbm>>
          %dma_wait3A_156 = tpu.memref_squeeze %dma_wait3A_155 : memref<1x1x512xi32, #tpu.memory_space<hbm>> -> memref<512xi32, #tpu.memory_space<hbm>>
          tpu.wait_dma2 semaphore(%run_scoped3A_136 : memref<!tpu.dma_semaphore, #tpu.memory_space<semaphore_mem>>) src(%dma_wait3A_156 : memref<512xi32, #tpu.memory_space<hbm>>) dst(%dma_wait3A_154 : memref<512xi32, #tpu.memory_space<vmem>>)
          tpu.yield
        }) : () -> ()
        %dma_start3A = arith.constant 0 : i32
        %dma_start3A_50 = arith.constant 0 : i32
        %dma_start3A_51 = arith.constant 0 : i32
        %dma_start3A_52 = arith.constant 0 : i32
        %dma_start3A_53 = tpu.memref_slice %arg10[%dma_start3A_50, %dma_start3A_51, %dma_start3A_52] : memref<2x512x64xf32, #tpu.memory_space<vmem>> -> memref<1x512x64xf32, #tpu.memory_space<vmem>>
        %dma_start3A_54 = tpu.memref_squeeze %dma_start3A_53 : memref<1x512x64xf32, #tpu.memory_space<vmem>> -> memref<512x64xf32, #tpu.memory_space<vmem>>
        %dma_start3A_55 = arith.constant 0 : i32
        %dma_start3A_56 = tpu.memref_slice %arg8[%dma_start3A, %dma_start3A_55] : memref<2x512xi32, #tpu.memory_space<vmem>> -> memref<1x512xi32, #tpu.memory_space<vmem>>
        %dma_start3A_57 = tpu.memref_squeeze %dma_start3A_56 : memref<1x512xi32, #tpu.memory_space<vmem>> -> memref<512xi32, #tpu.memory_space<vmem>>
        %dma_start3A_58 = arith.constant 0 : i32
        %dma_start3A_59 = arith.constant 0 : i32
        %dma_start3A_60 = tpu.memref_slice %arg12[%dma_start3A_58, %dma_start3A_59] : memref<10000x64xf32, #tpu.memory_space<vmem_shared>> -> memref<10000x64xf32, #tpu.memory_space<vmem_shared>>
        tpu.enqueue_indirect_dma source(%dma_start3A_60 : memref<10000x64xf32, #tpu.memory_space<vmem_shared>>) target(%dma_start3A_54 : memref<512x64xf32, #tpu.memory_space<vmem>>) offsets(%dma_start3A_57 : memref<512xi32, #tpu.memory_space<vmem>>) semaphore(%arg14 : memref<!tpu.dma_semaphore, #tpu.memory_space<semaphore_mem>>)
        %dma_wait3A_61 = arith.constant 0 : i32
        %dma_wait3A_62 = arith.constant 0 : i32
        %dma_wait3A_63 = arith.constant 0 : i32
        %dma_wait3A_64 = arith.constant 0 : i32
        %dma_wait3A_65 = tpu.memref_slice %arg10[%dma_wait3A_62, %dma_wait3A_63, %dma_wait3A_64] : memref<2x512x64xf32, #tpu.memory_space<vmem>> -> memref<1x512x64xf32, #tpu.memory_space<vmem>>
        %dma_wait3A_66 = tpu.memref_squeeze %dma_wait3A_65 : memref<1x512x64xf32, #tpu.memory_space<vmem>> -> memref<512x64xf32, #tpu.memory_space<vmem>>
        %dma_wait3A_67 = arith.constant 0 : i32
        %dma_wait3A_68 = tpu.memref_slice %arg8[%dma_wait3A_61, %dma_wait3A_67] : memref<2x512xi32, #tpu.memory_space<vmem>> -> memref<1x512xi32, #tpu.memory_space<vmem>>
        %dma_wait3A_69 = tpu.memref_squeeze %dma_wait3A_68 : memref<1x512xi32, #tpu.memory_space<vmem>> -> memref<512xi32, #tpu.memory_space<vmem>>
        %dma_wait3A_70 = arith.constant 0 : i32
        %dma_wait3A_71 = arith.constant 0 : i32
        %dma_wait3A_72 = tpu.memref_slice %arg12[%dma_wait3A_70, %dma_wait3A_71] : memref<10000x64xf32, #tpu.memory_space<vmem_shared>> -> memref<10000x64xf32, #tpu.memory_space<vmem_shared>>
        tpu.wait_indirect_dma semaphore(%arg14 : memref<!tpu.dma_semaphore, #tpu.memory_space<semaphore_mem>>) src(%dma_wait3A_72 : memref<10000x64xf32, #tpu.memory_space<vmem_shared>>) dst(%dma_wait3A_66 : memref<512x64xf32, #tpu.memory_space<vmem>>)
        %dma_start3A_73 = arith.constant 0 : i32
        %dma_start3A_74 = arith.constant 0 : i32
        %dma_start3A_75 = arith.constant 0 : i32
        %dma_start3A_76 = arith.constant 0 : i32
        %dma_start3A_77 = tpu.memref_slice %arg10[%dma_start3A_73, %dma_start3A_75, %dma_start3A_76] : memref<2x512x64xf32, #tpu.memory_space<vmem>> -> memref<1x512x64xf32, #tpu.memory_space<vmem>>
        %dma_start3A_78 = tpu.memref_squeeze %dma_start3A_77 : memref<1x512x64xf32, #tpu.memory_space<vmem>> -> memref<512x64xf32, #tpu.memory_space<vmem>>
        %dma_start3A_79 = arith.constant 0 : i32
        %dma_start3A_80 = tpu.memref_slice %arg9[%dma_start3A_74, %dma_start3A_79] : memref<2x512xi32, #tpu.memory_space<vmem>> -> memref<1x512xi32, #tpu.memory_space<vmem>>
        %dma_start3A_81 = tpu.memref_squeeze %dma_start3A_80 : memref<1x512xi32, #tpu.memory_space<vmem>> -> memref<512xi32, #tpu.memory_space<vmem>>
        %dma_start3A_82 = arith.constant 0 : i32
        %dma_start3A_83 = arith.constant 0 : i32
        %dma_start3A_84 = tpu.memref_slice %arg13[%dma_start3A_82, %dma_start3A_83] : memref<5120x64xf32, #tpu.memory_space<vmem_shared>> -> memref<5120x64xf32, #tpu.memory_space<vmem_shared>>
        tpu.enqueue_indirect_dma source(%dma_start3A_78 : memref<512x64xf32, #tpu.memory_space<vmem>>) target(%dma_start3A_84 : memref<5120x64xf32, #tpu.memory_space<vmem_shared>>) offsets(%dma_start3A_81 : memref<512xi32, #tpu.memory_space<vmem>>) semaphore(%arg15 : memref<!tpu.dma_semaphore, #tpu.memory_space<semaphore_mem>>) {add = true}
        %mul3A_85 = arith.constant 2 : i32
        %mul3A_86 = arith.muli %scan3A_36, %mul3A_85 : i32
        %add3A_87 = arith.constant 1 : i32
        %add3A_88 = arith.addi %mul3A_86, %add3A_87 : i32
        %ge3A_89 = arith.constant 1 : i32
        %ge3A_90 = arith.cmpi sge, %scan3A_36, %ge3A_89 : i32
        %convert_element_type3A_91 = arith.extui %ge3A_90 : i1 to i32
        %cond3A_92 = arith.constant 0 : i32
        %cond3A_93 = arith.cmpi ne, %convert_element_type3A_91, %cond3A_92 : i32
        scf.if %cond3A_93 {
          %dma_wait3A_136 = arith.constant 1 : i32
          %dma_wait3A_137 = arith.constant 1 : i32
          %dma_wait3A_138 = arith.constant 0 : i32
          %dma_wait3A_139 = arith.constant 0 : i32
          %dma_wait3A_140 = tpu.memref_slice %arg10[%dma_wait3A_136, %dma_wait3A_138, %dma_wait3A_139] : memref<2x512x64xf32, #tpu.memory_space<vmem>> -> memref<1x512x64xf32, #tpu.memory_space<vmem>>
          %dma_wait3A_141 = tpu.memref_squeeze %dma_wait3A_140 : memref<1x512x64xf32, #tpu.memory_space<vmem>> -> memref<512x64xf32, #tpu.memory_space<vmem>>
          %dma_wait3A_142 = arith.constant 0 : i32
          %dma_wait3A_143 = tpu.memref_slice %arg9[%dma_wait3A_137, %dma_wait3A_142] : memref<2x512xi32, #tpu.memory_space<vmem>> -> memref<1x512xi32, #tpu.memory_space<vmem>>
          %dma_wait3A_144 = tpu.memref_squeeze %dma_wait3A_143 : memref<1x512xi32, #tpu.memory_space<vmem>> -> memref<512xi32, #tpu.memory_space<vmem>>
          %dma_wait3A_145 = arith.constant 0 : i32
          %dma_wait3A_146 = arith.constant 0 : i32
          %dma_wait3A_147 = tpu.memref_slice %arg13[%dma_wait3A_145, %dma_wait3A_146] : memref<5120x64xf32, #tpu.memory_space<vmem_shared>> -> memref<5120x64xf32, #tpu.memory_space<vmem_shared>>
          tpu.wait_indirect_dma semaphore(%arg16 : memref<!tpu.dma_semaphore, #tpu.memory_space<semaphore_mem>>) src(%dma_wait3A_141 : memref<512x64xf32, #tpu.memory_space<vmem>>) dst(%dma_wait3A_147 : memref<5120x64xf32, #tpu.memory_space<vmem_shared>>)
        } else {
        }
        %mul3A_94 = arith.constant 512 : i32
        %mul3A_95 = arith.muli %add3A_88, %mul3A_94 : i32
        %run_scoped3A_96 = arith.constant 1 : i32
        "tpu.region"() ({
          %run_scoped3A_136 = tpu.sem_alloc : memref<!tpu.dma_semaphore, #tpu.memory_space<semaphore_mem>>
          %dma_start3A_137 = arith.constant 0 : i32
          %dma_start3A_138 = tpu.memref_slice %arg8[%run_scoped3A_96, %dma_start3A_137] : memref<2x512xi32, #tpu.memory_space<vmem>> -> memref<1x512xi32, #tpu.memory_space<vmem>>
          %dma_start3A_139 = tpu.memref_squeeze %dma_start3A_138 : memref<1x512xi32, #tpu.memory_space<vmem>> -> memref<512xi32, #tpu.memory_space<vmem>>
          %dma_start3A_140 = tpu.memref_slice %arg3[%arg0, %arg1, %mul3A_95] : memref<2x16x20480xi32, #tpu.memory_space<hbm>> -> memref<1x1x512xi32, #tpu.memory_space<hbm>>
          %dma_start3A_141 = tpu.memref_squeeze %dma_start3A_140 : memref<1x1x512xi32, #tpu.memory_space<hbm>> -> memref<512xi32, #tpu.memory_space<hbm>>
          %dma_start3A_142 = arith.constant 0 : i32
          %dma_start3A_143 = tpu.memref_slice %arg8[%run_scoped3A_96, %dma_start3A_142] : memref<2x512xi32, #tpu.memory_space<vmem>> -> memref<1x512xi32, #tpu.memory_space<vmem>>
          %dma_start3A_144 = tpu.memref_squeeze %dma_start3A_143 : memref<1x512xi32, #tpu.memory_space<vmem>> -> memref<512xi32, #tpu.memory_space<vmem>>
          %dma_start3A_145 = tpu.memref_slice %arg3[%arg0, %arg1, %mul3A_95] : memref<2x16x20480xi32, #tpu.memory_space<hbm>> -> memref<1x1x512xi32, #tpu.memory_space<hbm>>
          %dma_start3A_146 = tpu.memref_squeeze %dma_start3A_145 : memref<1x1x512xi32, #tpu.memory_space<hbm>> -> memref<512xi32, #tpu.memory_space<hbm>>
          tpu.enqueue_dma source(%dma_start3A_146 : memref<512xi32, #tpu.memory_space<hbm>>) target(%dma_start3A_144 : memref<512xi32, #tpu.memory_space<vmem>>) target_semaphore(%run_scoped3A_136 : memref<!tpu.dma_semaphore, #tpu.memory_space<semaphore_mem>>)
          %dma_wait3A_147 = arith.constant 0 : i32
          %dma_wait3A_148 = tpu.memref_slice %arg8[%run_scoped3A_96, %dma_wait3A_147] : memref<2x512xi32, #tpu.memory_space<vmem>> -> memref<1x512xi32, #tpu.memory_space<vmem>>
          %dma_wait3A_149 = tpu.memref_squeeze %dma_wait3A_148 : memref<1x512xi32, #tpu.memory_space<vmem>> -> memref<512xi32, #tpu.memory_space<vmem>>
          %dma_wait3A_150 = tpu.memref_slice %arg3[%arg0, %arg1, %mul3A_95] : memref<2x16x20480xi32, #tpu.memory_space<hbm>> -> memref<1x1x512xi32, #tpu.memory_space<hbm>>
          %dma_wait3A_151 = tpu.memref_squeeze %dma_wait3A_150 : memref<1x1x512xi32, #tpu.memory_space<hbm>> -> memref<512xi32, #tpu.memory_space<hbm>>
          %dma_wait3A_152 = arith.constant 0 : i32
          %dma_wait3A_153 = tpu.memref_slice %arg8[%run_scoped3A_96, %dma_wait3A_152] : memref<2x512xi32, #tpu.memory_space<vmem>> -> memref<1x512xi32, #tpu.memory_space<vmem>>
          %dma_wait3A_154 = tpu.memref_squeeze %dma_wait3A_153 : memref<1x512xi32, #tpu.memory_space<vmem>> -> memref<512xi32, #tpu.memory_space<vmem>>
          %dma_wait3A_155 = tpu.memref_slice %arg3[%arg0, %arg1, %mul3A_95] : memref<2x16x20480xi32, #tpu.memory_space<hbm>> -> memref<1x1x512xi32, #tpu.memory_space<hbm>>
          %dma_wait3A_156 = tpu.memref_squeeze %dma_wait3A_155 : memref<1x1x512xi32, #tpu.memory_space<hbm>> -> memref<512xi32, #tpu.memory_space<hbm>>
          tpu.wait_dma2 semaphore(%run_scoped3A_136 : memref<!tpu.dma_semaphore, #tpu.memory_space<semaphore_mem>>) src(%dma_wait3A_156 : memref<512xi32, #tpu.memory_space<hbm>>) dst(%dma_wait3A_154 : memref<512xi32, #tpu.memory_space<vmem>>)
          tpu.yield
        }) : () -> ()
        %mul3A_97 = arith.constant 512 : i32
        %mul3A_98 = arith.muli %add3A_88, %mul3A_97 : i32
        %run_scoped3A_99 = arith.constant 1 : i32
        "tpu.region"() ({
          %run_scoped3A_136 = tpu.sem_alloc : memref<!tpu.dma_semaphore, #tpu.memory_space<semaphore_mem>>
          %dma_start3A_137 = arith.constant 0 : i32
          %dma_start3A_138 = tpu.memref_slice %arg9[%run_scoped3A_99, %dma_start3A_137] : memref<2x512xi32, #tpu.memory_space<vmem>> -> memref<1x512xi32, #tpu.memory_space<vmem>>
          %dma_start3A_139 = tpu.memref_squeeze %dma_start3A_138 : memref<1x512xi32, #tpu.memory_space<vmem>> -> memref<512xi32, #tpu.memory_space<vmem>>
          %dma_start3A_140 = tpu.memref_slice %arg4[%arg0, %arg1, %mul3A_98] : memref<2x16x20480xi32, #tpu.memory_space<hbm>> -> memref<1x1x512xi32, #tpu.memory_space<hbm>>
          %dma_start3A_141 = tpu.memref_squeeze %dma_start3A_140 : memref<1x1x512xi32, #tpu.memory_space<hbm>> -> memref<512xi32, #tpu.memory_space<hbm>>
          %dma_start3A_142 = arith.constant 0 : i32
          %dma_start3A_143 = tpu.memref_slice %arg9[%run_scoped3A_99, %dma_start3A_142] : memref<2x512xi32, #tpu.memory_space<vmem>> -> memref<1x512xi32, #tpu.memory_space<vmem>>
          %dma_start3A_144 = tpu.memref_squeeze %dma_start3A_143 : memref<1x512xi32, #tpu.memory_space<vmem>> -> memref<512xi32, #tpu.memory_space<vmem>>
          %dma_start3A_145 = tpu.memref_slice %arg4[%arg0, %arg1, %mul3A_98] : memref<2x16x20480xi32, #tpu.memory_space<hbm>> -> memref<1x1x512xi32, #tpu.memory_space<hbm>>
          %dma_start3A_146 = tpu.memref_squeeze %dma_start3A_145 : memref<1x1x512xi32, #tpu.memory_space<hbm>> -> memref<512xi32, #tpu.memory_space<hbm>>
          tpu.enqueue_dma source(%dma_start3A_146 : memref<512xi32, #tpu.memory_space<hbm>>) target(%dma_start3A_144 : memref<512xi32, #tpu.memory_space<vmem>>) target_semaphore(%run_scoped3A_136 : memref<!tpu.dma_semaphore, #tpu.memory_space<semaphore_mem>>)
          %dma_wait3A_147 = arith.constant 0 : i32
          %dma_wait3A_148 = tpu.memref_slice %arg9[%run_scoped3A_99, %dma_wait3A_147] : memref<2x512xi32, #tpu.memory_space<vmem>> -> memref<1x512xi32, #tpu.memory_space<vmem>>
          %dma_wait3A_149 = tpu.memref_squeeze %dma_wait3A_148 : memref<1x512xi32, #tpu.memory_space<vmem>> -> memref<512xi32, #tpu.memory_space<vmem>>
          %dma_wait3A_150 = tpu.memref_slice %arg4[%arg0, %arg1, %mul3A_98] : memref<2x16x20480xi32, #tpu.memory_space<hbm>> -> memref<1x1x512xi32, #tpu.memory_space<hbm>>
          %dma_wait3A_151 = tpu.memref_squeeze %dma_wait3A_150 : memref<1x1x512xi32, #tpu.memory_space<hbm>> -> memref<512xi32, #tpu.memory_space<hbm>>
          %dma_wait3A_152 = arith.constant 0 : i32
          %dma_wait3A_153 = tpu.memref_slice %arg9[%run_scoped3A_99, %dma_wait3A_152] : memref<2x512xi32, #tpu.memory_space<vmem>> -> memref<1x512xi32, #tpu.memory_space<vmem>>
          %dma_wait3A_154 = tpu.memref_squeeze %dma_wait3A_153 : memref<1x512xi32, #tpu.memory_space<vmem>> -> memref<512xi32, #tpu.memory_space<vmem>>
          %dma_wait3A_155 = tpu.memref_slice %arg4[%arg0, %arg1, %mul3A_98] : memref<2x16x20480xi32, #tpu.memory_space<hbm>> -> memref<1x1x512xi32, #tpu.memory_space<hbm>>
          %dma_wait3A_156 = tpu.memref_squeeze %dma_wait3A_155 : memref<1x1x512xi32, #tpu.memory_space<hbm>> -> memref<512xi32, #tpu.memory_space<hbm>>
          tpu.wait_dma2 semaphore(%run_scoped3A_136 : memref<!tpu.dma_semaphore, #tpu.memory_space<semaphore_mem>>) src(%dma_wait3A_156 : memref<512xi32, #tpu.memory_space<hbm>>) dst(%dma_wait3A_154 : memref<512xi32, #tpu.memory_space<vmem>>)
          tpu.yield
        }) : () -> ()
        %dma_start3A_100 = arith.constant 1 : i32
        %dma_start3A_101 = arith.constant 1 : i32
        %dma_start3A_102 = arith.constant 0 : i32
        %dma_start3A_103 = arith.constant 0 : i32
        %dma_start3A_104 = tpu.memref_slice %arg10[%dma_start3A_101, %dma_start3A_102, %dma_start3A_103] : memref<2x512x64xf32, #tpu.memory_space<vmem>> -> memref<1x512x64xf32, #tpu.memory_space<vmem>>
        %dma_start3A_105 = tpu.memref_squeeze %dma_start3A_104 : memref<1x512x64xf32, #tpu.memory_space<vmem>> -> memref<512x64xf32, #tpu.memory_space<vmem>>
        %dma_start3A_106 = arith.constant 0 : i32
        %dma_start3A_107 = tpu.memref_slice %arg8[%dma_start3A_100, %dma_start3A_106] : memref<2x512xi32, #tpu.memory_space<vmem>> -> memref<1x512xi32, #tpu.memory_space<vmem>>
        %dma_start3A_108 = tpu.memref_squeeze %dma_start3A_107 : memref<1x512xi32, #tpu.memory_space<vmem>> -> memref<512xi32, #tpu.memory_space<vmem>>
        %dma_start3A_109 = arith.constant 0 : i32
        %dma_start3A_110 = arith.constant 0 : i32
        %dma_start3A_111 = tpu.memref_slice %arg12[%dma_start3A_109, %dma_start3A_110] : memref<10000x64xf32, #tpu.memory_space<vmem_shared>> -> memref<10000x64xf32, #tpu.memory_space<vmem_shared>>
        tpu.enqueue_indirect_dma source(%dma_start3A_111 : memref<10000x64xf32, #tpu.memory_space<vmem_shared>>) target(%dma_start3A_105 : memref<512x64xf32, #tpu.memory_space<vmem>>) offsets(%dma_start3A_108 : memref<512xi32, #tpu.memory_space<vmem>>) semaphore(%arg14 : memref<!tpu.dma_semaphore, #tpu.memory_space<semaphore_mem>>)
        %dma_wait3A_112 = arith.constant 1 : i32
        %dma_wait3A_113 = arith.constant 1 : i32
        %dma_wait3A_114 = arith.constant 0 : i32
        %dma_wait3A_115 = arith.constant 0 : i32
        %dma_wait3A_116 = tpu.memref_slice %arg10[%dma_wait3A_113, %dma_wait3A_114, %dma_wait3A_115] : memref<2x512x64xf32, #tpu.memory_space<vmem>> -> memref<1x512x64xf32, #tpu.memory_space<vmem>>
        %dma_wait3A_117 = tpu.memref_squeeze %dma_wait3A_116 : memref<1x512x64xf32, #tpu.memory_space<vmem>> -> memref<512x64xf32, #tpu.memory_space<vmem>>
        %dma_wait3A_118 = arith.constant 0 : i32
        %dma_wait3A_119 = tpu.memref_slice %arg8[%dma_wait3A_112, %dma_wait3A_118] : memref<2x512xi32, #tpu.memory_space<vmem>> -> memref<1x512xi32, #tpu.memory_space<vmem>>
        %dma_wait3A_120 = tpu.memref_squeeze %dma_wait3A_119 : memref<1x512xi32, #tpu.memory_space<vmem>> -> memref<512xi32, #tpu.memory_space<vmem>>
        %dma_wait3A_121 = arith.constant 0 : i32
        %dma_wait3A_122 = arith.constant 0 : i32
        %dma_wait3A_123 = tpu.memref_slice %arg12[%dma_wait3A_121, %dma_wait3A_122] : memref<10000x64xf32, #tpu.memory_space<vmem_shared>> -> memref<10000x64xf32, #tpu.memory_space<vmem_shared>>
        tpu.wait_indirect_dma semaphore(%arg14 : memref<!tpu.dma_semaphore, #tpu.memory_space<semaphore_mem>>) src(%dma_wait3A_123 : memref<10000x64xf32, #tpu.memory_space<vmem_shared>>) dst(%dma_wait3A_117 : memref<512x64xf32, #tpu.memory_space<vmem>>)
        %dma_start3A_124 = arith.constant 1 : i32
        %dma_start3A_125 = arith.constant 1 : i32
        %dma_start3A_126 = arith.constant 0 : i32
        %dma_start3A_127 = arith.constant 0 : i32
        %dma_start3A_128 = tpu.memref_slice %arg10[%dma_start3A_124, %dma_start3A_126, %dma_start3A_127] : memref<2x512x64xf32, #tpu.memory_space<vmem>> -> memref<1x512x64xf32, #tpu.memory_space<vmem>>
        %dma_start3A_129 = tpu.memref_squeeze %dma_start3A_128 : memref<1x512x64xf32, #tpu.memory_space<vmem>> -> memref<512x64xf32, #tpu.memory_space<vmem>>
        %dma_start3A_130 = arith.constant 0 : i32
        %dma_start3A_131 = tpu.memref_slice %arg9[%dma_start3A_125, %dma_start3A_130] : memref<2x512xi32, #tpu.memory_space<vmem>> -> memref<1x512xi32, #tpu.memory_space<vmem>>
        %dma_start3A_132 = tpu.memref_squeeze %dma_start3A_131 : memref<1x512xi32, #tpu.memory_space<vmem>> -> memref<512xi32, #tpu.memory_space<vmem>>
        %dma_start3A_133 = arith.constant 0 : i32
        %dma_start3A_134 = arith.constant 0 : i32
        %dma_start3A_135 = tpu.memref_slice %arg13[%dma_start3A_133, %dma_start3A_134] : memref<5120x64xf32, #tpu.memory_space<vmem_shared>> -> memref<5120x64xf32, #tpu.memory_space<vmem_shared>>
        tpu.enqueue_indirect_dma source(%dma_start3A_129 : memref<512x64xf32, #tpu.memory_space<vmem>>) target(%dma_start3A_135 : memref<5120x64xf32, #tpu.memory_space<vmem_shared>>) offsets(%dma_start3A_132 : memref<512xi32, #tpu.memory_space<vmem>>) semaphore(%arg16 : memref<!tpu.dma_semaphore, #tpu.memory_space<semaphore_mem>>) {add = true}
      } else {
      }
    }
    %scan3A_11 = arith.constant 20 : i32
    %dma_wait3A = arith.constant 0 : i32
    %dma_wait3A_12 = arith.constant 0 : i32
    %dma_wait3A_13 = arith.constant 0 : i32
    %dma_wait3A_14 = arith.constant 0 : i32
    %dma_wait3A_15 = tpu.memref_slice %arg10[%dma_wait3A, %dma_wait3A_13, %dma_wait3A_14] : memref<2x512x64xf32, #tpu.memory_space<vmem>> -> memref<1x512x64xf32, #tpu.memory_space<vmem>>
    %dma_wait3A_16 = tpu.memref_squeeze %dma_wait3A_15 : memref<1x512x64xf32, #tpu.memory_space<vmem>> -> memref<512x64xf32, #tpu.memory_space<vmem>>
    %dma_wait3A_17 = arith.constant 0 : i32
    %dma_wait3A_18 = tpu.memref_slice %arg9[%dma_wait3A_12, %dma_wait3A_17] : memref<2x512xi32, #tpu.memory_space<vmem>> -> memref<1x512xi32, #tpu.memory_space<vmem>>
    %dma_wait3A_19 = tpu.memref_squeeze %dma_wait3A_18 : memref<1x512xi32, #tpu.memory_space<vmem>> -> memref<512xi32, #tpu.memory_space<vmem>>
    %dma_wait3A_20 = arith.constant 0 : i32
    %dma_wait3A_21 = arith.constant 0 : i32
    %dma_wait3A_22 = tpu.memref_slice %arg13[%dma_wait3A_20, %dma_wait3A_21] : memref<5120x64xf32, #tpu.memory_space<vmem_shared>> -> memref<5120x64xf32, #tpu.memory_space<vmem_shared>>
    tpu.wait_indirect_dma semaphore(%arg15 : memref<!tpu.dma_semaphore, #tpu.memory_space<semaphore_mem>>) src(%dma_wait3A_16 : memref<512x64xf32, #tpu.memory_space<vmem>>) dst(%dma_wait3A_22 : memref<5120x64xf32, #tpu.memory_space<vmem_shared>>)
    %dma_wait3A_23 = arith.constant 1 : i32
    %dma_wait3A_24 = arith.constant 1 : i32
    %dma_wait3A_25 = arith.constant 0 : i32
    %dma_wait3A_26 = arith.constant 0 : i32
    %dma_wait3A_27 = tpu.memref_slice %arg10[%dma_wait3A_23, %dma_wait3A_25, %dma_wait3A_26] : memref<2x512x64xf32, #tpu.memory_space<vmem>> -> memref<1x512x64xf32, #tpu.memory_space<vmem>>
    %dma_wait3A_28 = tpu.memref_squeeze %dma_wait3A_27 : memref<1x512x64xf32, #tpu.memory_space<vmem>> -> memref<512x64xf32, #tpu.memory_space<vmem>>
    %dma_wait3A_29 = arith.constant 0 : i32
    %dma_wait3A_30 = tpu.memref_slice %arg9[%dma_wait3A_24, %dma_wait3A_29] : memref<2x512xi32, #tpu.memory_space<vmem>> -> memref<1x512xi32, #tpu.memory_space<vmem>>
    %dma_wait3A_31 = tpu.memref_squeeze %dma_wait3A_30 : memref<1x512xi32, #tpu.memory_space<vmem>> -> memref<512xi32, #tpu.memory_space<vmem>>
    %dma_wait3A_32 = arith.constant 0 : i32
    %dma_wait3A_33 = arith.constant 0 : i32
    %dma_wait3A_34 = tpu.memref_slice %arg13[%dma_wait3A_32, %dma_wait3A_33] : memref<5120x64xf32, #tpu.memory_space<vmem_shared>> -> memref<5120x64xf32, #tpu.memory_space<vmem_shared>>
    tpu.wait_indirect_dma semaphore(%arg16 : memref<!tpu.dma_semaphore, #tpu.memory_space<semaphore_mem>>) src(%dma_wait3A_28 : memref<512x64xf32, #tpu.memory_space<vmem>>) dst(%dma_wait3A_34 : memref<5120x64xf32, #tpu.memory_space<vmem_shared>>)
    %barrier3A_35 = arith.constant 0 : index
    tpu.barrier barrier_id(%barrier3A_35)
    "tpu.region"() ({
      %run_scoped3A = tpu.sem_alloc : memref<!tpu.dma_semaphore, #tpu.memory_space<semaphore_mem>>
      %dma_start3A = arith.constant 0 : i32
      %dma_start3A_36 = tpu.memref_slice %arg7[%arg0, %mul3A_0, %dma_start3A] : memref<2x5120x64xf32, #tpu.memory_space<hbm>> -> memref<1x320x64xf32, #tpu.memory_space<hbm>>
      %dma_start3A_37 = tpu.memref_squeeze %dma_start3A_36 : memref<1x320x64xf32, #tpu.memory_space<hbm>> -> memref<320x64xf32, #tpu.memory_space<hbm>>
      %dma_start3A_38 = arith.constant 0 : i32
      %dma_start3A_39 = tpu.memref_slice %arg13[%mul3A_0, %dma_start3A_38] : memref<5120x64xf32, #tpu.memory_space<vmem_shared>> -> memref<320x64xf32, #tpu.memory_space<vmem_shared>>
      tpu.enqueue_dma source(%dma_start3A_39 : memref<320x64xf32, #tpu.memory_space<vmem_shared>>) target(%dma_start3A_37 : memref<320x64xf32, #tpu.memory_space<hbm>>) target_semaphore(%run_scoped3A : memref<!tpu.dma_semaphore, #tpu.memory_space<semaphore_mem>>)
      %dma_wait3A_40 = arith.constant 0 : i32
      %dma_wait3A_41 = tpu.memref_slice %arg7[%arg0, %mul3A_0, %dma_wait3A_40] : memref<2x5120x64xf32, #tpu.memory_space<hbm>> -> memref<1x320x64xf32, #tpu.memory_space<hbm>>
      %dma_wait3A_42 = tpu.memref_squeeze %dma_wait3A_41 : memref<1x320x64xf32, #tpu.memory_space<hbm>> -> memref<320x64xf32, #tpu.memory_space<hbm>>
      %dma_wait3A_43 = arith.constant 0 : i32
      %dma_wait3A_44 = tpu.memref_slice %arg13[%mul3A_0, %dma_wait3A_43] : memref<5120x64xf32, #tpu.memory_space<vmem_shared>> -> memref<320x64xf32, #tpu.memory_space<vmem_shared>>
      tpu.wait_dma2 semaphore(%run_scoped3A : memref<!tpu.dma_semaphore, #tpu.memory_space<semaphore_mem>>) src(%dma_wait3A_44 : memref<320x64xf32, #tpu.memory_space<vmem_shared>>) dst(%dma_wait3A_42 : memref<320x64xf32, #tpu.memory_space<hbm>>)
      tpu.yield
    }) : () -> ()
    return
  }
}

module attributes {stable_mosaic.version = 14 : i64} {
  func.func @_pre_kernel(%arg0: i32, %arg1: memref<2000x128xf32, #tpu.memory_space<vmem>>, %arg2: memref<64x128xf32, #tpu.memory_space<vmem>>, %arg3: memref<64x128xf32, #tpu.memory_space<vmem>>, %arg4: memref<2000x64xf32, #tpu.memory_space<vmem>>, %arg5: memref<2000x64xf32, #tpu.memory_space<vmem>>) attributes {dimension_semantics = [#tpu.dimension_semantics<arbitrary>], iteration_bounds = array<i64: 5>, scalar_prefetch = 0 : i64, scratch_operands = 0 : i64, tpu.core_type = #tpu.core_type<tc>, window_params = [{transform_indices = @transform_0, window_bounds = array<i64: 2000, 128>}, {pipeline_mode = #tpu.pipeline_mode<synchronous>, transform_indices = @transform_1, window_bounds = array<i64: 64, 128>}, {pipeline_mode = #tpu.pipeline_mode<synchronous>, transform_indices = @transform_2, window_bounds = array<i64: 64, 128>}, {transform_indices = @transform_3, window_bounds = array<i64: 2000, 64>}, {transform_indices = @transform_4, window_bounds = array<i64: 2000, 64>}]} {
    %get3A = arith.constant 0 : index
    %get3A_0 = arith.constant 0 : index
    %get3A_1 = vector.load %arg1[%get3A, %get3A_0] : memref<2000x128xf32, #tpu.memory_space<vmem>>, vector<2000x128xf32>
    %get3A_2 = arith.constant 0 : index
    %get3A_3 = arith.constant 0 : index
    %get3A_4 = vector.load %arg2[%get3A_2, %get3A_3] : memref<64x128xf32, #tpu.memory_space<vmem>>, vector<64x128xf32>
    %dot_general3A = arith.constant dense<0.000000e+00> : vector<2000x64xf32>
    %dot_general3A_5 = tpu.matmul %get3A_1, %get3A_4, %dot_general3A {dimension_numbers = #tpu.dot_dimension_numbers<[1], [1], [0], [0], [0, 0, 1, 0], [], []>, transpose_lhs_hint = false} : vector<2000x128xf32>, vector<64x128xf32>, vector<2000x64xf32> -> vector<2000x64xf32>
    %swap3A = arith.constant 0 : index
    %swap3A_6 = arith.constant 0 : index
    %swap3A_7 = vector.load %arg4[%swap3A, %swap3A_6] : memref<2000x64xf32, #tpu.memory_space<vmem>>, vector<2000x64xf32>
    tpu.vector_store %arg4[%swap3A, %swap3A_6], %dot_general3A_5 {strides = array<i32>} : memref<2000x64xf32, #tpu.memory_space<vmem>>, vector<2000x64xf32>,
    %get3A_8 = arith.constant 0 : index
    %get3A_9 = arith.constant 0 : index
    %get3A_10 = vector.load %arg3[%get3A_8, %get3A_9] : memref<64x128xf32, #tpu.memory_space<vmem>>, vector<64x128xf32>
    %dot_general3A_11 = arith.constant dense<0.000000e+00> : vector<2000x64xf32>
    %dot_general3A_12 = tpu.matmul %get3A_1, %get3A_10, %dot_general3A_11 {dimension_numbers = #tpu.dot_dimension_numbers<[1], [1], [0], [0], [0, 0, 1, 0], [], []>, transpose_lhs_hint = false} : vector<2000x128xf32>, vector<64x128xf32>, vector<2000x64xf32> -> vector<2000x64xf32>
    %swap3A_13 = arith.constant 0 : index
    %swap3A_14 = arith.constant 0 : index
    %swap3A_15 = vector.load %arg5[%swap3A_13, %swap3A_14] : memref<2000x64xf32, #tpu.memory_space<vmem>>, vector<2000x64xf32>
    tpu.vector_store %arg5[%swap3A_13, %swap3A_14], %dot_general3A_12 {strides = array<i32>} : memref<2000x64xf32, #tpu.memory_space<vmem>>, vector<2000x64xf32>,
    return
  }
  func.func @transform_0(%arg0: i32) -> (i32, i32) {
    %c0_i32 = arith.constant 0 : i32
    %c0_i32_0 = arith.constant 0 : i32
    return %arg0, %c0_i32 : i32, i32
  }
  func.func @transform_1(%arg0: i32) -> (i32, i32) {
    %c0_i32 = arith.constant 0 : i32
    %c0_i32_0 = arith.constant 0 : i32
    %c0_i32_1 = arith.constant 0 : i32
    return %c0_i32, %c0_i32_0 : i32, i32
  }
  func.func @transform_2(%arg0: i32) -> (i32, i32) {
    %c0_i32 = arith.constant 0 : i32
    %c0_i32_0 = arith.constant 0 : i32
    %c0_i32_1 = arith.constant 0 : i32
    return %c0_i32, %c0_i32_0 : i32, i32
  }
  func.func @transform_3(%arg0: i32) -> (i32, i32) {
    %c0_i32 = arith.constant 0 : i32
    %c0_i32_0 = arith.constant 0 : i32
    return %arg0, %c0_i32 : i32, i32
  }
  func.func @transform_4(%arg0: i32) -> (i32, i32) {
    %c0_i32 = arith.constant 0 : i32
    %c0_i32_0 = arith.constant 0 : i32
    return %arg0, %c0_i32 : i32, i32
  }
}

module attributes {stable_mosaic.version = 14 : i64} {
  func.func @kern(%arg0: i32, %arg1: memref<1x1000x64xf32, #tpu.memory_space<vmem>>, %arg2: memref<1x1000x16xf32, #tpu.memory_space<vmem>>, %arg3: memref<1x64xf32, #tpu.memory_space<vmem>>, %arg4: memref<1000x64xf32, #tpu.memory_space<vmem>>, %arg5: memref<64x64xf32, #tpu.memory_space<vmem>>, %arg6: memref<64x64xf32, #tpu.memory_space<vmem>>, %arg7: memref<1000x64xf32, #tpu.memory_space<vmem>>, %arg8: memref<1000x64xf32, #tpu.memory_space<vmem>>, %arg9: memref<1000x64xf32, #tpu.memory_space<vmem>>) attributes {dimension_semantics = [#tpu.dimension_semantics<arbitrary>], iteration_bounds = array<i64: 10>, scalar_prefetch = 0 : i64, scratch_operands = 0 : i64, tpu.core_type = #tpu.core_type<tc>, window_params = [{transform_indices = @transform_0, window_bounds = array<i64: 1, 1000, 64>}, {transform_indices = @transform_1, window_bounds = array<i64: 1, 1000, 16>}, {pipeline_mode = #tpu.pipeline_mode<synchronous>, transform_indices = @transform_2, window_bounds = array<i64: 1, 64>}, {transform_indices = @transform_3, window_bounds = array<i64: 1000, 64>}, {pipeline_mode = #tpu.pipeline_mode<synchronous>, transform_indices = @transform_4, window_bounds = array<i64: 64, 64>}, {pipeline_mode = #tpu.pipeline_mode<synchronous>, transform_indices = @transform_5, window_bounds = array<i64: 64, 64>}, {transform_indices = @transform_6, window_bounds = array<i64: 1000, 64>}, {transform_indices = @transform_7, window_bounds = array<i64: 1000, 64>}, {transform_indices = @transform_8, window_bounds = array<i64: 1000, 64>}]} {
    %get3A = arith.constant 0 : index
    %get3A_0 = arith.constant 0 : index
    %get3A_1 = arith.constant 0 : index
    %get3A_2 = vector.load %arg2[%get3A, %get3A_0, %get3A_1] : memref<1x1000x16xf32, #tpu.memory_space<vmem>>, vector<1x1000x16xf32>
    %get3A_3 = vector.shape_cast %get3A_2 : vector<1x1000x16xf32> to vector<1000x16xf32>
    %slice3A = vector.extract_strided_slice %get3A_3 {offsets = [0, 0], sizes = [1000, 1], strides = [1, 1]} : vector<1000x16xf32> to vector<1000x1xf32>
    %get3A_4 = arith.constant 0 : index
    %get3A_5 = arith.constant 0 : index
    %get3A_6 = arith.constant 0 : index
    %get3A_7 = vector.load %arg1[%get3A_4, %get3A_5, %get3A_6] : memref<1x1000x64xf32, #tpu.memory_space<vmem>>, vector<1x1000x64xf32>
    %get3A_8 = vector.shape_cast %get3A_7 : vector<1x1000x64xf32> to vector<1000x64xf32>
    %max3A = arith.constant 1.000000e+00 : f32
    %max3A_9 = vector.broadcast %max3A : f32 to vector<1000x1xf32>
    %max3A_10 = arith.maximumf %slice3A, %max3A_9 : vector<1000x1xf32>
    %div3A = vector.broadcast %max3A_10 : vector<1000x1xf32> to vector<1000x64xf32>
    %div3A_11 = arith.divf %get3A_8, %div3A : vector<1000x64xf32>
    %get3A_12 = arith.constant 0 : index
    %get3A_13 = arith.constant 0 : index
    %get3A_14 = vector.load %arg3[%get3A_12, %get3A_13] : memref<1x64xf32, #tpu.memory_space<vmem>>, vector<1x64xf32>
    %add3A = vector.broadcast %get3A_14 : vector<1x64xf32> to vector<1000x64xf32>
    %add3A_15 = arith.addf %div3A_11, %add3A : vector<1000x64xf32>
    %get3A_16 = arith.constant 0 : index
    %get3A_17 = arith.constant 0 : index
    %get3A_18 = vector.load %arg4[%get3A_16, %get3A_17] : memref<1000x64xf32, #tpu.memory_space<vmem>>, vector<1000x64xf32>
    %add3A_19 = arith.addf %add3A_15, %get3A_18 : vector<1000x64xf32>
    %max3A_20 = arith.constant 0.000000e+00 : f32
    %max3A_21 = vector.broadcast %max3A_20 : f32 to vector<1000x64xf32>
    %max3A_22 = arith.maximumf %add3A_19, %max3A_21 : vector<1000x64xf32>
    %swap3A = arith.constant 0 : index
    %swap3A_23 = arith.constant 0 : index
    %swap3A_24 = vector.load %arg7[%swap3A, %swap3A_23] : memref<1000x64xf32, #tpu.memory_space<vmem>>, vector<1000x64xf32>
    tpu.vector_store %arg7[%swap3A, %swap3A_23], %max3A_22 {strides = array<i32>} : memref<1000x64xf32, #tpu.memory_space<vmem>>, vector<1000x64xf32>,
    %get3A_25 = arith.constant 0 : index
    %get3A_26 = arith.constant 0 : index
    %get3A_27 = vector.load %arg5[%get3A_25, %get3A_26] : memref<64x64xf32, #tpu.memory_space<vmem>>, vector<64x64xf32>
    %dot_general3A = arith.constant dense<0.000000e+00> : vector<1000x64xf32>
    %dot_general3A_28 = tpu.matmul %max3A_22, %get3A_27, %dot_general3A {dimension_numbers = #tpu.dot_dimension_numbers<[1], [1], [0], [0], [0, 0, 1, 0], [], []>, transpose_lhs_hint = false} : vector<1000x64xf32>, vector<64x64xf32>, vector<1000x64xf32> -> vector<1000x64xf32>
    %swap3A_29 = arith.constant 0 : index
    %swap3A_30 = arith.constant 0 : index
    %swap3A_31 = vector.load %arg8[%swap3A_29, %swap3A_30] : memref<1000x64xf32, #tpu.memory_space<vmem>>, vector<1000x64xf32>
    tpu.vector_store %arg8[%swap3A_29, %swap3A_30], %dot_general3A_28 {strides = array<i32>} : memref<1000x64xf32, #tpu.memory_space<vmem>>, vector<1000x64xf32>,
    %get3A_32 = arith.constant 0 : index
    %get3A_33 = arith.constant 0 : index
    %get3A_34 = vector.load %arg6[%get3A_32, %get3A_33] : memref<64x64xf32, #tpu.memory_space<vmem>>, vector<64x64xf32>
    %dot_general3A_35 = arith.constant dense<0.000000e+00> : vector<1000x64xf32>
    %dot_general3A_36 = tpu.matmul %max3A_22, %get3A_34, %dot_general3A_35 {dimension_numbers = #tpu.dot_dimension_numbers<[1], [1], [0], [0], [0, 0, 1, 0], [], []>, transpose_lhs_hint = false} : vector<1000x64xf32>, vector<64x64xf32>, vector<1000x64xf32> -> vector<1000x64xf32>
    %swap3A_37 = arith.constant 0 : index
    %swap3A_38 = arith.constant 0 : index
    %swap3A_39 = vector.load %arg9[%swap3A_37, %swap3A_38] : memref<1000x64xf32, #tpu.memory_space<vmem>>, vector<1000x64xf32>
    tpu.vector_store %arg9[%swap3A_37, %swap3A_38], %dot_general3A_36 {strides = array<i32>} : memref<1000x64xf32, #tpu.memory_space<vmem>>, vector<1000x64xf32>,
    return
  }
  func.func @transform_0(%arg0: i32) -> (i32, i32, i32) {
    %jit3A = arith.constant 5 : i32
    %div3A = arith.divsi %arg0, %jit3A : i32
    %sign3A = arith.constant 0 : i32
    %sign3A_0 = arith.cmpi sgt, %arg0, %sign3A : i32
    %sign3A_1 = arith.extui %sign3A_0 : i1 to i32
    %sign3A_2 = arith.constant 0 : i32
    %sign3A_3 = arith.cmpi slt, %arg0, %sign3A_2 : i32
    %sign3A_4 = arith.extui %sign3A_3 : i1 to i32
    %sign3A_5 = arith.subi %sign3A_1, %sign3A_4 : i32
    %sign3A_6 = arith.constant 0 : i32
    %sign3A_7 = arith.cmpi sgt, %jit3A, %sign3A_6 : i32
    %sign3A_8 = arith.extui %sign3A_7 : i1 to i32
    %sign3A_9 = arith.constant 0 : i32
    %sign3A_10 = arith.cmpi slt, %jit3A, %sign3A_9 : i32
    %sign3A_11 = arith.extui %sign3A_10 : i1 to i32
    %sign3A_12 = arith.subi %sign3A_8, %sign3A_11 : i32
    %ne3A = arith.cmpi ne, %sign3A_5, %sign3A_12 : i32
    %rem3A = arith.remsi %arg0, %jit3A : i32
    %ne3A_13 = arith.constant 0 : i32
    %ne3A_14 = arith.cmpi ne, %rem3A, %ne3A_13 : i32
    %and3A = arith.andi %ne3A, %ne3A_14 : i1
    %sub3A = arith.constant 1 : i32
    %sub3A_15 = arith.subi %div3A, %sub3A : i32
    %select_n3A = arith.select %and3A, %sub3A_15, %div3A : i32
    %jit3A_16 = arith.constant 5 : i32
    %eq3A = arith.constant 0 : i32
    %eq3A_17 = arith.cmpi eq, %jit3A_16, %eq3A : i32
    %jit3A_18 = arith.constant 1 : i32
    %select_n3A_19 = arith.select %eq3A_17, %jit3A_18, %jit3A_16 : i32
    %rem3A_20 = arith.remsi %arg0, %select_n3A_19 : i32
    %ne3A_21 = arith.constant 0 : i32
    %ne3A_22 = arith.cmpi ne, %rem3A_20, %ne3A_21 : i32
    %lt3A = arith.constant 0 : i32
    %lt3A_23 = arith.cmpi slt, %rem3A_20, %lt3A : i32
    %lt3A_24 = arith.constant 0 : i32
    %lt3A_25 = arith.cmpi slt, %select_n3A_19, %lt3A_24 : i32
    %ne3A_26 = arith.xori %lt3A_23, %lt3A_25 : i1
    %and3A_27 = arith.andi %ne3A_26, %ne3A_22 : i1
    %add3A = arith.addi %rem3A_20, %select_n3A_19 : i32
    %select_n3A_28 = arith.select %and3A_27, %add3A, %rem3A_20 : i32
    %c0_i32 = arith.constant 0 : i32
    %c0_i32_29 = arith.constant 0 : i32
    return %select_n3A, %select_n3A_28, %c0_i32 : i32, i32, i32
  }
  func.func @transform_1(%arg0: i32) -> (i32, i32, i32) {
    %jit3A = arith.constant 5 : i32
    %div3A = arith.divsi %arg0, %jit3A : i32
    %sign3A = arith.constant 0 : i32
    %sign3A_0 = arith.cmpi sgt, %arg0, %sign3A : i32
    %sign3A_1 = arith.extui %sign3A_0 : i1 to i32
    %sign3A_2 = arith.constant 0 : i32
    %sign3A_3 = arith.cmpi slt, %arg0, %sign3A_2 : i32
    %sign3A_4 = arith.extui %sign3A_3 : i1 to i32
    %sign3A_5 = arith.subi %sign3A_1, %sign3A_4 : i32
    %sign3A_6 = arith.constant 0 : i32
    %sign3A_7 = arith.cmpi sgt, %jit3A, %sign3A_6 : i32
    %sign3A_8 = arith.extui %sign3A_7 : i1 to i32
    %sign3A_9 = arith.constant 0 : i32
    %sign3A_10 = arith.cmpi slt, %jit3A, %sign3A_9 : i32
    %sign3A_11 = arith.extui %sign3A_10 : i1 to i32
    %sign3A_12 = arith.subi %sign3A_8, %sign3A_11 : i32
    %ne3A = arith.cmpi ne, %sign3A_5, %sign3A_12 : i32
    %rem3A = arith.remsi %arg0, %jit3A : i32
    %ne3A_13 = arith.constant 0 : i32
    %ne3A_14 = arith.cmpi ne, %rem3A, %ne3A_13 : i32
    %and3A = arith.andi %ne3A, %ne3A_14 : i1
    %sub3A = arith.constant 1 : i32
    %sub3A_15 = arith.subi %div3A, %sub3A : i32
    %select_n3A = arith.select %and3A, %sub3A_15, %div3A : i32
    %jit3A_16 = arith.constant 5 : i32
    %eq3A = arith.constant 0 : i32
    %eq3A_17 = arith.cmpi eq, %jit3A_16, %eq3A : i32
    %jit3A_18 = arith.constant 1 : i32
    %select_n3A_19 = arith.select %eq3A_17, %jit3A_18, %jit3A_16 : i32
    %rem3A_20 = arith.remsi %arg0, %select_n3A_19 : i32
    %ne3A_21 = arith.constant 0 : i32
    %ne3A_22 = arith.cmpi ne, %rem3A_20, %ne3A_21 : i32
    %lt3A = arith.constant 0 : i32
    %lt3A_23 = arith.cmpi slt, %rem3A_20, %lt3A : i32
    %lt3A_24 = arith.constant 0 : i32
    %lt3A_25 = arith.cmpi slt, %select_n3A_19, %lt3A_24 : i32
    %ne3A_26 = arith.xori %lt3A_23, %lt3A_25 : i1
    %and3A_27 = arith.andi %ne3A_26, %ne3A_22 : i1
    %add3A = arith.addi %rem3A_20, %select_n3A_19 : i32
    %select_n3A_28 = arith.select %and3A_27, %add3A, %rem3A_20 : i32
    %c0_i32 = arith.constant 0 : i32
    %c0_i32_29 = arith.constant 0 : i32
    return %select_n3A, %select_n3A_28, %c0_i32 : i32, i32, i32
  }
  func.func @transform_2(%arg0: i32) -> (i32, i32) {
    %c0_i32 = arith.constant 0 : i32
    %c0_i32_0 = arith.constant 0 : i32
    %c0_i32_1 = arith.constant 0 : i32
    return %c0_i32, %c0_i32_0 : i32, i32
  }
  func.func @transform_3(%arg0: i32) -> (i32, i32) {
    %c0_i32 = arith.constant 0 : i32
    %c0_i32_0 = arith.constant 0 : i32
    return %arg0, %c0_i32 : i32, i32
  }
  func.func @transform_4(%arg0: i32) -> (i32, i32) {
    %c0_i32 = arith.constant 0 : i32
    %c0_i32_0 = arith.constant 0 : i32
    %c0_i32_1 = arith.constant 0 : i32
    return %c0_i32, %c0_i32_0 : i32, i32
  }
  func.func @transform_5(%arg0: i32) -> (i32, i32) {
    %c0_i32 = arith.constant 0 : i32
    %c0_i32_0 = arith.constant 0 : i32
    %c0_i32_1 = arith.constant 0 : i32
    return %c0_i32, %c0_i32_0 : i32, i32
  }
  func.func @transform_6(%arg0: i32) -> (i32, i32) {
    %c0_i32 = arith.constant 0 : i32
    %c0_i32_0 = arith.constant 0 : i32
    return %arg0, %c0_i32 : i32, i32
  }
  func.func @transform_7(%arg0: i32) -> (i32, i32) {
    %c0_i32 = arith.constant 0 : i32
    %c0_i32_0 = arith.constant 0 : i32
    return %arg0, %c0_i32 : i32, i32
  }
  func.func @transform_8(%arg0: i32) -> (i32, i32) {
    %c0_i32 = arith.constant 0 : i32
    %c0_i32_0 = arith.constant 0 : i32
    return %arg0, %c0_i32 : i32, i32
  }
}

module attributes {stable_mosaic.version = 14 : i64} {
  func.func @kern(%arg0: i32, %arg1: memref<1x1000x64xf32, #tpu.memory_space<vmem>>, %arg2: memref<1x1000x16xf32, #tpu.memory_space<vmem>>, %arg3: memref<1x64xf32, #tpu.memory_space<vmem>>, %arg4: memref<1000x64xf32, #tpu.memory_space<vmem>>, %arg5: memref<1000x64xf32, #tpu.memory_space<vmem>>, %arg6: memref<64x64xf32, #tpu.memory_space<vmem>>, %arg7: memref<64x64xf32, #tpu.memory_space<vmem>>, %arg8: memref<1000x64xf32, #tpu.memory_space<vmem>>, %arg9: memref<1000x64xf32, #tpu.memory_space<vmem>>, %arg10: memref<1000x64xf32, #tpu.memory_space<vmem>>) attributes {dimension_semantics = [#tpu.dimension_semantics<arbitrary>], iteration_bounds = array<i64: 10>, scalar_prefetch = 0 : i64, scratch_operands = 0 : i64, tpu.core_type = #tpu.core_type<tc>, window_params = [{transform_indices = @transform_0, window_bounds = array<i64: 1, 1000, 64>}, {transform_indices = @transform_1, window_bounds = array<i64: 1, 1000, 16>}, {pipeline_mode = #tpu.pipeline_mode<synchronous>, transform_indices = @transform_2, window_bounds = array<i64: 1, 64>}, {transform_indices = @transform_3, window_bounds = array<i64: 1000, 64>}, {transform_indices = @transform_4, window_bounds = array<i64: 1000, 64>}, {pipeline_mode = #tpu.pipeline_mode<synchronous>, transform_indices = @transform_5, window_bounds = array<i64: 64, 64>}, {pipeline_mode = #tpu.pipeline_mode<synchronous>, transform_indices = @transform_6, window_bounds = array<i64: 64, 64>}, {transform_indices = @transform_7, window_bounds = array<i64: 1000, 64>}, {transform_indices = @transform_8, window_bounds = array<i64: 1000, 64>}, {transform_indices = @transform_9, window_bounds = array<i64: 1000, 64>}]} {
    %get3A = arith.constant 0 : index
    %get3A_0 = arith.constant 0 : index
    %get3A_1 = arith.constant 0 : index
    %get3A_2 = vector.load %arg2[%get3A, %get3A_0, %get3A_1] : memref<1x1000x16xf32, #tpu.memory_space<vmem>>, vector<1x1000x16xf32>
    %get3A_3 = vector.shape_cast %get3A_2 : vector<1x1000x16xf32> to vector<1000x16xf32>
    %slice3A = vector.extract_strided_slice %get3A_3 {offsets = [0, 0], sizes = [1000, 1], strides = [1, 1]} : vector<1000x16xf32> to vector<1000x1xf32>
    %get3A_4 = arith.constant 0 : index
    %get3A_5 = arith.constant 0 : index
    %get3A_6 = arith.constant 0 : index
    %get3A_7 = vector.load %arg1[%get3A_4, %get3A_5, %get3A_6] : memref<1x1000x64xf32, #tpu.memory_space<vmem>>, vector<1x1000x64xf32>
    %get3A_8 = vector.shape_cast %get3A_7 : vector<1x1000x64xf32> to vector<1000x64xf32>
    %max3A = arith.constant 1.000000e+00 : f32
    %max3A_9 = vector.broadcast %max3A : f32 to vector<1000x1xf32>
    %max3A_10 = arith.maximumf %slice3A, %max3A_9 : vector<1000x1xf32>
    %div3A = vector.broadcast %max3A_10 : vector<1000x1xf32> to vector<1000x64xf32>
    %div3A_11 = arith.divf %get3A_8, %div3A : vector<1000x64xf32>
    %get3A_12 = arith.constant 0 : index
    %get3A_13 = arith.constant 0 : index
    %get3A_14 = vector.load %arg3[%get3A_12, %get3A_13] : memref<1x64xf32, #tpu.memory_space<vmem>>, vector<1x64xf32>
    %add3A = vector.broadcast %get3A_14 : vector<1x64xf32> to vector<1000x64xf32>
    %add3A_15 = arith.addf %div3A_11, %add3A : vector<1000x64xf32>
    %get3A_16 = arith.constant 0 : index
    %get3A_17 = arith.constant 0 : index
    %get3A_18 = vector.load %arg4[%get3A_16, %get3A_17] : memref<1000x64xf32, #tpu.memory_space<vmem>>, vector<1000x64xf32>
    %add3A_19 = arith.addf %add3A_15, %get3A_18 : vector<1000x64xf32>
    %max3A_20 = arith.constant 0.000000e+00 : f32
    %max3A_21 = vector.broadcast %max3A_20 : f32 to vector<1000x64xf32>
    %max3A_22 = arith.maximumf %add3A_19, %max3A_21 : vector<1000x64xf32>
    %get3A_23 = arith.constant 0 : index
    %get3A_24 = arith.constant 0 : index
    %get3A_25 = vector.load %arg5[%get3A_23, %get3A_24] : memref<1000x64xf32, #tpu.memory_space<vmem>>, vector<1000x64xf32>
    %add3A_26 = arith.addf %max3A_22, %get3A_25 : vector<1000x64xf32>
    %swap3A = arith.constant 0 : index
    %swap3A_27 = arith.constant 0 : index
    %swap3A_28 = vector.load %arg8[%swap3A, %swap3A_27] : memref<1000x64xf32, #tpu.memory_space<vmem>>, vector<1000x64xf32>
    tpu.vector_store %arg8[%swap3A, %swap3A_27], %add3A_26 {strides = array<i32>} : memref<1000x64xf32, #tpu.memory_space<vmem>>, vector<1000x64xf32>,
    %get3A_29 = arith.constant 0 : index
    %get3A_30 = arith.constant 0 : index
    %get3A_31 = vector.load %arg6[%get3A_29, %get3A_30] : memref<64x64xf32, #tpu.memory_space<vmem>>, vector<64x64xf32>
    %dot_general3A = arith.constant dense<0.000000e+00> : vector<1000x64xf32>
    %dot_general3A_32 = tpu.matmul %add3A_26, %get3A_31, %dot_general3A {dimension_numbers = #tpu.dot_dimension_numbers<[1], [1], [0], [0], [0, 0, 1, 0], [], []>, transpose_lhs_hint = false} : vector<1000x64xf32>, vector<64x64xf32>, vector<1000x64xf32> -> vector<1000x64xf32>
    %swap3A_33 = arith.constant 0 : index
    %swap3A_34 = arith.constant 0 : index
    %swap3A_35 = vector.load %arg9[%swap3A_33, %swap3A_34] : memref<1000x64xf32, #tpu.memory_space<vmem>>, vector<1000x64xf32>
    tpu.vector_store %arg9[%swap3A_33, %swap3A_34], %dot_general3A_32 {strides = array<i32>} : memref<1000x64xf32, #tpu.memory_space<vmem>>, vector<1000x64xf32>,
    %get3A_36 = arith.constant 0 : index
    %get3A_37 = arith.constant 0 : index
    %get3A_38 = vector.load %arg7[%get3A_36, %get3A_37] : memref<64x64xf32, #tpu.memory_space<vmem>>, vector<64x64xf32>
    %dot_general3A_39 = arith.constant dense<0.000000e+00> : vector<1000x64xf32>
    %dot_general3A_40 = tpu.matmul %add3A_26, %get3A_38, %dot_general3A_39 {dimension_numbers = #tpu.dot_dimension_numbers<[1], [1], [0], [0], [0, 0, 1, 0], [], []>, transpose_lhs_hint = false} : vector<1000x64xf32>, vector<64x64xf32>, vector<1000x64xf32> -> vector<1000x64xf32>
    %swap3A_41 = arith.constant 0 : index
    %swap3A_42 = arith.constant 0 : index
    %swap3A_43 = vector.load %arg10[%swap3A_41, %swap3A_42] : memref<1000x64xf32, #tpu.memory_space<vmem>>, vector<1000x64xf32>
    tpu.vector_store %arg10[%swap3A_41, %swap3A_42], %dot_general3A_40 {strides = array<i32>} : memref<1000x64xf32, #tpu.memory_space<vmem>>, vector<1000x64xf32>,
    return
  }
  func.func @transform_0(%arg0: i32) -> (i32, i32, i32) {
    %jit3A = arith.constant 5 : i32
    %div3A = arith.divsi %arg0, %jit3A : i32
    %sign3A = arith.constant 0 : i32
    %sign3A_0 = arith.cmpi sgt, %arg0, %sign3A : i32
    %sign3A_1 = arith.extui %sign3A_0 : i1 to i32
    %sign3A_2 = arith.constant 0 : i32
    %sign3A_3 = arith.cmpi slt, %arg0, %sign3A_2 : i32
    %sign3A_4 = arith.extui %sign3A_3 : i1 to i32
    %sign3A_5 = arith.subi %sign3A_1, %sign3A_4 : i32
    %sign3A_6 = arith.constant 0 : i32
    %sign3A_7 = arith.cmpi sgt, %jit3A, %sign3A_6 : i32
    %sign3A_8 = arith.extui %sign3A_7 : i1 to i32
    %sign3A_9 = arith.constant 0 : i32
    %sign3A_10 = arith.cmpi slt, %jit3A, %sign3A_9 : i32
    %sign3A_11 = arith.extui %sign3A_10 : i1 to i32
    %sign3A_12 = arith.subi %sign3A_8, %sign3A_11 : i32
    %ne3A = arith.cmpi ne, %sign3A_5, %sign3A_12 : i32
    %rem3A = arith.remsi %arg0, %jit3A : i32
    %ne3A_13 = arith.constant 0 : i32
    %ne3A_14 = arith.cmpi ne, %rem3A, %ne3A_13 : i32
    %and3A = arith.andi %ne3A, %ne3A_14 : i1
    %sub3A = arith.constant 1 : i32
    %sub3A_15 = arith.subi %div3A, %sub3A : i32
    %select_n3A = arith.select %and3A, %sub3A_15, %div3A : i32
    %jit3A_16 = arith.constant 5 : i32
    %eq3A = arith.constant 0 : i32
    %eq3A_17 = arith.cmpi eq, %jit3A_16, %eq3A : i32
    %jit3A_18 = arith.constant 1 : i32
    %select_n3A_19 = arith.select %eq3A_17, %jit3A_18, %jit3A_16 : i32
    %rem3A_20 = arith.remsi %arg0, %select_n3A_19 : i32
    %ne3A_21 = arith.constant 0 : i32
    %ne3A_22 = arith.cmpi ne, %rem3A_20, %ne3A_21 : i32
    %lt3A = arith.constant 0 : i32
    %lt3A_23 = arith.cmpi slt, %rem3A_20, %lt3A : i32
    %lt3A_24 = arith.constant 0 : i32
    %lt3A_25 = arith.cmpi slt, %select_n3A_19, %lt3A_24 : i32
    %ne3A_26 = arith.xori %lt3A_23, %lt3A_25 : i1
    %and3A_27 = arith.andi %ne3A_26, %ne3A_22 : i1
    %add3A = arith.addi %rem3A_20, %select_n3A_19 : i32
    %select_n3A_28 = arith.select %and3A_27, %add3A, %rem3A_20 : i32
    %c0_i32 = arith.constant 0 : i32
    %c0_i32_29 = arith.constant 0 : i32
    return %select_n3A, %select_n3A_28, %c0_i32 : i32, i32, i32
  }
  func.func @transform_1(%arg0: i32) -> (i32, i32, i32) {
    %jit3A = arith.constant 5 : i32
    %div3A = arith.divsi %arg0, %jit3A : i32
    %sign3A = arith.constant 0 : i32
    %sign3A_0 = arith.cmpi sgt, %arg0, %sign3A : i32
    %sign3A_1 = arith.extui %sign3A_0 : i1 to i32
    %sign3A_2 = arith.constant 0 : i32
    %sign3A_3 = arith.cmpi slt, %arg0, %sign3A_2 : i32
    %sign3A_4 = arith.extui %sign3A_3 : i1 to i32
    %sign3A_5 = arith.subi %sign3A_1, %sign3A_4 : i32
    %sign3A_6 = arith.constant 0 : i32
    %sign3A_7 = arith.cmpi sgt, %jit3A, %sign3A_6 : i32
    %sign3A_8 = arith.extui %sign3A_7 : i1 to i32
    %sign3A_9 = arith.constant 0 : i32
    %sign3A_10 = arith.cmpi slt, %jit3A, %sign3A_9 : i32
    %sign3A_11 = arith.extui %sign3A_10 : i1 to i32
    %sign3A_12 = arith.subi %sign3A_8, %sign3A_11 : i32
    %ne3A = arith.cmpi ne, %sign3A_5, %sign3A_12 : i32
    %rem3A = arith.remsi %arg0, %jit3A : i32
    %ne3A_13 = arith.constant 0 : i32
    %ne3A_14 = arith.cmpi ne, %rem3A, %ne3A_13 : i32
    %and3A = arith.andi %ne3A, %ne3A_14 : i1
    %sub3A = arith.constant 1 : i32
    %sub3A_15 = arith.subi %div3A, %sub3A : i32
    %select_n3A = arith.select %and3A, %sub3A_15, %div3A : i32
    %jit3A_16 = arith.constant 5 : i32
    %eq3A = arith.constant 0 : i32
    %eq3A_17 = arith.cmpi eq, %jit3A_16, %eq3A : i32
    %jit3A_18 = arith.constant 1 : i32
    %select_n3A_19 = arith.select %eq3A_17, %jit3A_18, %jit3A_16 : i32
    %rem3A_20 = arith.remsi %arg0, %select_n3A_19 : i32
    %ne3A_21 = arith.constant 0 : i32
    %ne3A_22 = arith.cmpi ne, %rem3A_20, %ne3A_21 : i32
    %lt3A = arith.constant 0 : i32
    %lt3A_23 = arith.cmpi slt, %rem3A_20, %lt3A : i32
    %lt3A_24 = arith.constant 0 : i32
    %lt3A_25 = arith.cmpi slt, %select_n3A_19, %lt3A_24 : i32
    %ne3A_26 = arith.xori %lt3A_23, %lt3A_25 : i1
    %and3A_27 = arith.andi %ne3A_26, %ne3A_22 : i1
    %add3A = arith.addi %rem3A_20, %select_n3A_19 : i32
    %select_n3A_28 = arith.select %and3A_27, %add3A, %rem3A_20 : i32
    %c0_i32 = arith.constant 0 : i32
    %c0_i32_29 = arith.constant 0 : i32
    return %select_n3A, %select_n3A_28, %c0_i32 : i32, i32, i32
  }
  func.func @transform_2(%arg0: i32) -> (i32, i32) {
    %c0_i32 = arith.constant 0 : i32
    %c0_i32_0 = arith.constant 0 : i32
    %c0_i32_1 = arith.constant 0 : i32
    return %c0_i32, %c0_i32_0 : i32, i32
  }
  func.func @transform_3(%arg0: i32) -> (i32, i32) {
    %c0_i32 = arith.constant 0 : i32
    %c0_i32_0 = arith.constant 0 : i32
    return %arg0, %c0_i32 : i32, i32
  }
  func.func @transform_4(%arg0: i32) -> (i32, i32) {
    %c0_i32 = arith.constant 0 : i32
    %c0_i32_0 = arith.constant 0 : i32
    return %arg0, %c0_i32 : i32, i32
  }
  func.func @transform_5(%arg0: i32) -> (i32, i32) {
    %c0_i32 = arith.constant 0 : i32
    %c0_i32_0 = arith.constant 0 : i32
    %c0_i32_1 = arith.constant 0 : i32
    return %c0_i32, %c0_i32_0 : i32, i32
  }
  func.func @transform_6(%arg0: i32) -> (i32, i32) {
    %c0_i32 = arith.constant 0 : i32
    %c0_i32_0 = arith.constant 0 : i32
    %c0_i32_1 = arith.constant 0 : i32
    return %c0_i32, %c0_i32_0 : i32, i32
  }
  func.func @transform_7(%arg0: i32) -> (i32, i32) {
    %c0_i32 = arith.constant 0 : i32
    %c0_i32_0 = arith.constant 0 : i32
    return %arg0, %c0_i32 : i32, i32
  }
  func.func @transform_8(%arg0: i32) -> (i32, i32) {
    %c0_i32 = arith.constant 0 : i32
    %c0_i32_0 = arith.constant 0 : i32
    return %arg0, %c0_i32 : i32, i32
  }
  func.func @transform_9(%arg0: i32) -> (i32, i32) {
    %c0_i32 = arith.constant 0 : i32
    %c0_i32_0 = arith.constant 0 : i32
    return %arg0, %c0_i32 : i32, i32
  }
}

module attributes {stable_mosaic.version = 14 : i64} {
  func.func @kern(%arg0: i32, %arg1: memref<1x1000x64xf32, #tpu.memory_space<vmem>>, %arg2: memref<1x1000x16xf32, #tpu.memory_space<vmem>>, %arg3: memref<1x64xf32, #tpu.memory_space<vmem>>, %arg4: memref<1000x64xf32, #tpu.memory_space<vmem>>, %arg5: memref<1000x64xf32, #tpu.memory_space<vmem>>, %arg6: memref<64x64xf32, #tpu.memory_space<vmem>>, %arg7: memref<64x64xf32, #tpu.memory_space<vmem>>, %arg8: memref<1000x64xf32, #tpu.memory_space<vmem>>, %arg9: memref<1000x64xf32, #tpu.memory_space<vmem>>, %arg10: memref<1000x64xf32, #tpu.memory_space<vmem>>) attributes {dimension_semantics = [#tpu.dimension_semantics<arbitrary>], iteration_bounds = array<i64: 10>, scalar_prefetch = 0 : i64, scratch_operands = 0 : i64, tpu.core_type = #tpu.core_type<tc>, window_params = [{transform_indices = @transform_0, window_bounds = array<i64: 1, 1000, 64>}, {transform_indices = @transform_1, window_bounds = array<i64: 1, 1000, 16>}, {pipeline_mode = #tpu.pipeline_mode<synchronous>, transform_indices = @transform_2, window_bounds = array<i64: 1, 64>}, {transform_indices = @transform_3, window_bounds = array<i64: 1000, 64>}, {transform_indices = @transform_4, window_bounds = array<i64: 1000, 64>}, {pipeline_mode = #tpu.pipeline_mode<synchronous>, transform_indices = @transform_5, window_bounds = array<i64: 64, 64>}, {pipeline_mode = #tpu.pipeline_mode<synchronous>, transform_indices = @transform_6, window_bounds = array<i64: 64, 64>}, {transform_indices = @transform_7, window_bounds = array<i64: 1000, 64>}, {transform_indices = @transform_8, window_bounds = array<i64: 1000, 64>}, {transform_indices = @transform_9, window_bounds = array<i64: 1000, 64>}]} {
    %get3A = arith.constant 0 : index
    %get3A_0 = arith.constant 0 : index
    %get3A_1 = arith.constant 0 : index
    %get3A_2 = vector.load %arg2[%get3A, %get3A_0, %get3A_1] : memref<1x1000x16xf32, #tpu.memory_space<vmem>>, vector<1x1000x16xf32>
    %get3A_3 = vector.shape_cast %get3A_2 : vector<1x1000x16xf32> to vector<1000x16xf32>
    %slice3A = vector.extract_strided_slice %get3A_3 {offsets = [0, 0], sizes = [1000, 1], strides = [1, 1]} : vector<1000x16xf32> to vector<1000x1xf32>
    %get3A_4 = arith.constant 0 : index
    %get3A_5 = arith.constant 0 : index
    %get3A_6 = arith.constant 0 : index
    %get3A_7 = vector.load %arg1[%get3A_4, %get3A_5, %get3A_6] : memref<1x1000x64xf32, #tpu.memory_space<vmem>>, vector<1x1000x64xf32>
    %get3A_8 = vector.shape_cast %get3A_7 : vector<1x1000x64xf32> to vector<1000x64xf32>
    %max3A = arith.constant 1.000000e+00 : f32
    %max3A_9 = vector.broadcast %max3A : f32 to vector<1000x1xf32>
    %max3A_10 = arith.maximumf %slice3A, %max3A_9 : vector<1000x1xf32>
    %div3A = vector.broadcast %max3A_10 : vector<1000x1xf32> to vector<1000x64xf32>
    %div3A_11 = arith.divf %get3A_8, %div3A : vector<1000x64xf32>
    %get3A_12 = arith.constant 0 : index
    %get3A_13 = arith.constant 0 : index
    %get3A_14 = vector.load %arg3[%get3A_12, %get3A_13] : memref<1x64xf32, #tpu.memory_space<vmem>>, vector<1x64xf32>
    %add3A = vector.broadcast %get3A_14 : vector<1x64xf32> to vector<1000x64xf32>
    %add3A_15 = arith.addf %div3A_11, %add3A : vector<1000x64xf32>
    %get3A_16 = arith.constant 0 : index
    %get3A_17 = arith.constant 0 : index
    %get3A_18 = vector.load %arg4[%get3A_16, %get3A_17] : memref<1000x64xf32, #tpu.memory_space<vmem>>, vector<1000x64xf32>
    %add3A_19 = arith.addf %add3A_15, %get3A_18 : vector<1000x64xf32>
    %max3A_20 = arith.constant 0.000000e+00 : f32
    %max3A_21 = vector.broadcast %max3A_20 : f32 to vector<1000x64xf32>
    %max3A_22 = arith.maximumf %add3A_19, %max3A_21 : vector<1000x64xf32>
    %get3A_23 = arith.constant 0 : index
    %get3A_24 = arith.constant 0 : index
    %get3A_25 = vector.load %arg5[%get3A_23, %get3A_24] : memref<1000x64xf32, #tpu.memory_space<vmem>>, vector<1000x64xf32>
    %add3A_26 = arith.addf %max3A_22, %get3A_25 : vector<1000x64xf32>
    %swap3A = arith.constant 0 : index
    %swap3A_27 = arith.constant 0 : index
    %swap3A_28 = vector.load %arg8[%swap3A, %swap3A_27] : memref<1000x64xf32, #tpu.memory_space<vmem>>, vector<1000x64xf32>
    tpu.vector_store %arg8[%swap3A, %swap3A_27], %add3A_26 {strides = array<i32>} : memref<1000x64xf32, #tpu.memory_space<vmem>>, vector<1000x64xf32>,
    %get3A_29 = arith.constant 0 : index
    %get3A_30 = arith.constant 0 : index
    %get3A_31 = vector.load %arg6[%get3A_29, %get3A_30] : memref<64x64xf32, #tpu.memory_space<vmem>>, vector<64x64xf32>
    %dot_general3A = arith.constant dense<0.000000e+00> : vector<1000x64xf32>
    %dot_general3A_32 = tpu.matmul %add3A_26, %get3A_31, %dot_general3A {dimension_numbers = #tpu.dot_dimension_numbers<[1], [1], [0], [0], [0, 0, 1, 0], [], []>, transpose_lhs_hint = false} : vector<1000x64xf32>, vector<64x64xf32>, vector<1000x64xf32> -> vector<1000x64xf32>
    %swap3A_33 = arith.constant 0 : index
    %swap3A_34 = arith.constant 0 : index
    %swap3A_35 = vector.load %arg9[%swap3A_33, %swap3A_34] : memref<1000x64xf32, #tpu.memory_space<vmem>>, vector<1000x64xf32>
    tpu.vector_store %arg9[%swap3A_33, %swap3A_34], %dot_general3A_32 {strides = array<i32>} : memref<1000x64xf32, #tpu.memory_space<vmem>>, vector<1000x64xf32>,
    %get3A_36 = arith.constant 0 : index
    %get3A_37 = arith.constant 0 : index
    %get3A_38 = vector.load %arg7[%get3A_36, %get3A_37] : memref<64x64xf32, #tpu.memory_space<vmem>>, vector<64x64xf32>
    %dot_general3A_39 = arith.constant dense<0.000000e+00> : vector<1000x64xf32>
    %dot_general3A_40 = tpu.matmul %add3A_26, %get3A_38, %dot_general3A_39 {dimension_numbers = #tpu.dot_dimension_numbers<[1], [1], [0], [0], [0, 0, 1, 0], [], []>, transpose_lhs_hint = false} : vector<1000x64xf32>, vector<64x64xf32>, vector<1000x64xf32> -> vector<1000x64xf32>
    %swap3A_41 = arith.constant 0 : index
    %swap3A_42 = arith.constant 0 : index
    %swap3A_43 = vector.load %arg10[%swap3A_41, %swap3A_42] : memref<1000x64xf32, #tpu.memory_space<vmem>>, vector<1000x64xf32>
    tpu.vector_store %arg10[%swap3A_41, %swap3A_42], %dot_general3A_40 {strides = array<i32>} : memref<1000x64xf32, #tpu.memory_space<vmem>>, vector<1000x64xf32>,
    return
  }
  func.func @transform_0(%arg0: i32) -> (i32, i32, i32) {
    %jit3A = arith.constant 5 : i32
    %div3A = arith.divsi %arg0, %jit3A : i32
    %sign3A = arith.constant 0 : i32
    %sign3A_0 = arith.cmpi sgt, %arg0, %sign3A : i32
    %sign3A_1 = arith.extui %sign3A_0 : i1 to i32
    %sign3A_2 = arith.constant 0 : i32
    %sign3A_3 = arith.cmpi slt, %arg0, %sign3A_2 : i32
    %sign3A_4 = arith.extui %sign3A_3 : i1 to i32
    %sign3A_5 = arith.subi %sign3A_1, %sign3A_4 : i32
    %sign3A_6 = arith.constant 0 : i32
    %sign3A_7 = arith.cmpi sgt, %jit3A, %sign3A_6 : i32
    %sign3A_8 = arith.extui %sign3A_7 : i1 to i32
    %sign3A_9 = arith.constant 0 : i32
    %sign3A_10 = arith.cmpi slt, %jit3A, %sign3A_9 : i32
    %sign3A_11 = arith.extui %sign3A_10 : i1 to i32
    %sign3A_12 = arith.subi %sign3A_8, %sign3A_11 : i32
    %ne3A = arith.cmpi ne, %sign3A_5, %sign3A_12 : i32
    %rem3A = arith.remsi %arg0, %jit3A : i32
    %ne3A_13 = arith.constant 0 : i32
    %ne3A_14 = arith.cmpi ne, %rem3A, %ne3A_13 : i32
    %and3A = arith.andi %ne3A, %ne3A_14 : i1
    %sub3A = arith.constant 1 : i32
    %sub3A_15 = arith.subi %div3A, %sub3A : i32
    %select_n3A = arith.select %and3A, %sub3A_15, %div3A : i32
    %jit3A_16 = arith.constant 5 : i32
    %eq3A = arith.constant 0 : i32
    %eq3A_17 = arith.cmpi eq, %jit3A_16, %eq3A : i32
    %jit3A_18 = arith.constant 1 : i32
    %select_n3A_19 = arith.select %eq3A_17, %jit3A_18, %jit3A_16 : i32
    %rem3A_20 = arith.remsi %arg0, %select_n3A_19 : i32
    %ne3A_21 = arith.constant 0 : i32
    %ne3A_22 = arith.cmpi ne, %rem3A_20, %ne3A_21 : i32
    %lt3A = arith.constant 0 : i32
    %lt3A_23 = arith.cmpi slt, %rem3A_20, %lt3A : i32
    %lt3A_24 = arith.constant 0 : i32
    %lt3A_25 = arith.cmpi slt, %select_n3A_19, %lt3A_24 : i32
    %ne3A_26 = arith.xori %lt3A_23, %lt3A_25 : i1
    %and3A_27 = arith.andi %ne3A_26, %ne3A_22 : i1
    %add3A = arith.addi %rem3A_20, %select_n3A_19 : i32
    %select_n3A_28 = arith.select %and3A_27, %add3A, %rem3A_20 : i32
    %c0_i32 = arith.constant 0 : i32
    %c0_i32_29 = arith.constant 0 : i32
    return %select_n3A, %select_n3A_28, %c0_i32 : i32, i32, i32
  }
  func.func @transform_1(%arg0: i32) -> (i32, i32, i32) {
    %jit3A = arith.constant 5 : i32
    %div3A = arith.divsi %arg0, %jit3A : i32
    %sign3A = arith.constant 0 : i32
    %sign3A_0 = arith.cmpi sgt, %arg0, %sign3A : i32
    %sign3A_1 = arith.extui %sign3A_0 : i1 to i32
    %sign3A_2 = arith.constant 0 : i32
    %sign3A_3 = arith.cmpi slt, %arg0, %sign3A_2 : i32
    %sign3A_4 = arith.extui %sign3A_3 : i1 to i32
    %sign3A_5 = arith.subi %sign3A_1, %sign3A_4 : i32
    %sign3A_6 = arith.constant 0 : i32
    %sign3A_7 = arith.cmpi sgt, %jit3A, %sign3A_6 : i32
    %sign3A_8 = arith.extui %sign3A_7 : i1 to i32
    %sign3A_9 = arith.constant 0 : i32
    %sign3A_10 = arith.cmpi slt, %jit3A, %sign3A_9 : i32
    %sign3A_11 = arith.extui %sign3A_10 : i1 to i32
    %sign3A_12 = arith.subi %sign3A_8, %sign3A_11 : i32
    %ne3A = arith.cmpi ne, %sign3A_5, %sign3A_12 : i32
    %rem3A = arith.remsi %arg0, %jit3A : i32
    %ne3A_13 = arith.constant 0 : i32
    %ne3A_14 = arith.cmpi ne, %rem3A, %ne3A_13 : i32
    %and3A = arith.andi %ne3A, %ne3A_14 : i1
    %sub3A = arith.constant 1 : i32
    %sub3A_15 = arith.subi %div3A, %sub3A : i32
    %select_n3A = arith.select %and3A, %sub3A_15, %div3A : i32
    %jit3A_16 = arith.constant 5 : i32
    %eq3A = arith.constant 0 : i32
    %eq3A_17 = arith.cmpi eq, %jit3A_16, %eq3A : i32
    %jit3A_18 = arith.constant 1 : i32
    %select_n3A_19 = arith.select %eq3A_17, %jit3A_18, %jit3A_16 : i32
    %rem3A_20 = arith.remsi %arg0, %select_n3A_19 : i32
    %ne3A_21 = arith.constant 0 : i32
    %ne3A_22 = arith.cmpi ne, %rem3A_20, %ne3A_21 : i32
    %lt3A = arith.constant 0 : i32
    %lt3A_23 = arith.cmpi slt, %rem3A_20, %lt3A : i32
    %lt3A_24 = arith.constant 0 : i32
    %lt3A_25 = arith.cmpi slt, %select_n3A_19, %lt3A_24 : i32
    %ne3A_26 = arith.xori %lt3A_23, %lt3A_25 : i1
    %and3A_27 = arith.andi %ne3A_26, %ne3A_22 : i1
    %add3A = arith.addi %rem3A_20, %select_n3A_19 : i32
    %select_n3A_28 = arith.select %and3A_27, %add3A, %rem3A_20 : i32
    %c0_i32 = arith.constant 0 : i32
    %c0_i32_29 = arith.constant 0 : i32
    return %select_n3A, %select_n3A_28, %c0_i32 : i32, i32, i32
  }
  func.func @transform_2(%arg0: i32) -> (i32, i32) {
    %c0_i32 = arith.constant 0 : i32
    %c0_i32_0 = arith.constant 0 : i32
    %c0_i32_1 = arith.constant 0 : i32
    return %c0_i32, %c0_i32_0 : i32, i32
  }
  func.func @transform_3(%arg0: i32) -> (i32, i32) {
    %c0_i32 = arith.constant 0 : i32
    %c0_i32_0 = arith.constant 0 : i32
    return %arg0, %c0_i32 : i32, i32
  }
  func.func @transform_4(%arg0: i32) -> (i32, i32) {
    %c0_i32 = arith.constant 0 : i32
    %c0_i32_0 = arith.constant 0 : i32
    return %arg0, %c0_i32 : i32, i32
  }
  func.func @transform_5(%arg0: i32) -> (i32, i32) {
    %c0_i32 = arith.constant 0 : i32
    %c0_i32_0 = arith.constant 0 : i32
    %c0_i32_1 = arith.constant 0 : i32
    return %c0_i32, %c0_i32_0 : i32, i32
  }
  func.func @transform_6(%arg0: i32) -> (i32, i32) {
    %c0_i32 = arith.constant 0 : i32
    %c0_i32_0 = arith.constant 0 : i32
    %c0_i32_1 = arith.constant 0 : i32
    return %c0_i32, %c0_i32_0 : i32, i32
  }
  func.func @transform_7(%arg0: i32) -> (i32, i32) {
    %c0_i32 = arith.constant 0 : i32
    %c0_i32_0 = arith.constant 0 : i32
    return %arg0, %c0_i32 : i32, i32
  }
  func.func @transform_8(%arg0: i32) -> (i32, i32) {
    %c0_i32 = arith.constant 0 : i32
    %c0_i32_0 = arith.constant 0 : i32
    return %arg0, %c0_i32 : i32, i32
  }
  func.func @transform_9(%arg0: i32) -> (i32, i32) {
    %c0_i32 = arith.constant 0 : i32
    %c0_i32_0 = arith.constant 0 : i32
    return %arg0, %c0_i32 : i32, i32
  }
}

module attributes {stable_mosaic.version = 14 : i64} {
  func.func @_final_kernel(%arg0: i32, %arg1: memref<1x1000x64xf32, #tpu.memory_space<vmem>>, %arg2: memref<1x1000x16xf32, #tpu.memory_space<vmem>>, %arg3: memref<1x64xf32, #tpu.memory_space<vmem>>, %arg4: memref<1000x64xf32, #tpu.memory_space<vmem>>, %arg5: memref<1000x64xf32, #tpu.memory_space<vmem>>) attributes {dimension_semantics = [#tpu.dimension_semantics<arbitrary>], iteration_bounds = array<i64: 10>, scalar_prefetch = 0 : i64, scratch_operands = 0 : i64, tpu.core_type = #tpu.core_type<tc>, window_params = [{transform_indices = @transform_0, window_bounds = array<i64: 1, 1000, 64>}, {transform_indices = @transform_1, window_bounds = array<i64: 1, 1000, 16>}, {pipeline_mode = #tpu.pipeline_mode<synchronous>, transform_indices = @transform_2, window_bounds = array<i64: 1, 64>}, {transform_indices = @transform_3, window_bounds = array<i64: 1000, 64>}, {transform_indices = @transform_4, window_bounds = array<i64: 1000, 64>}]} {
    %get3A = arith.constant 0 : index
    %get3A_0 = arith.constant 0 : index
    %get3A_1 = arith.constant 0 : index
    %get3A_2 = vector.load %arg2[%get3A, %get3A_0, %get3A_1] : memref<1x1000x16xf32, #tpu.memory_space<vmem>>, vector<1x1000x16xf32>
    %get3A_3 = vector.shape_cast %get3A_2 : vector<1x1000x16xf32> to vector<1000x16xf32>
    %slice3A = vector.extract_strided_slice %get3A_3 {offsets = [0, 0], sizes = [1000, 1], strides = [1, 1]} : vector<1000x16xf32> to vector<1000x1xf32>
    %get3A_4 = arith.constant 0 : index
    %get3A_5 = arith.constant 0 : index
    %get3A_6 = arith.constant 0 : index
    %get3A_7 = vector.load %arg1[%get3A_4, %get3A_5, %get3A_6] : memref<1x1000x64xf32, #tpu.memory_space<vmem>>, vector<1x1000x64xf32>
    %get3A_8 = vector.shape_cast %get3A_7 : vector<1x1000x64xf32> to vector<1000x64xf32>
    %max3A = arith.constant 1.000000e+00 : f32
    %max3A_9 = vector.broadcast %max3A : f32 to vector<1000x1xf32>
    %max3A_10 = arith.maximumf %slice3A, %max3A_9 : vector<1000x1xf32>
    %div3A = vector.broadcast %max3A_10 : vector<1000x1xf32> to vector<1000x64xf32>
    %div3A_11 = arith.divf %get3A_8, %div3A : vector<1000x64xf32>
    %get3A_12 = arith.constant 0 : index
    %get3A_13 = arith.constant 0 : index
    %get3A_14 = vector.load %arg3[%get3A_12, %get3A_13] : memref<1x64xf32, #tpu.memory_space<vmem>>, vector<1x64xf32>
    %add3A = vector.broadcast %get3A_14 : vector<1x64xf32> to vector<1000x64xf32>
    %add3A_15 = arith.addf %div3A_11, %add3A : vector<1000x64xf32>
    %get3A_16 = arith.constant 0 : index
    %get3A_17 = arith.constant 0 : index
    %get3A_18 = vector.load %arg4[%get3A_16, %get3A_17] : memref<1000x64xf32, #tpu.memory_space<vmem>>, vector<1000x64xf32>
    %add3A_19 = arith.addf %add3A_15, %get3A_18 : vector<1000x64xf32>
    %mul3A = arith.mulf %add3A_19, %add3A_19 : vector<1000x64xf32>
    %reduce_sum3A = arith.constant dense<0.000000e+00> : vector<1000xf32>
    %reduce_sum3A_20 = vector.multi_reduction <add>, %mul3A, %reduce_sum3A [1] : vector<1000x64xf32> to vector<1000xf32>
    %broadcast_in_dim3A = vector.shape_cast %reduce_sum3A_20 : vector<1000xf32> to vector<1000x1xf32>
    %sqrt3A = math.sqrt %broadcast_in_dim3A : vector<1000x1xf32>
    %max3A_21 = arith.constant 9.99999996E-13 : f32
    %max3A_22 = vector.broadcast %max3A_21 : f32 to vector<1000x1xf32>
    %max3A_23 = arith.maximumf %sqrt3A, %max3A_22 : vector<1000x1xf32>
    %div3A_24 = vector.broadcast %max3A_23 : vector<1000x1xf32> to vector<1000x64xf32>
    %div3A_25 = arith.divf %add3A_19, %div3A_24 : vector<1000x64xf32>
    %swap3A = arith.constant 0 : index
    %swap3A_26 = arith.constant 0 : index
    %swap3A_27 = vector.load %arg5[%swap3A, %swap3A_26] : memref<1000x64xf32, #tpu.memory_space<vmem>>, vector<1000x64xf32>
    tpu.vector_store %arg5[%swap3A, %swap3A_26], %div3A_25 {strides = array<i32>} : memref<1000x64xf32, #tpu.memory_space<vmem>>, vector<1000x64xf32>,
    return
  }
  func.func @transform_0(%arg0: i32) -> (i32, i32, i32) {
    %jit3A = arith.constant 5 : i32
    %div3A = arith.divsi %arg0, %jit3A : i32
    %sign3A = arith.constant 0 : i32
    %sign3A_0 = arith.cmpi sgt, %arg0, %sign3A : i32
    %sign3A_1 = arith.extui %sign3A_0 : i1 to i32
    %sign3A_2 = arith.constant 0 : i32
    %sign3A_3 = arith.cmpi slt, %arg0, %sign3A_2 : i32
    %sign3A_4 = arith.extui %sign3A_3 : i1 to i32
    %sign3A_5 = arith.subi %sign3A_1, %sign3A_4 : i32
    %sign3A_6 = arith.constant 0 : i32
    %sign3A_7 = arith.cmpi sgt, %jit3A, %sign3A_6 : i32
    %sign3A_8 = arith.extui %sign3A_7 : i1 to i32
    %sign3A_9 = arith.constant 0 : i32
    %sign3A_10 = arith.cmpi slt, %jit3A, %sign3A_9 : i32
    %sign3A_11 = arith.extui %sign3A_10 : i1 to i32
    %sign3A_12 = arith.subi %sign3A_8, %sign3A_11 : i32
    %ne3A = arith.cmpi ne, %sign3A_5, %sign3A_12 : i32
    %rem3A = arith.remsi %arg0, %jit3A : i32
    %ne3A_13 = arith.constant 0 : i32
    %ne3A_14 = arith.cmpi ne, %rem3A, %ne3A_13 : i32
    %and3A = arith.andi %ne3A, %ne3A_14 : i1
    %sub3A = arith.constant 1 : i32
    %sub3A_15 = arith.subi %div3A, %sub3A : i32
    %select_n3A = arith.select %and3A, %sub3A_15, %div3A : i32
    %jit3A_16 = arith.constant 5 : i32
    %eq3A = arith.constant 0 : i32
    %eq3A_17 = arith.cmpi eq, %jit3A_16, %eq3A : i32
    %jit3A_18 = arith.constant 1 : i32
    %select_n3A_19 = arith.select %eq3A_17, %jit3A_18, %jit3A_16 : i32
    %rem3A_20 = arith.remsi %arg0, %select_n3A_19 : i32
    %ne3A_21 = arith.constant 0 : i32
    %ne3A_22 = arith.cmpi ne, %rem3A_20, %ne3A_21 : i32
    %lt3A = arith.constant 0 : i32
    %lt3A_23 = arith.cmpi slt, %rem3A_20, %lt3A : i32
    %lt3A_24 = arith.constant 0 : i32
    %lt3A_25 = arith.cmpi slt, %select_n3A_19, %lt3A_24 : i32
    %ne3A_26 = arith.xori %lt3A_23, %lt3A_25 : i1
    %and3A_27 = arith.andi %ne3A_26, %ne3A_22 : i1
    %add3A = arith.addi %rem3A_20, %select_n3A_19 : i32
    %select_n3A_28 = arith.select %and3A_27, %add3A, %rem3A_20 : i32
    %c0_i32 = arith.constant 0 : i32
    %c0_i32_29 = arith.constant 0 : i32
    return %select_n3A, %select_n3A_28, %c0_i32 : i32, i32, i32
  }
  func.func @transform_1(%arg0: i32) -> (i32, i32, i32) {
    %jit3A = arith.constant 5 : i32
    %div3A = arith.divsi %arg0, %jit3A : i32
    %sign3A = arith.constant 0 : i32
    %sign3A_0 = arith.cmpi sgt, %arg0, %sign3A : i32
    %sign3A_1 = arith.extui %sign3A_0 : i1 to i32
    %sign3A_2 = arith.constant 0 : i32
    %sign3A_3 = arith.cmpi slt, %arg0, %sign3A_2 : i32
    %sign3A_4 = arith.extui %sign3A_3 : i1 to i32
    %sign3A_5 = arith.subi %sign3A_1, %sign3A_4 : i32
    %sign3A_6 = arith.constant 0 : i32
    %sign3A_7 = arith.cmpi sgt, %jit3A, %sign3A_6 : i32
    %sign3A_8 = arith.extui %sign3A_7 : i1 to i32
    %sign3A_9 = arith.constant 0 : i32
    %sign3A_10 = arith.cmpi slt, %jit3A, %sign3A_9 : i32
    %sign3A_11 = arith.extui %sign3A_10 : i1 to i32
    %sign3A_12 = arith.subi %sign3A_8, %sign3A_11 : i32
    %ne3A = arith.cmpi ne, %sign3A_5, %sign3A_12 : i32
    %rem3A = arith.remsi %arg0, %jit3A : i32
    %ne3A_13 = arith.constant 0 : i32
    %ne3A_14 = arith.cmpi ne, %rem3A, %ne3A_13 : i32
    %and3A = arith.andi %ne3A, %ne3A_14 : i1
    %sub3A = arith.constant 1 : i32
    %sub3A_15 = arith.subi %div3A, %sub3A : i32
    %select_n3A = arith.select %and3A, %sub3A_15, %div3A : i32
    %jit3A_16 = arith.constant 5 : i32
    %eq3A = arith.constant 0 : i32
    %eq3A_17 = arith.cmpi eq, %jit3A_16, %eq3A : i32
    %jit3A_18 = arith.constant 1 : i32
    %select_n3A_19 = arith.select %eq3A_17, %jit3A_18, %jit3A_16 : i32
    %rem3A_20 = arith.remsi %arg0, %select_n3A_19 : i32
    %ne3A_21 = arith.constant 0 : i32
    %ne3A_22 = arith.cmpi ne, %rem3A_20, %ne3A_21 : i32
    %lt3A = arith.constant 0 : i32
    %lt3A_23 = arith.cmpi slt, %rem3A_20, %lt3A : i32
    %lt3A_24 = arith.constant 0 : i32
    %lt3A_25 = arith.cmpi slt, %select_n3A_19, %lt3A_24 : i32
    %ne3A_26 = arith.xori %lt3A_23, %lt3A_25 : i1
    %and3A_27 = arith.andi %ne3A_26, %ne3A_22 : i1
    %add3A = arith.addi %rem3A_20, %select_n3A_19 : i32
    %select_n3A_28 = arith.select %and3A_27, %add3A, %rem3A_20 : i32
    %c0_i32 = arith.constant 0 : i32
    %c0_i32_29 = arith.constant 0 : i32
    return %select_n3A, %select_n3A_28, %c0_i32 : i32, i32, i32
  }
  func.func @transform_2(%arg0: i32) -> (i32, i32) {
    %c0_i32 = arith.constant 0 : i32
    %c0_i32_0 = arith.constant 0 : i32
    %c0_i32_1 = arith.constant 0 : i32
    return %c0_i32, %c0_i32_0 : i32, i32
  }
  func.func @transform_3(%arg0: i32) -> (i32, i32) {
    %c0_i32 = arith.constant 0 : i32
    %c0_i32_0 = arith.constant 0 : i32
    return %arg0, %c0_i32 : i32, i32
  }
  func.func @transform_4(%arg0: i32) -> (i32, i32) {
    %c0_i32 = arith.constant 0 : i32
    %c0_i32_0 = arith.constant 0 : i32
    return %arg0, %c0_i32 : i32, i32
  }
}

</mosaic_0001>

<sc_bundles>
// kernel: kernel.12.cloned.1.call-start
scs
__scs_entry_jumppad:
0x0: {  	(pc) =	sbr.rel $0x88, $3  }
0x1: {  	(tag) =	ssettag $0x0;
	lr =	simm.s32 $0x1  }
0x2: {  	[smem:$0x3F93] =	sst lr;
	_ =	strace $0xD0000000  }
0x3: {  	_ = 	snop  }
0x4: {  	_ = 	snop  }
0x5: {  	_ = 	snop  }
0x6: {  	_ = 	snop  }
0x7: {  	_ = 	snop  }
__scs_overlays_trampoline_lowered:
0x8: {  	[smem:$0x3FA2] =	sst s0  }
0x9: {  	[smem:$0x3FA3] =	sst s1  }
0xa: {  	[smem:$0x3FA4] =	sst s2  }
0xb: {  	[smem:$0x3FA5] =	sst s3  }
0xc: {  	[smem:$0x3FA6] =	sst s4  }
0xd: {  	[smem:$0x3FA7] =	sst s5  }
0xe: {  	[smem:$0x3FA8] =	sst s6  }
0xf: {  	[smem:$0x3FA9] =	sst s7  }
0x10: {  	[smem:$0x3FAA] =	sst s8  }
0x11: {  	[smem:$0x3FAB] =	sst s9;
	s0 =	simm.s32 @!p0 $0x0  }
0x12: {  	s1 =	sld [smem:$0x3F91];
	s0 =	simm.s32 @p0 $0x1  }
0x13: {  	[smem:$0x3FAC] =	sst s0;
	s0 =	simm.s32 @!p1 $0x0  }
0x14: {  	s2 =	sld [smem:$0x3F90];
	s0 =	simm.s32 @p1 $0x1  }
0x15: {  	[smem:$0x3FAD] =	sst s0;
	s0 =	simm.s32 @!p2 $0x0  }
0x16: {  	s3 =	sld [smem:$0x3FDB];
	s0 =	simm.s32 @p2 $0x1  }
0x17: {  	s4 =	simm.s32 $0x1BF5;
	[smem:$0x3FAF] =	sst s0  }
0x18: {  	s0 =	sld [smem:$0x3F92];
	_ =	swait.ge [sflag:s4], $0x0  }
0x19: {  	s7 =	sld [smem:$0x3F93]  }
0x1a: {  	s8 =	sadd.s32 $0xFFFFE003, lr  }
0x1b: {  	s9 =	sadd.s32 $0xFFFFFEF7, lr;
	s5 =	simm.s32 $0xFFFFFFFF;
	p2 =	slt.u32 s8, $0xFFFFF086  }
0x1c: {  	p1 =	slt.u32 s9, $0xF7A;
	s5 =	simm.s32 @!p2 $0x0  }
0x1d: {  	s5 =	simm.s32 @p1 $0x1;
	p0 =	seq.s32 s7, s2  }
0x1e: {  	s7 =	smul.u32 @!p0 $0xF7A, s2;
	p2 =	seq.s32 @!p0 s5, $0x0  }
0x1f: {  	s9 =	smul.u32 $0xF7A, s1;
	s8 =	simm.s32 @!p0 $0x1BF5;
	p2 =	por !p2, p0  }
0x20: {  	[sflag:s8] =	ssyncset.s32 @!p0 $0xFFFFF086;
	s6 =	sadd.s32 @!p0 s3, s7;
	s7 =	simm.s32 @!p0 $0x108  }
0x21: {  	s3 =	sadd.s32 s3, s9;
	s6 =	sadd.s32 @!p0 $0x88, s6;
	s7 =	simm.s32 @p2 $0x1082  }
0x22: {  	[simem:s7], [sflag:s8] =	dma.local @!p0 [hbm:s6], $0xF7A  }
0x23: {  	s9 =	sor.u32 $0xD0000000, s2;
	s6 =	simm.s32 $0x108;
	_ =	swait.ge @!p0 [sflag:s8], $0x0  }
0x24: {  	s3 =	sadd.s32 $0x88, s3;
	s6 =	simm.s32 @!p1 $0x1082;
	[sflag:s4] =	ssyncset.s32 $0xFFFFF086  }
0x25: {  	[simem:s6], [sflag:s4] =	dma.local [hbm:s3], $0xF7A  }
0x26: {  	[smem:$0x3F93] =	sst s1;
	(tag) =	ssettag s2;
	_ =	strace s9  }
0x27: {  	s1 =	sld [smem:$0x3FA3]  }
0x28: {  	s2 =	sld [smem:$0x3FA4]  }
0x29: {  	s4 =	sld [smem:$0x3FA6]  }
0x2a: {  	p0 =	seq.s32 s5, $0x0;
	s5 =	sld [smem:$0x3FA7]  }
0x2b: {  	s6 =	sld [smem:$0x3FA8]  }
0x2c: {  	s7 =	sld [smem:$0x3FA9]  }
0x2d: {  	s3 =	simm.s32 $0x108;
	s8 =	sld [smem:$0x3FAA]  }
0x2e: {  	s3 =	simm.s32 @!p0 $0x1082;
	s9 =	sld [smem:$0x3FAB]  }
0x2f: {  	lr =	sadd.s32 s0, s3;
	s0 =	sld [smem:$0x3FA2]  }
0x30: {  	s3 =	sld [smem:$0x3FA5]  }
0x31: {  	[smem:$0x3FAE] =	sst s10  }
0x32: {  	s10 =	sld [smem:$0x3FAC];
	_ =	sdelay $0x3  }
0x33: {  	p0 =	seq.s32 s10, $0x1;
	s10 =	sld [smem:$0x3FAE];
	_ =	sdelay $0x3  }
0x34: {  	[smem:$0x3FAE] =	sst s10  }
0x35: {  	s10 =	sld [smem:$0x3FAD];
	_ =	sdelay $0x3  }
0x36: {  	p1 =	seq.s32 s10, $0x1;
	s10 =	sld [smem:$0x3FAE];
	_ =	sdelay $0x3  }
0x37: {  	[smem:$0x3FAE] =	sst s10  }
0x38: {  	s10 =	sld [smem:$0x3FAF]  }
0x39: {  	_ = 	snop;
	(pc) =	sbr.ind lr, $3  }
0x3a: {  	_ = 	snop  }
0x3b: {  	_ = 	snop  }
0x3c: {  	p2 =	seq.s32 s10, $0x1;
	s10 =	sld [smem:$0x3FAE]  }
0x3d: {  	_ =	shalt  }
0x3e: {  	_ =	shalt  }
0x3f: {  	_ =	shalt  }
0x40: {  	_ =	shalt  }
0x41: {  	_ =	shalt  }
0x42: {  	_ =	shalt  }
0x43: {  	_ =	shalt  }
0x44: {  	_ =	shalt  }
0x45: {  	_ =	shalt  }
0x46: {  	_ =	shalt  }
0x47: {  	_ =	shalt  }
0x48: {  	_ =	shalt  }
0x49: {  	_ =	shalt  }
0x4a: {  	_ =	shalt  }
0x4b: {  	_ =	shalt  }
0x4c: {  	_ =	shalt  }
0x4d: {  	_ =	shalt  }
0x4e: {  	_ =	shalt  }
0x4f: {  	_ =	shalt  }
0x50: {  	_ =	shalt  }
0x51: {  	_ =	shalt  }
0x52: {  	_ =	shalt  }
0x53: {  	_ =	shalt  }
0x54: {  	_ =	shalt  }
0x55: {  	_ =	shalt  }
0x56: {  	_ =	shalt  }
0x57: {  	_ =	shalt  }
0x58: {  	_ =	shalt  }
0x59: {  	_ =	shalt  }
0x5a: {  	_ =	shalt  }
0x5b: {  	_ =	shalt  }
0x5c: {  	_ =	shalt  }
0x5d: {  	_ =	shalt  }
0x5e: {  	_ =	shalt  }
0x5f: {  	_ =	shalt  }
0x60: {  	_ =	shalt  }
0x61: {  	_ =	shalt  }
0x62: {  	_ =	shalt  }
0x63: {  	_ =	shalt  }
0x64: {  	_ =	shalt  }
0x65: {  	_ =	shalt  }
0x66: {  	_ =	shalt  }
0x67: {  	_ =	shalt  }
0x68: {  	_ =	shalt  }
0x69: {  	_ =	shalt  }
0x6a: {  	_ =	shalt  }
0x6b: {  	_ =	shalt  }
0x6c: {  	_ =	shalt  }
0x6d: {  	_ =	shalt  }
0x6e: {  	_ =	shalt  }
0x6f: {  	_ =	shalt  }
0x70: {  	_ =	shalt  }
0x71: {  	_ =	shalt  }
0x72: {  	_ =	shalt  }
0x73: {  	_ =	shalt  }
0x74: {  	_ =	shalt  }
0x75: {  	_ =	shalt  }
0x76: {  	_ =	shalt  }
0x77: {  	_ =	shalt  }
0x78: {  	_ =	shalt  }
0x79: {  	_ =	shalt  }
0x7a: {  	_ =	shalt  }
0x7b: {  	_ =	shalt  }
0x7c: {  	_ =	shalt  }
0x7d: {  	_ =	shalt  }
0x7e: {  	_ =	shalt  }
0x7f: {  	_ =	shalt  }
0x80: {  	_ =	shalt  }
0x81: {  	_ =	shalt  }
0x82: {  	_ =	shalt  }
0x83: {  	_ =	shalt  }
0x84: {  	_ =	shalt  }
0x85: {  	_ =	shalt  }
0x86: {  	_ =	shalt  }
0x87: {  	_ =	shalt  }
.Lfunc_end0:
.L_simem_size_0:
called_computation_lowered:
.L_overlay_start_0:
0x88: {  	s2 =	sld [smem:$0x3FD9]  }
0x89: {  	s3 =	sld [smem:$0x3FFE];
	_ =	sdelay $0x1  }
0x8a: {  	s1 =	srdreg.scid  }
0x8b: {  	s0 =	sand.u32 $0x1, s1  }
0x8c: {  	s16 =	sshll.u32 s0, $0xA;
	s2 =	sadd.s32 s3, s2  }
0x8d: {  	s2 =	sadd.s32 s2, s16  }
0x8e: {  	[smem:$0x3FBA] =	sst s2  }
0x8f: {  	_ = 	snop  }
0x90: {  	(tm) =	ssettm $0x1  }
0x91: {  	s17 =	sld [smem:$0x3FFB];
	_ =	sdelay $0x3  }
0x92: {  	_ =	strace s17  }
0x93: {  	s2 =	sld [smem:$0x3FFC];
	_ =	sdelay $0x3  }
0x94: {  	_ =	strace s2  }
0x95: {  	s2 =	sld [smem:$0x3FFD];
	_ =	sdelay $0x3  }
0x96: {  	_ =	strace s2  }
0x97: {  	_ =	strace $0x8FFFFFFF  }
0x98: {  	s18 =	sld [smem:$0x3FDB];
	_ =	sdelay $0x1  }
0x99: {  	s19 =	simm.s32 $_scs_section_size  }
0x9a: {  	s4 =	simm.s32 $_size__tile_overlayer_lowered;
	s5 =	simm.s32 $_tile_overlayer_lowered  }
0x9b: {  	s22 =	simm.s32 $0x1BFF;
	s21 =	sshll.u32 s5, $0x1;
	s2 =	sadd.s32 s19, s18  }
0x9c: {  	s6 =	simm.s32 $0x0;
	s20 =	sshll.u32 s4, $0x1;
	s4 =	sadd.s32 s21, s2  }
0x9d: {  	[timem:s6], [sflag:s22] =	dma.local [hbm:s4], s20  }
0x9e: {  	_ =	swait.ge [sflag:s22], s20  }
0x9f: {  	s3 =	ssub.s32 $0x0, s20;
	[sflag:s22] =	ssyncset.done $0x0  }
0xa0: {  	[sflag:s22] =	ssyncadd.s32 s3;
	_ =	sdelay $0x1  }
0xa1: {  	s23 =	simm.s32 $0x1B8B  }
0xa2: {  	_ =	swait.ge [sflag:s23], $0x1  }
0xa3: {  	[sflag:s23] =	ssyncset.done $0x0  }
0xa4: {  	s25 =	simm.s32 $0x1B8E;
	s24 =	sld [smem:$0x3FFE];
	[sflag:s23] =	ssyncadd.s32 $0xFFFFFFFF  }
0xa5: {  	s26 =	simm.s32 $execute0_lowered;
	[smem:$0x3FD2] =	sst s25  }
0xa6: {  	s4 =	sshll.u32 s26, $0x1;
	_ =	strace $0x80000046;
	[dreg:$0x1] =	wrdreg $0xFFFFFFFF  }
0xa7: {  	s28 =	simm.s32 $_size_execute0_lowered;
	s2 =	sadd.s32 s2, s4;
	[dreg:$0x0] =	wrdreg $0x0  }
0xa8: {  	s4 =	sshll.u32 s28, $0x1;
	[dreg:$0x2] =	wrdreg s2  }
0xa9: {  	[dreg:$0x3] =	wrdreg s4  }
0xaa: {  	[dreg:$0x4] =	wrdreg $0xC0  }
0xab: {  	_ =	task [dreg:s6], $0x5FFFF  }
0xac: {  	[dreg:$0x1] =	wrdreg $0xFFFFFFFF  }
0xad: {  	[dreg:$0x0] =	wrdreg $0x60  }
0xae: {  	[dreg:$0x2] =	wrdreg s24  }
0xaf: {  	[dreg:$0x3] =	wrdreg $0x160300  }
0xb0: {  	[dreg:$0x4] =	wrdreg $0x9  }
0xb1: {  	_ =	task.clear_ibuf [dreg:s6], $0x5FFFF;
	_ =	strace $0x90000046  }
0xb2: {  	s29 =	simm.s32 $0x9;
	_ =	strace $0x80000048  }
0xb3: {  	_ =	swait.ge [sflag:s29], $0x1  }
0xb4: {  	[sflag:s29] =	ssyncadd.s32 $0xFFFFFFFF  }
0xb5: {  	_ =	strace $0x90000048  }
0xb6: {  	_ =	sfence  }
0xb7: {  	s30 =	sld [smem:$0x0];
	_ =	sdelay $0x2  }
0xb8: {  	s31 =	sshll.u32 s1, $0xD;
	s1 =	sshrl.u32 s1, $0x2  }
0xb9: {  	s3 =	sand.u32 $0x4000, s31;
	s1 =	sadd.s32 s1, s30  }
0xba: {  	s0 =	sor.u32 s3, s0;
	s1 =	sshll.u32 s1, $0x11  }
0xbb: {  	s0 =	sor.u32 s1, s0  }
0xbc: {  	s0 =	sadd.s32 $0x8F2B, s0  }
0xbd: {  	[sflag:s0] =	ssyncadd.remote.s32 $0x1  }
0xbe: {  	_ =	sfence.sel $0xFFFF  }
0xbf: {  	[dreg:$0x0] =	wrdreg $0xFFFFFFFF;
	(pc) =	sbr.abs _section_cstart, $3  }
0xc0: {  	[dreg:$0x1] =	wrdreg $0xFFFFFFFF  }
0xc1: {  	_ =	task.clear_ibuf [dreg:s6], $0x2FFFF;
	_ =	strace $0x9FFFFFFF  }
0xc2: {  	(tm) =	ssettm $0x7FFFFFFF  }
0xc3: {  	_ =	shalt  }
tec
execute0_lowered:
.L_overlay_start_1:
0x0: {  	(tag) =	ssettag $0x1  }
0x1: {  	s7 =	rddreg [dreg:$0x0]  }
0x2: {  	s2 =	rddreg [dreg:$0x1]  }
0x3: {  	s0 =	rddreg [dreg:$0x2];
	s1 =	stileid.u32  }
0x4: {  	s3 =	simm.s32 $0x0;
	s4 =	srdreg.scid;
	s19 =	simm.s32 $0x5000  }
0x5: {  	s20 =	simm.s32 $0xA000;
	s21 =	simm.s32 $0xF010;
	s23 =	simm.s32 $0x200  }
0x6: {  	s24 =	simm.s32 $0xF210;
	s28 =	simm.s32 $0x0;
	s6 =	smul.u32 $0x5000, s1  }
0x7: {  	[smem:$0x7FF] =	sst s3;
	s8 =	smul.u32 $0x1400, s1;
	s11 =	sand.u32 $0x1, s4  }
0x8: {  	s4 =	sadd.s32 $0x19400, s7;
	s5 =	sadd.s32 $0x4600, s7;
	s15 =	sshll.u32 s1, $0x1  }
0x9: {  	s30 =	sshll.u32 s1, $0x6;
	_ =	strace $0x80000047;
	s9 =	smul.u32 $0x50000, s11  }
0xa: {  	s13 =	smul.u32 $0x14000, s11;
	s29 =	ssub.s32 $0x2, s11;
	s15 =	sadd.s32 s15, s7  }
0xb: {  	s22 =	smul.u32 $0x1388, s11;
	s31 =	sshll.u32 s11, $0x5;
	s25 =	sshrl.u32 s6, $0x3  }
0xc: {  	s12 =	sshrl.u32 s8, $0x3;
	s16 =	sshrl.u32 s29, $0x1;
	s18 =	sadd.s32 s8, s2  }
0xd: {  	s10 =	sadd.s32 s25, s7;
	s9 =	sadd.s32 s6, s9;
	s12 =	sadd.s32 s12, s7  }
0xe: {  	s6 =	sadd.s32 $0x19000, s7;
	s26 =	sadd.s32 s8, s13;
	s16 =	ssub.s32 s29, s16  }
0xf: {  	s8 =	sor.u32 $0x1C03, s30;
	s25 =	sadd.s32 $0x1388, s22;
	s13 =	sadd.s32 s31, s15  }
0x10: {  	v0 =	vmov s22;
	s22 =	simm.s32 $0x14020;
	s9 =	sshrl.u32 s9, $0x3;
	s13 =	sadd.s32 $0x49600, s13  }
0x11: {  	s15 =	smax.u32 s16, $0x1;
	s16 =	sshrl.u32 s18, $0x3;
	s18 =	simm.s32 $0x14030  }
0x12: {  	v2 =	vmov s25;
	s25 =	simm.s32 $0x1;
	s14 =	sadd.s32 s9, s7;
	s9 =	sshrl.u32 s26, $0x3  }
0x13: {  	s26 =	simm.s32 $0x2;
	s17 =	sadd.s32 s9, s7;
	s7 =	sadd.s32 $0x19E00, s12  }
0x14: {  	v1 =	vlaneseq.u32;
	s9 =	sadd.s32 $0xF000, s10;
	s10 =	sadd.s32 $0x5000, s10;
	s11 =	sadd.s32 $0x21600, s14  }
0x15: {  	v3 =	vimm.s32 $0x0;
	v4 =	vadd.s32 $0x1388, v1;
	s12 =	sadd.s32 $0x35600, s14;
	s14 =	sadd.s32 $0x1C600, s17;
	s17 =	simm.s32 $0x3  }
.LBB2_1:
0x16: {  	[spmem:s16], [sflag:s8] =	dma.local [hbm:s7], $0x280  }
0x17: {  	_ =	swait.ge [sflag:s17], $0x280  }
0x18: {  	[sflag:s17] =	ssyncset.done $0x0  }
0x19: {  	[sflag:s17] =	ssyncadd.s32 $0xFFFFFD80  }
0x1a: {  	[tilespmem:s18], [sflag:$0x3] =	stream.linear.gather [hbm4b:s6+s3], $0x2000, $0x38;
	[tilespmem:$0x17430] =	vst v63  }
0x1b: {  	_ =	swait.ge [sflag:s17], $0x2000  }
0x1c: {  	[sflag:s17] =	ssyncset.done $0x0  }
0x1d: {  	[sflag:s17] =	ssyncadd.s32 $0xFFFFE000  }
0x1e: {  	[tilespmem:s3], [sflag:$0x3] =	stream.linear.gather [hbm4b:s9+s3], $0x5000, $0x38;
	[tilespmem:$0x17430] =	vst v63  }
0x1f: {  	_ =	swait.ge [sflag:s17], $0x5000  }
0x20: {  	[sflag:s17] =	ssyncset.done $0x0  }
0x21: {  	[sflag:s17] =	ssyncadd.s32 $0xFFFFB000  }
0x22: {  	[tilespmem:s19], [sflag:$0x3] =	stream.linear.gather [hbm4b:s10+s3], $0x5000, $0x38;
	[tilespmem:$0x17430] =	vst v63  }
0x23: {  	_ =	swait.ge [sflag:s17], $0x5000  }
0x24: {  	[sflag:s17] =	ssyncset.done $0x0  }
0x25: {  	[sflag:s17] =	ssyncadd.s32 $0xFFFFB000  }
0x26: {  	[tilespmem:s20], [sflag:$0x3] =	stream.linear.gather [hbm4b:s4+s3], $0x5000, $0x38;
	[tilespmem:$0x17430] =	vst v63  }
0x27: {  	_ =	swait.ge [sflag:s17], $0x5000  }
0x28: {  	[sflag:s17] =	ssyncset.done $0x0  }
0x29: {  	[sflag:s17] =	ssyncadd.s32 $0xFFFFB000  }
0x2a: {  	[tilespmem:s21], [sflag:$0x3] =	stream.linear.gather [hbm4b:s5+s3], $0x5000, $0x38;
	[tilespmem:$0x17430] =	vst v63  }
0x2b: {  	_ =	swait.ge [sflag:s17], $0x5000  }
0x2c: {  	[sflag:s17] =	ssyncset.done $0x0  }
0x2d: {  	s30 =	simm.s32 $0x0;
	[sflag:s17] =	ssyncadd.s32 $0xFFFFB000  }
0x2e: {  	s29 =	simm.s32 $0x40;
	v5 =	vimm.s32 $0x0;
	v6 =	vimm.s32 $0x0;
	v7 =	vld [tilespmem:s30+$0x5000]  }
.LBB2_2:
0x2f: {  	p0 =	sne.s32 s29, $0x13FC0;
	v8 =	vld [tilespmem:s30+$0x0];
	_ =	sdelay $0x3  }
0x30: {  	vm0 =	vge.s32 v7, v0;
	vm1 =	vlt.s32 v7, v2  }
0x31: {  	vm0 =	vmand vm0, vm1;
	v8 =	vshll.u32 v8, $0xD  }
0x32: {  	v7 =	vsub.s32 v7, v0;
	v9 =	vsel vm0, $0x1, v3;
	v10 =	vmpcnt.ones.xlane vm0  }
0x33: {  	v7 =	vadd.s32 v8, v7;
	v8 =	vxor.u32 $0x80000001, v9  }
0x34: {  	v5 =	vadd.s32 v5, v10;
	(xrf1) =	vsort.ascd.msk.u32 $0xffff, v8, v7;
	_ =	sdelay $0xa  }
0x35: {  	v7 =	vadd.s32 v1, v6;
	v6 =	vmov v5;
	_ =	sdelay $0x2  }
.Ltmp0:
0x36: {  	_, v8, _ =	vpop (xrf1);
	(pc) =	sbr.rel @p0 .LBB2_2-.Ltmp0, $4  }
0x37: {  	v9 =	vshra.s32 v8, $0xD;
	v8 =	vand.u32 $0x1FFF, v8  }
0x38: {  	[tilespmem:v7+s20+$0x0] =	vst.idx.msk $0xffff, v9  }
0x39: {  	s30 =	sshra.s32 s29, $0x2;
	[tilespmem:v7+s21+$0x0] =	vst.idx.msk $0xffff, v8  }
0x3a: {  	s29 =	sadd.s32 $0x40, s29;
	v7 =	vld [tilespmem:s30+$0x5000]  }
0x3b: {  	_ = 	snop  }
0x3c: {  	v8 =	vld [tilespmem:s30+$0x0];
	_ =	sdelay $0x2  }
0x3d: {  	vm0 =	vge.s32 v7, v0;
	vm1 =	vlt.s32 v7, v2  }
0x3e: {  	vm0 =	vmand vm0, vm1  }
0x3f: {  	v7 =	vsub.s32 v7, v0;
	v8 =	vshll.u32 v8, $0xD;
	v9 =	vsel vm0, $0x1, v3  }
0x40: {  	v7 =	vadd.s32 v8, v7;
	v58 =	vxor.u32 $0x80000001, v9  }
0x41: {  	(xrf1) =	vsort.ascd.msk.u32 $0xffff, v58, v7;
	_ =	sdelay $0x8  }
0x42: {  	v7 =	vmpcnt.ones.xlane vm0;
	_ =	sdelay $0x1  }
0x43: {  	v6 =	vadd.s32 v1, v6;
	v5 =	vadd.s32 v5, v7  }
0x44: {  	v7 =	vadd.s32 $0x3FF, v5  }
0x45: {  	v5 =	vadd.s32 v1, v5;
	v59 =	vshra.s32 v7, $0x1F;
	v60 =	vand.u32 $0x3FF, v7  }
0x46: {  	vm13 =	vlt.s32 v7, $0x1;
	v8 =	vshrl.u32 v59, $0x16;
	vm14 =	vne.s32 v60, $0x0;
	_, v10, _ =	vpop (xrf1)  }
0x47: {  	v7 =	vadd.s32 v8, v7;
	vm0 =	vmand vm13, vm14;
	v61 =	vshra.s32 v10, $0xD  }
0x48: {  	v7 =	vshra.s32 v7, $0xA;
	v63 =	vsel vm0, $0xFFFFFFFF, v3;
	v62 =	vand.u32 $0x1FFF, v10;
	[tilespmem:v6+s20+$0x0] =	vst.idx.msk $0xffff, v61  }
0x49: {  	[tilespmem:v6+s21+$0x0] =	vst.idx.msk $0xffff, v62;
	v6 =	vadd.s32 v63, v7  }
0x4a: {  	[tilespmem:v5+s20+$0x0] =	vst.idx.msk $0xffff, v3;
	vm15 =	vgt.s32 v6, $0x1  }
0x4b: {  	[tilespmem:v5+s21+$0x0] =	vst.idx.msk $0xffff, v4;
	v5 =	vnsel vm15, $0x1, v6  }
0x4c: {  	[tilespmem:$0x14020] =	vst v5  }
0x4d: {  	[hbm4b:s11+s3] =	stream.linear.scatter [tilespmem:s20], [sflag:$0x3], $0x5000, $0x38;
	[tilespmem:$0x17430] =	vst v63  }
0x4e: {  	_ =	swait.ge [sflag:s17], $0x5000  }
0x4f: {  	[sflag:s17] =	ssyncset.done $0x0  }
0x50: {  	[sflag:s17] =	ssyncadd.s32 $0xFFFFB000  }
0x51: {  	[hbm4b:s12+s3] =	stream.linear.scatter [tilespmem:s21], [sflag:$0x3], $0x5000, $0x38;
	[tilespmem:$0x17430] =	vst v63  }
0x52: {  	_ =	swait.ge [sflag:s17], $0x5000  }
0x53: {  	[sflag:s17] =	ssyncset.done $0x0  }
0x54: {  	[sflag:s17] =	ssyncadd.s32 $0xFFFFB000  }
0x55: {  	[hbm4b:s13+s3] =	stream.linear.scatter [tilespmem:s22], [sflag:$0x3], $0x10, $0x38;
	[tilespmem:$0x17430] =	vst v63  }
0x56: {  	_ =	swait.ge [sflag:s17], $0x10  }
0x57: {  	[sflag:s17] =	ssyncset.done $0x0  }
0x58: {  	[sflag:s17] =	ssyncadd.s32 $0xFFFFFFF0  }
0x59: {  	[bflag:$0x0] =	sbarrier.arrive $0xFFFF  }
0x5a: {  	[spmem:s2] =	stream.indirect.scatter.add.f32 [tilespmem:s18], [sflag:$0x1], $0x10, s21, s23, $0xb8;
	[tilespmem:$0x17430] =	vst v63  }
0x5b: {  	_ = 	snop  }
0x5c: {  	[spmem:s2] =	stream.indirect.scatter.add.f32 [tilespmem:s18], [sflag:$0x2], $0x10, s24, s23, $0xb8;
	[tilespmem:$0x17430] =	vst v63  }
0x5d: {  	_ =	swait.ge [sflag:s25], $0x2000  }
0x5e: {  	[sflag:s25] =	ssyncset.done $0x0  }
0x5f: {  	s29 =	simm.s32 $0xF410;
	[sflag:s25] =	ssyncadd.s32 $0xFFFFE000  }
0x60: {  	[spmem:s2] =	stream.indirect.scatter.add.f32 [tilespmem:s18], [sflag:$0x1], $0x10, s29, s23, $0xb8;
	[tilespmem:$0x17430] =	vst v63  }
0x61: {  	_ =	swait.ge [sflag:s26], $0x2000  }
0x62: {  	[sflag:s26] =	ssyncset.done $0x0  }
0x63: {  	s30 =	simm.s32 $0xF610;
	s29 =	simm.s32 $0xFFFEE000;
	[sflag:s26] =	ssyncadd.s32 $0xFFFFE000  }
.LBB2_4:
0x64: {  	[spmem:s2] =	stream.indirect.scatter.add.f32 [tilespmem:s18], [sflag:$0x2], $0x10, s30, s23, $0xb8;
	[tilespmem:$0x17430] =	vst v63  }
0x65: {  	s30 =	smov.u32 s29  }
0x66: {  	p0 =	sne.s32 s29, $0xFFFFF000;
	s29 =	sadd.s32 $0x1000, s29;
	_ =	swait.ge [sflag:s25], $0x2000  }
0x67: {  	s30 =	sshra.s32 s30, $0x2;
	[sflag:s25] =	ssyncset.done $0x0  }
.Ltmp1:
0x68: {  	s31 =	sadd.s32 $0x14010, s30;
	[sflag:s25] =	ssyncadd.s32 $0xFFFFE000;
	(pc) =	sbr.rel @p0 .LBB2_4-.Ltmp1, $4  }
0x69: {  	[spmem:s2] =	stream.indirect.scatter.add.f32 [tilespmem:s18], [sflag:$0x1], $0x10, s31, s23, $0xb8;
	[tilespmem:$0x17430] =	vst v63  }
0x6a: {  	_ =	swait.ge [sflag:s26], $0x2000  }
0x6b: {  	[sflag:s26] =	ssyncset.done $0x0  }
0x6c: {  	s30 =	sadd.s32 $0x14210, s30;
	[sflag:s26] =	ssyncadd.s32 $0xFFFFE000  }
0x6d: {  	[spmem:s2] =	stream.indirect.scatter.add.f32 [tilespmem:s18], [sflag:$0x2], $0x10, s30, s23, $0xb8;
	[tilespmem:$0x17430] =	vst v63  }
0x6e: {  	_ =	swait.ge [sflag:s25], $0x2000  }
0x6f: {  	[sflag:s25] =	ssyncset.done $0x0  }
0x70: {  	[sflag:s25] =	ssyncadd.s32 $0xFFFFE000  }
0x71: {  	_ =	swait.ge [sflag:s26], $0x2000  }
0x72: {  	s28 =	sadd.s32 $0x1, s28;
	[sflag:s26] =	ssyncset.done $0x0  }
0x73: {  	p0 =	sne.s32 s28, s15;
	[sflag:s26] =	ssyncadd.s32 $0xFFFFE000  }
.Ltmp2:
0x74: {  	[bflag:$0x0] =	sbarrier.arrive $0xFFFF;
	(pc) =	sbr.rel @p0 .LBB2_1-.Ltmp2, $4  }
0x75: {  	[hbm:s14], [sflag:s8] =	dma.local [spmem:s16], $0x280  }
0x76: {  	_ =	swait.ge [sflag:s17], $0x280  }
0x77: {  	[sflag:s17] =	ssyncset.done $0x0  }
0x78: {  	[sflag:s17] =	ssyncadd.s32 $0xFFFFFD80  }
0x79: {  	_ =	sfence.sel $0x180000  }
0x7a: {  	[bflag:$0x0] =	sbarrier.arrive $0xFFFF  }
0x7b: {  	p0 =	sne.s32 s1, $0x0;
	_ =	strace $0x90000047  }
0x7c: {  	s0 =	sadd.s32 @!p0 $0x100000, s0;
	[bflag:$0x2] =	sbarrier.arrive $0xFFFF  }
0x7d: {  	[sflag:s0] =	ssyncadd.tile.s32 @!p0 $0x1;
	_ =	shalt  }
.Lfunc_end2:
_tile_overlayer_lowered:
.L_overlay_start_2:
0x7e: {  	(tag) =	ssettag $0x2  }
0x7f: {  	s0 =	rddreg [dreg:$0x0];
	s2 =	stileid.u32  }
0x80: {  	s1 =	rddreg [dreg:$0x1];
	p0 =	sne.s32 s2, $0x0  }
0x81: {  	s3 =	rddreg [dreg:$0x2];
	[bflag:$0x3] =	sbarrier.arrive $0xFFFF;
	s2 =	simm.s32 @!p0 $0x1C03  }
0x82: {  	[timem:s3], [sflag:s2] =	dma.local @!p0 [hbm:s0], s1  }
0x83: {  	s0 =	simm.s32 @!p0 $0x3  }
0x84: {  	_ =	swait.ge @!p0 [sflag:s0], s1  }
0x85: {  	s1 =	ssub.s32 @!p0 $0x0, s1;
	[sflag:s0] =	ssyncset.done @!p0 $0x0  }
0x86: {  	[sflag:s0] =	ssyncadd.s32 @!p0 s1  }
0x87: {  	[bflag:$0x3] =	sbarrier.arrive $0xFFFF  }
0x88: {  	_ =	shalt  }

// kernel: kernel.15.cloned.1.call-start
scs
__scs_entry_jumppad:
0x0: {  	(pc) =	sbr.rel $0x88, $3  }
0x1: {  	(tag) =	ssettag $0x0;
	lr =	simm.s32 $0x1  }
0x2: {  	[smem:$0x3F93] =	sst lr;
	_ =	strace $0xD0000000  }
0x3: {  	_ = 	snop  }
0x4: {  	_ = 	snop  }
0x5: {  	_ = 	snop  }
0x6: {  	_ = 	snop  }
0x7: {  	_ = 	snop  }
__scs_overlays_trampoline_lowered:
0x8: {  	[smem:$0x3FA2] =	sst s0  }
0x9: {  	[smem:$0x3FA3] =	sst s1  }
0xa: {  	[smem:$0x3FA4] =	sst s2  }
0xb: {  	[smem:$0x3FA5] =	sst s3  }
0xc: {  	[smem:$0x3FA6] =	sst s4  }
0xd: {  	[smem:$0x3FA7] =	sst s5  }
0xe: {  	[smem:$0x3FA8] =	sst s6  }
0xf: {  	[smem:$0x3FA9] =	sst s7  }
0x10: {  	[smem:$0x3FAA] =	sst s8  }
0x11: {  	[smem:$0x3FAB] =	sst s9;
	s0 =	simm.s32 @!p0 $0x0  }
0x12: {  	s1 =	sld [smem:$0x3F91];
	s0 =	simm.s32 @p0 $0x1  }
0x13: {  	[smem:$0x3FAC] =	sst s0;
	s0 =	simm.s32 @!p1 $0x0  }
0x14: {  	s2 =	sld [smem:$0x3F90];
	s0 =	simm.s32 @p1 $0x1  }
0x15: {  	[smem:$0x3FAD] =	sst s0;
	s0 =	simm.s32 @!p2 $0x0  }
0x16: {  	s3 =	sld [smem:$0x3FDB];
	s0 =	simm.s32 @p2 $0x1  }
0x17: {  	s4 =	simm.s32 $0x1BF5;
	[smem:$0x3FAF] =	sst s0  }
0x18: {  	s0 =	sld [smem:$0x3F92];
	_ =	swait.ge [sflag:s4], $0x0  }
0x19: {  	s7 =	sld [smem:$0x3F93]  }
0x1a: {  	s8 =	sadd.s32 $0xFFFFE003, lr  }
0x1b: {  	s9 =	sadd.s32 $0xFFFFFEF7, lr;
	s5 =	simm.s32 $0xFFFFFFFF;
	p2 =	slt.u32 s8, $0xFFFFF086  }
0x1c: {  	p1 =	slt.u32 s9, $0xF7A;
	s5 =	simm.s32 @!p2 $0x0  }
0x1d: {  	s5 =	simm.s32 @p1 $0x1;
	p0 =	seq.s32 s7, s2  }
0x1e: {  	s7 =	smul.u32 @!p0 $0xF7A, s2;
	p2 =	seq.s32 @!p0 s5, $0x0  }
0x1f: {  	s9 =	smul.u32 $0xF7A, s1;
	s8 =	simm.s32 @!p0 $0x1BF5;
	p2 =	por !p2, p0  }
0x20: {  	[sflag:s8] =	ssyncset.s32 @!p0 $0xFFFFF086;
	s6 =	sadd.s32 @!p0 s3, s7;
	s7 =	simm.s32 @!p0 $0x108  }
0x21: {  	s3 =	sadd.s32 s3, s9;
	s6 =	sadd.s32 @!p0 $0x88, s6;
	s7 =	simm.s32 @p2 $0x1082  }
0x22: {  	[simem:s7], [sflag:s8] =	dma.local @!p0 [hbm:s6], $0xF7A  }
0x23: {  	s9 =	sor.u32 $0xD0000000, s2;
	s6 =	simm.s32 $0x108;
	_ =	swait.ge @!p0 [sflag:s8], $0x0  }
0x24: {  	s3 =	sadd.s32 $0x88, s3;
	s6 =	simm.s32 @!p1 $0x1082;
	[sflag:s4] =	ssyncset.s32 $0xFFFFF086  }
0x25: {  	[simem:s6], [sflag:s4] =	dma.local [hbm:s3], $0xF7A  }
0x26: {  	[smem:$0x3F93] =	sst s1;
	(tag) =	ssettag s2;
	_ =	strace s9  }
0x27: {  	s1 =	sld [smem:$0x3FA3]  }
0x28: {  	s2 =	sld [smem:$0x3FA4]  }
0x29: {  	s4 =	sld [smem:$0x3FA6]  }
0x2a: {  	p0 =	seq.s32 s5, $0x0;
	s5 =	sld [smem:$0x3FA7]  }
0x2b: {  	s6 =	sld [smem:$0x3FA8]  }
0x2c: {  	s7 =	sld [smem:$0x3FA9]  }
0x2d: {  	s3 =	simm.s32 $0x108;
	s8 =	sld [smem:$0x3FAA]  }
0x2e: {  	s3 =	simm.s32 @!p0 $0x1082;
	s9 =	sld [smem:$0x3FAB]  }
0x2f: {  	lr =	sadd.s32 s0, s3;
	s0 =	sld [smem:$0x3FA2]  }
0x30: {  	s3 =	sld [smem:$0x3FA5]  }
0x31: {  	[smem:$0x3FAE] =	sst s10  }
0x32: {  	s10 =	sld [smem:$0x3FAC];
	_ =	sdelay $0x3  }
0x33: {  	p0 =	seq.s32 s10, $0x1;
	s10 =	sld [smem:$0x3FAE];
	_ =	sdelay $0x3  }
0x34: {  	[smem:$0x3FAE] =	sst s10  }
0x35: {  	s10 =	sld [smem:$0x3FAD];
	_ =	sdelay $0x3  }
0x36: {  	p1 =	seq.s32 s10, $0x1;
	s10 =	sld [smem:$0x3FAE];
	_ =	sdelay $0x3  }
0x37: {  	[smem:$0x3FAE] =	sst s10  }
0x38: {  	s10 =	sld [smem:$0x3FAF]  }
0x39: {  	_ = 	snop;
	(pc) =	sbr.ind lr, $3  }
0x3a: {  	_ = 	snop  }
0x3b: {  	_ = 	snop  }
0x3c: {  	p2 =	seq.s32 s10, $0x1;
	s10 =	sld [smem:$0x3FAE]  }
0x3d: {  	_ =	shalt  }
0x3e: {  	_ =	shalt  }
0x3f: {  	_ =	shalt  }
0x40: {  	_ =	shalt  }
0x41: {  	_ =	shalt  }
0x42: {  	_ =	shalt  }
0x43: {  	_ =	shalt  }
0x44: {  	_ =	shalt  }
0x45: {  	_ =	shalt  }
0x46: {  	_ =	shalt  }
0x47: {  	_ =	shalt  }
0x48: {  	_ =	shalt  }
0x49: {  	_ =	shalt  }
0x4a: {  	_ =	shalt  }
0x4b: {  	_ =	shalt  }
0x4c: {  	_ =	shalt  }
0x4d: {  	_ =	shalt  }
0x4e: {  	_ =	shalt  }
0x4f: {  	_ =	shalt  }
0x50: {  	_ =	shalt  }
0x51: {  	_ =	shalt  }
0x52: {  	_ =	shalt  }
0x53: {  	_ =	shalt  }
0x54: {  	_ =	shalt  }
0x55: {  	_ =	shalt  }
0x56: {  	_ =	shalt  }
0x57: {  	_ =	shalt  }
0x58: {  	_ =	shalt  }
0x59: {  	_ =	shalt  }
0x5a: {  	_ =	shalt  }
0x5b: {  	_ =	shalt  }
0x5c: {  	_ =	shalt  }
0x5d: {  	_ =	shalt  }
0x5e: {  	_ =	shalt  }
0x5f: {  	_ =	shalt  }
0x60: {  	_ =	shalt  }
0x61: {  	_ =	shalt  }
0x62: {  	_ =	shalt  }
0x63: {  	_ =	shalt  }
0x64: {  	_ =	shalt  }
0x65: {  	_ =	shalt  }
0x66: {  	_ =	shalt  }
0x67: {  	_ =	shalt  }
0x68: {  	_ =	shalt  }
0x69: {  	_ =	shalt  }
0x6a: {  	_ =	shalt  }
0x6b: {  	_ =	shalt  }
0x6c: {  	_ =	shalt  }
0x6d: {  	_ =	shalt  }
0x6e: {  	_ =	shalt  }
0x6f: {  	_ =	shalt  }
0x70: {  	_ =	shalt  }
0x71: {  	_ =	shalt  }
0x72: {  	_ =	shalt  }
0x73: {  	_ =	shalt  }
0x74: {  	_ =	shalt  }
0x75: {  	_ =	shalt  }
0x76: {  	_ =	shalt  }
0x77: {  	_ =	shalt  }
0x78: {  	_ =	shalt  }
0x79: {  	_ =	shalt  }
0x7a: {  	_ =	shalt  }
0x7b: {  	_ =	shalt  }
0x7c: {  	_ =	shalt  }
0x7d: {  	_ =	shalt  }
0x7e: {  	_ =	shalt  }
0x7f: {  	_ =	shalt  }
0x80: {  	_ =	shalt  }
0x81: {  	_ =	shalt  }
0x82: {  	_ =	shalt  }
0x83: {  	_ =	shalt  }
0x84: {  	_ =	shalt  }
0x85: {  	_ =	shalt  }
0x86: {  	_ =	shalt  }
0x87: {  	_ =	shalt  }
.Lfunc_end0:
.L_simem_size_0:
called_computation.1_lowered:
.L_overlay_start_0:
0x88: {  	s2 =	sld [smem:$0x3FD9]  }
0x89: {  	s3 =	sld [smem:$0x3FFE];
	_ =	sdelay $0x1  }
0x8a: {  	s1 =	srdreg.scid  }
0x8b: {  	s0 =	sand.u32 $0x1, s1  }
0x8c: {  	s17 =	sshll.u32 s0, $0xA;
	s2 =	sadd.s32 s3, s2  }
0x8d: {  	s2 =	sadd.s32 s2, s17  }
0x8e: {  	[smem:$0x3FBA] =	sst s2  }
0x8f: {  	_ = 	snop  }
0x90: {  	s2 =	sld [smem:$0x3FD0];
	(tm) =	ssettm $0x1  }
0x91: {  	s18 =	sld [smem:$0x3FFB];
	_ =	sdelay $0x3  }
0x92: {  	_ =	strace s18  }
0x93: {  	s3 =	sld [smem:$0x3FFC];
	_ =	sdelay $0x3  }
0x94: {  	_ =	strace s3  }
0x95: {  	s3 =	sld [smem:$0x3FFD];
	_ =	sdelay $0x3  }
0x96: {  	_ =	strace s3  }
0x97: {  	_ =	strace $0x8FFFFFFF  }
0x98: {  	s19 =	sld [smem:$0x3FDB];
	_ =	sdelay $0x1  }
0x99: {  	s4 =	simm.s32 $_scs_section_size  }
0x9a: {  	s5 =	simm.s32 $_size__tile_overlayer_lowered;
	s6 =	simm.s32 $_tile_overlayer_lowered  }
0x9b: {  	s22 =	simm.s32 $0x1BFF;
	s21 =	sshll.u32 s6, $0x1;
	s3 =	sadd.s32 s4, s19  }
0x9c: {  	s7 =	simm.s32 $0x0;
	s20 =	sshll.u32 s5, $0x1;
	s5 =	sadd.s32 s21, s3  }
0x9d: {  	[timem:s7], [sflag:s22] =	dma.local [hbm:s5], s20  }
0x9e: {  	_ =	swait.ge [sflag:s22], s20  }
0x9f: {  	s4 =	ssub.s32 $0x0, s20;
	[sflag:s22] =	ssyncset.done $0x0  }
0xa0: {  	[sflag:s22] =	ssyncadd.s32 s4;
	_ =	sdelay $0x1  }
0xa1: {  	s23 =	simm.s32 $0x1B8B  }
0xa2: {  	_ =	swait.ge [sflag:s23], $0x1  }
0xa3: {  	[sflag:s23] =	ssyncset.done $0x0  }
0xa4: {  	s25 =	simm.s32 $0x1B8E;
	s24 =	sld [smem:$0x3FFE];
	[sflag:s23] =	ssyncadd.s32 $0xFFFFFFFF  }
0xa5: {  	s26 =	simm.s32 $execute0_lowered;
	[smem:$0x3FD2] =	sst s25  }
0xa6: {  	s5 =	sshll.u32 s26, $0x1;
	_ =	strace $0x80000049;
	[dreg:$0x1] =	wrdreg $0xFFFFFFFF  }
0xa7: {  	s28 =	simm.s32 $_size_execute0_lowered;
	s3 =	sadd.s32 s3, s5;
	[dreg:$0x0] =	wrdreg $0x0  }
0xa8: {  	s5 =	sshll.u32 s28, $0x1;
	[dreg:$0x2] =	wrdreg s3  }
0xa9: {  	[dreg:$0x3] =	wrdreg s5  }
0xaa: {  	[dreg:$0x4] =	wrdreg $0xC0  }
0xab: {  	_ =	task [dreg:s7], $0x5FFFF  }
0xac: {  	[dreg:$0x1] =	wrdreg $0xFFFFFFFF  }
0xad: {  	[dreg:$0x0] =	wrdreg $0x60  }
0xae: {  	[dreg:$0x2] =	wrdreg s2  }
0xaf: {  	[dreg:$0x3] =	wrdreg s24  }
0xb0: {  	[dreg:$0x4] =	wrdreg $0x1A4500  }
0xb1: {  	[dreg:$0x5] =	wrdreg $0x108100  }
0xb2: {  	[dreg:$0x6] =	wrdreg $0x9  }
0xb3: {  	_ =	task.clear_ibuf [dreg:s7], $0x7FFFF;
	_ =	strace $0x90000049  }
0xb4: {  	s29 =	simm.s32 $0x9;
	_ =	strace $0x8000004B  }
0xb5: {  	_ =	swait.ge [sflag:s29], $0x1  }
0xb6: {  	[sflag:s29] =	ssyncadd.s32 $0xFFFFFFFF  }
0xb7: {  	_ =	strace $0x9000004B  }
0xb8: {  	_ =	sfence  }
0xb9: {  	s30 =	sld [smem:$0x0];
	_ =	sdelay $0x2  }
0xba: {  	s31 =	sshll.u32 s1, $0xD;
	s1 =	sshrl.u32 s1, $0x2  }
0xbb: {  	s3 =	sand.u32 $0x4000, s31;
	s1 =	sadd.s32 s1, s30  }
0xbc: {  	s0 =	sor.u32 s3, s0;
	s1 =	sshll.u32 s1, $0x11  }
0xbd: {  	s0 =	sor.u32 s1, s0  }
0xbe: {  	s0 =	sadd.s32 $0x8F2B, s0  }
0xbf: {  	[sflag:s0] =	ssyncadd.remote.s32 $0x1  }
0xc0: {  	_ =	sfence.sel $0xFFFF  }
0xc1: {  	[dreg:$0x0] =	wrdreg $0xFFFFFFFF;
	(pc) =	sbr.abs _section_cstart, $3  }
0xc2: {  	[dreg:$0x1] =	wrdreg $0xFFFFFFFF  }
0xc3: {  	_ =	task.clear_ibuf [dreg:s7], $0x2FFFF;
	_ =	strace $0x9FFFFFFF  }
0xc4: {  	(tm) =	ssettm $0x7FFFFFFF  }
0xc5: {  	_ =	shalt  }
tec
execute0_lowered:
.L_overlay_start_1:
0x0: {  	(tag) =	ssettag $0x1  }
0x1: {  	s0 =	rddreg [dreg:$0x0]  }
0x2: {  	s1 =	rddreg [dreg:$0x1]  }
0x3: {  	s2 =	rddreg [dreg:$0x2]  }
0x4: {  	s3 =	rddreg [dreg:$0x3];
	s5 =	simm.s32 $0x0  }
0x5: {  	s13 =	stileid.u32;
	s4 =	srdreg.scid;
	s20 =	simm.s32 $0x4  }
0x6: {  	[smem:$0x7FF] =	sst s5;
	s7 =	smul.u32 $0x5000, s13;
	s4 =	sand.u32 $0x1, s4  }
0x7: {  	s5 =	sadd.s32 $0x21600, s1;
	s6 =	sadd.s32 $0x35600, s1;
	s9 =	sshll.u32 s13, $0x1  }
0x8: {  	s23 =	sshll.u32 s13, $0x6;
	s24 =	smul.u32 $0x9C40, s13;
	_ =	strace $0x8000004A  }
0x9: {  	s8 =	smul.u32 $0x50000, s4;
	s9 =	sadd.s32 s9, s1;
	s22 =	ssub.s32 $0x2, s4  }
0xa: {  	s4 =	sshll.u32 s4, $0x5;
	s10 =	sshrl.u32 s7, $0x3;
	s11 =	sshrl.u32 s22, $0x1  }
0xb: {  	s19 =	sadd.s32 s7, s2;
	s21 =	sadd.s32 s24, s3;
	s26 =	sshrl.u32 s24, $0x3  }
0xc: {  	s4 =	sadd.s32 s4, s9;
	s24 =	simm.s32 $0x3;
	s17 =	sadd.s32 s7, s8  }
0xd: {  	s10 =	sadd.s32 s10, s1;
	s12 =	ssub.s32 s22, s11;
	s8 =	sor.u32 $0x1C04, s23  }
0xe: {  	s0 =	sadd.s32 s0, s26;
	s28 =	sadd.s32 $0x49600, s4;
	s19 =	sshrl.u32 s19, $0x3  }
0xf: {  	s21 =	sshrl.u32 s21, $0x3;
	s23 =	simm.s32 $0x2;
	[dreg:$0x6] =	wrdreg s0  }
0x10: {  	s14 =	sshrl.u32 s17, $0x3;
	s25 =	sadd.s32 $0x4600, s10;
	[dreg:$0x7] =	wrdreg s28  }
0x11: {  	s29 =	sor.u32 $0x200, s17;
	s12 =	smax.u32 s12, $0x1;
	s30 =	sor.u32 $0x600, s17  }
0x12: {  	s31 =	sor.u32 $0x400, s17;
	s1 =	sadd.s32 s14, s1;
	[dreg:$0x5] =	wrdreg s25  }
0x13: {  	s0 =	sshrl.u32 s29, $0x3;
	s13 =	sadd.s32 s5, s14;
	s14 =	sadd.s32 s6, s14  }
0x14: {  	s17 =	sshrl.u32 s30, $0x3;
	s18 =	sshrl.u32 s31, $0x3;
	s25 =	simm.s32 $0x0  }
0x15: {  	s11 =	sadd.s32 $0x49800, s1;
	s15 =	sadd.s32 s5, s0;
	s16 =	sadd.s32 s6, s0  }
.LBB2_1:
0x16: {  	s0 =	rddreg [dreg:$0x5]  }
0x17: {  	[spmem:s19], [sflag:s8] =	dma.local [hbm:s0], $0xA00  }
0x18: {  	_ =	swait.ge [sflag:s20], $0xA00  }
0x19: {  	[sflag:s20] =	ssyncset.done $0x0  }
0x1a: {  	s22 =	rddreg [dreg:$0x6];
	[sflag:s20] =	ssyncadd.s32 $0xFFFFF600  }
0x1b: {  	[spmem:s21], [sflag:s8] =	dma.local [hbm:s22], $0x1388  }
0x1c: {  	_ =	swait.ge [sflag:s20], $0x1388  }
0x1d: {  	s26 =	simm.s32 $0x0;
	[sflag:s20] =	ssyncset.done $0x0  }
0x1e: {  	s4 =	simm.s32 $0x10800;
	s1 =	rddreg [dreg:$0x7];
	[sflag:s20] =	ssyncadd.s32 $0xFFFFEC78  }
0x1f: {  	[tilespmem:s4], [sflag:$0x4] =	stream.linear.gather [hbm4b:s1+s26], $0x10, $0x38;
	[tilespmem:$0x1F450] =	vst v63  }
0x20: {  	_ =	swait.ge [sflag:s20], $0x10  }
0x21: {  	[sflag:s20] =	ssyncset.done $0x0  }
0x22: {  	[sflag:s20] =	ssyncadd.s32 $0xFFFFFFF0  }
0x23: {  	[bflag:$0x0] =	sbarrier.arrive $0xFFFF  }
0x24: {  	v0 =	vld [tilespmem:$0x10800];
	_ =	sdelay $0x4  }
0x25: {  	(v2sf) =	vpush v0, $0x0;
	_ =	sdelay $0xe  }
0x26: {  	s26 =	spop (v2sf)  }
0x27: {  	p0 =	slt.s32 s26, $0x1  }
0x28: {  	s0 =	simm.s32 @!p0 $0x0;
	s1 =	simm.s32 @!p0 $0x4  }
0x29: {  	[tilespmem:s0], [sflag:$0x4] =	stream.linear.gather @!p0 [hbm4b:s13+s0], $0x200, $0x38;
	[tilespmem:$0x1F450] =	vst v63  }
0x2a: {  	_ =	swait.ge @!p0 [sflag:s1], $0x200  }
0x2b: {  	[sflag:s1] =	ssyncset.done @!p0 $0x0  }
0x2c: {  	s4 =	simm.s32 @!p0 $0x400;
	[sflag:s1] =	ssyncadd.s32 @!p0 $0xFFFFFE00  }
0x2d: {  	[tilespmem:s4], [sflag:$0x4] =	stream.linear.gather @!p0 [hbm4b:s14+s0], $0x200, $0x38;
	[tilespmem:$0x1F450] =	vst v63  }
0x2e: {  	_ =	swait.ge @!p0 [sflag:s1], $0x200  }
0x2f: {  	s22 =	simm.s32 @!p0 $0x200;
	[sflag:s1] =	ssyncset.done @!p0 $0x0  }
0x30: {  	s28 =	simm.s32 @!p0 $0x800;
	s29 =	simm.s32 @!p0 $0x1;
	[sflag:s1] =	ssyncadd.s32 @!p0 $0xFFFFFE00  }
0x31: {  	[tilespmem:s28], [sflag:$0x1] =	stream.indirect.gather @!p0 [spmem:s3], $0x40, s0, s22, $0xb8;
	[tilespmem:$0x1F450] =	vst v63  }
0x32: {  	_ =	swait.ge @!p0 [sflag:s29], $0x8000  }
0x33: {  	[sflag:s29] =	ssyncset.done @!p0 $0x0  }
0x34: {  	[sflag:s29] =	ssyncadd.s32 @!p0 $0xFFFF8000  }
0x35: {  	[spmem:s2] =	stream.indirect.scatter.add.f32 @!p0 [tilespmem:s28], [sflag:$0x2], $0x40, s4, s22, $0xb8;
	[tilespmem:$0x1F450] =	vst v63  }
0x36: {  	_ = 	snop  }
0x37: {  	[tilespmem:s22], [sflag:$0x4] =	stream.linear.gather @!p0 [hbm4b:s15+s0], $0x200, $0x38;
	[tilespmem:$0x1F450] =	vst v63  }
0x38: {  	_ =	swait.ge @!p0 [sflag:s1], $0x200  }
0x39: {  	[sflag:s1] =	ssyncset.done @!p0 $0x0  }
0x3a: {  	s4 =	simm.s32 @!p0 $0x600;
	[sflag:s1] =	ssyncadd.s32 @!p0 $0xFFFFFE00  }
0x3b: {  	[tilespmem:s4], [sflag:$0x4] =	stream.linear.gather @!p0 [hbm4b:s16+s0], $0x200, $0x38;
	[tilespmem:$0x1F450] =	vst v63  }
0x3c: {  	_ =	swait.ge @!p0 [sflag:s1], $0x200  }
0x3d: {  	[sflag:s1] =	ssyncset.done @!p0 $0x0  }
0x3e: {  	s0 =	simm.s32 @!p0 $0x8800;
	[sflag:s1] =	ssyncadd.s32 @!p0 $0xFFFFFE00  }
0x3f: {  	[tilespmem:s0], [sflag:$0x1] =	stream.indirect.gather @!p0 [spmem:s3], $0x40, s22, s22, $0xb8;
	[tilespmem:$0x1F450] =	vst v63  }
0x40: {  	_ =	swait.ge @!p0 [sflag:s29], $0x8000  }
0x41: {  	[sflag:s29] =	ssyncset.done @!p0 $0x0  }
0x42: {  	[sflag:s29] =	ssyncadd.s32 @!p0 $0xFFFF8000  }
0x43: {  	[spmem:s2] =	stream.indirect.scatter.add.f32 @!p0 [tilespmem:s0], [sflag:$0x3], $0x40, s4, s22, $0xb8;
	[tilespmem:$0x1F450] =	vst v63  }
0x44: {  	p0 =	sle.s32 s26, $0x1  }
0x45: {  	s0 =	simm.s32 @!p0 $0x2  }
0x46: {  	_ =	swait.ge @!p0 [sflag:s0], $0x8000;
	p0 =	por p0, p0  }
0x47: {  	[sflag:s0] =	ssyncset.done @!p0 $0x0;
	s1 =	simm.s32 @!p0 $0x4  }
0x48: {  	s22 =	simm.s32 @!p0 $0x0;
	[sflag:s0] =	ssyncadd.s32 @!p0 $0xFFFF8000;
	s0 =	sadd.s32 @!p0 s5, s18  }
0x49: {  	[tilespmem:s22], [sflag:$0x4] =	stream.linear.gather @!p0 [hbm4b:s0+s22], $0x200, $0x38;
	[tilespmem:$0x1F450] =	vst v63  }
0x4a: {  	_ =	swait.ge @!p0 [sflag:s1], $0x200  }
0x4b: {  	[sflag:s1] =	ssyncset.done @!p0 $0x0  }
0x4c: {  	s4 =	simm.s32 @!p0 $0x400;
	s0 =	sadd.s32 @!p0 s6, s18;
	[sflag:s1] =	ssyncadd.s32 @!p0 $0xFFFFFE00  }
0x4d: {  	[tilespmem:s4], [sflag:$0x4] =	stream.linear.gather @!p0 [hbm4b:s0+s22], $0x200, $0x38;
	[tilespmem:$0x1F450] =	vst v63  }
0x4e: {  	_ =	swait.ge @!p0 [sflag:s1], $0x200  }
0x4f: {  	s31 =	simm.s32 @!p0 $0x1;
	[sflag:s1] =	ssyncset.done @!p0 $0x0  }
0x50: {  	s28 =	simm.s32 @!p0 $0x800;
	s0 =	simm.s32 @!p0 $0x200;
	[sflag:s1] =	ssyncadd.s32 @!p0 $0xFFFFFE00  }
0x51: {  	[tilespmem:s28], [sflag:$0x1] =	stream.indirect.gather @!p0 [spmem:s3], $0x40, s22, s0, $0xb8;
	[tilespmem:$0x1F450] =	vst v63  }
0x52: {  	_ =	swait.ge @!p0 [sflag:s31], $0x8000  }
0x53: {  	[sflag:s31] =	ssyncset.done @!p0 $0x0  }
0x54: {  	s29 =	simm.s32 @!p0 $0x3;
	[sflag:s31] =	ssyncadd.s32 @!p0 $0xFFFF8000  }
0x55: {  	[spmem:s2] =	stream.indirect.scatter.add.f32 @!p0 [tilespmem:s28], [sflag:$0x2], $0x40, s4, s0, $0xb8;
	[tilespmem:$0x1F450] =	vst v63  }
0x56: {  	_ =	swait.ge @!p0 [sflag:s29], $0x8000  }
0x57: {  	[sflag:s29] =	ssyncset.done @!p0 $0x0  }
0x58: {  	s4 =	sadd.s32 @!p0 s5, s17;
	[sflag:s29] =	ssyncadd.s32 @!p0 $0xFFFF8000  }
0x59: {  	[tilespmem:s0], [sflag:$0x4] =	stream.linear.gather @!p0 [hbm4b:s4+s22], $0x200, $0x38;
	[tilespmem:$0x1F450] =	vst v63  }
0x5a: {  	_ =	swait.ge @!p0 [sflag:s1], $0x200  }
0x5b: {  	[sflag:s1] =	ssyncset.done @!p0 $0x0  }
0x5c: {  	s28 =	sadd.s32 @!p0 s6, s17;
	s4 =	simm.s32 @!p0 $0x600;
	[sflag:s1] =	ssyncadd.s32 @!p0 $0xFFFFFE00  }
0x5d: {  	[tilespmem:s4], [sflag:$0x4] =	stream.linear.gather @!p0 [hbm4b:s28+s22], $0x200, $0x38;
	[tilespmem:$0x1F450] =	vst v63  }
0x5e: {  	_ =	swait.ge @!p0 [sflag:s1], $0x200  }
0x5f: {  	[sflag:s1] =	ssyncset.done @!p0 $0x0  }
0x60: {  	s22 =	simm.s32 @!p0 $0x8800;
	[sflag:s1] =	ssyncadd.s32 @!p0 $0xFFFFFE00  }
0x61: {  	[tilespmem:s22], [sflag:$0x1] =	stream.indirect.gather @!p0 [spmem:s3], $0x40, s0, s0, $0xb8;
	[tilespmem:$0x1F450] =	vst v63  }
0x62: {  	s30 =	simm.s32 $0x3;
	p2 =	sle.s32 s26, $0x2;
	_ =	swait.ge @!p0 [sflag:s31], $0x8000  }
0x63: {  	s29 =	sadd.s32 $0x80, s5;
	s28 =	sadd.s32 $0x80, s6;
	[sflag:s31] =	ssyncset.done @!p0 $0x0  }
.LBB2_2:
0x64: {  	s7 =	simm.s32 @!p2 $0x2  }
0x65: {  	[sflag:s31] =	ssyncadd.s32 @!p0 $0xFFFF8000;
	s1 =	smov.u32 s30;
	s30 =	sadd.s32 $0x1, s30  }
0x66: {  	[spmem:s2] =	stream.indirect.scatter.add.f32 @!p0 [tilespmem:s22], [sflag:$0x3], $0x40, s4, s0, $0xb8;
	[tilespmem:$0x1F450] =	vst v63  }
0x67: {  	p1 =	sne.s32 s30, $0x14;
	p0 =	por p2, p2;
	_ =	swait.ge @!p2 [sflag:s7], $0x8000  }
0x68: {  	s22 =	simm.s32 @!p0 $0x4;
	[sflag:s7] =	ssyncset.done @!p0 $0x0  }
0x69: {  	s0 =	sadd.s32 @!p0 s29, s18;
	[sflag:s7] =	ssyncadd.s32 @!p0 $0xFFFF8000;
	s7 =	simm.s32 @!p0 $0x0  }
0x6a: {  	[tilespmem:s7], [sflag:$0x4] =	stream.linear.gather @!p0 [hbm4b:s0+s7], $0x200, $0x38;
	[tilespmem:$0x1F450] =	vst v63  }
0x6b: {  	_ =	swait.ge @!p0 [sflag:s22], $0x200  }
0x6c: {  	[sflag:s22] =	ssyncset.done @!p0 $0x0  }
0x6d: {  	s4 =	simm.s32 @!p0 $0x400;
	s0 =	sadd.s32 @!p0 s28, s18;
	[sflag:s22] =	ssyncadd.s32 @!p0 $0xFFFFFE00  }
0x6e: {  	[tilespmem:s4], [sflag:$0x4] =	stream.linear.gather @!p0 [hbm4b:s0+s7], $0x200, $0x38;
	[tilespmem:$0x1F450] =	vst v63  }
0x6f: {  	_ =	swait.ge @!p0 [sflag:s22], $0x200  }
0x70: {  	s31 =	simm.s32 @!p0 $0x1;
	[sflag:s22] =	ssyncset.done @!p0 $0x0  }
0x71: {  	s9 =	simm.s32 @!p0 $0x800;
	s0 =	simm.s32 @!p0 $0x200;
	[sflag:s22] =	ssyncadd.s32 @!p0 $0xFFFFFE00  }
0x72: {  	[tilespmem:s9], [sflag:$0x1] =	stream.indirect.gather @!p0 [spmem:s3], $0x40, s7, s0, $0xb8;
	[tilespmem:$0x1F450] =	vst v63  }
0x73: {  	_ =	swait.ge @!p0 [sflag:s31], $0x8000  }
0x74: {  	[sflag:s31] =	ssyncset.done @!p0 $0x0  }
0x75: {  	s10 =	simm.s32 @!p0 $0x3;
	[sflag:s31] =	ssyncadd.s32 @!p0 $0xFFFF8000  }
0x76: {  	[spmem:s2] =	stream.indirect.scatter.add.f32 @!p0 [tilespmem:s9], [sflag:$0x2], $0x40, s4, s0, $0xb8;
	[tilespmem:$0x1F450] =	vst v63  }
0x77: {  	_ =	swait.ge @!p0 [sflag:s10], $0x8000  }
0x78: {  	[sflag:s10] =	ssyncset.done @!p0 $0x0  }
0x79: {  	s4 =	sadd.s32 @!p0 s29, s17;
	[sflag:s10] =	ssyncadd.s32 @!p0 $0xFFFF8000  }
0x7a: {  	[tilespmem:s0], [sflag:$0x4] =	stream.linear.gather @!p0 [hbm4b:s4+s7], $0x200, $0x38;
	[tilespmem:$0x1F450] =	vst v63  }
0x7b: {  	_ =	swait.ge @!p0 [sflag:s22], $0x200  }
0x7c: {  	[sflag:s22] =	ssyncset.done @!p0 $0x0  }
0x7d: {  	s9 =	sadd.s32 @!p0 s28, s17;
	s4 =	simm.s32 @!p0 $0x600;
	[sflag:s22] =	ssyncadd.s32 @!p0 $0xFFFFFE00  }
0x7e: {  	[tilespmem:s4], [sflag:$0x4] =	stream.linear.gather @!p0 [hbm4b:s9+s7], $0x200, $0x38;
	[tilespmem:$0x1F450] =	vst v63  }
0x7f: {  	_ =	swait.ge @!p0 [sflag:s22], $0x200  }
.Ltmp0:
0x80: {  	[sflag:s22] =	ssyncset.done @!p0 $0x0;
	(pc) =	sbr.rel @p1 .LBB2_2-.Ltmp0, $4  }
0x81: {  	[sflag:s22] =	ssyncadd.s32 @!p0 $0xFFFFFE00;
	s22 =	simm.s32 @!p0 $0x8800  }
0x82: {  	[tilespmem:s22], [sflag:$0x1] =	stream.indirect.gather @!p0 [spmem:s3], $0x40, s0, s0, $0xb8;
	[tilespmem:$0x1F450] =	vst v63  }
0x83: {  	s29 =	sadd.s32 $0x80, s29;
	_ =	swait.ge @!p0 [sflag:s31], $0x8000  }
0x84: {  	p2 =	sge.s32 s1, s26;
	s28 =	sadd.s32 $0x80, s28;
	[sflag:s31] =	ssyncset.done @!p0 $0x0  }
0x85: {  	s1 =	simm.s32 @!p2 $0x2;
	[sflag:s31] =	ssyncadd.s32 @!p0 $0xFFFF8000  }
0x86: {  	[spmem:s2] =	stream.indirect.scatter.add.f32 @!p0 [tilespmem:s22], [sflag:$0x3], $0x40, s4, s0, $0xb8;
	[tilespmem:$0x1F450] =	vst v63  }
0x87: {  	p0 =	por p2, p2;
	_ =	swait.ge @!p2 [sflag:s1], $0x8000  }
0x88: {  	s0 =	simm.s32 @!p0 $0x4;
	[sflag:s1] =	ssyncset.done @!p0 $0x0  }
0x89: {  	s4 =	simm.s32 @!p0 $0x0;
	[sflag:s1] =	ssyncadd.s32 @!p0 $0xFFFF8000;
	s1 =	sadd.s32 @!p0 s29, s18  }
0x8a: {  	[tilespmem:s4], [sflag:$0x4] =	stream.linear.gather @!p0 [hbm4b:s1+s4], $0x200, $0x38;
	[tilespmem:$0x1F450] =	vst v63  }
0x8b: {  	_ =	swait.ge @!p0 [sflag:s0], $0x200  }
0x8c: {  	[sflag:s0] =	ssyncset.done @!p0 $0x0  }
0x8d: {  	s7 =	simm.s32 @!p0 $0x400;
	s1 =	sadd.s32 @!p0 s28, s18;
	[sflag:s0] =	ssyncadd.s32 @!p0 $0xFFFFFE00  }
0x8e: {  	[tilespmem:s7], [sflag:$0x4] =	stream.linear.gather @!p0 [hbm4b:s1+s4], $0x200, $0x38;
	[tilespmem:$0x1F450] =	vst v63  }
0x8f: {  	_ =	swait.ge @!p0 [sflag:s0], $0x200  }
0x90: {  	s9 =	simm.s32 @!p0 $0x200;
	[sflag:s0] =	ssyncset.done @!p0 $0x0  }
0x91: {  	s10 =	simm.s32 @!p0 $0x800;
	s1 =	simm.s32 @!p0 $0x1;
	[sflag:s0] =	ssyncadd.s32 @!p0 $0xFFFFFE00  }
0x92: {  	[tilespmem:s10], [sflag:$0x1] =	stream.indirect.gather @!p0 [spmem:s3], $0x40, s4, s9, $0xb8;
	[tilespmem:$0x1F450] =	vst v63  }
0x93: {  	_ =	swait.ge @!p0 [sflag:s1], $0x8000  }
0x94: {  	[sflag:s1] =	ssyncset.done @!p0 $0x0  }
0x95: {  	s22 =	simm.s32 @!p0 $0x3;
	[sflag:s1] =	ssyncadd.s32 @!p0 $0xFFFF8000  }
0x96: {  	[spmem:s2] =	stream.indirect.scatter.add.f32 @!p0 [tilespmem:s10], [sflag:$0x2], $0x40, s7, s9, $0xb8;
	[tilespmem:$0x1F450] =	vst v63  }
0x97: {  	_ =	swait.ge @!p0 [sflag:s22], $0x8000  }
0x98: {  	[sflag:s22] =	ssyncset.done @!p0 $0x0  }
0x99: {  	s7 =	sadd.s32 @!p0 s29, s17;
	[sflag:s22] =	ssyncadd.s32 @!p0 $0xFFFF8000  }
0x9a: {  	[tilespmem:s9], [sflag:$0x4] =	stream.linear.gather @!p0 [hbm4b:s7+s4], $0x200, $0x38;
	[tilespmem:$0x1F450] =	vst v63  }
0x9b: {  	_ =	swait.ge @!p0 [sflag:s0], $0x200  }
0x9c: {  	[sflag:s0] =	ssyncset.done @!p0 $0x0  }
0x9d: {  	s10 =	simm.s32 @!p0 $0x600;
	s7 =	sadd.s32 @!p0 s28, s17;
	[sflag:s0] =	ssyncadd.s32 @!p0 $0xFFFFFE00  }
0x9e: {  	[tilespmem:s10], [sflag:$0x4] =	stream.linear.gather @!p0 [hbm4b:s7+s4], $0x200, $0x38;
	[tilespmem:$0x1F450] =	vst v63  }
0x9f: {  	_ =	swait.ge @!p0 [sflag:s0], $0x200  }
0xa0: {  	[sflag:s0] =	ssyncset.done @!p0 $0x0  }
0xa1: {  	[sflag:s0] =	ssyncadd.s32 @!p0 $0xFFFFFE00;
	s0 =	simm.s32 @!p0 $0x8800  }
0xa2: {  	[tilespmem:s0], [sflag:$0x1] =	stream.indirect.gather @!p0 [spmem:s3], $0x40, s9, s9, $0xb8;
	[tilespmem:$0x1F450] =	vst v63  }
0xa3: {  	_ =	swait.ge @!p0 [sflag:s1], $0x8000  }
0xa4: {  	[sflag:s1] =	ssyncset.done @!p0 $0x0  }
0xa5: {  	[sflag:s1] =	ssyncadd.s32 @!p0 $0xFFFF8000  }
0xa6: {  	[spmem:s2] =	stream.indirect.scatter.add.f32 @!p0 [tilespmem:s0], [sflag:$0x3], $0x40, s10, s9, $0xb8;
	[tilespmem:$0x1F450] =	vst v63  }
0xa7: {  	_ =	swait.ge [sflag:s23], $0x8000  }
0xa8: {  	[sflag:s23] =	ssyncset.done $0x0  }
0xa9: {  	[sflag:s23] =	ssyncadd.s32 $0xFFFF8000  }
0xaa: {  	_ =	swait.ge [sflag:s24], $0x8000  }
0xab: {  	s25 =	sadd.s32 $0x1, s25;
	[sflag:s24] =	ssyncset.done $0x0  }
0xac: {  	p0 =	sne.s32 s25, s12;
	[sflag:s24] =	ssyncadd.s32 $0xFFFF8000  }
.Ltmp1:
0xad: {  	[bflag:$0x0] =	sbarrier.arrive $0xFFFF;
	(pc) =	sbr.rel @p0 .LBB2_1-.Ltmp1, $4  }
0xae: {  	[hbm:s11], [sflag:s8] =	dma.local [spmem:s19], $0xA00  }
0xaf: {  	_ =	swait.ge [sflag:s20], $0xA00  }
0xb0: {  	[sflag:s20] =	ssyncset.done $0x0  }
0xb1: {  	[sflag:s20] =	ssyncadd.s32 $0xFFFFF600  }
0xb2: {  	_ =	sfence.sel $0x180000  }
0xb3: {  	[bflag:$0x0] =	sbarrier.arrive $0xFFFF  }
0xb4: {  	_ =	strace $0x9000004A  }
0xb5: {  	s0 =	stileid.u32;
	[bflag:$0x2] =	sbarrier.arrive $0xFFFF  }
0xb6: {  	p0 =	sne.s32 s0, $0x0;
	s0 =	rddreg [dreg:$0x4]  }
0xb7: {  	s0 =	sadd.s32 @!p0 $0x100000, s0  }
0xb8: {  	[sflag:s0] =	ssyncadd.tile.s32 @!p0 $0x1;
	_ =	shalt  }
.Lfunc_end2:
_tile_overlayer_lowered:
.L_overlay_start_2:
0xb9: {  	(tag) =	ssettag $0x2  }
0xba: {  	s0 =	rddreg [dreg:$0x0];
	s2 =	stileid.u32  }
0xbb: {  	s1 =	rddreg [dreg:$0x1];
	p0 =	sne.s32 s2, $0x0  }
0xbc: {  	s3 =	rddreg [dreg:$0x2];
	[bflag:$0x3] =	sbarrier.arrive $0xFFFF;
	s2 =	simm.s32 @!p0 $0x1C04  }
0xbd: {  	[timem:s3], [sflag:s2] =	dma.local @!p0 [hbm:s0], s1  }
0xbe: {  	s0 =	simm.s32 @!p0 $0x4  }
0xbf: {  	_ =	swait.ge @!p0 [sflag:s0], s1  }
0xc0: {  	s1 =	ssub.s32 @!p0 $0x0, s1;
	[sflag:s0] =	ssyncset.done @!p0 $0x0  }
0xc1: {  	[sflag:s0] =	ssyncadd.s32 @!p0 s1  }
0xc2: {  	[bflag:$0x3] =	sbarrier.arrive $0xFFFF  }
0xc3: {  	_ =	shalt  }

// kernel: kernel.18.cloned.1.call-start
scs
__scs_entry_jumppad:
0x0: {  	(pc) =	sbr.rel $0x88, $3  }
0x1: {  	(tag) =	ssettag $0x0;
	lr =	simm.s32 $0x1  }
0x2: {  	[smem:$0x3F93] =	sst lr;
	_ =	strace $0xD0000000  }
0x3: {  	_ = 	snop  }
0x4: {  	_ = 	snop  }
0x5: {  	_ = 	snop  }
0x6: {  	_ = 	snop  }
0x7: {  	_ = 	snop  }
__scs_overlays_trampoline_lowered:
0x8: {  	[smem:$0x3FA2] =	sst s0  }
0x9: {  	[smem:$0x3FA3] =	sst s1  }
0xa: {  	[smem:$0x3FA4] =	sst s2  }
0xb: {  	[smem:$0x3FA5] =	sst s3  }
0xc: {  	[smem:$0x3FA6] =	sst s4  }
0xd: {  	[smem:$0x3FA7] =	sst s5  }
0xe: {  	[smem:$0x3FA8] =	sst s6  }
0xf: {  	[smem:$0x3FA9] =	sst s7  }
0x10: {  	[smem:$0x3FAA] =	sst s8  }
0x11: {  	[smem:$0x3FAB] =	sst s9;
	s0 =	simm.s32 @!p0 $0x0  }
0x12: {  	s1 =	sld [smem:$0x3F91];
	s0 =	simm.s32 @p0 $0x1  }
0x13: {  	[smem:$0x3FAC] =	sst s0;
	s0 =	simm.s32 @!p1 $0x0  }
0x14: {  	s2 =	sld [smem:$0x3F90];
	s0 =	simm.s32 @p1 $0x1  }
0x15: {  	[smem:$0x3FAD] =	sst s0;
	s0 =	simm.s32 @!p2 $0x0  }
0x16: {  	s3 =	sld [smem:$0x3FDB];
	s0 =	simm.s32 @p2 $0x1  }
0x17: {  	s4 =	simm.s32 $0x1BF5;
	[smem:$0x3FAF] =	sst s0  }
0x18: {  	s0 =	sld [smem:$0x3F92];
	_ =	swait.ge [sflag:s4], $0x0  }
0x19: {  	s7 =	sld [smem:$0x3F93]  }
0x1a: {  	s8 =	sadd.s32 $0xFFFFE003, lr  }
0x1b: {  	s9 =	sadd.s32 $0xFFFFFEF7, lr;
	s5 =	simm.s32 $0xFFFFFFFF;
	p2 =	slt.u32 s8, $0xFFFFF086  }
0x1c: {  	p1 =	slt.u32 s9, $0xF7A;
	s5 =	simm.s32 @!p2 $0x0  }
0x1d: {  	s5 =	simm.s32 @p1 $0x1;
	p0 =	seq.s32 s7, s2  }
0x1e: {  	s7 =	smul.u32 @!p0 $0xF7A, s2;
	p2 =	seq.s32 @!p0 s5, $0x0  }
0x1f: {  	s9 =	smul.u32 $0xF7A, s1;
	s8 =	simm.s32 @!p0 $0x1BF5;
	p2 =	por !p2, p0  }
0x20: {  	[sflag:s8] =	ssyncset.s32 @!p0 $0xFFFFF086;
	s6 =	sadd.s32 @!p0 s3, s7;
	s7 =	simm.s32 @!p0 $0x108  }
0x21: {  	s3 =	sadd.s32 s3, s9;
	s6 =	sadd.s32 @!p0 $0x88, s6;
	s7 =	simm.s32 @p2 $0x1082  }
0x22: {  	[simem:s7], [sflag:s8] =	dma.local @!p0 [hbm:s6], $0xF7A  }
0x23: {  	s9 =	sor.u32 $0xD0000000, s2;
	s6 =	simm.s32 $0x108;
	_ =	swait.ge @!p0 [sflag:s8], $0x0  }
0x24: {  	s3 =	sadd.s32 $0x88, s3;
	s6 =	simm.s32 @!p1 $0x1082;
	[sflag:s4] =	ssyncset.s32 $0xFFFFF086  }
0x25: {  	[simem:s6], [sflag:s4] =	dma.local [hbm:s3], $0xF7A  }
0x26: {  	[smem:$0x3F93] =	sst s1;
	(tag) =	ssettag s2;
	_ =	strace s9  }
0x27: {  	s1 =	sld [smem:$0x3FA3]  }
0x28: {  	s2 =	sld [smem:$0x3FA4]  }
0x29: {  	s4 =	sld [smem:$0x3FA6]  }
0x2a: {  	p0 =	seq.s32 s5, $0x0;
	s5 =	sld [smem:$0x3FA7]  }
0x2b: {  	s6 =	sld [smem:$0x3FA8]  }
0x2c: {  	s7 =	sld [smem:$0x3FA9]  }
0x2d: {  	s3 =	simm.s32 $0x108;
	s8 =	sld [smem:$0x3FAA]  }
0x2e: {  	s3 =	simm.s32 @!p0 $0x1082;
	s9 =	sld [smem:$0x3FAB]  }
0x2f: {  	lr =	sadd.s32 s0, s3;
	s0 =	sld [smem:$0x3FA2]  }
0x30: {  	s3 =	sld [smem:$0x3FA5]  }
0x31: {  	[smem:$0x3FAE] =	sst s10  }
0x32: {  	s10 =	sld [smem:$0x3FAC];
	_ =	sdelay $0x3  }
0x33: {  	p0 =	seq.s32 s10, $0x1;
	s10 =	sld [smem:$0x3FAE];
	_ =	sdelay $0x3  }
0x34: {  	[smem:$0x3FAE] =	sst s10  }
0x35: {  	s10 =	sld [smem:$0x3FAD];
	_ =	sdelay $0x3  }
0x36: {  	p1 =	seq.s32 s10, $0x1;
	s10 =	sld [smem:$0x3FAE];
	_ =	sdelay $0x3  }
0x37: {  	[smem:$0x3FAE] =	sst s10  }
0x38: {  	s10 =	sld [smem:$0x3FAF]  }
0x39: {  	_ = 	snop;
	(pc) =	sbr.ind lr, $3  }
0x3a: {  	_ = 	snop  }
0x3b: {  	_ = 	snop  }
0x3c: {  	p2 =	seq.s32 s10, $0x1;
	s10 =	sld [smem:$0x3FAE]  }
0x3d: {  	_ =	shalt  }
0x3e: {  	_ =	shalt  }
0x3f: {  	_ =	shalt  }
0x40: {  	_ =	shalt  }
0x41: {  	_ =	shalt  }
0x42: {  	_ =	shalt  }
0x43: {  	_ =	shalt  }
0x44: {  	_ =	shalt  }
0x45: {  	_ =	shalt  }
0x46: {  	_ =	shalt  }
0x47: {  	_ =	shalt  }
0x48: {  	_ =	shalt  }
0x49: {  	_ =	shalt  }
0x4a: {  	_ =	shalt  }
0x4b: {  	_ =	shalt  }
0x4c: {  	_ =	shalt  }
0x4d: {  	_ =	shalt  }
0x4e: {  	_ =	shalt  }
0x4f: {  	_ =	shalt  }
0x50: {  	_ =	shalt  }
0x51: {  	_ =	shalt  }
0x52: {  	_ =	shalt  }
0x53: {  	_ =	shalt  }
0x54: {  	_ =	shalt  }
0x55: {  	_ =	shalt  }
0x56: {  	_ =	shalt  }
0x57: {  	_ =	shalt  }
0x58: {  	_ =	shalt  }
0x59: {  	_ =	shalt  }
0x5a: {  	_ =	shalt  }
0x5b: {  	_ =	shalt  }
0x5c: {  	_ =	shalt  }
0x5d: {  	_ =	shalt  }
0x5e: {  	_ =	shalt  }
0x5f: {  	_ =	shalt  }
0x60: {  	_ =	shalt  }
0x61: {  	_ =	shalt  }
0x62: {  	_ =	shalt  }
0x63: {  	_ =	shalt  }
0x64: {  	_ =	shalt  }
0x65: {  	_ =	shalt  }
0x66: {  	_ =	shalt  }
0x67: {  	_ =	shalt  }
0x68: {  	_ =	shalt  }
0x69: {  	_ =	shalt  }
0x6a: {  	_ =	shalt  }
0x6b: {  	_ =	shalt  }
0x6c: {  	_ =	shalt  }
0x6d: {  	_ =	shalt  }
0x6e: {  	_ =	shalt  }
0x6f: {  	_ =	shalt  }
0x70: {  	_ =	shalt  }
0x71: {  	_ =	shalt  }
0x72: {  	_ =	shalt  }
0x73: {  	_ =	shalt  }
0x74: {  	_ =	shalt  }
0x75: {  	_ =	shalt  }
0x76: {  	_ =	shalt  }
0x77: {  	_ =	shalt  }
0x78: {  	_ =	shalt  }
0x79: {  	_ =	shalt  }
0x7a: {  	_ =	shalt  }
0x7b: {  	_ =	shalt  }
0x7c: {  	_ =	shalt  }
0x7d: {  	_ =	shalt  }
0x7e: {  	_ =	shalt  }
0x7f: {  	_ =	shalt  }
0x80: {  	_ =	shalt  }
0x81: {  	_ =	shalt  }
0x82: {  	_ =	shalt  }
0x83: {  	_ =	shalt  }
0x84: {  	_ =	shalt  }
0x85: {  	_ =	shalt  }
0x86: {  	_ =	shalt  }
0x87: {  	_ =	shalt  }
.Lfunc_end0:
.L_simem_size_0:
called_computation.2_lowered:
.L_overlay_start_0:
0x88: {  	s2 =	sld [smem:$0x3FD9]  }
0x89: {  	s3 =	sld [smem:$0x3FFE];
	_ =	sdelay $0x1  }
0x8a: {  	s1 =	srdreg.scid  }
0x8b: {  	s0 =	sand.u32 $0x1, s1  }
0x8c: {  	s17 =	sshll.u32 s0, $0xA;
	s2 =	sadd.s32 s3, s2  }
0x8d: {  	s2 =	sadd.s32 s2, s17  }
0x8e: {  	[smem:$0x3FBA] =	sst s2  }
0x8f: {  	_ = 	snop  }
0x90: {  	s2 =	sld [smem:$0x3FD0];
	(tm) =	ssettm $0x1  }
0x91: {  	s18 =	sld [smem:$0x3FFB];
	_ =	sdelay $0x3  }
0x92: {  	_ =	strace s18  }
0x93: {  	s3 =	sld [smem:$0x3FFC];
	_ =	sdelay $0x3  }
0x94: {  	_ =	strace s3  }
0x95: {  	s3 =	sld [smem:$0x3FFD];
	_ =	sdelay $0x3  }
0x96: {  	_ =	strace s3  }
0x97: {  	_ =	strace $0x8FFFFFFF  }
0x98: {  	s19 =	sld [smem:$0x3FDB];
	_ =	sdelay $0x1  }
0x99: {  	s4 =	simm.s32 $_scs_section_size  }
0x9a: {  	s5 =	simm.s32 $_size__tile_overlayer_lowered;
	s6 =	simm.s32 $_tile_overlayer_lowered  }
0x9b: {  	s22 =	simm.s32 $0x1BFF;
	s21 =	sshll.u32 s6, $0x1;
	s3 =	sadd.s32 s4, s19  }
0x9c: {  	s7 =	simm.s32 $0x0;
	s20 =	sshll.u32 s5, $0x1;
	s5 =	sadd.s32 s21, s3  }
0x9d: {  	[timem:s7], [sflag:s22] =	dma.local [hbm:s5], s20  }
0x9e: {  	_ =	swait.ge [sflag:s22], s20  }
0x9f: {  	s4 =	ssub.s32 $0x0, s20;
	[sflag:s22] =	ssyncset.done $0x0  }
0xa0: {  	[sflag:s22] =	ssyncadd.s32 s4;
	_ =	sdelay $0x1  }
0xa1: {  	s23 =	simm.s32 $0x1B8B  }
0xa2: {  	_ =	swait.ge [sflag:s23], $0x1  }
0xa3: {  	[sflag:s23] =	ssyncset.done $0x0  }
0xa4: {  	s25 =	simm.s32 $0x1B8E;
	s24 =	sld [smem:$0x3FFE];
	[sflag:s23] =	ssyncadd.s32 $0xFFFFFFFF  }
0xa5: {  	s26 =	simm.s32 $execute0_lowered;
	[smem:$0x3FD2] =	sst s25  }
0xa6: {  	s5 =	sshll.u32 s26, $0x1;
	_ =	strace $0x8000004C;
	[dreg:$0x1] =	wrdreg $0xFFFFFFFF  }
0xa7: {  	s28 =	simm.s32 $_size_execute0_lowered;
	s3 =	sadd.s32 s3, s5;
	[dreg:$0x0] =	wrdreg $0x0  }
0xa8: {  	s5 =	sshll.u32 s28, $0x1;
	[dreg:$0x2] =	wrdreg s3  }
0xa9: {  	[dreg:$0x3] =	wrdreg s5  }
0xaa: {  	[dreg:$0x4] =	wrdreg $0xC0  }
0xab: {  	_ =	task [dreg:s7], $0x5FFFF  }
0xac: {  	[dreg:$0x1] =	wrdreg $0xFFFFFFFF  }
0xad: {  	[dreg:$0x0] =	wrdreg $0x60  }
0xae: {  	[dreg:$0x2] =	wrdreg s2  }
0xaf: {  	[dreg:$0x3] =	wrdreg s24  }
0xb0: {  	[dreg:$0x4] =	wrdreg $0x1A4500  }
0xb1: {  	[dreg:$0x5] =	wrdreg $0x108100  }
0xb2: {  	[dreg:$0x6] =	wrdreg $0x9  }
0xb3: {  	_ =	task.clear_ibuf [dreg:s7], $0x7FFFF;
	_ =	strace $0x9000004C  }
0xb4: {  	s29 =	simm.s32 $0x9;
	_ =	strace $0x8000004E  }
0xb5: {  	_ =	swait.ge [sflag:s29], $0x1  }
0xb6: {  	[sflag:s29] =	ssyncadd.s32 $0xFFFFFFFF  }
0xb7: {  	_ =	strace $0x9000004E  }
0xb8: {  	_ =	sfence  }
0xb9: {  	s30 =	sld [smem:$0x0];
	_ =	sdelay $0x2  }
0xba: {  	s31 =	sshll.u32 s1, $0xD;
	s1 =	sshrl.u32 s1, $0x2  }
0xbb: {  	s3 =	sand.u32 $0x4000, s31;
	s1 =	sadd.s32 s1, s30  }
0xbc: {  	s0 =	sor.u32 s3, s0;
	s1 =	sshll.u32 s1, $0x11  }
0xbd: {  	s0 =	sor.u32 s1, s0  }
0xbe: {  	s0 =	sadd.s32 $0x8F2B, s0  }
0xbf: {  	[sflag:s0] =	ssyncadd.remote.s32 $0x1  }
0xc0: {  	_ =	sfence.sel $0xFFFF  }
0xc1: {  	[dreg:$0x0] =	wrdreg $0xFFFFFFFF;
	(pc) =	sbr.abs _section_cstart, $3  }
0xc2: {  	[dreg:$0x1] =	wrdreg $0xFFFFFFFF  }
0xc3: {  	_ =	task.clear_ibuf [dreg:s7], $0x2FFFF;
	_ =	strace $0x9FFFFFFF  }
0xc4: {  	(tm) =	ssettm $0x7FFFFFFF  }
0xc5: {  	_ =	shalt  }
tec
execute0_lowered:
.L_overlay_start_1:
0x0: {  	(tag) =	ssettag $0x1  }
0x1: {  	s0 =	rddreg [dreg:$0x0]  }
0x2: {  	s1 =	rddreg [dreg:$0x1]  }
0x3: {  	s2 =	rddreg [dreg:$0x2]  }
0x4: {  	s3 =	rddreg [dreg:$0x3];
	s5 =	simm.s32 $0x0  }
0x5: {  	s13 =	stileid.u32;
	s4 =	srdreg.scid;
	s20 =	simm.s32 $0x4  }
0x6: {  	[smem:$0x7FF] =	sst s5;
	s7 =	smul.u32 $0x5000, s13;
	s4 =	sand.u32 $0x1, s4  }
0x7: {  	s5 =	sadd.s32 $0x21600, s1;
	s6 =	sadd.s32 $0x35600, s1;
	s9 =	sshll.u32 s13, $0x1  }
0x8: {  	s23 =	sshll.u32 s13, $0x6;
	s24 =	smul.u32 $0x9C40, s13;
	_ =	strace $0x8000004D  }
0x9: {  	s8 =	smul.u32 $0x50000, s4;
	s9 =	sadd.s32 s9, s1;
	s22 =	ssub.s32 $0x2, s4  }
0xa: {  	s4 =	sshll.u32 s4, $0x5;
	s10 =	sshrl.u32 s7, $0x3;
	s11 =	sshrl.u32 s22, $0x1  }
0xb: {  	s19 =	sadd.s32 s7, s2;
	s21 =	sadd.s32 s24, s3;
	s26 =	sshrl.u32 s24, $0x3  }
0xc: {  	s4 =	sadd.s32 s4, s9;
	s24 =	simm.s32 $0x3;
	s17 =	sadd.s32 s7, s8  }
0xd: {  	s10 =	sadd.s32 s10, s1;
	s12 =	ssub.s32 s22, s11;
	s8 =	sor.u32 $0x1C04, s23  }
0xe: {  	s0 =	sadd.s32 s0, s26;
	s28 =	sadd.s32 $0x49600, s4;
	s19 =	sshrl.u32 s19, $0x3  }
0xf: {  	s21 =	sshrl.u32 s21, $0x3;
	s23 =	simm.s32 $0x2;
	[dreg:$0x6] =	wrdreg s0  }
0x10: {  	s14 =	sshrl.u32 s17, $0x3;
	s25 =	sadd.s32 $0x4600, s10;
	[dreg:$0x7] =	wrdreg s28  }
0x11: {  	s29 =	sor.u32 $0x200, s17;
	s12 =	smax.u32 s12, $0x1;
	s30 =	sor.u32 $0x600, s17  }
0x12: {  	s31 =	sor.u32 $0x400, s17;
	s1 =	sadd.s32 s14, s1;
	[dreg:$0x5] =	wrdreg s25  }
0x13: {  	s0 =	sshrl.u32 s29, $0x3;
	s13 =	sadd.s32 s5, s14;
	s14 =	sadd.s32 s6, s14  }
0x14: {  	s17 =	sshrl.u32 s30, $0x3;
	s18 =	sshrl.u32 s31, $0x3;
	s25 =	simm.s32 $0x0  }
0x15: {  	s11 =	sadd.s32 $0x49800, s1;
	s15 =	sadd.s32 s5, s0;
	s16 =	sadd.s32 s6, s0  }
.LBB2_1:
0x16: {  	s0 =	rddreg [dreg:$0x5]  }
0x17: {  	[spmem:s19], [sflag:s8] =	dma.local [hbm:s0], $0xA00  }
0x18: {  	_ =	swait.ge [sflag:s20], $0xA00  }
0x19: {  	[sflag:s20] =	ssyncset.done $0x0  }
0x1a: {  	s22 =	rddreg [dreg:$0x6];
	[sflag:s20] =	ssyncadd.s32 $0xFFFFF600  }
0x1b: {  	[spmem:s21], [sflag:s8] =	dma.local [hbm:s22], $0x1388  }
0x1c: {  	_ =	swait.ge [sflag:s20], $0x1388  }
0x1d: {  	s26 =	simm.s32 $0x0;
	[sflag:s20] =	ssyncset.done $0x0  }
0x1e: {  	s4 =	simm.s32 $0x10800;
	s1 =	rddreg [dreg:$0x7];
	[sflag:s20] =	ssyncadd.s32 $0xFFFFEC78  }
0x1f: {  	[tilespmem:s4], [sflag:$0x4] =	stream.linear.gather [hbm4b:s1+s26], $0x10, $0x38;
	[tilespmem:$0x1F450] =	vst v63  }
0x20: {  	_ =	swait.ge [sflag:s20], $0x10  }
0x21: {  	[sflag:s20] =	ssyncset.done $0x0  }
0x22: {  	[sflag:s20] =	ssyncadd.s32 $0xFFFFFFF0  }
0x23: {  	[bflag:$0x0] =	sbarrier.arrive $0xFFFF  }
0x24: {  	v0 =	vld [tilespmem:$0x10800];
	_ =	sdelay $0x4  }
0x25: {  	(v2sf) =	vpush v0, $0x0;
	_ =	sdelay $0xe  }
0x26: {  	s26 =	spop (v2sf)  }
0x27: {  	p0 =	slt.s32 s26, $0x1  }
0x28: {  	s0 =	simm.s32 @!p0 $0x0;
	s1 =	simm.s32 @!p0 $0x4  }
0x29: {  	[tilespmem:s0], [sflag:$0x4] =	stream.linear.gather @!p0 [hbm4b:s13+s0], $0x200, $0x38;
	[tilespmem:$0x1F450] =	vst v63  }
0x2a: {  	_ =	swait.ge @!p0 [sflag:s1], $0x200  }
0x2b: {  	[sflag:s1] =	ssyncset.done @!p0 $0x0  }
0x2c: {  	s4 =	simm.s32 @!p0 $0x400;
	[sflag:s1] =	ssyncadd.s32 @!p0 $0xFFFFFE00  }
0x2d: {  	[tilespmem:s4], [sflag:$0x4] =	stream.linear.gather @!p0 [hbm4b:s14+s0], $0x200, $0x38;
	[tilespmem:$0x1F450] =	vst v63  }
0x2e: {  	_ =	swait.ge @!p0 [sflag:s1], $0x200  }
0x2f: {  	s22 =	simm.s32 @!p0 $0x200;
	[sflag:s1] =	ssyncset.done @!p0 $0x0  }
0x30: {  	s28 =	simm.s32 @!p0 $0x800;
	s29 =	simm.s32 @!p0 $0x1;
	[sflag:s1] =	ssyncadd.s32 @!p0 $0xFFFFFE00  }
0x31: {  	[tilespmem:s28], [sflag:$0x1] =	stream.indirect.gather @!p0 [spmem:s3], $0x40, s0, s22, $0xb8;
	[tilespmem:$0x1F450] =	vst v63  }
0x32: {  	_ =	swait.ge @!p0 [sflag:s29], $0x8000  }
0x33: {  	[sflag:s29] =	ssyncset.done @!p0 $0x0  }
0x34: {  	[sflag:s29] =	ssyncadd.s32 @!p0 $0xFFFF8000  }
0x35: {  	[spmem:s2] =	stream.indirect.scatter.add.f32 @!p0 [tilespmem:s28], [sflag:$0x2], $0x40, s4, s22, $0xb8;
	[tilespmem:$0x1F450] =	vst v63  }
0x36: {  	_ = 	snop  }
0x37: {  	[tilespmem:s22], [sflag:$0x4] =	stream.linear.gather @!p0 [hbm4b:s15+s0], $0x200, $0x38;
	[tilespmem:$0x1F450] =	vst v63  }
0x38: {  	_ =	swait.ge @!p0 [sflag:s1], $0x200  }
0x39: {  	[sflag:s1] =	ssyncset.done @!p0 $0x0  }
0x3a: {  	s4 =	simm.s32 @!p0 $0x600;
	[sflag:s1] =	ssyncadd.s32 @!p0 $0xFFFFFE00  }
0x3b: {  	[tilespmem:s4], [sflag:$0x4] =	stream.linear.gather @!p0 [hbm4b:s16+s0], $0x200, $0x38;
	[tilespmem:$0x1F450] =	vst v63  }
0x3c: {  	_ =	swait.ge @!p0 [sflag:s1], $0x200  }
0x3d: {  	[sflag:s1] =	ssyncset.done @!p0 $0x0  }
0x3e: {  	s0 =	simm.s32 @!p0 $0x8800;
	[sflag:s1] =	ssyncadd.s32 @!p0 $0xFFFFFE00  }
0x3f: {  	[tilespmem:s0], [sflag:$0x1] =	stream.indirect.gather @!p0 [spmem:s3], $0x40, s22, s22, $0xb8;
	[tilespmem:$0x1F450] =	vst v63  }
0x40: {  	_ =	swait.ge @!p0 [sflag:s29], $0x8000  }
0x41: {  	[sflag:s29] =	ssyncset.done @!p0 $0x0  }
0x42: {  	[sflag:s29] =	ssyncadd.s32 @!p0 $0xFFFF8000  }
0x43: {  	[spmem:s2] =	stream.indirect.scatter.add.f32 @!p0 [tilespmem:s0], [sflag:$0x3], $0x40, s4, s22, $0xb8;
	[tilespmem:$0x1F450] =	vst v63  }
0x44: {  	p0 =	sle.s32 s26, $0x1  }
0x45: {  	s0 =	simm.s32 @!p0 $0x2  }
0x46: {  	_ =	swait.ge @!p0 [sflag:s0], $0x8000;
	p0 =	por p0, p0  }
0x47: {  	[sflag:s0] =	ssyncset.done @!p0 $0x0;
	s1 =	simm.s32 @!p0 $0x4  }
0x48: {  	s22 =	simm.s32 @!p0 $0x0;
	[sflag:s0] =	ssyncadd.s32 @!p0 $0xFFFF8000;
	s0 =	sadd.s32 @!p0 s5, s18  }
0x49: {  	[tilespmem:s22], [sflag:$0x4] =	stream.linear.gather @!p0 [hbm4b:s0+s22], $0x200, $0x38;
	[tilespmem:$0x1F450] =	vst v63  }
0x4a: {  	_ =	swait.ge @!p0 [sflag:s1], $0x200  }
0x4b: {  	[sflag:s1] =	ssyncset.done @!p0 $0x0  }
0x4c: {  	s4 =	simm.s32 @!p0 $0x400;
	s0 =	sadd.s32 @!p0 s6, s18;
	[sflag:s1] =	ssyncadd.s32 @!p0 $0xFFFFFE00  }
0x4d: {  	[tilespmem:s4], [sflag:$0x4] =	stream.linear.gather @!p0 [hbm4b:s0+s22], $0x200, $0x38;
	[tilespmem:$0x1F450] =	vst v63  }
0x4e: {  	_ =	swait.ge @!p0 [sflag:s1], $0x200  }
0x4f: {  	s31 =	simm.s32 @!p0 $0x1;
	[sflag:s1] =	ssyncset.done @!p0 $0x0  }
0x50: {  	s28 =	simm.s32 @!p0 $0x800;
	s0 =	simm.s32 @!p0 $0x200;
	[sflag:s1] =	ssyncadd.s32 @!p0 $0xFFFFFE00  }
0x51: {  	[tilespmem:s28], [sflag:$0x1] =	stream.indirect.gather @!p0 [spmem:s3], $0x40, s22, s0, $0xb8;
	[tilespmem:$0x1F450] =	vst v63  }
0x52: {  	_ =	swait.ge @!p0 [sflag:s31], $0x8000  }
0x53: {  	[sflag:s31] =	ssyncset.done @!p0 $0x0  }
0x54: {  	s29 =	simm.s32 @!p0 $0x3;
	[sflag:s31] =	ssyncadd.s32 @!p0 $0xFFFF8000  }
0x55: {  	[spmem:s2] =	stream.indirect.scatter.add.f32 @!p0 [tilespmem:s28], [sflag:$0x2], $0x40, s4, s0, $0xb8;
	[tilespmem:$0x1F450] =	vst v63  }
0x56: {  	_ =	swait.ge @!p0 [sflag:s29], $0x8000  }
0x57: {  	[sflag:s29] =	ssyncset.done @!p0 $0x0  }
0x58: {  	s4 =	sadd.s32 @!p0 s5, s17;
	[sflag:s29] =	ssyncadd.s32 @!p0 $0xFFFF8000  }
0x59: {  	[tilespmem:s0], [sflag:$0x4] =	stream.linear.gather @!p0 [hbm4b:s4+s22], $0x200, $0x38;
	[tilespmem:$0x1F450] =	vst v63  }
0x5a: {  	_ =	swait.ge @!p0 [sflag:s1], $0x200  }
0x5b: {  	[sflag:s1] =	ssyncset.done @!p0 $0x0  }
0x5c: {  	s28 =	sadd.s32 @!p0 s6, s17;
	s4 =	simm.s32 @!p0 $0x600;
	[sflag:s1] =	ssyncadd.s32 @!p0 $0xFFFFFE00  }
0x5d: {  	[tilespmem:s4], [sflag:$0x4] =	stream.linear.gather @!p0 [hbm4b:s28+s22], $0x200, $0x38;
	[tilespmem:$0x1F450] =	vst v63  }
0x5e: {  	_ =	swait.ge @!p0 [sflag:s1], $0x200  }
0x5f: {  	[sflag:s1] =	ssyncset.done @!p0 $0x0  }
0x60: {  	s22 =	simm.s32 @!p0 $0x8800;
	[sflag:s1] =	ssyncadd.s32 @!p0 $0xFFFFFE00  }
0x61: {  	[tilespmem:s22], [sflag:$0x1] =	stream.indirect.gather @!p0 [spmem:s3], $0x40, s0, s0, $0xb8;
	[tilespmem:$0x1F450] =	vst v63  }
0x62: {  	s30 =	simm.s32 $0x3;
	p2 =	sle.s32 s26, $0x2;
	_ =	swait.ge @!p0 [sflag:s31], $0x8000  }
0x63: {  	s29 =	sadd.s32 $0x80, s5;
	s28 =	sadd.s32 $0x80, s6;
	[sflag:s31] =	ssyncset.done @!p0 $0x0  }
.LBB2_2:
0x64: {  	s7 =	simm.s32 @!p2 $0x2  }
0x65: {  	[sflag:s31] =	ssyncadd.s32 @!p0 $0xFFFF8000;
	s1 =	smov.u32 s30;
	s30 =	sadd.s32 $0x1, s30  }
0x66: {  	[spmem:s2] =	stream.indirect.scatter.add.f32 @!p0 [tilespmem:s22], [sflag:$0x3], $0x40, s4, s0, $0xb8;
	[tilespmem:$0x1F450] =	vst v63  }
0x67: {  	p1 =	sne.s32 s30, $0x14;
	p0 =	por p2, p2;
	_ =	swait.ge @!p2 [sflag:s7], $0x8000  }
0x68: {  	s22 =	simm.s32 @!p0 $0x4;
	[sflag:s7] =	ssyncset.done @!p0 $0x0  }
0x69: {  	s0 =	sadd.s32 @!p0 s29, s18;
	[sflag:s7] =	ssyncadd.s32 @!p0 $0xFFFF8000;
	s7 =	simm.s32 @!p0 $0x0  }
0x6a: {  	[tilespmem:s7], [sflag:$0x4] =	stream.linear.gather @!p0 [hbm4b:s0+s7], $0x200, $0x38;
	[tilespmem:$0x1F450] =	vst v63  }
0x6b: {  	_ =	swait.ge @!p0 [sflag:s22], $0x200  }
0x6c: {  	[sflag:s22] =	ssyncset.done @!p0 $0x0  }
0x6d: {  	s4 =	simm.s32 @!p0 $0x400;
	s0 =	sadd.s32 @!p0 s28, s18;
	[sflag:s22] =	ssyncadd.s32 @!p0 $0xFFFFFE00  }
0x6e: {  	[tilespmem:s4], [sflag:$0x4] =	stream.linear.gather @!p0 [hbm4b:s0+s7], $0x200, $0x38;
	[tilespmem:$0x1F450] =	vst v63  }
0x6f: {  	_ =	swait.ge @!p0 [sflag:s22], $0x200  }
0x70: {  	s31 =	simm.s32 @!p0 $0x1;
	[sflag:s22] =	ssyncset.done @!p0 $0x0  }
0x71: {  	s9 =	simm.s32 @!p0 $0x800;
	s0 =	simm.s32 @!p0 $0x200;
	[sflag:s22] =	ssyncadd.s32 @!p0 $0xFFFFFE00  }
0x72: {  	[tilespmem:s9], [sflag:$0x1] =	stream.indirect.gather @!p0 [spmem:s3], $0x40, s7, s0, $0xb8;
	[tilespmem:$0x1F450] =	vst v63  }
0x73: {  	_ =	swait.ge @!p0 [sflag:s31], $0x8000  }
0x74: {  	[sflag:s31] =	ssyncset.done @!p0 $0x0  }
0x75: {  	s10 =	simm.s32 @!p0 $0x3;
	[sflag:s31] =	ssyncadd.s32 @!p0 $0xFFFF8000  }
0x76: {  	[spmem:s2] =	stream.indirect.scatter.add.f32 @!p0 [tilespmem:s9], [sflag:$0x2], $0x40, s4, s0, $0xb8;
	[tilespmem:$0x1F450] =	vst v63  }
0x77: {  	_ =	swait.ge @!p0 [sflag:s10], $0x8000  }
0x78: {  	[sflag:s10] =	ssyncset.done @!p0 $0x0  }
0x79: {  	s4 =	sadd.s32 @!p0 s29, s17;
	[sflag:s10] =	ssyncadd.s32 @!p0 $0xFFFF8000  }
0x7a: {  	[tilespmem:s0], [sflag:$0x4] =	stream.linear.gather @!p0 [hbm4b:s4+s7], $0x200, $0x38;
	[tilespmem:$0x1F450] =	vst v63  }
0x7b: {  	_ =	swait.ge @!p0 [sflag:s22], $0x200  }
0x7c: {  	[sflag:s22] =	ssyncset.done @!p0 $0x0  }
0x7d: {  	s9 =	sadd.s32 @!p0 s28, s17;
	s4 =	simm.s32 @!p0 $0x600;
	[sflag:s22] =	ssyncadd.s32 @!p0 $0xFFFFFE00  }
0x7e: {  	[tilespmem:s4], [sflag:$0x4] =	stream.linear.gather @!p0 [hbm4b:s9+s7], $0x200, $0x38;
	[tilespmem:$0x1F450] =	vst v63  }
0x7f: {  	_ =	swait.ge @!p0 [sflag:s22], $0x200  }
.Ltmp0:
0x80: {  	[sflag:s22] =	ssyncset.done @!p0 $0x0;
	(pc) =	sbr.rel @p1 .LBB2_2-.Ltmp0, $4  }
0x81: {  	[sflag:s22] =	ssyncadd.s32 @!p0 $0xFFFFFE00;
	s22 =	simm.s32 @!p0 $0x8800  }
0x82: {  	[tilespmem:s22], [sflag:$0x1] =	stream.indirect.gather @!p0 [spmem:s3], $0x40, s0, s0, $0xb8;
	[tilespmem:$0x1F450] =	vst v63  }
0x83: {  	s29 =	sadd.s32 $0x80, s29;
	_ =	swait.ge @!p0 [sflag:s31], $0x8000  }
0x84: {  	p2 =	sge.s32 s1, s26;
	s28 =	sadd.s32 $0x80, s28;
	[sflag:s31] =	ssyncset.done @!p0 $0x0  }
0x85: {  	s1 =	simm.s32 @!p2 $0x2;
	[sflag:s31] =	ssyncadd.s32 @!p0 $0xFFFF8000  }
0x86: {  	[spmem:s2] =	stream.indirect.scatter.add.f32 @!p0 [tilespmem:s22], [sflag:$0x3], $0x40, s4, s0, $0xb8;
	[tilespmem:$0x1F450] =	vst v63  }
0x87: {  	p0 =	por p2, p2;
	_ =	swait.ge @!p2 [sflag:s1], $0x8000  }
0x88: {  	s0 =	simm.s32 @!p0 $0x4;
	[sflag:s1] =	ssyncset.done @!p0 $0x0  }
0x89: {  	s4 =	simm.s32 @!p0 $0x0;
	[sflag:s1] =	ssyncadd.s32 @!p0 $0xFFFF8000;
	s1 =	sadd.s32 @!p0 s29, s18  }
0x8a: {  	[tilespmem:s4], [sflag:$0x4] =	stream.linear.gather @!p0 [hbm4b:s1+s4], $0x200, $0x38;
	[tilespmem:$0x1F450] =	vst v63  }
0x8b: {  	_ =	swait.ge @!p0 [sflag:s0], $0x200  }
0x8c: {  	[sflag:s0] =	ssyncset.done @!p0 $0x0  }
0x8d: {  	s7 =	simm.s32 @!p0 $0x400;
	s1 =	sadd.s32 @!p0 s28, s18;
	[sflag:s0] =	ssyncadd.s32 @!p0 $0xFFFFFE00  }
0x8e: {  	[tilespmem:s7], [sflag:$0x4] =	stream.linear.gather @!p0 [hbm4b:s1+s4], $0x200, $0x38;
	[tilespmem:$0x1F450] =	vst v63  }
0x8f: {  	_ =	swait.ge @!p0 [sflag:s0], $0x200  }
0x90: {  	s9 =	simm.s32 @!p0 $0x200;
	[sflag:s0] =	ssyncset.done @!p0 $0x0  }
0x91: {  	s10 =	simm.s32 @!p0 $0x800;
	s1 =	simm.s32 @!p0 $0x1;
	[sflag:s0] =	ssyncadd.s32 @!p0 $0xFFFFFE00  }
0x92: {  	[tilespmem:s10], [sflag:$0x1] =	stream.indirect.gather @!p0 [spmem:s3], $0x40, s4, s9, $0xb8;
	[tilespmem:$0x1F450] =	vst v63  }
0x93: {  	_ =	swait.ge @!p0 [sflag:s1], $0x8000  }
0x94: {  	[sflag:s1] =	ssyncset.done @!p0 $0x0  }
0x95: {  	s22 =	simm.s32 @!p0 $0x3;
	[sflag:s1] =	ssyncadd.s32 @!p0 $0xFFFF8000  }
0x96: {  	[spmem:s2] =	stream.indirect.scatter.add.f32 @!p0 [tilespmem:s10], [sflag:$0x2], $0x40, s7, s9, $0xb8;
	[tilespmem:$0x1F450] =	vst v63  }
0x97: {  	_ =	swait.ge @!p0 [sflag:s22], $0x8000  }
0x98: {  	[sflag:s22] =	ssyncset.done @!p0 $0x0  }
0x99: {  	s7 =	sadd.s32 @!p0 s29, s17;
	[sflag:s22] =	ssyncadd.s32 @!p0 $0xFFFF8000  }
0x9a: {  	[tilespmem:s9], [sflag:$0x4] =	stream.linear.gather @!p0 [hbm4b:s7+s4], $0x200, $0x38;
	[tilespmem:$0x1F450] =	vst v63  }
0x9b: {  	_ =	swait.ge @!p0 [sflag:s0], $0x200  }
0x9c: {  	[sflag:s0] =	ssyncset.done @!p0 $0x0  }
0x9d: {  	s10 =	simm.s32 @!p0 $0x600;
	s7 =	sadd.s32 @!p0 s28, s17;
	[sflag:s0] =	ssyncadd.s32 @!p0 $0xFFFFFE00  }
0x9e: {  	[tilespmem:s10], [sflag:$0x4] =	stream.linear.gather @!p0 [hbm4b:s7+s4], $0x200, $0x38;
	[tilespmem:$0x1F450] =	vst v63  }
0x9f: {  	_ =	swait.ge @!p0 [sflag:s0], $0x200  }
0xa0: {  	[sflag:s0] =	ssyncset.done @!p0 $0x0  }
0xa1: {  	[sflag:s0] =	ssyncadd.s32 @!p0 $0xFFFFFE00;
	s0 =	simm.s32 @!p0 $0x8800  }
0xa2: {  	[tilespmem:s0], [sflag:$0x1] =	stream.indirect.gather @!p0 [spmem:s3], $0x40, s9, s9, $0xb8;
	[tilespmem:$0x1F450] =	vst v63  }
0xa3: {  	_ =	swait.ge @!p0 [sflag:s1], $0x8000  }
0xa4: {  	[sflag:s1] =	ssyncset.done @!p0 $0x0  }
0xa5: {  	[sflag:s1] =	ssyncadd.s32 @!p0 $0xFFFF8000  }
0xa6: {  	[spmem:s2] =	stream.indirect.scatter.add.f32 @!p0 [tilespmem:s0], [sflag:$0x3], $0x40, s10, s9, $0xb8;
	[tilespmem:$0x1F450] =	vst v63  }
0xa7: {  	_ =	swait.ge [sflag:s23], $0x8000  }
0xa8: {  	[sflag:s23] =	ssyncset.done $0x0  }
0xa9: {  	[sflag:s23] =	ssyncadd.s32 $0xFFFF8000  }
0xaa: {  	_ =	swait.ge [sflag:s24], $0x8000  }
0xab: {  	s25 =	sadd.s32 $0x1, s25;
	[sflag:s24] =	ssyncset.done $0x0  }
0xac: {  	p0 =	sne.s32 s25, s12;
	[sflag:s24] =	ssyncadd.s32 $0xFFFF8000  }
.Ltmp1:
0xad: {  	[bflag:$0x0] =	sbarrier.arrive $0xFFFF;
	(pc) =	sbr.rel @p0 .LBB2_1-.Ltmp1, $4  }
0xae: {  	[hbm:s11], [sflag:s8] =	dma.local [spmem:s19], $0xA00  }
0xaf: {  	_ =	swait.ge [sflag:s20], $0xA00  }
0xb0: {  	[sflag:s20] =	ssyncset.done $0x0  }
0xb1: {  	[sflag:s20] =	ssyncadd.s32 $0xFFFFF600  }
0xb2: {  	_ =	sfence.sel $0x180000  }
0xb3: {  	[bflag:$0x0] =	sbarrier.arrive $0xFFFF  }
0xb4: {  	_ =	strace $0x9000004D  }
0xb5: {  	s0 =	stileid.u32;
	[bflag:$0x2] =	sbarrier.arrive $0xFFFF  }
0xb6: {  	p0 =	sne.s32 s0, $0x0;
	s0 =	rddreg [dreg:$0x4]  }
0xb7: {  	s0 =	sadd.s32 @!p0 $0x100000, s0  }
0xb8: {  	[sflag:s0] =	ssyncadd.tile.s32 @!p0 $0x1;
	_ =	shalt  }
.Lfunc_end2:
_tile_overlayer_lowered:
.L_overlay_start_2:
0xb9: {  	(tag) =	ssettag $0x2  }
0xba: {  	s0 =	rddreg [dreg:$0x0];
	s2 =	stileid.u32  }
0xbb: {  	s1 =	rddreg [dreg:$0x1];
	p0 =	sne.s32 s2, $0x0  }
0xbc: {  	s3 =	rddreg [dreg:$0x2];
	[bflag:$0x3] =	sbarrier.arrive $0xFFFF;
	s2 =	simm.s32 @!p0 $0x1C04  }
0xbd: {  	[timem:s3], [sflag:s2] =	dma.local @!p0 [hbm:s0], s1  }
0xbe: {  	s0 =	simm.s32 @!p0 $0x4  }
0xbf: {  	_ =	swait.ge @!p0 [sflag:s0], s1  }
0xc0: {  	s1 =	ssub.s32 @!p0 $0x0, s1;
	[sflag:s0] =	ssyncset.done @!p0 $0x0  }
0xc1: {  	[sflag:s0] =	ssyncadd.s32 @!p0 s1  }
0xc2: {  	[bflag:$0x3] =	sbarrier.arrive $0xFFFF  }
0xc3: {  	_ =	shalt  }

// kernel: kernel.21.cloned.1.call-start
scs
__scs_entry_jumppad:
0x0: {  	(pc) =	sbr.rel $0x88, $3  }
0x1: {  	(tag) =	ssettag $0x0;
	lr =	simm.s32 $0x1  }
0x2: {  	[smem:$0x3F93] =	sst lr;
	_ =	strace $0xD0000000  }
0x3: {  	_ = 	snop  }
0x4: {  	_ = 	snop  }
0x5: {  	_ = 	snop  }
0x6: {  	_ = 	snop  }
0x7: {  	_ = 	snop  }
__scs_overlays_trampoline_lowered:
0x8: {  	[smem:$0x3FA2] =	sst s0  }
0x9: {  	[smem:$0x3FA3] =	sst s1  }
0xa: {  	[smem:$0x3FA4] =	sst s2  }
0xb: {  	[smem:$0x3FA5] =	sst s3  }
0xc: {  	[smem:$0x3FA6] =	sst s4  }
0xd: {  	[smem:$0x3FA7] =	sst s5  }
0xe: {  	[smem:$0x3FA8] =	sst s6  }
0xf: {  	[smem:$0x3FA9] =	sst s7  }
0x10: {  	[smem:$0x3FAA] =	sst s8  }
0x11: {  	[smem:$0x3FAB] =	sst s9;
	s0 =	simm.s32 @!p0 $0x0  }
0x12: {  	s1 =	sld [smem:$0x3F91];
	s0 =	simm.s32 @p0 $0x1  }
0x13: {  	[smem:$0x3FAC] =	sst s0;
	s0 =	simm.s32 @!p1 $0x0  }
0x14: {  	s2 =	sld [smem:$0x3F90];
	s0 =	simm.s32 @p1 $0x1  }
0x15: {  	[smem:$0x3FAD] =	sst s0;
	s0 =	simm.s32 @!p2 $0x0  }
0x16: {  	s3 =	sld [smem:$0x3FDB];
	s0 =	simm.s32 @p2 $0x1  }
0x17: {  	s4 =	simm.s32 $0x1BF5;
	[smem:$0x3FAF] =	sst s0  }
0x18: {  	s0 =	sld [smem:$0x3F92];
	_ =	swait.ge [sflag:s4], $0x0  }
0x19: {  	s7 =	sld [smem:$0x3F93]  }
0x1a: {  	s8 =	sadd.s32 $0xFFFFE003, lr  }
0x1b: {  	s9 =	sadd.s32 $0xFFFFFEF7, lr;
	s5 =	simm.s32 $0xFFFFFFFF;
	p2 =	slt.u32 s8, $0xFFFFF086  }
0x1c: {  	p1 =	slt.u32 s9, $0xF7A;
	s5 =	simm.s32 @!p2 $0x0  }
0x1d: {  	s5 =	simm.s32 @p1 $0x1;
	p0 =	seq.s32 s7, s2  }
0x1e: {  	s7 =	smul.u32 @!p0 $0xF7A, s2;
	p2 =	seq.s32 @!p0 s5, $0x0  }
0x1f: {  	s9 =	smul.u32 $0xF7A, s1;
	s8 =	simm.s32 @!p0 $0x1BF5;
	p2 =	por !p2, p0  }
0x20: {  	[sflag:s8] =	ssyncset.s32 @!p0 $0xFFFFF086;
	s6 =	sadd.s32 @!p0 s3, s7;
	s7 =	simm.s32 @!p0 $0x108  }
0x21: {  	s3 =	sadd.s32 s3, s9;
	s6 =	sadd.s32 @!p0 $0x88, s6;
	s7 =	simm.s32 @p2 $0x1082  }
0x22: {  	[simem:s7], [sflag:s8] =	dma.local @!p0 [hbm:s6], $0xF7A  }
0x23: {  	s9 =	sor.u32 $0xD0000000, s2;
	s6 =	simm.s32 $0x108;
	_ =	swait.ge @!p0 [sflag:s8], $0x0  }
0x24: {  	s3 =	sadd.s32 $0x88, s3;
	s6 =	simm.s32 @!p1 $0x1082;
	[sflag:s4] =	ssyncset.s32 $0xFFFFF086  }
0x25: {  	[simem:s6], [sflag:s4] =	dma.local [hbm:s3], $0xF7A  }
0x26: {  	[smem:$0x3F93] =	sst s1;
	(tag) =	ssettag s2;
	_ =	strace s9  }
0x27: {  	s1 =	sld [smem:$0x3FA3]  }
0x28: {  	s2 =	sld [smem:$0x3FA4]  }
0x29: {  	s4 =	sld [smem:$0x3FA6]  }
0x2a: {  	p0 =	seq.s32 s5, $0x0;
	s5 =	sld [smem:$0x3FA7]  }
0x2b: {  	s6 =	sld [smem:$0x3FA8]  }
0x2c: {  	s7 =	sld [smem:$0x3FA9]  }
0x2d: {  	s3 =	simm.s32 $0x108;
	s8 =	sld [smem:$0x3FAA]  }
0x2e: {  	s3 =	simm.s32 @!p0 $0x1082;
	s9 =	sld [smem:$0x3FAB]  }
0x2f: {  	lr =	sadd.s32 s0, s3;
	s0 =	sld [smem:$0x3FA2]  }
0x30: {  	s3 =	sld [smem:$0x3FA5]  }
0x31: {  	[smem:$0x3FAE] =	sst s10  }
0x32: {  	s10 =	sld [smem:$0x3FAC];
	_ =	sdelay $0x3  }
0x33: {  	p0 =	seq.s32 s10, $0x1;
	s10 =	sld [smem:$0x3FAE];
	_ =	sdelay $0x3  }
0x34: {  	[smem:$0x3FAE] =	sst s10  }
0x35: {  	s10 =	sld [smem:$0x3FAD];
	_ =	sdelay $0x3  }
0x36: {  	p1 =	seq.s32 s10, $0x1;
	s10 =	sld [smem:$0x3FAE];
	_ =	sdelay $0x3  }
0x37: {  	[smem:$0x3FAE] =	sst s10  }
0x38: {  	s10 =	sld [smem:$0x3FAF]  }
0x39: {  	_ = 	snop;
	(pc) =	sbr.ind lr, $3  }
0x3a: {  	_ = 	snop  }
0x3b: {  	_ = 	snop  }
0x3c: {  	p2 =	seq.s32 s10, $0x1;
	s10 =	sld [smem:$0x3FAE]  }
0x3d: {  	_ =	shalt  }
0x3e: {  	_ =	shalt  }
0x3f: {  	_ =	shalt  }
0x40: {  	_ =	shalt  }
0x41: {  	_ =	shalt  }
0x42: {  	_ =	shalt  }
0x43: {  	_ =	shalt  }
0x44: {  	_ =	shalt  }
0x45: {  	_ =	shalt  }
0x46: {  	_ =	shalt  }
0x47: {  	_ =	shalt  }
0x48: {  	_ =	shalt  }
0x49: {  	_ =	shalt  }
0x4a: {  	_ =	shalt  }
0x4b: {  	_ =	shalt  }
0x4c: {  	_ =	shalt  }
0x4d: {  	_ =	shalt  }
0x4e: {  	_ =	shalt  }
0x4f: {  	_ =	shalt  }
0x50: {  	_ =	shalt  }
0x51: {  	_ =	shalt  }
0x52: {  	_ =	shalt  }
0x53: {  	_ =	shalt  }
0x54: {  	_ =	shalt  }
0x55: {  	_ =	shalt  }
0x56: {  	_ =	shalt  }
0x57: {  	_ =	shalt  }
0x58: {  	_ =	shalt  }
0x59: {  	_ =	shalt  }
0x5a: {  	_ =	shalt  }
0x5b: {  	_ =	shalt  }
0x5c: {  	_ =	shalt  }
0x5d: {  	_ =	shalt  }
0x5e: {  	_ =	shalt  }
0x5f: {  	_ =	shalt  }
0x60: {  	_ =	shalt  }
0x61: {  	_ =	shalt  }
0x62: {  	_ =	shalt  }
0x63: {  	_ =	shalt  }
0x64: {  	_ =	shalt  }
0x65: {  	_ =	shalt  }
0x66: {  	_ =	shalt  }
0x67: {  	_ =	shalt  }
0x68: {  	_ =	shalt  }
0x69: {  	_ =	shalt  }
0x6a: {  	_ =	shalt  }
0x6b: {  	_ =	shalt  }
0x6c: {  	_ =	shalt  }
0x6d: {  	_ =	shalt  }
0x6e: {  	_ =	shalt  }
0x6f: {  	_ =	shalt  }
0x70: {  	_ =	shalt  }
0x71: {  	_ =	shalt  }
0x72: {  	_ =	shalt  }
0x73: {  	_ =	shalt  }
0x74: {  	_ =	shalt  }
0x75: {  	_ =	shalt  }
0x76: {  	_ =	shalt  }
0x77: {  	_ =	shalt  }
0x78: {  	_ =	shalt  }
0x79: {  	_ =	shalt  }
0x7a: {  	_ =	shalt  }
0x7b: {  	_ =	shalt  }
0x7c: {  	_ =	shalt  }
0x7d: {  	_ =	shalt  }
0x7e: {  	_ =	shalt  }
0x7f: {  	_ =	shalt  }
0x80: {  	_ =	shalt  }
0x81: {  	_ =	shalt  }
0x82: {  	_ =	shalt  }
0x83: {  	_ =	shalt  }
0x84: {  	_ =	shalt  }
0x85: {  	_ =	shalt  }
0x86: {  	_ =	shalt  }
0x87: {  	_ =	shalt  }
.Lfunc_end0:
.L_simem_size_0:
called_computation.3_lowered:
.L_overlay_start_0:
0x88: {  	s2 =	sld [smem:$0x3FD9]  }
0x89: {  	s3 =	sld [smem:$0x3FFE];
	_ =	sdelay $0x1  }
0x8a: {  	s1 =	srdreg.scid  }
0x8b: {  	s0 =	sand.u32 $0x1, s1  }
0x8c: {  	s17 =	sshll.u32 s0, $0xA;
	s2 =	sadd.s32 s3, s2  }
0x8d: {  	s2 =	sadd.s32 s2, s17  }
0x8e: {  	[smem:$0x3FBA] =	sst s2  }
0x8f: {  	_ = 	snop  }
0x90: {  	s2 =	sld [smem:$0x3FD0];
	(tm) =	ssettm $0x1  }
0x91: {  	s18 =	sld [smem:$0x3FFB];
	_ =	sdelay $0x3  }
0x92: {  	_ =	strace s18  }
0x93: {  	s3 =	sld [smem:$0x3FFC];
	_ =	sdelay $0x3  }
0x94: {  	_ =	strace s3  }
0x95: {  	s3 =	sld [smem:$0x3FFD];
	_ =	sdelay $0x3  }
0x96: {  	_ =	strace s3  }
0x97: {  	_ =	strace $0x8FFFFFFF  }
0x98: {  	s19 =	sld [smem:$0x3FDB];
	_ =	sdelay $0x1  }
0x99: {  	s4 =	simm.s32 $_scs_section_size  }
0x9a: {  	s5 =	simm.s32 $_size__tile_overlayer_lowered;
	s6 =	simm.s32 $_tile_overlayer_lowered  }
0x9b: {  	s22 =	simm.s32 $0x1BFF;
	s21 =	sshll.u32 s6, $0x1;
	s3 =	sadd.s32 s4, s19  }
0x9c: {  	s7 =	simm.s32 $0x0;
	s20 =	sshll.u32 s5, $0x1;
	s5 =	sadd.s32 s21, s3  }
0x9d: {  	[timem:s7], [sflag:s22] =	dma.local [hbm:s5], s20  }
0x9e: {  	_ =	swait.ge [sflag:s22], s20  }
0x9f: {  	s4 =	ssub.s32 $0x0, s20;
	[sflag:s22] =	ssyncset.done $0x0  }
0xa0: {  	[sflag:s22] =	ssyncadd.s32 s4;
	_ =	sdelay $0x1  }
0xa1: {  	s23 =	simm.s32 $0x1B8B  }
0xa2: {  	_ =	swait.ge [sflag:s23], $0x1  }
0xa3: {  	[sflag:s23] =	ssyncset.done $0x0  }
0xa4: {  	s25 =	simm.s32 $0x1B8E;
	s24 =	sld [smem:$0x3FFE];
	[sflag:s23] =	ssyncadd.s32 $0xFFFFFFFF  }
0xa5: {  	s26 =	simm.s32 $execute0_lowered;
	[smem:$0x3FD2] =	sst s25  }
0xa6: {  	s5 =	sshll.u32 s26, $0x1;
	_ =	strace $0x8000004F;
	[dreg:$0x1] =	wrdreg $0xFFFFFFFF  }
0xa7: {  	s28 =	simm.s32 $_size_execute0_lowered;
	s3 =	sadd.s32 s3, s5;
	[dreg:$0x0] =	wrdreg $0x0  }
0xa8: {  	s5 =	sshll.u32 s28, $0x1;
	[dreg:$0x2] =	wrdreg s3  }
0xa9: {  	[dreg:$0x3] =	wrdreg s5  }
0xaa: {  	[dreg:$0x4] =	wrdreg $0xC0  }
0xab: {  	_ =	task [dreg:s7], $0x5FFFF  }
0xac: {  	[dreg:$0x1] =	wrdreg $0xFFFFFFFF  }
0xad: {  	[dreg:$0x0] =	wrdreg $0x60  }
0xae: {  	[dreg:$0x2] =	wrdreg s2  }
0xaf: {  	[dreg:$0x3] =	wrdreg s24  }
0xb0: {  	[dreg:$0x4] =	wrdreg $0x1A4500  }
0xb1: {  	[dreg:$0x5] =	wrdreg $0x108100  }
0xb2: {  	[dreg:$0x6] =	wrdreg $0x9  }
0xb3: {  	_ =	task.clear_ibuf [dreg:s7], $0x7FFFF;
	_ =	strace $0x9000004F  }
0xb4: {  	s29 =	simm.s32 $0x9;
	_ =	strace $0x80000051  }
0xb5: {  	_ =	swait.ge [sflag:s29], $0x1  }
0xb6: {  	[sflag:s29] =	ssyncadd.s32 $0xFFFFFFFF  }
0xb7: {  	_ =	strace $0x90000051  }
0xb8: {  	_ =	sfence  }
0xb9: {  	s30 =	sld [smem:$0x0];
	_ =	sdelay $0x2  }
0xba: {  	s31 =	sshll.u32 s1, $0xD;
	s1 =	sshrl.u32 s1, $0x2  }
0xbb: {  	s3 =	sand.u32 $0x4000, s31;
	s1 =	sadd.s32 s1, s30  }
0xbc: {  	s0 =	sor.u32 s3, s0;
	s1 =	sshll.u32 s1, $0x11  }
0xbd: {  	s0 =	sor.u32 s1, s0  }
0xbe: {  	s0 =	sadd.s32 $0x8F2B, s0  }
0xbf: {  	[sflag:s0] =	ssyncadd.remote.s32 $0x1  }
0xc0: {  	_ =	sfence.sel $0xFFFF  }
0xc1: {  	[dreg:$0x0] =	wrdreg $0xFFFFFFFF;
	(pc) =	sbr.abs _section_cstart, $3  }
0xc2: {  	[dreg:$0x1] =	wrdreg $0xFFFFFFFF  }
0xc3: {  	_ =	task.clear_ibuf [dreg:s7], $0x2FFFF;
	_ =	strace $0x9FFFFFFF  }
0xc4: {  	(tm) =	ssettm $0x7FFFFFFF  }
0xc5: {  	_ =	shalt  }
tec
execute0_lowered:
.L_overlay_start_1:
0x0: {  	(tag) =	ssettag $0x1  }
0x1: {  	s0 =	rddreg [dreg:$0x0]  }
0x2: {  	s1 =	rddreg [dreg:$0x1]  }
0x3: {  	s2 =	rddreg [dreg:$0x2]  }
0x4: {  	s3 =	rddreg [dreg:$0x3];
	s5 =	simm.s32 $0x0  }
0x5: {  	s13 =	stileid.u32;
	s4 =	srdreg.scid;
	s20 =	simm.s32 $0x4  }
0x6: {  	[smem:$0x7FF] =	sst s5;
	s7 =	smul.u32 $0x5000, s13;
	s4 =	sand.u32 $0x1, s4  }
0x7: {  	s5 =	sadd.s32 $0x21600, s1;
	s6 =	sadd.s32 $0x35600, s1;
	s9 =	sshll.u32 s13, $0x1  }
0x8: {  	s23 =	sshll.u32 s13, $0x6;
	s24 =	smul.u32 $0x9C40, s13;
	_ =	strace $0x80000050  }
0x9: {  	s8 =	smul.u32 $0x50000, s4;
	s9 =	sadd.s32 s9, s1;
	s22 =	ssub.s32 $0x2, s4  }
0xa: {  	s4 =	sshll.u32 s4, $0x5;
	s10 =	sshrl.u32 s7, $0x3;
	s11 =	sshrl.u32 s22, $0x1  }
0xb: {  	s19 =	sadd.s32 s7, s2;
	s21 =	sadd.s32 s24, s3;
	s26 =	sshrl.u32 s24, $0x3  }
0xc: {  	s4 =	sadd.s32 s4, s9;
	s24 =	simm.s32 $0x3;
	s17 =	sadd.s32 s7, s8  }
0xd: {  	s10 =	sadd.s32 s10, s1;
	s12 =	ssub.s32 s22, s11;
	s8 =	sor.u32 $0x1C04, s23  }
0xe: {  	s0 =	sadd.s32 s0, s26;
	s28 =	sadd.s32 $0x49600, s4;
	s19 =	sshrl.u32 s19, $0x3  }
0xf: {  	s21 =	sshrl.u32 s21, $0x3;
	s23 =	simm.s32 $0x2;
	[dreg:$0x6] =	wrdreg s0  }
0x10: {  	s14 =	sshrl.u32 s17, $0x3;
	s25 =	sadd.s32 $0x4600, s10;
	[dreg:$0x7] =	wrdreg s28  }
0x11: {  	s29 =	sor.u32 $0x200, s17;
	s12 =	smax.u32 s12, $0x1;
	s30 =	sor.u32 $0x600, s17  }
0x12: {  	s31 =	sor.u32 $0x400, s17;
	s1 =	sadd.s32 s14, s1;
	[dreg:$0x5] =	wrdreg s25  }
0x13: {  	s0 =	sshrl.u32 s29, $0x3;
	s13 =	sadd.s32 s5, s14;
	s14 =	sadd.s32 s6, s14  }
0x14: {  	s17 =	sshrl.u32 s30, $0x3;
	s18 =	sshrl.u32 s31, $0x3;
	s25 =	simm.s32 $0x0  }
0x15: {  	s11 =	sadd.s32 $0x49800, s1;
	s15 =	sadd.s32 s5, s0;
	s16 =	sadd.s32 s6, s0  }
.LBB2_1:
0x16: {  	s0 =	rddreg [dreg:$0x5]  }
0x17: {  	[spmem:s19], [sflag:s8] =	dma.local [hbm:s0], $0xA00  }
0x18: {  	_ =	swait.ge [sflag:s20], $0xA00  }
0x19: {  	[sflag:s20] =	ssyncset.done $0x0  }
0x1a: {  	s22 =	rddreg [dreg:$0x6];
	[sflag:s20] =	ssyncadd.s32 $0xFFFFF600  }
0x1b: {  	[spmem:s21], [sflag:s8] =	dma.local [hbm:s22], $0x1388  }
0x1c: {  	_ =	swait.ge [sflag:s20], $0x1388  }
0x1d: {  	s26 =	simm.s32 $0x0;
	[sflag:s20] =	ssyncset.done $0x0  }
0x1e: {  	s4 =	simm.s32 $0x10800;
	s1 =	rddreg [dreg:$0x7];
	[sflag:s20] =	ssyncadd.s32 $0xFFFFEC78  }
0x1f: {  	[tilespmem:s4], [sflag:$0x4] =	stream.linear.gather [hbm4b:s1+s26], $0x10, $0x38;
	[tilespmem:$0x1F450] =	vst v63  }
0x20: {  	_ =	swait.ge [sflag:s20], $0x10  }
0x21: {  	[sflag:s20] =	ssyncset.done $0x0  }
0x22: {  	[sflag:s20] =	ssyncadd.s32 $0xFFFFFFF0  }
0x23: {  	[bflag:$0x0] =	sbarrier.arrive $0xFFFF  }
0x24: {  	v0 =	vld [tilespmem:$0x10800];
	_ =	sdelay $0x4  }
0x25: {  	(v2sf) =	vpush v0, $0x0;
	_ =	sdelay $0xe  }
0x26: {  	s26 =	spop (v2sf)  }
0x27: {  	p0 =	slt.s32 s26, $0x1  }
0x28: {  	s0 =	simm.s32 @!p0 $0x0;
	s1 =	simm.s32 @!p0 $0x4  }
0x29: {  	[tilespmem:s0], [sflag:$0x4] =	stream.linear.gather @!p0 [hbm4b:s13+s0], $0x200, $0x38;
	[tilespmem:$0x1F450] =	vst v63  }
0x2a: {  	_ =	swait.ge @!p0 [sflag:s1], $0x200  }
0x2b: {  	[sflag:s1] =	ssyncset.done @!p0 $0x0  }
0x2c: {  	s4 =	simm.s32 @!p0 $0x400;
	[sflag:s1] =	ssyncadd.s32 @!p0 $0xFFFFFE00  }
0x2d: {  	[tilespmem:s4], [sflag:$0x4] =	stream.linear.gather @!p0 [hbm4b:s14+s0], $0x200, $0x38;
	[tilespmem:$0x1F450] =	vst v63  }
0x2e: {  	_ =	swait.ge @!p0 [sflag:s1], $0x200  }
0x2f: {  	s22 =	simm.s32 @!p0 $0x200;
	[sflag:s1] =	ssyncset.done @!p0 $0x0  }
0x30: {  	s28 =	simm.s32 @!p0 $0x800;
	s29 =	simm.s32 @!p0 $0x1;
	[sflag:s1] =	ssyncadd.s32 @!p0 $0xFFFFFE00  }
0x31: {  	[tilespmem:s28], [sflag:$0x1] =	stream.indirect.gather @!p0 [spmem:s3], $0x40, s0, s22, $0xb8;
	[tilespmem:$0x1F450] =	vst v63  }
0x32: {  	_ =	swait.ge @!p0 [sflag:s29], $0x8000  }
0x33: {  	[sflag:s29] =	ssyncset.done @!p0 $0x0  }
0x34: {  	[sflag:s29] =	ssyncadd.s32 @!p0 $0xFFFF8000  }
0x35: {  	[spmem:s2] =	stream.indirect.scatter.add.f32 @!p0 [tilespmem:s28], [sflag:$0x2], $0x40, s4, s22, $0xb8;
	[tilespmem:$0x1F450] =	vst v63  }
0x36: {  	_ = 	snop  }
0x37: {  	[tilespmem:s22], [sflag:$0x4] =	stream.linear.gather @!p0 [hbm4b:s15+s0], $0x200, $0x38;
	[tilespmem:$0x1F450] =	vst v63  }
0x38: {  	_ =	swait.ge @!p0 [sflag:s1], $0x200  }
0x39: {  	[sflag:s1] =	ssyncset.done @!p0 $0x0  }
0x3a: {  	s4 =	simm.s32 @!p0 $0x600;
	[sflag:s1] =	ssyncadd.s32 @!p0 $0xFFFFFE00  }
0x3b: {  	[tilespmem:s4], [sflag:$0x4] =	stream.linear.gather @!p0 [hbm4b:s16+s0], $0x200, $0x38;
	[tilespmem:$0x1F450] =	vst v63  }
0x3c: {  	_ =	swait.ge @!p0 [sflag:s1], $0x200  }
0x3d: {  	[sflag:s1] =	ssyncset.done @!p0 $0x0  }
0x3e: {  	s0 =	simm.s32 @!p0 $0x8800;
	[sflag:s1] =	ssyncadd.s32 @!p0 $0xFFFFFE00  }
0x3f: {  	[tilespmem:s0], [sflag:$0x1] =	stream.indirect.gather @!p0 [spmem:s3], $0x40, s22, s22, $0xb8;
	[tilespmem:$0x1F450] =	vst v63  }
0x40: {  	_ =	swait.ge @!p0 [sflag:s29], $0x8000  }
0x41: {  	[sflag:s29] =	ssyncset.done @!p0 $0x0  }
0x42: {  	[sflag:s29] =	ssyncadd.s32 @!p0 $0xFFFF8000  }
0x43: {  	[spmem:s2] =	stream.indirect.scatter.add.f32 @!p0 [tilespmem:s0], [sflag:$0x3], $0x40, s4, s22, $0xb8;
	[tilespmem:$0x1F450] =	vst v63  }
0x44: {  	p0 =	sle.s32 s26, $0x1  }
0x45: {  	s0 =	simm.s32 @!p0 $0x2  }
0x46: {  	_ =	swait.ge @!p0 [sflag:s0], $0x8000;
	p0 =	por p0, p0  }
0x47: {  	[sflag:s0] =	ssyncset.done @!p0 $0x0;
	s1 =	simm.s32 @!p0 $0x4  }
0x48: {  	s22 =	simm.s32 @!p0 $0x0;
	[sflag:s0] =	ssyncadd.s32 @!p0 $0xFFFF8000;
	s0 =	sadd.s32 @!p0 s5, s18  }
0x49: {  	[tilespmem:s22], [sflag:$0x4] =	stream.linear.gather @!p0 [hbm4b:s0+s22], $0x200, $0x38;
	[tilespmem:$0x1F450] =	vst v63  }
0x4a: {  	_ =	swait.ge @!p0 [sflag:s1], $0x200  }
0x4b: {  	[sflag:s1] =	ssyncset.done @!p0 $0x0  }
0x4c: {  	s4 =	simm.s32 @!p0 $0x400;
	s0 =	sadd.s32 @!p0 s6, s18;
	[sflag:s1] =	ssyncadd.s32 @!p0 $0xFFFFFE00  }
0x4d: {  	[tilespmem:s4], [sflag:$0x4] =	stream.linear.gather @!p0 [hbm4b:s0+s22], $0x200, $0x38;
	[tilespmem:$0x1F450] =	vst v63  }
0x4e: {  	_ =	swait.ge @!p0 [sflag:s1], $0x200  }
0x4f: {  	s31 =	simm.s32 @!p0 $0x1;
	[sflag:s1] =	ssyncset.done @!p0 $0x0  }
0x50: {  	s28 =	simm.s32 @!p0 $0x800;
	s0 =	simm.s32 @!p0 $0x200;
	[sflag:s1] =	ssyncadd.s32 @!p0 $0xFFFFFE00  }
0x51: {  	[tilespmem:s28], [sflag:$0x1] =	stream.indirect.gather @!p0 [spmem:s3], $0x40, s22, s0, $0xb8;
	[tilespmem:$0x1F450] =	vst v63  }
0x52: {  	_ =	swait.ge @!p0 [sflag:s31], $0x8000  }
0x53: {  	[sflag:s31] =	ssyncset.done @!p0 $0x0  }
0x54: {  	s29 =	simm.s32 @!p0 $0x3;
	[sflag:s31] =	ssyncadd.s32 @!p0 $0xFFFF8000  }
0x55: {  	[spmem:s2] =	stream.indirect.scatter.add.f32 @!p0 [tilespmem:s28], [sflag:$0x2], $0x40, s4, s0, $0xb8;
	[tilespmem:$0x1F450] =	vst v63  }
0x56: {  	_ =	swait.ge @!p0 [sflag:s29], $0x8000  }
0x57: {  	[sflag:s29] =	ssyncset.done @!p0 $0x0  }
0x58: {  	s4 =	sadd.s32 @!p0 s5, s17;
	[sflag:s29] =	ssyncadd.s32 @!p0 $0xFFFF8000  }
0x59: {  	[tilespmem:s0], [sflag:$0x4] =	stream.linear.gather @!p0 [hbm4b:s4+s22], $0x200, $0x38;
	[tilespmem:$0x1F450] =	vst v63  }
0x5a: {  	_ =	swait.ge @!p0 [sflag:s1], $0x200  }
0x5b: {  	[sflag:s1] =	ssyncset.done @!p0 $0x0  }
0x5c: {  	s28 =	sadd.s32 @!p0 s6, s17;
	s4 =	simm.s32 @!p0 $0x600;
	[sflag:s1] =	ssyncadd.s32 @!p0 $0xFFFFFE00  }
0x5d: {  	[tilespmem:s4], [sflag:$0x4] =	stream.linear.gather @!p0 [hbm4b:s28+s22], $0x200, $0x38;
	[tilespmem:$0x1F450] =	vst v63  }
0x5e: {  	_ =	swait.ge @!p0 [sflag:s1], $0x200  }
0x5f: {  	[sflag:s1] =	ssyncset.done @!p0 $0x0  }
0x60: {  	s22 =	simm.s32 @!p0 $0x8800;
	[sflag:s1] =	ssyncadd.s32 @!p0 $0xFFFFFE00  }
0x61: {  	[tilespmem:s22], [sflag:$0x1] =	stream.indirect.gather @!p0 [spmem:s3], $0x40, s0, s0, $0xb8;
	[tilespmem:$0x1F450] =	vst v63  }
0x62: {  	s30 =	simm.s32 $0x3;
	p2 =	sle.s32 s26, $0x2;
	_ =	swait.ge @!p0 [sflag:s31], $0x8000  }
0x63: {  	s29 =	sadd.s32 $0x80, s5;
	s28 =	sadd.s32 $0x80, s6;
	[sflag:s31] =	ssyncset.done @!p0 $0x0  }
.LBB2_2:
0x64: {  	s7 =	simm.s32 @!p2 $0x2  }
0x65: {  	[sflag:s31] =	ssyncadd.s32 @!p0 $0xFFFF8000;
	s1 =	smov.u32 s30;
	s30 =	sadd.s32 $0x1, s30  }
0x66: {  	[spmem:s2] =	stream.indirect.scatter.add.f32 @!p0 [tilespmem:s22], [sflag:$0x3], $0x40, s4, s0, $0xb8;
	[tilespmem:$0x1F450] =	vst v63  }
0x67: {  	p1 =	sne.s32 s30, $0x14;
	p0 =	por p2, p2;
	_ =	swait.ge @!p2 [sflag:s7], $0x8000  }
0x68: {  	s22 =	simm.s32 @!p0 $0x4;
	[sflag:s7] =	ssyncset.done @!p0 $0x0  }
0x69: {  	s0 =	sadd.s32 @!p0 s29, s18;
	[sflag:s7] =	ssyncadd.s32 @!p0 $0xFFFF8000;
	s7 =	simm.s32 @!p0 $0x0  }
0x6a: {  	[tilespmem:s7], [sflag:$0x4] =	stream.linear.gather @!p0 [hbm4b:s0+s7], $0x200, $0x38;
	[tilespmem:$0x1F450] =	vst v63  }
0x6b: {  	_ =	swait.ge @!p0 [sflag:s22], $0x200  }
0x6c: {  	[sflag:s22] =	ssyncset.done @!p0 $0x0  }
0x6d: {  	s4 =	simm.s32 @!p0 $0x400;
	s0 =	sadd.s32 @!p0 s28, s18;
	[sflag:s22] =	ssyncadd.s32 @!p0 $0xFFFFFE00  }
0x6e: {  	[tilespmem:s4], [sflag:$0x4] =	stream.linear.gather @!p0 [hbm4b:s0+s7], $0x200, $0x38;
	[tilespmem:$0x1F450] =	vst v63  }
0x6f: {  	_ =	swait.ge @!p0 [sflag:s22], $0x200  }
0x70: {  	s31 =	simm.s32 @!p0 $0x1;
	[sflag:s22] =	ssyncset.done @!p0 $0x0  }
0x71: {  	s9 =	simm.s32 @!p0 $0x800;
	s0 =	simm.s32 @!p0 $0x200;
	[sflag:s22] =	ssyncadd.s32 @!p0 $0xFFFFFE00  }
0x72: {  	[tilespmem:s9], [sflag:$0x1] =	stream.indirect.gather @!p0 [spmem:s3], $0x40, s7, s0, $0xb8;
	[tilespmem:$0x1F450] =	vst v63  }
0x73: {  	_ =	swait.ge @!p0 [sflag:s31], $0x8000  }
0x74: {  	[sflag:s31] =	ssyncset.done @!p0 $0x0  }
0x75: {  	s10 =	simm.s32 @!p0 $0x3;
	[sflag:s31] =	ssyncadd.s32 @!p0 $0xFFFF8000  }
0x76: {  	[spmem:s2] =	stream.indirect.scatter.add.f32 @!p0 [tilespmem:s9], [sflag:$0x2], $0x40, s4, s0, $0xb8;
	[tilespmem:$0x1F450] =	vst v63  }
0x77: {  	_ =	swait.ge @!p0 [sflag:s10], $0x8000  }
0x78: {  	[sflag:s10] =	ssyncset.done @!p0 $0x0  }
0x79: {  	s4 =	sadd.s32 @!p0 s29, s17;
	[sflag:s10] =	ssyncadd.s32 @!p0 $0xFFFF8000  }
0x7a: {  	[tilespmem:s0], [sflag:$0x4] =	stream.linear.gather @!p0 [hbm4b:s4+s7], $0x200, $0x38;
	[tilespmem:$0x1F450] =	vst v63  }
0x7b: {  	_ =	swait.ge @!p0 [sflag:s22], $0x200  }
0x7c: {  	[sflag:s22] =	ssyncset.done @!p0 $0x0  }
0x7d: {  	s9 =	sadd.s32 @!p0 s28, s17;
	s4 =	simm.s32 @!p0 $0x600;
	[sflag:s22] =	ssyncadd.s32 @!p0 $0xFFFFFE00  }
0x7e: {  	[tilespmem:s4], [sflag:$0x4] =	stream.linear.gather @!p0 [hbm4b:s9+s7], $0x200, $0x38;
	[tilespmem:$0x1F450] =	vst v63  }
0x7f: {  	_ =	swait.ge @!p0 [sflag:s22], $0x200  }
.Ltmp0:
0x80: {  	[sflag:s22] =	ssyncset.done @!p0 $0x0;
	(pc) =	sbr.rel @p1 .LBB2_2-.Ltmp0, $4  }
0x81: {  	[sflag:s22] =	ssyncadd.s32 @!p0 $0xFFFFFE00;
	s22 =	simm.s32 @!p0 $0x8800  }
0x82: {  	[tilespmem:s22], [sflag:$0x1] =	stream.indirect.gather @!p0 [spmem:s3], $0x40, s0, s0, $0xb8;
	[tilespmem:$0x1F450] =	vst v63  }
0x83: {  	s29 =	sadd.s32 $0x80, s29;
	_ =	swait.ge @!p0 [sflag:s31], $0x8000  }
0x84: {  	p2 =	sge.s32 s1, s26;
	s28 =	sadd.s32 $0x80, s28;
	[sflag:s31] =	ssyncset.done @!p0 $0x0  }
0x85: {  	s1 =	simm.s32 @!p2 $0x2;
	[sflag:s31] =	ssyncadd.s32 @!p0 $0xFFFF8000  }
0x86: {  	[spmem:s2] =	stream.indirect.scatter.add.f32 @!p0 [tilespmem:s22], [sflag:$0x3], $0x40, s4, s0, $0xb8;
	[tilespmem:$0x1F450] =	vst v63  }
0x87: {  	p0 =	por p2, p2;
	_ =	swait.ge @!p2 [sflag:s1], $0x8000  }
0x88: {  	s0 =	simm.s32 @!p0 $0x4;
	[sflag:s1] =	ssyncset.done @!p0 $0x0  }
0x89: {  	s4 =	simm.s32 @!p0 $0x0;
	[sflag:s1] =	ssyncadd.s32 @!p0 $0xFFFF8000;
	s1 =	sadd.s32 @!p0 s29, s18  }
0x8a: {  	[tilespmem:s4], [sflag:$0x4] =	stream.linear.gather @!p0 [hbm4b:s1+s4], $0x200, $0x38;
	[tilespmem:$0x1F450] =	vst v63  }
0x8b: {  	_ =	swait.ge @!p0 [sflag:s0], $0x200  }
0x8c: {  	[sflag:s0] =	ssyncset.done @!p0 $0x0  }
0x8d: {  	s7 =	simm.s32 @!p0 $0x400;
	s1 =	sadd.s32 @!p0 s28, s18;
	[sflag:s0] =	ssyncadd.s32 @!p0 $0xFFFFFE00  }
0x8e: {  	[tilespmem:s7], [sflag:$0x4] =	stream.linear.gather @!p0 [hbm4b:s1+s4], $0x200, $0x38;
	[tilespmem:$0x1F450] =	vst v63  }
0x8f: {  	_ =	swait.ge @!p0 [sflag:s0], $0x200  }
0x90: {  	s9 =	simm.s32 @!p0 $0x200;
	[sflag:s0] =	ssyncset.done @!p0 $0x0  }
0x91: {  	s10 =	simm.s32 @!p0 $0x800;
	s1 =	simm.s32 @!p0 $0x1;
	[sflag:s0] =	ssyncadd.s32 @!p0 $0xFFFFFE00  }
0x92: {  	[tilespmem:s10], [sflag:$0x1] =	stream.indirect.gather @!p0 [spmem:s3], $0x40, s4, s9, $0xb8;
	[tilespmem:$0x1F450] =	vst v63  }
0x93: {  	_ =	swait.ge @!p0 [sflag:s1], $0x8000  }
0x94: {  	[sflag:s1] =	ssyncset.done @!p0 $0x0  }
0x95: {  	s22 =	simm.s32 @!p0 $0x3;
	[sflag:s1] =	ssyncadd.s32 @!p0 $0xFFFF8000  }
0x96: {  	[spmem:s2] =	stream.indirect.scatter.add.f32 @!p0 [tilespmem:s10], [sflag:$0x2], $0x40, s7, s9, $0xb8;
	[tilespmem:$0x1F450] =	vst v63  }
0x97: {  	_ =	swait.ge @!p0 [sflag:s22], $0x8000  }
0x98: {  	[sflag:s22] =	ssyncset.done @!p0 $0x0  }
0x99: {  	s7 =	sadd.s32 @!p0 s29, s17;
	[sflag:s22] =	ssyncadd.s32 @!p0 $0xFFFF8000  }
0x9a: {  	[tilespmem:s9], [sflag:$0x4] =	stream.linear.gather @!p0 [hbm4b:s7+s4], $0x200, $0x38;
	[tilespmem:$0x1F450] =	vst v63  }
0x9b: {  	_ =	swait.ge @!p0 [sflag:s0], $0x200  }
0x9c: {  	[sflag:s0] =	ssyncset.done @!p0 $0x0  }
0x9d: {  	s10 =	simm.s32 @!p0 $0x600;
	s7 =	sadd.s32 @!p0 s28, s17;
	[sflag:s0] =	ssyncadd.s32 @!p0 $0xFFFFFE00  }
0x9e: {  	[tilespmem:s10], [sflag:$0x4] =	stream.linear.gather @!p0 [hbm4b:s7+s4], $0x200, $0x38;
	[tilespmem:$0x1F450] =	vst v63  }
0x9f: {  	_ =	swait.ge @!p0 [sflag:s0], $0x200  }
0xa0: {  	[sflag:s0] =	ssyncset.done @!p0 $0x0  }
0xa1: {  	[sflag:s0] =	ssyncadd.s32 @!p0 $0xFFFFFE00;
	s0 =	simm.s32 @!p0 $0x8800  }
0xa2: {  	[tilespmem:s0], [sflag:$0x1] =	stream.indirect.gather @!p0 [spmem:s3], $0x40, s9, s9, $0xb8;
	[tilespmem:$0x1F450] =	vst v63  }
0xa3: {  	_ =	swait.ge @!p0 [sflag:s1], $0x8000  }
0xa4: {  	[sflag:s1] =	ssyncset.done @!p0 $0x0  }
0xa5: {  	[sflag:s1] =	ssyncadd.s32 @!p0 $0xFFFF8000  }
0xa6: {  	[spmem:s2] =	stream.indirect.scatter.add.f32 @!p0 [tilespmem:s0], [sflag:$0x3], $0x40, s10, s9, $0xb8;
	[tilespmem:$0x1F450] =	vst v63  }
0xa7: {  	_ =	swait.ge [sflag:s23], $0x8000  }
0xa8: {  	[sflag:s23] =	ssyncset.done $0x0  }
0xa9: {  	[sflag:s23] =	ssyncadd.s32 $0xFFFF8000  }
0xaa: {  	_ =	swait.ge [sflag:s24], $0x8000  }
0xab: {  	s25 =	sadd.s32 $0x1, s25;
	[sflag:s24] =	ssyncset.done $0x0  }
0xac: {  	p0 =	sne.s32 s25, s12;
	[sflag:s24] =	ssyncadd.s32 $0xFFFF8000  }
.Ltmp1:
0xad: {  	[bflag:$0x0] =	sbarrier.arrive $0xFFFF;
	(pc) =	sbr.rel @p0 .LBB2_1-.Ltmp1, $4  }
0xae: {  	[hbm:s11], [sflag:s8] =	dma.local [spmem:s19], $0xA00  }
0xaf: {  	_ =	swait.ge [sflag:s20], $0xA00  }
0xb0: {  	[sflag:s20] =	ssyncset.done $0x0  }
0xb1: {  	[sflag:s20] =	ssyncadd.s32 $0xFFFFF600  }
0xb2: {  	_ =	sfence.sel $0x180000  }
0xb3: {  	[bflag:$0x0] =	sbarrier.arrive $0xFFFF  }
0xb4: {  	_ =	strace $0x90000050  }
0xb5: {  	s0 =	stileid.u32;
	[bflag:$0x2] =	sbarrier.arrive $0xFFFF  }
0xb6: {  	p0 =	sne.s32 s0, $0x0;
	s0 =	rddreg [dreg:$0x4]  }
0xb7: {  	s0 =	sadd.s32 @!p0 $0x100000, s0  }
0xb8: {  	[sflag:s0] =	ssyncadd.tile.s32 @!p0 $0x1;
	_ =	shalt  }
.Lfunc_end2:
_tile_overlayer_lowered:
.L_overlay_start_2:
0xb9: {  	(tag) =	ssettag $0x2  }
0xba: {  	s0 =	rddreg [dreg:$0x0];
	s2 =	stileid.u32  }
0xbb: {  	s1 =	rddreg [dreg:$0x1];
	p0 =	sne.s32 s2, $0x0  }
0xbc: {  	s3 =	rddreg [dreg:$0x2];
	[bflag:$0x3] =	sbarrier.arrive $0xFFFF;
	s2 =	simm.s32 @!p0 $0x1C04  }
0xbd: {  	[timem:s3], [sflag:s2] =	dma.local @!p0 [hbm:s0], s1  }
0xbe: {  	s0 =	simm.s32 @!p0 $0x4  }
0xbf: {  	_ =	swait.ge @!p0 [sflag:s0], s1  }
0xc0: {  	s1 =	ssub.s32 @!p0 $0x0, s1;
	[sflag:s0] =	ssyncset.done @!p0 $0x0  }
0xc1: {  	[sflag:s0] =	ssyncadd.s32 @!p0 s1  }
0xc2: {  	[bflag:$0x3] =	sbarrier.arrive $0xFFFF  }
0xc3: {  	_ =	shalt  }

// kernel: kernel.24.cloned.1.call-start
scs
__scs_entry_jumppad:
0x0: {  	(pc) =	sbr.rel $0x88, $3  }
0x1: {  	(tag) =	ssettag $0x0;
	lr =	simm.s32 $0x1  }
0x2: {  	[smem:$0x3F93] =	sst lr;
	_ =	strace $0xD0000000  }
0x3: {  	_ = 	snop  }
0x4: {  	_ = 	snop  }
0x5: {  	_ = 	snop  }
0x6: {  	_ = 	snop  }
0x7: {  	_ = 	snop  }
__scs_overlays_trampoline_lowered:
0x8: {  	[smem:$0x3FA2] =	sst s0  }
0x9: {  	[smem:$0x3FA3] =	sst s1  }
0xa: {  	[smem:$0x3FA4] =	sst s2  }
0xb: {  	[smem:$0x3FA5] =	sst s3  }
0xc: {  	[smem:$0x3FA6] =	sst s4  }
0xd: {  	[smem:$0x3FA7] =	sst s5  }
0xe: {  	[smem:$0x3FA8] =	sst s6  }
0xf: {  	[smem:$0x3FA9] =	sst s7  }
0x10: {  	[smem:$0x3FAA] =	sst s8  }
0x11: {  	[smem:$0x3FAB] =	sst s9;
	s0 =	simm.s32 @!p0 $0x0  }
0x12: {  	s1 =	sld [smem:$0x3F91];
	s0 =	simm.s32 @p0 $0x1  }
0x13: {  	[smem:$0x3FAC] =	sst s0;
	s0 =	simm.s32 @!p1 $0x0  }
0x14: {  	s2 =	sld [smem:$0x3F90];
	s0 =	simm.s32 @p1 $0x1  }
0x15: {  	[smem:$0x3FAD] =	sst s0;
	s0 =	simm.s32 @!p2 $0x0  }
0x16: {  	s3 =	sld [smem:$0x3FDB];
	s0 =	simm.s32 @p2 $0x1  }
0x17: {  	s4 =	simm.s32 $0x1BF5;
	[smem:$0x3FAF] =	sst s0  }
0x18: {  	s0 =	sld [smem:$0x3F92];
	_ =	swait.ge [sflag:s4], $0x0  }
0x19: {  	s7 =	sld [smem:$0x3F93]  }
0x1a: {  	s8 =	sadd.s32 $0xFFFFE003, lr  }
0x1b: {  	s9 =	sadd.s32 $0xFFFFFEF7, lr;
	s5 =	simm.s32 $0xFFFFFFFF;
	p2 =	slt.u32 s8, $0xFFFFF086  }
0x1c: {  	p1 =	slt.u32 s9, $0xF7A;
	s5 =	simm.s32 @!p2 $0x0  }
0x1d: {  	s5 =	simm.s32 @p1 $0x1;
	p0 =	seq.s32 s7, s2  }
0x1e: {  	s7 =	smul.u32 @!p0 $0xF7A, s2;
	p2 =	seq.s32 @!p0 s5, $0x0  }
0x1f: {  	s9 =	smul.u32 $0xF7A, s1;
	s8 =	simm.s32 @!p0 $0x1BF5;
	p2 =	por !p2, p0  }
0x20: {  	[sflag:s8] =	ssyncset.s32 @!p0 $0xFFFFF086;
	s6 =	sadd.s32 @!p0 s3, s7;
	s7 =	simm.s32 @!p0 $0x108  }
0x21: {  	s3 =	sadd.s32 s3, s9;
	s6 =	sadd.s32 @!p0 $0x88, s6;
	s7 =	simm.s32 @p2 $0x1082  }
0x22: {  	[simem:s7], [sflag:s8] =	dma.local @!p0 [hbm:s6], $0xF7A  }
0x23: {  	s9 =	sor.u32 $0xD0000000, s2;
	s6 =	simm.s32 $0x108;
	_ =	swait.ge @!p0 [sflag:s8], $0x0  }
0x24: {  	s3 =	sadd.s32 $0x88, s3;
	s6 =	simm.s32 @!p1 $0x1082;
	[sflag:s4] =	ssyncset.s32 $0xFFFFF086  }
0x25: {  	[simem:s6], [sflag:s4] =	dma.local [hbm:s3], $0xF7A  }
0x26: {  	[smem:$0x3F93] =	sst s1;
	(tag) =	ssettag s2;
	_ =	strace s9  }
0x27: {  	s1 =	sld [smem:$0x3FA3]  }
0x28: {  	s2 =	sld [smem:$0x3FA4]  }
0x29: {  	s4 =	sld [smem:$0x3FA6]  }
0x2a: {  	p0 =	seq.s32 s5, $0x0;
	s5 =	sld [smem:$0x3FA7]  }
0x2b: {  	s6 =	sld [smem:$0x3FA8]  }
0x2c: {  	s7 =	sld [smem:$0x3FA9]  }
0x2d: {  	s3 =	simm.s32 $0x108;
	s8 =	sld [smem:$0x3FAA]  }
0x2e: {  	s3 =	simm.s32 @!p0 $0x1082;
	s9 =	sld [smem:$0x3FAB]  }
0x2f: {  	lr =	sadd.s32 s0, s3;
	s0 =	sld [smem:$0x3FA2]  }
0x30: {  	s3 =	sld [smem:$0x3FA5]  }
0x31: {  	[smem:$0x3FAE] =	sst s10  }
0x32: {  	s10 =	sld [smem:$0x3FAC];
	_ =	sdelay $0x3  }
0x33: {  	p0 =	seq.s32 s10, $0x1;
	s10 =	sld [smem:$0x3FAE];
	_ =	sdelay $0x3  }
0x34: {  	[smem:$0x3FAE] =	sst s10  }
0x35: {  	s10 =	sld [smem:$0x3FAD];
	_ =	sdelay $0x3  }
0x36: {  	p1 =	seq.s32 s10, $0x1;
	s10 =	sld [smem:$0x3FAE];
	_ =	sdelay $0x3  }
0x37: {  	[smem:$0x3FAE] =	sst s10  }
0x38: {  	s10 =	sld [smem:$0x3FAF]  }
0x39: {  	_ = 	snop;
	(pc) =	sbr.ind lr, $3  }
0x3a: {  	_ = 	snop  }
0x3b: {  	_ = 	snop  }
0x3c: {  	p2 =	seq.s32 s10, $0x1;
	s10 =	sld [smem:$0x3FAE]  }
0x3d: {  	_ =	shalt  }
0x3e: {  	_ =	shalt  }
0x3f: {  	_ =	shalt  }
0x40: {  	_ =	shalt  }
0x41: {  	_ =	shalt  }
0x42: {  	_ =	shalt  }
0x43: {  	_ =	shalt  }
0x44: {  	_ =	shalt  }
0x45: {  	_ =	shalt  }
0x46: {  	_ =	shalt  }
0x47: {  	_ =	shalt  }
0x48: {  	_ =	shalt  }
0x49: {  	_ =	shalt  }
0x4a: {  	_ =	shalt  }
0x4b: {  	_ =	shalt  }
0x4c: {  	_ =	shalt  }
0x4d: {  	_ =	shalt  }
0x4e: {  	_ =	shalt  }
0x4f: {  	_ =	shalt  }
0x50: {  	_ =	shalt  }
0x51: {  	_ =	shalt  }
0x52: {  	_ =	shalt  }
0x53: {  	_ =	shalt  }
0x54: {  	_ =	shalt  }
0x55: {  	_ =	shalt  }
0x56: {  	_ =	shalt  }
0x57: {  	_ =	shalt  }
0x58: {  	_ =	shalt  }
0x59: {  	_ =	shalt  }
0x5a: {  	_ =	shalt  }
0x5b: {  	_ =	shalt  }
0x5c: {  	_ =	shalt  }
0x5d: {  	_ =	shalt  }
0x5e: {  	_ =	shalt  }
0x5f: {  	_ =	shalt  }
0x60: {  	_ =	shalt  }
0x61: {  	_ =	shalt  }
0x62: {  	_ =	shalt  }
0x63: {  	_ =	shalt  }
0x64: {  	_ =	shalt  }
0x65: {  	_ =	shalt  }
0x66: {  	_ =	shalt  }
0x67: {  	_ =	shalt  }
0x68: {  	_ =	shalt  }
0x69: {  	_ =	shalt  }
0x6a: {  	_ =	shalt  }
0x6b: {  	_ =	shalt  }
0x6c: {  	_ =	shalt  }
0x6d: {  	_ =	shalt  }
0x6e: {  	_ =	shalt  }
0x6f: {  	_ =	shalt  }
0x70: {  	_ =	shalt  }
0x71: {  	_ =	shalt  }
0x72: {  	_ =	shalt  }
0x73: {  	_ =	shalt  }
0x74: {  	_ =	shalt  }
0x75: {  	_ =	shalt  }
0x76: {  	_ =	shalt  }
0x77: {  	_ =	shalt  }
0x78: {  	_ =	shalt  }
0x79: {  	_ =	shalt  }
0x7a: {  	_ =	shalt  }
0x7b: {  	_ =	shalt  }
0x7c: {  	_ =	shalt  }
0x7d: {  	_ =	shalt  }
0x7e: {  	_ =	shalt  }
0x7f: {  	_ =	shalt  }
0x80: {  	_ =	shalt  }
0x81: {  	_ =	shalt  }
0x82: {  	_ =	shalt  }
0x83: {  	_ =	shalt  }
0x84: {  	_ =	shalt  }
0x85: {  	_ =	shalt  }
0x86: {  	_ =	shalt  }
0x87: {  	_ =	shalt  }
.Lfunc_end0:
.L_simem_size_0:
called_computation.4_lowered:
.L_overlay_start_0:
0x88: {  	s2 =	sld [smem:$0x3FD9]  }
0x89: {  	s3 =	sld [smem:$0x3FFE];
	_ =	sdelay $0x1  }
0x8a: {  	s1 =	srdreg.scid  }
0x8b: {  	s0 =	sand.u32 $0x1, s1  }
0x8c: {  	s17 =	sshll.u32 s0, $0xA;
	s2 =	sadd.s32 s3, s2  }
0x8d: {  	s2 =	sadd.s32 s2, s17  }
0x8e: {  	[smem:$0x3FBA] =	sst s2  }
0x8f: {  	_ = 	snop  }
0x90: {  	s2 =	sld [smem:$0x3FD0];
	(tm) =	ssettm $0x1  }
0x91: {  	s18 =	sld [smem:$0x3FFB];
	_ =	sdelay $0x3  }
0x92: {  	_ =	strace s18  }
0x93: {  	s3 =	sld [smem:$0x3FFC];
	_ =	sdelay $0x3  }
0x94: {  	_ =	strace s3  }
0x95: {  	s3 =	sld [smem:$0x3FFD];
	_ =	sdelay $0x3  }
0x96: {  	_ =	strace s3  }
0x97: {  	_ =	strace $0x8FFFFFFF  }
0x98: {  	s19 =	sld [smem:$0x3FDB];
	_ =	sdelay $0x1  }
0x99: {  	s4 =	simm.s32 $_scs_section_size  }
0x9a: {  	s5 =	simm.s32 $_size__tile_overlayer_lowered;
	s6 =	simm.s32 $_tile_overlayer_lowered  }
0x9b: {  	s22 =	simm.s32 $0x1BFF;
	s21 =	sshll.u32 s6, $0x1;
	s3 =	sadd.s32 s4, s19  }
0x9c: {  	s7 =	simm.s32 $0x0;
	s20 =	sshll.u32 s5, $0x1;
	s5 =	sadd.s32 s21, s3  }
0x9d: {  	[timem:s7], [sflag:s22] =	dma.local [hbm:s5], s20  }
0x9e: {  	_ =	swait.ge [sflag:s22], s20  }
0x9f: {  	s4 =	ssub.s32 $0x0, s20;
	[sflag:s22] =	ssyncset.done $0x0  }
0xa0: {  	[sflag:s22] =	ssyncadd.s32 s4;
	_ =	sdelay $0x1  }
0xa1: {  	s23 =	simm.s32 $0x1B8B  }
0xa2: {  	_ =	swait.ge [sflag:s23], $0x1  }
0xa3: {  	[sflag:s23] =	ssyncset.done $0x0  }
0xa4: {  	s25 =	simm.s32 $0x1B8E;
	s24 =	sld [smem:$0x3FFE];
	[sflag:s23] =	ssyncadd.s32 $0xFFFFFFFF  }
0xa5: {  	s26 =	simm.s32 $execute0_lowered;
	[smem:$0x3FD2] =	sst s25  }
0xa6: {  	s5 =	sshll.u32 s26, $0x1;
	_ =	strace $0x80000052;
	[dreg:$0x1] =	wrdreg $0xFFFFFFFF  }
0xa7: {  	s28 =	simm.s32 $_size_execute0_lowered;
	s3 =	sadd.s32 s3, s5;
	[dreg:$0x0] =	wrdreg $0x0  }
0xa8: {  	s5 =	sshll.u32 s28, $0x1;
	[dreg:$0x2] =	wrdreg s3  }
0xa9: {  	[dreg:$0x3] =	wrdreg s5  }
0xaa: {  	[dreg:$0x4] =	wrdreg $0xC0  }
0xab: {  	_ =	task [dreg:s7], $0x5FFFF  }
0xac: {  	[dreg:$0x1] =	wrdreg $0xFFFFFFFF  }
0xad: {  	[dreg:$0x0] =	wrdreg $0x60  }
0xae: {  	[dreg:$0x2] =	wrdreg s2  }
0xaf: {  	[dreg:$0x3] =	wrdreg s24  }
0xb0: {  	[dreg:$0x4] =	wrdreg $0x1A4500  }
0xb1: {  	[dreg:$0x5] =	wrdreg $0x108100  }
0xb2: {  	[dreg:$0x6] =	wrdreg $0x9  }
0xb3: {  	_ =	task.clear_ibuf [dreg:s7], $0x7FFFF;
	_ =	strace $0x90000052  }
0xb4: {  	s29 =	simm.s32 $0x9;
	_ =	strace $0x80000054  }
0xb5: {  	_ =	swait.ge [sflag:s29], $0x1  }
0xb6: {  	[sflag:s29] =	ssyncadd.s32 $0xFFFFFFFF  }
0xb7: {  	_ =	strace $0x90000054  }
0xb8: {  	_ =	sfence  }
0xb9: {  	s30 =	sld [smem:$0x0];
	_ =	sdelay $0x2  }
0xba: {  	s31 =	sshll.u32 s1, $0xD;
	s1 =	sshrl.u32 s1, $0x2  }
0xbb: {  	s3 =	sand.u32 $0x4000, s31;
	s1 =	sadd.s32 s1, s30  }
0xbc: {  	s0 =	sor.u32 s3, s0;
	s1 =	sshll.u32 s1, $0x11  }
0xbd: {  	s0 =	sor.u32 s1, s0  }
0xbe: {  	s0 =	sadd.s32 $0x8F2B, s0  }
0xbf: {  	[sflag:s0] =	ssyncadd.remote.s32 $0x1  }
0xc0: {  	_ =	sfence.sel $0xFFFF  }
0xc1: {  	[dreg:$0x0] =	wrdreg $0xFFFFFFFF;
	(pc) =	sbr.abs _section_cstart, $3  }
0xc2: {  	[dreg:$0x1] =	wrdreg $0xFFFFFFFF  }
0xc3: {  	_ =	task.clear_ibuf [dreg:s7], $0x2FFFF;
	_ =	strace $0x9FFFFFFF  }
0xc4: {  	(tm) =	ssettm $0x7FFFFFFF  }
0xc5: {  	_ =	shalt  }
tec
execute0_lowered:
.L_overlay_start_1:
0x0: {  	(tag) =	ssettag $0x1  }
0x1: {  	s0 =	rddreg [dreg:$0x0]  }
0x2: {  	s1 =	rddreg [dreg:$0x1]  }
0x3: {  	s2 =	rddreg [dreg:$0x2]  }
0x4: {  	s3 =	rddreg [dreg:$0x3];
	s5 =	simm.s32 $0x0  }
0x5: {  	s13 =	stileid.u32;
	s4 =	srdreg.scid;
	s20 =	simm.s32 $0x4  }
0x6: {  	[smem:$0x7FF] =	sst s5;
	s7 =	smul.u32 $0x5000, s13;
	s4 =	sand.u32 $0x1, s4  }
0x7: {  	s5 =	sadd.s32 $0x21600, s1;
	s6 =	sadd.s32 $0x35600, s1;
	s9 =	sshll.u32 s13, $0x1  }
0x8: {  	s23 =	sshll.u32 s13, $0x6;
	s24 =	smul.u32 $0x9C40, s13;
	_ =	strace $0x80000053  }
0x9: {  	s8 =	smul.u32 $0x50000, s4;
	s9 =	sadd.s32 s9, s1;
	s22 =	ssub.s32 $0x2, s4  }
0xa: {  	s4 =	sshll.u32 s4, $0x5;
	s10 =	sshrl.u32 s7, $0x3;
	s11 =	sshrl.u32 s22, $0x1  }
0xb: {  	s19 =	sadd.s32 s7, s2;
	s21 =	sadd.s32 s24, s3;
	s26 =	sshrl.u32 s24, $0x3  }
0xc: {  	s4 =	sadd.s32 s4, s9;
	s24 =	simm.s32 $0x3;
	s17 =	sadd.s32 s7, s8  }
0xd: {  	s10 =	sadd.s32 s10, s1;
	s12 =	ssub.s32 s22, s11;
	s8 =	sor.u32 $0x1C04, s23  }
0xe: {  	s0 =	sadd.s32 s0, s26;
	s28 =	sadd.s32 $0x49600, s4;
	s19 =	sshrl.u32 s19, $0x3  }
0xf: {  	s21 =	sshrl.u32 s21, $0x3;
	s23 =	simm.s32 $0x2;
	[dreg:$0x6] =	wrdreg s0  }
0x10: {  	s14 =	sshrl.u32 s17, $0x3;
	s25 =	sadd.s32 $0x4600, s10;
	[dreg:$0x7] =	wrdreg s28  }
0x11: {  	s29 =	sor.u32 $0x200, s17;
	s12 =	smax.u32 s12, $0x1;
	s30 =	sor.u32 $0x600, s17  }
0x12: {  	s31 =	sor.u32 $0x400, s17;
	s1 =	sadd.s32 s14, s1;
	[dreg:$0x5] =	wrdreg s25  }
0x13: {  	s0 =	sshrl.u32 s29, $0x3;
	s13 =	sadd.s32 s5, s14;
	s14 =	sadd.s32 s6, s14  }
0x14: {  	s17 =	sshrl.u32 s30, $0x3;
	s18 =	sshrl.u32 s31, $0x3;
	s25 =	simm.s32 $0x0  }
0x15: {  	s11 =	sadd.s32 $0x49800, s1;
	s15 =	sadd.s32 s5, s0;
	s16 =	sadd.s32 s6, s0  }
.LBB2_1:
0x16: {  	s0 =	rddreg [dreg:$0x5]  }
0x17: {  	[spmem:s19], [sflag:s8] =	dma.local [hbm:s0], $0xA00  }
0x18: {  	_ =	swait.ge [sflag:s20], $0xA00  }
0x19: {  	[sflag:s20] =	ssyncset.done $0x0  }
0x1a: {  	s22 =	rddreg [dreg:$0x6];
	[sflag:s20] =	ssyncadd.s32 $0xFFFFF600  }
0x1b: {  	[spmem:s21], [sflag:s8] =	dma.local [hbm:s22], $0x1388  }
0x1c: {  	_ =	swait.ge [sflag:s20], $0x1388  }
0x1d: {  	s26 =	simm.s32 $0x0;
	[sflag:s20] =	ssyncset.done $0x0  }
0x1e: {  	s4 =	simm.s32 $0x10800;
	s1 =	rddreg [dreg:$0x7];
	[sflag:s20] =	ssyncadd.s32 $0xFFFFEC78  }
0x1f: {  	[tilespmem:s4], [sflag:$0x4] =	stream.linear.gather [hbm4b:s1+s26], $0x10, $0x38;
	[tilespmem:$0x1F450] =	vst v63  }
0x20: {  	_ =	swait.ge [sflag:s20], $0x10  }
0x21: {  	[sflag:s20] =	ssyncset.done $0x0  }
0x22: {  	[sflag:s20] =	ssyncadd.s32 $0xFFFFFFF0  }
0x23: {  	[bflag:$0x0] =	sbarrier.arrive $0xFFFF  }
0x24: {  	v0 =	vld [tilespmem:$0x10800];
	_ =	sdelay $0x4  }
0x25: {  	(v2sf) =	vpush v0, $0x0;
	_ =	sdelay $0xe  }
0x26: {  	s26 =	spop (v2sf)  }
0x27: {  	p0 =	slt.s32 s26, $0x1  }
0x28: {  	s0 =	simm.s32 @!p0 $0x0;
	s1 =	simm.s32 @!p0 $0x4  }
0x29: {  	[tilespmem:s0], [sflag:$0x4] =	stream.linear.gather @!p0 [hbm4b:s13+s0], $0x200, $0x38;
	[tilespmem:$0x1F450] =	vst v63  }
0x2a: {  	_ =	swait.ge @!p0 [sflag:s1], $0x200  }
0x2b: {  	[sflag:s1] =	ssyncset.done @!p0 $0x0  }
0x2c: {  	s4 =	simm.s32 @!p0 $0x400;
	[sflag:s1] =	ssyncadd.s32 @!p0 $0xFFFFFE00  }
0x2d: {  	[tilespmem:s4], [sflag:$0x4] =	stream.linear.gather @!p0 [hbm4b:s14+s0], $0x200, $0x38;
	[tilespmem:$0x1F450] =	vst v63  }
0x2e: {  	_ =	swait.ge @!p0 [sflag:s1], $0x200  }
0x2f: {  	s22 =	simm.s32 @!p0 $0x200;
	[sflag:s1] =	ssyncset.done @!p0 $0x0  }
0x30: {  	s28 =	simm.s32 @!p0 $0x800;
	s29 =	simm.s32 @!p0 $0x1;
	[sflag:s1] =	ssyncadd.s32 @!p0 $0xFFFFFE00  }
0x31: {  	[tilespmem:s28], [sflag:$0x1] =	stream.indirect.gather @!p0 [spmem:s3], $0x40, s0, s22, $0xb8;
	[tilespmem:$0x1F450] =	vst v63  }
0x32: {  	_ =	swait.ge @!p0 [sflag:s29], $0x8000  }
0x33: {  	[sflag:s29] =	ssyncset.done @!p0 $0x0  }
0x34: {  	[sflag:s29] =	ssyncadd.s32 @!p0 $0xFFFF8000  }
0x35: {  	[spmem:s2] =	stream.indirect.scatter.add.f32 @!p0 [tilespmem:s28], [sflag:$0x2], $0x40, s4, s22, $0xb8;
	[tilespmem:$0x1F450] =	vst v63  }
0x36: {  	_ = 	snop  }
0x37: {  	[tilespmem:s22], [sflag:$0x4] =	stream.linear.gather @!p0 [hbm4b:s15+s0], $0x200, $0x38;
	[tilespmem:$0x1F450] =	vst v63  }
0x38: {  	_ =	swait.ge @!p0 [sflag:s1], $0x200  }
0x39: {  	[sflag:s1] =	ssyncset.done @!p0 $0x0  }
0x3a: {  	s4 =	simm.s32 @!p0 $0x600;
	[sflag:s1] =	ssyncadd.s32 @!p0 $0xFFFFFE00  }
0x3b: {  	[tilespmem:s4], [sflag:$0x4] =	stream.linear.gather @!p0 [hbm4b:s16+s0], $0x200, $0x38;
	[tilespmem:$0x1F450] =	vst v63  }
0x3c: {  	_ =	swait.ge @!p0 [sflag:s1], $0x200  }
0x3d: {  	[sflag:s1] =	ssyncset.done @!p0 $0x0  }
0x3e: {  	s0 =	simm.s32 @!p0 $0x8800;
	[sflag:s1] =	ssyncadd.s32 @!p0 $0xFFFFFE00  }
0x3f: {  	[tilespmem:s0], [sflag:$0x1] =	stream.indirect.gather @!p0 [spmem:s3], $0x40, s22, s22, $0xb8;
	[tilespmem:$0x1F450] =	vst v63  }
0x40: {  	_ =	swait.ge @!p0 [sflag:s29], $0x8000  }
0x41: {  	[sflag:s29] =	ssyncset.done @!p0 $0x0  }
0x42: {  	[sflag:s29] =	ssyncadd.s32 @!p0 $0xFFFF8000  }
0x43: {  	[spmem:s2] =	stream.indirect.scatter.add.f32 @!p0 [tilespmem:s0], [sflag:$0x3], $0x40, s4, s22, $0xb8;
	[tilespmem:$0x1F450] =	vst v63  }
0x44: {  	p0 =	sle.s32 s26, $0x1  }
0x45: {  	s0 =	simm.s32 @!p0 $0x2  }
0x46: {  	_ =	swait.ge @!p0 [sflag:s0], $0x8000;
	p0 =	por p0, p0  }
0x47: {  	[sflag:s0] =	ssyncset.done @!p0 $0x0;
	s1 =	simm.s32 @!p0 $0x4  }
0x48: {  	s22 =	simm.s32 @!p0 $0x0;
	[sflag:s0] =	ssyncadd.s32 @!p0 $0xFFFF8000;
	s0 =	sadd.s32 @!p0 s5, s18  }
0x49: {  	[tilespmem:s22], [sflag:$0x4] =	stream.linear.gather @!p0 [hbm4b:s0+s22], $0x200, $0x38;
	[tilespmem:$0x1F450] =	vst v63  }
0x4a: {  	_ =	swait.ge @!p0 [sflag:s1], $0x200  }
0x4b: {  	[sflag:s1] =	ssyncset.done @!p0 $0x0  }
0x4c: {  	s4 =	simm.s32 @!p0 $0x400;
	s0 =	sadd.s32 @!p0 s6, s18;
	[sflag:s1] =	ssyncadd.s32 @!p0 $0xFFFFFE00  }
0x4d: {  	[tilespmem:s4], [sflag:$0x4] =	stream.linear.gather @!p0 [hbm4b:s0+s22], $0x200, $0x38;
	[tilespmem:$0x1F450] =	vst v63  }
0x4e: {  	_ =	swait.ge @!p0 [sflag:s1], $0x200  }
0x4f: {  	s31 =	simm.s32 @!p0 $0x1;
	[sflag:s1] =	ssyncset.done @!p0 $0x0  }
0x50: {  	s28 =	simm.s32 @!p0 $0x800;
	s0 =	simm.s32 @!p0 $0x200;
	[sflag:s1] =	ssyncadd.s32 @!p0 $0xFFFFFE00  }
0x51: {  	[tilespmem:s28], [sflag:$0x1] =	stream.indirect.gather @!p0 [spmem:s3], $0x40, s22, s0, $0xb8;
	[tilespmem:$0x1F450] =	vst v63  }
0x52: {  	_ =	swait.ge @!p0 [sflag:s31], $0x8000  }
0x53: {  	[sflag:s31] =	ssyncset.done @!p0 $0x0  }
0x54: {  	s29 =	simm.s32 @!p0 $0x3;
	[sflag:s31] =	ssyncadd.s32 @!p0 $0xFFFF8000  }
0x55: {  	[spmem:s2] =	stream.indirect.scatter.add.f32 @!p0 [tilespmem:s28], [sflag:$0x2], $0x40, s4, s0, $0xb8;
	[tilespmem:$0x1F450] =	vst v63  }
0x56: {  	_ =	swait.ge @!p0 [sflag:s29], $0x8000  }
0x57: {  	[sflag:s29] =	ssyncset.done @!p0 $0x0  }
0x58: {  	s4 =	sadd.s32 @!p0 s5, s17;
	[sflag:s29] =	ssyncadd.s32 @!p0 $0xFFFF8000  }
0x59: {  	[tilespmem:s0], [sflag:$0x4] =	stream.linear.gather @!p0 [hbm4b:s4+s22], $0x200, $0x38;
	[tilespmem:$0x1F450] =	vst v63  }
0x5a: {  	_ =	swait.ge @!p0 [sflag:s1], $0x200  }
0x5b: {  	[sflag:s1] =	ssyncset.done @!p0 $0x0  }
0x5c: {  	s28 =	sadd.s32 @!p0 s6, s17;
	s4 =	simm.s32 @!p0 $0x600;
	[sflag:s1] =	ssyncadd.s32 @!p0 $0xFFFFFE00  }
0x5d: {  	[tilespmem:s4], [sflag:$0x4] =	stream.linear.gather @!p0 [hbm4b:s28+s22], $0x200, $0x38;
	[tilespmem:$0x1F450] =	vst v63  }
0x5e: {  	_ =	swait.ge @!p0 [sflag:s1], $0x200  }
0x5f: {  	[sflag:s1] =	ssyncset.done @!p0 $0x0  }
0x60: {  	s22 =	simm.s32 @!p0 $0x8800;
	[sflag:s1] =	ssyncadd.s32 @!p0 $0xFFFFFE00  }
0x61: {  	[tilespmem:s22], [sflag:$0x1] =	stream.indirect.gather @!p0 [spmem:s3], $0x40, s0, s0, $0xb8;
	[tilespmem:$0x1F450] =	vst v63  }
0x62: {  	s30 =	simm.s32 $0x3;
	p2 =	sle.s32 s26, $0x2;
	_ =	swait.ge @!p0 [sflag:s31], $0x8000  }
0x63: {  	s29 =	sadd.s32 $0x80, s5;
	s28 =	sadd.s32 $0x80, s6;
	[sflag:s31] =	ssyncset.done @!p0 $0x0  }
.LBB2_2:
0x64: {  	s7 =	simm.s32 @!p2 $0x2  }
0x65: {  	[sflag:s31] =	ssyncadd.s32 @!p0 $0xFFFF8000;
	s1 =	smov.u32 s30;
	s30 =	sadd.s32 $0x1, s30  }
0x66: {  	[spmem:s2] =	stream.indirect.scatter.add.f32 @!p0 [tilespmem:s22], [sflag:$0x3], $0x40, s4, s0, $0xb8;
	[tilespmem:$0x1F450] =	vst v63  }
0x67: {  	p1 =	sne.s32 s30, $0x14;
	p0 =	por p2, p2;
	_ =	swait.ge @!p2 [sflag:s7], $0x8000  }
0x68: {  	s22 =	simm.s32 @!p0 $0x4;
	[sflag:s7] =	ssyncset.done @!p0 $0x0  }
0x69: {  	s0 =	sadd.s32 @!p0 s29, s18;
	[sflag:s7] =	ssyncadd.s32 @!p0 $0xFFFF8000;
	s7 =	simm.s32 @!p0 $0x0  }
0x6a: {  	[tilespmem:s7], [sflag:$0x4] =	stream.linear.gather @!p0 [hbm4b:s0+s7], $0x200, $0x38;
	[tilespmem:$0x1F450] =	vst v63  }
0x6b: {  	_ =	swait.ge @!p0 [sflag:s22], $0x200  }
0x6c: {  	[sflag:s22] =	ssyncset.done @!p0 $0x0  }
0x6d: {  	s4 =	simm.s32 @!p0 $0x400;
	s0 =	sadd.s32 @!p0 s28, s18;
	[sflag:s22] =	ssyncadd.s32 @!p0 $0xFFFFFE00  }
0x6e: {  	[tilespmem:s4], [sflag:$0x4] =	stream.linear.gather @!p0 [hbm4b:s0+s7], $0x200, $0x38;
	[tilespmem:$0x1F450] =	vst v63  }
0x6f: {  	_ =	swait.ge @!p0 [sflag:s22], $0x200  }
0x70: {  	s31 =	simm.s32 @!p0 $0x1;
	[sflag:s22] =	ssyncset.done @!p0 $0x0  }
0x71: {  	s9 =	simm.s32 @!p0 $0x800;
	s0 =	simm.s32 @!p0 $0x200;
	[sflag:s22] =	ssyncadd.s32 @!p0 $0xFFFFFE00  }
0x72: {  	[tilespmem:s9], [sflag:$0x1] =	stream.indirect.gather @!p0 [spmem:s3], $0x40, s7, s0, $0xb8;
	[tilespmem:$0x1F450] =	vst v63  }
0x73: {  	_ =	swait.ge @!p0 [sflag:s31], $0x8000  }
0x74: {  	[sflag:s31] =	ssyncset.done @!p0 $0x0  }
0x75: {  	s10 =	simm.s32 @!p0 $0x3;
	[sflag:s31] =	ssyncadd.s32 @!p0 $0xFFFF8000  }
0x76: {  	[spmem:s2] =	stream.indirect.scatter.add.f32 @!p0 [tilespmem:s9], [sflag:$0x2], $0x40, s4, s0, $0xb8;
	[tilespmem:$0x1F450] =	vst v63  }
0x77: {  	_ =	swait.ge @!p0 [sflag:s10], $0x8000  }
0x78: {  	[sflag:s10] =	ssyncset.done @!p0 $0x0  }
0x79: {  	s4 =	sadd.s32 @!p0 s29, s17;
	[sflag:s10] =	ssyncadd.s32 @!p0 $0xFFFF8000  }
0x7a: {  	[tilespmem:s0], [sflag:$0x4] =	stream.linear.gather @!p0 [hbm4b:s4+s7], $0x200, $0x38;
	[tilespmem:$0x1F450] =	vst v63  }
0x7b: {  	_ =	swait.ge @!p0 [sflag:s22], $0x200  }
0x7c: {  	[sflag:s22] =	ssyncset.done @!p0 $0x0  }
0x7d: {  	s9 =	sadd.s32 @!p0 s28, s17;
	s4 =	simm.s32 @!p0 $0x600;
	[sflag:s22] =	ssyncadd.s32 @!p0 $0xFFFFFE00  }
0x7e: {  	[tilespmem:s4], [sflag:$0x4] =	stream.linear.gather @!p0 [hbm4b:s9+s7], $0x200, $0x38;
	[tilespmem:$0x1F450] =	vst v63  }
0x7f: {  	_ =	swait.ge @!p0 [sflag:s22], $0x200  }
.Ltmp0:
0x80: {  	[sflag:s22] =	ssyncset.done @!p0 $0x0;
	(pc) =	sbr.rel @p1 .LBB2_2-.Ltmp0, $4  }
0x81: {  	[sflag:s22] =	ssyncadd.s32 @!p0 $0xFFFFFE00;
	s22 =	simm.s32 @!p0 $0x8800  }
0x82: {  	[tilespmem:s22], [sflag:$0x1] =	stream.indirect.gather @!p0 [spmem:s3], $0x40, s0, s0, $0xb8;
	[tilespmem:$0x1F450] =	vst v63  }
0x83: {  	s29 =	sadd.s32 $0x80, s29;
	_ =	swait.ge @!p0 [sflag:s31], $0x8000  }
0x84: {  	p2 =	sge.s32 s1, s26;
	s28 =	sadd.s32 $0x80, s28;
	[sflag:s31] =	ssyncset.done @!p0 $0x0  }
0x85: {  	s1 =	simm.s32 @!p2 $0x2;
	[sflag:s31] =	ssyncadd.s32 @!p0 $0xFFFF8000  }
0x86: {  	[spmem:s2] =	stream.indirect.scatter.add.f32 @!p0 [tilespmem:s22], [sflag:$0x3], $0x40, s4, s0, $0xb8;
	[tilespmem:$0x1F450] =	vst v63  }
0x87: {  	p0 =	por p2, p2;
	_ =	swait.ge @!p2 [sflag:s1], $0x8000  }
0x88: {  	s0 =	simm.s32 @!p0 $0x4;
	[sflag:s1] =	ssyncset.done @!p0 $0x0  }
0x89: {  	s4 =	simm.s32 @!p0 $0x0;
	[sflag:s1] =	ssyncadd.s32 @!p0 $0xFFFF8000;
	s1 =	sadd.s32 @!p0 s29, s18  }
0x8a: {  	[tilespmem:s4], [sflag:$0x4] =	stream.linear.gather @!p0 [hbm4b:s1+s4], $0x200, $0x38;
	[tilespmem:$0x1F450] =	vst v63  }
0x8b: {  	_ =	swait.ge @!p0 [sflag:s0], $0x200  }
0x8c: {  	[sflag:s0] =	ssyncset.done @!p0 $0x0  }
0x8d: {  	s7 =	simm.s32 @!p0 $0x400;
	s1 =	sadd.s32 @!p0 s28, s18;
	[sflag:s0] =	ssyncadd.s32 @!p0 $0xFFFFFE00  }
0x8e: {  	[tilespmem:s7], [sflag:$0x4] =	stream.linear.gather @!p0 [hbm4b:s1+s4], $0x200, $0x38;
	[tilespmem:$0x1F450] =	vst v63  }
0x8f: {  	_ =	swait.ge @!p0 [sflag:s0], $0x200  }
0x90: {  	s9 =	simm.s32 @!p0 $0x200;
	[sflag:s0] =	ssyncset.done @!p0 $0x0  }
0x91: {  	s10 =	simm.s32 @!p0 $0x800;
	s1 =	simm.s32 @!p0 $0x1;
	[sflag:s0] =	ssyncadd.s32 @!p0 $0xFFFFFE00  }
0x92: {  	[tilespmem:s10], [sflag:$0x1] =	stream.indirect.gather @!p0 [spmem:s3], $0x40, s4, s9, $0xb8;
	[tilespmem:$0x1F450] =	vst v63  }
0x93: {  	_ =	swait.ge @!p0 [sflag:s1], $0x8000  }
0x94: {  	[sflag:s1] =	ssyncset.done @!p0 $0x0  }
0x95: {  	s22 =	simm.s32 @!p0 $0x3;
	[sflag:s1] =	ssyncadd.s32 @!p0 $0xFFFF8000  }
0x96: {  	[spmem:s2] =	stream.indirect.scatter.add.f32 @!p0 [tilespmem:s10], [sflag:$0x2], $0x40, s7, s9, $0xb8;
	[tilespmem:$0x1F450] =	vst v63  }
0x97: {  	_ =	swait.ge @!p0 [sflag:s22], $0x8000  }
0x98: {  	[sflag:s22] =	ssyncset.done @!p0 $0x0  }
0x99: {  	s7 =	sadd.s32 @!p0 s29, s17;
	[sflag:s22] =	ssyncadd.s32 @!p0 $0xFFFF8000  }
0x9a: {  	[tilespmem:s9], [sflag:$0x4] =	stream.linear.gather @!p0 [hbm4b:s7+s4], $0x200, $0x38;
	[tilespmem:$0x1F450] =	vst v63  }
0x9b: {  	_ =	swait.ge @!p0 [sflag:s0], $0x200  }
0x9c: {  	[sflag:s0] =	ssyncset.done @!p0 $0x0  }
0x9d: {  	s10 =	simm.s32 @!p0 $0x600;
	s7 =	sadd.s32 @!p0 s28, s17;
	[sflag:s0] =	ssyncadd.s32 @!p0 $0xFFFFFE00  }
0x9e: {  	[tilespmem:s10], [sflag:$0x4] =	stream.linear.gather @!p0 [hbm4b:s7+s4], $0x200, $0x38;
	[tilespmem:$0x1F450] =	vst v63  }
0x9f: {  	_ =	swait.ge @!p0 [sflag:s0], $0x200  }
0xa0: {  	[sflag:s0] =	ssyncset.done @!p0 $0x0  }
0xa1: {  	[sflag:s0] =	ssyncadd.s32 @!p0 $0xFFFFFE00;
	s0 =	simm.s32 @!p0 $0x8800  }
0xa2: {  	[tilespmem:s0], [sflag:$0x1] =	stream.indirect.gather @!p0 [spmem:s3], $0x40, s9, s9, $0xb8;
	[tilespmem:$0x1F450] =	vst v63  }
0xa3: {  	_ =	swait.ge @!p0 [sflag:s1], $0x8000  }
0xa4: {  	[sflag:s1] =	ssyncset.done @!p0 $0x0  }
0xa5: {  	[sflag:s1] =	ssyncadd.s32 @!p0 $0xFFFF8000  }
0xa6: {  	[spmem:s2] =	stream.indirect.scatter.add.f32 @!p0 [tilespmem:s0], [sflag:$0x3], $0x40, s10, s9, $0xb8;
	[tilespmem:$0x1F450] =	vst v63  }
0xa7: {  	_ =	swait.ge [sflag:s23], $0x8000  }
0xa8: {  	[sflag:s23] =	ssyncset.done $0x0  }
0xa9: {  	[sflag:s23] =	ssyncadd.s32 $0xFFFF8000  }
0xaa: {  	_ =	swait.ge [sflag:s24], $0x8000  }
0xab: {  	s25 =	sadd.s32 $0x1, s25;
	[sflag:s24] =	ssyncset.done $0x0  }
0xac: {  	p0 =	sne.s32 s25, s12;
	[sflag:s24] =	ssyncadd.s32 $0xFFFF8000  }
.Ltmp1:
0xad: {  	[bflag:$0x0] =	sbarrier.arrive $0xFFFF;
	(pc) =	sbr.rel @p0 .LBB2_1-.Ltmp1, $4  }
0xae: {  	[hbm:s11], [sflag:s8] =	dma.local [spmem:s19], $0xA00  }
0xaf: {  	_ =	swait.ge [sflag:s20], $0xA00  }
0xb0: {  	[sflag:s20] =	ssyncset.done $0x0  }
0xb1: {  	[sflag:s20] =	ssyncadd.s32 $0xFFFFF600  }
0xb2: {  	_ =	sfence.sel $0x180000  }
0xb3: {  	[bflag:$0x0] =	sbarrier.arrive $0xFFFF  }
0xb4: {  	_ =	strace $0x90000053  }
0xb5: {  	s0 =	stileid.u32;
	[bflag:$0x2] =	sbarrier.arrive $0xFFFF  }
0xb6: {  	p0 =	sne.s32 s0, $0x0;
	s0 =	rddreg [dreg:$0x4]  }
0xb7: {  	s0 =	sadd.s32 @!p0 $0x100000, s0  }
0xb8: {  	[sflag:s0] =	ssyncadd.tile.s32 @!p0 $0x1;
	_ =	shalt  }
.Lfunc_end2:
_tile_overlayer_lowered:
.L_overlay_start_2:
0xb9: {  	(tag) =	ssettag $0x2  }
0xba: {  	s0 =	rddreg [dreg:$0x0];
	s2 =	stileid.u32  }
0xbb: {  	s1 =	rddreg [dreg:$0x1];
	p0 =	sne.s32 s2, $0x0  }
0xbc: {  	s3 =	rddreg [dreg:$0x2];
	[bflag:$0x3] =	sbarrier.arrive $0xFFFF;
	s2 =	simm.s32 @!p0 $0x1C04  }
0xbd: {  	[timem:s3], [sflag:s2] =	dma.local @!p0 [hbm:s0], s1  }
0xbe: {  	s0 =	simm.s32 @!p0 $0x4  }
0xbf: {  	_ =	swait.ge @!p0 [sflag:s0], s1  }
0xc0: {  	s1 =	ssub.s32 @!p0 $0x0, s1;
	[sflag:s0] =	ssyncset.done @!p0 $0x0  }
0xc1: {  	[sflag:s0] =	ssyncadd.s32 @!p0 s1  }
0xc2: {  	[bflag:$0x3] =	sbarrier.arrive $0xFFFF  }
0xc3: {  	_ =	shalt  }

</sc_bundles>
